<compile_context>
chip_gen: v7x
topology: tpu7x:2x2x1
jax: 0.10.2.dev20260603
libtpu: 0.0.44.dev20260713+nightly
codegen_flags: <defaults>
</compile_context>

<pallas_src>
import functools

import jax
import jax.numpy as jnp
from jax import lax
from jax.experimental import pallas as pl
from jax.experimental.pallas import tpu as pltpu
from jax.experimental.pallas import tpu_sc as plsc

N_NODES = 10000
D = 128
E = 320000

NC = 2
NS = 16
NW = NC * NS

E_PER_W = E // NW
CHUNK = 128
N_FULL = E_PER_W // CHUNK
TAIL = E_PER_W - N_FULL * CHUNK
NBUF = 2

N_PAD = 10240
ROWS_PER_TILE = N_PAD // NS

_sc_mesh = plsc.VectorSubcoreMesh(
    core_axis_name="c", subcore_axis_name="s", num_cores=NC, num_subcores=NS)


def _zero_vmem_2d(ref, nrows):
  z = jnp.zeros((16,), jnp.float32)

  def row(i, _):
    def col(j, _):
      ref[i, pl.ds(j * 16, 16)] = z
      return 0
    return lax.fori_loop(0, D // 16, col, 0)

  lax.fori_loop(0, nrows, row, 0)


def _zero_vmem_1d(ref, n):
  z = jnp.zeros((16,), jnp.float32)

  def body(j, _):
    ref[pl.ds(j * 16, 16)] = z
    return 0

  lax.fori_loop(0, n // 16, body, 0)


@functools.partial(
    pl.kernel,
    out_type=jax.ShapeDtypeStruct((NC, N_PAD), jnp.float32),
    mesh=_sc_mesh,
    scratch_types=(
        [pltpu.VMEM((CHUNK,), jnp.float32),
         pltpu.VMEM((ROWS_PER_TILE,), jnp.float32),
         pltpu.VMEM_SHARED((N_PAD,), jnp.float32)]
        + [pltpu.VMEM((CHUNK,), jnp.int32)] * N_FULL
        + [pltpu.VMEM((TAIL,), jnp.int32)]
        + [pltpu.SemaphoreType.DMA] * 2
    ),
)
def _deg_kernel(dst_hbm, out_hbm, ones_v, zrow_v, acc_sh, *rest):
  dstb = rest[:N_FULL]
  dstbt = rest[N_FULL]
  sld, ssc = rest[N_FULL + 1], rest[N_FULL + 2]
  c = lax.axis_index("c")
  s = lax.axis_index("s")
  wid = c * NS + s
  ebase = wid * E_PER_W

  one = jnp.ones((16,), jnp.float32)

  def setones(j, _):
    ones_v[pl.ds(j * 16, 16)] = one
    return 0

  lax.fori_loop(0, CHUNK // 16, setones, 0)

  for i in range(N_FULL):
    pltpu.async_copy(
        dst_hbm.at[pl.ds(ebase + i * CHUNK, CHUNK)], dstb[i], sld)
  pltpu.async_copy(
      dst_hbm.at[pl.ds(ebase + N_FULL * CHUNK, TAIL)], dstbt, sld)

  _zero_vmem_1d(zrow_v, ROWS_PER_TILE)
  pltpu.sync_copy(zrow_v, acc_sh.at[pl.ds(s * ROWS_PER_TILE, ROWS_PER_TILE)])
  plsc.subcore_barrier()

  for i in range(N_FULL):
    pltpu.make_async_copy(
        dst_hbm.at[pl.ds(ebase + i * CHUNK, CHUNK)], dstb[i], sld).wait()
  pltpu.make_async_copy(
      dst_hbm.at[pl.ds(ebase + N_FULL * CHUNK, TAIL)], dstbt, sld).wait()

  for i in range(N_FULL):
    pltpu.async_copy(ones_v, acc_sh.at[dstb[i]], ssc, add=True)
  pltpu.async_copy(ones_v.at[pl.ds(0, TAIL)], acc_sh.at[dstbt], ssc, add=True)

  for i in range(N_FULL):
    pltpu.make_async_copy(ones_v, acc_sh.at[dstb[i]], ssc).wait()
  pltpu.make_async_copy(
      ones_v.at[pl.ds(0, TAIL)], acc_sh.at[dstbt], ssc).wait()

  plsc.subcore_barrier()
  pltpu.sync_copy(acc_sh.at[pl.ds(s * ROWS_PER_TILE, ROWS_PER_TILE)],
                  out_hbm.at[c, pl.ds(s * ROWS_PER_TILE, ROWS_PER_TILE)])


@functools.partial(
    pl.kernel,
    out_type=jax.ShapeDtypeStruct((NC, N_PAD, D), jnp.float32),
    mesh=_sc_mesh,
    scratch_types=(
        [pltpu.VMEM((E_PER_W,), jnp.int32)]
        + [pltpu.VMEM((CHUNK, D), jnp.float32)] * NBUF
        + [pltpu.VMEM((CHUNK,), jnp.int32)] * NBUF
        + [pltpu.VMEM((TAIL,), jnp.int32)]
        + [pltpu.VMEM_SHARED((N_PAD, D), jnp.float32)]
        + [pltpu.SemaphoreType.DMA] * NBUF
        + [pltpu.SemaphoreType.DMA] * NBUF
        + [pltpu.SemaphoreType.DMA] * NBUF
    ),
)
def _agg_kernel(src_hbm, dst_hbm, g_hbm, out_hbm, srcv, *rest):
  rbufs = rest[:NBUF]
  dstb = rest[NBUF:2 * NBUF]
  dstbt = rest[2 * NBUF]
  acc_sh = rest[2 * NBUF + 1]
  sems = rest[2 * NBUF + 2:]
  sgs = sems[:NBUF]
  sss = sems[NBUF:2 * NBUF]
  sds = sems[2 * NBUF:]

  c = lax.axis_index("c")
  s = lax.axis_index("s")
  wid = c * NS + s
  ebase = wid * E_PER_W

  _zero_vmem_2d(rbufs[0], CHUNK)
  base_row = s * ROWS_PER_TILE
  nz = ROWS_PER_TILE // CHUNK
  for i in range(nz):
    pltpu.async_copy(
        rbufs[0], acc_sh.at[pl.ds(base_row + i * CHUNK, CHUNK)], sss[0])
  pltpu.sync_copy(src_hbm.at[pl.ds(ebase, E_PER_W)], srcv)
  for i in range(nz):
    pltpu.make_async_copy(
        rbufs[0], acc_sh.at[pl.ds(base_row + i * CHUNK, CHUNK)], sss[0]).wait()
  plsc.subcore_barrier()

  def dst_load(i, b):
    pltpu.async_copy(
        dst_hbm.at[pl.ds(ebase + i * CHUNK, CHUNK)], dstb[b], sds[b])

  def dst_wait(i, b):
    pltpu.make_async_copy(
        dst_hbm.at[pl.ds(ebase + i * CHUNK, CHUNK)], dstb[b], sds[b]).wait()

  for b in range(NBUF):
    dst_load(b, b)
    pltpu.async_copy(
        g_hbm.at[srcv.at[pl.ds(b * CHUNK, CHUNK)]], rbufs[b], sgs[b])

  def step(i, b, refill):
    pltpu.make_async_copy(
        g_hbm.at[srcv.at[pl.ds(i * CHUNK, CHUNK)]], rbufs[b], sgs[b]).wait()
    dst_wait(i, b)
    pltpu.async_copy(rbufs[b], acc_sh.at[dstb[b]], sss[b], add=True)
    pltpu.make_async_copy(rbufs[b], acc_sh.at[dstb[b]], sss[b]).wait()
    if refill:
      dst_load(i + NBUF, b)
      pltpu.async_copy(
          g_hbm.at[srcv.at[pl.ds((i + NBUF) * CHUNK, CHUNK)]],
          rbufs[b], sgs[b])

  nfull = (N_FULL - NBUF) // NBUF

  def body(j, _):
    for b in range(NBUF):
      step(j * NBUF + b, b, True)
    return 0

  lax.fori_loop(0, nfull, body, 0)
  for k in range(nfull * NBUF, N_FULL):
    step(k, k % NBUF, k + NBUF < N_FULL)

  tbase = N_FULL * CHUNK
  pltpu.sync_copy(dst_hbm.at[pl.ds(ebase + tbase, TAIL)], dstbt)
  pltpu.async_copy(
      g_hbm.at[srcv.at[pl.ds(tbase, TAIL)]],
      rbufs[0].at[pl.ds(0, TAIL)], sgs[0]).wait()
  pltpu.sync_copy(rbufs[0].at[pl.ds(0, TAIL)], acc_sh.at[dstbt], add=True)

  plsc.subcore_barrier()
  pltpu.sync_copy(acc_sh.at[pl.ds(base_row, ROWS_PER_TILE)],
                  out_hbm.at[c, pl.ds(base_row, ROWS_PER_TILE)])


_BLK = 2000
_GRID = N_NODES // _BLK


def _mm_scale_body(x_ref, w_ref, d_ref, g_ref, dinv_ref):
  deg = d_ref[0] + d_ref[1] + 1.0
  dv = lax.rsqrt(deg)
  h = jnp.dot(x_ref[...], w_ref[...], preferred_element_type=jnp.float32)
  dinv_ref[...] = dv
  g_ref[...] = dv * h


def _mid_body(g_ref, s_ref, dinv_ref, b_ref, w_ref, out_ref):
  dv = dinv_ref[...]
  pre = dv * (g_ref[...] + s_ref[0] + s_ref[1]) + b_ref[...]
  act = jnp.maximum(pre, 0.0)
  h = jnp.dot(act, w_ref[...], preferred_element_type=jnp.float32)
  out_ref[...] = dv * h


def _final_body(g_ref, s_ref, dinv_ref, b_ref, out_ref):
  out_ref[...] = dinv_ref[...] * (g_ref[...] + s_ref[0] + s_ref[1]) \
      + b_ref[...]


_row_spec = pl.BlockSpec((_BLK, D), lambda i: (i, 0))
_col_spec = pl.BlockSpec((_BLK, 1), lambda i: (i, 0))
_deg_spec = pl.BlockSpec((NC, _BLK, 1), lambda i: (0, i, 0))
_s_spec = pl.BlockSpec((NC, _BLK, D), lambda i: (0, i, 0))
_w_spec = pl.BlockSpec((D, D), lambda i: (0, 0))
_b_spec = pl.BlockSpec((1, D), lambda i: (0, 0))


def _mm_scale(x, w, degp):
  return pl.pallas_call(
      _mm_scale_body,
      grid=(_GRID,),
      in_specs=[_row_spec, _w_spec, _deg_spec],
      out_specs=[_row_spec, _col_spec],
      out_shape=[
          jax.ShapeDtypeStruct((N_NODES, D), jnp.float32),
          jax.ShapeDtypeStruct((N_NODES, 1), jnp.float32),
      ],
  )(x, w, degp)


def _mid(g, sp, dinv, b, w):
  return pl.pallas_call(
      _mid_body,
      grid=(_GRID,),
      in_specs=[_row_spec, _s_spec, _col_spec, _b_spec, _w_spec],
      out_specs=_row_spec,
      out_shape=jax.ShapeDtypeStruct((N_NODES, D), jnp.float32),
  )(g, sp, dinv, b, w)


def _final(g, sp, dinv, b):
  return pl.pallas_call(
      _final_body,
      grid=(_GRID,),
      in_specs=[_row_spec, _s_spec, _col_spec, _b_spec],
      out_specs=_row_spec,
      out_shape=jax.ShapeDtypeStruct((N_NODES, D), jnp.float32),
  )(g, sp, dinv, b)


def kernel(x, edge_index, W1, b1, W2, b2):
  src = edge_index[0].astype(jnp.int32)
  dst = edge_index[1].astype(jnp.int32)

  degp = _deg_kernel(dst)
  degp3 = degp[:, :, None]

  g1, dinv = _mm_scale(x, W1, degp3)

  s1 = _agg_kernel(src, dst, g1)
  g2 = _mid(g1, s1, dinv, jnp.reshape(b1, (1, D)), W2)

  s2 = _agg_kernel(src, dst, g2)
  out = _final(g2, s2, dinv, jnp.reshape(b2, (1, D)))
  return out

# --- scband reference (transcript-rebuilt; emitter-appended) ---
"""Pipeline reference for scband-text-gnn-22376779612651 (READ-ONLY COPY).

The authoritative reference and input builder live on the scoring server;
editing this copy changes nothing except your own understanding.
"""

import jax, jax.numpy as jnp
import numpy as np

N_NODES = 10000
N_EDGES = 320000
D_IN = 128
D_HID = 128
D_OUT = 128


def setup_inputs(seed: int = 0) -> dict:
    key = jax.random.key(seed)
    k1, k2, k3, k4, k5, k6 = jax.random.split(key, 6)
    x = jax.random.normal(k1, (N_NODES, D_IN), dtype=jnp.float32)
    edge_index = jax.random.randint(k2, (2, N_EDGES), 0, N_NODES, dtype=jnp.int64)
    # GCNConv weights (glorot-style init) and biases
    W1 = jax.random.normal(k3, (D_IN, D_HID), dtype=jnp.float32) * (1.0 / np.sqrt(D_IN))
    b1 = jnp.zeros((D_HID,), dtype=jnp.float32)
    W2 = jax.random.normal(k4, (D_HID, D_OUT), dtype=jnp.float32) * (1.0 / np.sqrt(D_HID))
    b2 = jnp.zeros((D_OUT,), dtype=jnp.float32)
    return {"x": x, "edge_index": edge_index, "W1": W1, "b1": b1, "W2": W2, "b2": b2}


def _gcn_conv(x, src, dst, W, b, n_nodes):
    # x' = x @ W ; out_i = sum_j norm_ij * x'_j  (with self-loops, sym norm)
    h = x @ W
    ones = jnp.ones((src.shape[0],), dtype=h.dtype)
    deg = jnp.zeros((n_nodes,), dtype=h.dtype).at[dst].add(ones)
    deg_inv_sqrt = jnp.where(deg > 0, jax.lax.rsqrt(jnp.maximum(deg, 1e-12)), 0.0)
    norm = deg_inv_sqrt[src] * deg_inv_sqrt[dst]
    msg = h[src] * norm[:, None]
    out = jnp.zeros((n_nodes, h.shape[1]), dtype=h.dtype).at[dst].add(msg)
    return out + b


def reference(x, edge_index, W1, b1, W2, b2):
    n = x.shape[0]
    self_loops = jnp.arange(n, dtype=edge_index.dtype)
    src = jnp.concatenate([edge_index[0], self_loops])
    dst = jnp.concatenate([edge_index[1], self_loops])
    h = _gcn_conv(x, src, dst, W1, b1, n)
    h = jax.nn.relu(h)
    # F.dropout(training=self.training): identity in eval mode
    out = _gcn_conv(h, src, dst, W2, b2, n)
    return out

if __name__ == "__main__":
    import jax
    _d = setup_inputs()
    print(jax.jit(kernel)(*tuple(_d.values())))

</pallas_src>

<mosaic_0001>
#map = affine_map<(d0, d1) -> (0)>
#map1 = affine_map<(d0, d1) -> (0, 0)>
#map2 = affine_map<(d0, d1) -> (0, 0, 0)>
module attributes {stable_mosaic.version = 14 : i64} {
  func.func @_agg_kernel(%arg0: i32, %arg1: i32, %arg2: memref<320000xi32, #tpu.memory_space<hbm>>, %arg3: memref<320000xi32, #tpu.memory_space<hbm>>, %arg4: memref<10000x128xf32, #tpu.memory_space<hbm>>, %arg5: memref<2x10240x128xf32, #tpu.memory_space<hbm>>, %arg6: memref<10000xi32, #tpu.memory_space<vmem>>, %arg7: memref<128x128xf32, #tpu.memory_space<vmem>>, %arg8: memref<128x128xf32, #tpu.memory_space<vmem>>, %arg9: memref<128xi32, #tpu.memory_space<vmem>>, %arg10: memref<128xi32, #tpu.memory_space<vmem>>, %arg11: memref<16xi32, #tpu.memory_space<vmem>>, %arg12: memref<10240x128xf32, #tpu.memory_space<vmem_shared>>, %arg13: memref<!tpu.dma_semaphore, #tpu.memory_space<semaphore_mem>>, %arg14: memref<!tpu.dma_semaphore, #tpu.memory_space<semaphore_mem>>, %arg15: memref<!tpu.dma_semaphore, #tpu.memory_space<semaphore_mem>>, %arg16: memref<!tpu.dma_semaphore, #tpu.memory_space<semaphore_mem>>, %arg17: memref<!tpu.dma_semaphore, #tpu.memory_space<semaphore_mem>>, %arg18: memref<!tpu.dma_semaphore, #tpu.memory_space<semaphore_mem>>) attributes {dimension_semantics = [#tpu.dimension_semantics<core_parallel>, #tpu.dimension_semantics<subcore_parallel>], iteration_bounds = array<i64: 2, 16>, scalar_prefetch = 0 : i64, scratch_operands = 13 : i64, tpu.core_type = #tpu.core_type<sc_vector_subcore>, window_params = [{transform_indices = #map}, {transform_indices = #map}, {transform_indices = #map1}, {transform_indices = #map2}]} {
    %mul3A = arith.constant 16 : i32
    %mul3A_0 = arith.muli %arg0, %mul3A : i32
    %add3A = arith.addi %mul3A_0, %arg1 : i32
    %mul3A_1 = arith.constant 10000 : i32
    %mul3A_2 = arith.muli %add3A, %mul3A_1 : i32
    %broadcast_in_dim3A = arith.constant 0.000000e+00 : f32
    %broadcast_in_dim3A_3 = vector.broadcast %broadcast_in_dim3A : f32 to vector<16xf32>
    %scan3A = arith.constant 0 : i32
    %scan3A_4 = arith.constant 0 : i32
    %scan3A_5 = arith.constant 128 : i32
    %scan3A_6 = arith.addi %scan3A_4, %scan3A_5 : i32
    %scan3A_7 = arith.constant 1 : i32
    %scan3A_8 = scf.for %scan3A_144 = %scan3A_4 to %scan3A_6 step %scan3A_7 iter_args(%scan3A_145 = %scan3A) -> (i32)  : i32 {
      %scan3A_146 = arith.constant 0 : i32
      %scan3A_147 = arith.constant 0 : i32
      %scan3A_148 = arith.constant 8 : i32
      %scan3A_149 = arith.addi %scan3A_147, %scan3A_148 : i32
      %scan3A_150 = arith.constant 1 : i32
      %scan3A_151 = scf.for %scan3A_153 = %scan3A_147 to %scan3A_149 step %scan3A_150 iter_args(%scan3A_154 = %scan3A_146) -> (i32)  : i32 {
        %mul3A_155 = arith.constant 16 : i32
        %mul3A_156 = arith.muli %scan3A_153, %mul3A_155 : i32
        %swap3A = arith.index_cast %scan3A_144 : i32 to index
        %swap3A_157 = arith.index_cast %mul3A_156 : i32 to index
        %swap3A_158 = tpu.vector_load %arg7[%swap3A, %swap3A_157] {strides = array<i32>} : memref<128x128xf32, #tpu.memory_space<vmem>>, vector<1x16xf32>,
        %swap3A_159 = vector.shape_cast %swap3A_158 : vector<1x16xf32> to vector<16xf32>
        %swap3A_160 = vector.shape_cast %broadcast_in_dim3A_3 : vector<16xf32> to vector<1x16xf32>
        tpu.vector_store %arg7[%swap3A, %swap3A_157], %swap3A_160 {strides = array<i32>} : memref<128x128xf32, #tpu.memory_space<vmem>>, vector<1x16xf32>,
        %scan3A_161 = arith.constant 0 : i32
        scf.yield %scan3A_161 : i32
      }
      %scan3A_152 = arith.constant 8 : i32
      scf.yield %scan3A_151 : i32
    }
    %scan3A_9 = arith.constant 128 : i32
    %mul3A_10 = arith.constant 640 : i32
    %mul3A_11 = arith.muli %arg1, %mul3A_10 : i32
    %add3A_12 = arith.constant 0 : i32
    %add3A_13 = arith.addi %mul3A_11, %add3A_12 : i32
    %dma_start3A = arith.constant 0 : i32
    %dma_start3A_14 = tpu.memref_slice %arg12[%add3A_13, %dma_start3A] : memref<10240x128xf32, #tpu.memory_space<vmem_shared>> -> memref<128x128xf32, #tpu.memory_space<vmem_shared>>
    %dma_start3A_15 = arith.constant 0 : i32
    %dma_start3A_16 = tpu.memref_slice %arg12[%add3A_13, %dma_start3A_15] : memref<10240x128xf32, #tpu.memory_space<vmem_shared>> -> memref<128x128xf32, #tpu.memory_space<vmem_shared>>
    tpu.enqueue_dma source(%arg7 : memref<128x128xf32, #tpu.memory_space<vmem>>) target(%dma_start3A_16 : memref<128x128xf32, #tpu.memory_space<vmem_shared>>) target_semaphore(%arg15 : memref<!tpu.dma_semaphore, #tpu.memory_space<semaphore_mem>>)
    %add3A_17 = arith.constant 128 : i32
    %add3A_18 = arith.addi %mul3A_11, %add3A_17 : i32
    %dma_start3A_19 = arith.constant 0 : i32
    %dma_start3A_20 = tpu.memref_slice %arg12[%add3A_18, %dma_start3A_19] : memref<10240x128xf32, #tpu.memory_space<vmem_shared>> -> memref<128x128xf32, #tpu.memory_space<vmem_shared>>
    %dma_start3A_21 = arith.constant 0 : i32
    %dma_start3A_22 = tpu.memref_slice %arg12[%add3A_18, %dma_start3A_21] : memref<10240x128xf32, #tpu.memory_space<vmem_shared>> -> memref<128x128xf32, #tpu.memory_space<vmem_shared>>
    tpu.enqueue_dma source(%arg7 : memref<128x128xf32, #tpu.memory_space<vmem>>) target(%dma_start3A_22 : memref<128x128xf32, #tpu.memory_space<vmem_shared>>) target_semaphore(%arg15 : memref<!tpu.dma_semaphore, #tpu.memory_space<semaphore_mem>>)
    %add3A_23 = arith.constant 256 : i32
    %add3A_24 = arith.addi %mul3A_11, %add3A_23 : i32
    %dma_start3A_25 = arith.constant 0 : i32
    %dma_start3A_26 = tpu.memref_slice %arg12[%add3A_24, %dma_start3A_25] : memref<10240x128xf32, #tpu.memory_space<vmem_shared>> -> memref<128x128xf32, #tpu.memory_space<vmem_shared>>
    %dma_start3A_27 = arith.constant 0 : i32
    %dma_start3A_28 = tpu.memref_slice %arg12[%add3A_24, %dma_start3A_27] : memref<10240x128xf32, #tpu.memory_space<vmem_shared>> -> memref<128x128xf32, #tpu.memory_space<vmem_shared>>
    tpu.enqueue_dma source(%arg7 : memref<128x128xf32, #tpu.memory_space<vmem>>) target(%dma_start3A_28 : memref<128x128xf32, #tpu.memory_space<vmem_shared>>) target_semaphore(%arg15 : memref<!tpu.dma_semaphore, #tpu.memory_space<semaphore_mem>>)
    %add3A_29 = arith.constant 384 : i32
    %add3A_30 = arith.addi %mul3A_11, %add3A_29 : i32
    %dma_start3A_31 = arith.constant 0 : i32
    %dma_start3A_32 = tpu.memref_slice %arg12[%add3A_30, %dma_start3A_31] : memref<10240x128xf32, #tpu.memory_space<vmem_shared>> -> memref<128x128xf32, #tpu.memory_space<vmem_shared>>
    %dma_start3A_33 = arith.constant 0 : i32
    %dma_start3A_34 = tpu.memref_slice %arg12[%add3A_30, %dma_start3A_33] : memref<10240x128xf32, #tpu.memory_space<vmem_shared>> -> memref<128x128xf32, #tpu.memory_space<vmem_shared>>
    tpu.enqueue_dma source(%arg7 : memref<128x128xf32, #tpu.memory_space<vmem>>) target(%dma_start3A_34 : memref<128x128xf32, #tpu.memory_space<vmem_shared>>) target_semaphore(%arg15 : memref<!tpu.dma_semaphore, #tpu.memory_space<semaphore_mem>>)
    %add3A_35 = arith.constant 512 : i32
    %add3A_36 = arith.addi %mul3A_11, %add3A_35 : i32
    %dma_start3A_37 = arith.constant 0 : i32
    %dma_start3A_38 = tpu.memref_slice %arg12[%add3A_36, %dma_start3A_37] : memref<10240x128xf32, #tpu.memory_space<vmem_shared>> -> memref<128x128xf32, #tpu.memory_space<vmem_shared>>
    %dma_start3A_39 = arith.constant 0 : i32
    %dma_start3A_40 = tpu.memref_slice %arg12[%add3A_36, %dma_start3A_39] : memref<10240x128xf32, #tpu.memory_space<vmem_shared>> -> memref<128x128xf32, #tpu.memory_space<vmem_shared>>
    tpu.enqueue_dma source(%arg7 : memref<128x128xf32, #tpu.memory_space<vmem>>) target(%dma_start3A_40 : memref<128x128xf32, #tpu.memory_space<vmem_shared>>) target_semaphore(%arg15 : memref<!tpu.dma_semaphore, #tpu.memory_space<semaphore_mem>>)
    "tpu.region"() ({
      %run_scoped3A = tpu.sem_alloc : memref<!tpu.dma_semaphore, #tpu.memory_space<semaphore_mem>>
      %dma_start3A_144 = tpu.memref_slice %arg2[%mul3A_2] : memref<320000xi32, #tpu.memory_space<hbm>> -> memref<10000xi32, #tpu.memory_space<hbm>>
      %dma_start3A_145 = tpu.memref_slice %arg2[%mul3A_2] : memref<320000xi32, #tpu.memory_space<hbm>> -> memref<10000xi32, #tpu.memory_space<hbm>>
      tpu.enqueue_dma source(%dma_start3A_145 : memref<10000xi32, #tpu.memory_space<hbm>>) target(%arg6 : memref<10000xi32, #tpu.memory_space<vmem>>) target_semaphore(%run_scoped3A : memref<!tpu.dma_semaphore, #tpu.memory_space<semaphore_mem>>)
      %dma_wait3A_146 = tpu.memref_slice %arg2[%mul3A_2] : memref<320000xi32, #tpu.memory_space<hbm>> -> memref<10000xi32, #tpu.memory_space<hbm>>
      %dma_wait3A_147 = tpu.memref_slice %arg2[%mul3A_2] : memref<320000xi32, #tpu.memory_space<hbm>> -> memref<10000xi32, #tpu.memory_space<hbm>>
      tpu.wait_dma2 semaphore(%run_scoped3A : memref<!tpu.dma_semaphore, #tpu.memory_space<semaphore_mem>>) src(%dma_wait3A_147 : memref<10000xi32, #tpu.memory_space<hbm>>) dst(%arg6 : memref<10000xi32, #tpu.memory_space<vmem>>)
      tpu.yield
    }) : () -> ()
    %add3A_41 = arith.constant 0 : i32
    %add3A_42 = arith.addi %mul3A_11, %add3A_41 : i32
    %dma_wait3A = arith.constant 0 : i32
    %dma_wait3A_43 = tpu.memref_slice %arg12[%add3A_42, %dma_wait3A] : memref<10240x128xf32, #tpu.memory_space<vmem_shared>> -> memref<128x128xf32, #tpu.memory_space<vmem_shared>>
    %dma_wait3A_44 = arith.constant 0 : i32
    %dma_wait3A_45 = tpu.memref_slice %arg12[%add3A_42, %dma_wait3A_44] : memref<10240x128xf32, #tpu.memory_space<vmem_shared>> -> memref<128x128xf32, #tpu.memory_space<vmem_shared>>
    tpu.wait_dma2 semaphore(%arg15 : memref<!tpu.dma_semaphore, #tpu.memory_space<semaphore_mem>>) src(%arg7 : memref<128x128xf32, #tpu.memory_space<vmem>>) dst(%dma_wait3A_45 : memref<128x128xf32, #tpu.memory_space<vmem_shared>>)
    %add3A_46 = arith.constant 128 : i32
    %add3A_47 = arith.addi %mul3A_11, %add3A_46 : i32
    %dma_wait3A_48 = arith.constant 0 : i32
    %dma_wait3A_49 = tpu.memref_slice %arg12[%add3A_47, %dma_wait3A_48] : memref<10240x128xf32, #tpu.memory_space<vmem_shared>> -> memref<128x128xf32, #tpu.memory_space<vmem_shared>>
    %dma_wait3A_50 = arith.constant 0 : i32
    %dma_wait3A_51 = tpu.memref_slice %arg12[%add3A_47, %dma_wait3A_50] : memref<10240x128xf32, #tpu.memory_space<vmem_shared>> -> memref<128x128xf32, #tpu.memory_space<vmem_shared>>
    tpu.wait_dma2 semaphore(%arg15 : memref<!tpu.dma_semaphore, #tpu.memory_space<semaphore_mem>>) src(%arg7 : memref<128x128xf32, #tpu.memory_space<vmem>>) dst(%dma_wait3A_51 : memref<128x128xf32, #tpu.memory_space<vmem_shared>>)
    %add3A_52 = arith.constant 256 : i32
    %add3A_53 = arith.addi %mul3A_11, %add3A_52 : i32
    %dma_wait3A_54 = arith.constant 0 : i32
    %dma_wait3A_55 = tpu.memref_slice %arg12[%add3A_53, %dma_wait3A_54] : memref<10240x128xf32, #tpu.memory_space<vmem_shared>> -> memref<128x128xf32, #tpu.memory_space<vmem_shared>>
    %dma_wait3A_56 = arith.constant 0 : i32
    %dma_wait3A_57 = tpu.memref_slice %arg12[%add3A_53, %dma_wait3A_56] : memref<10240x128xf32, #tpu.memory_space<vmem_shared>> -> memref<128x128xf32, #tpu.memory_space<vmem_shared>>
    tpu.wait_dma2 semaphore(%arg15 : memref<!tpu.dma_semaphore, #tpu.memory_space<semaphore_mem>>) src(%arg7 : memref<128x128xf32, #tpu.memory_space<vmem>>) dst(%dma_wait3A_57 : memref<128x128xf32, #tpu.memory_space<vmem_shared>>)
    %add3A_58 = arith.constant 384 : i32
    %add3A_59 = arith.addi %mul3A_11, %add3A_58 : i32
    %dma_wait3A_60 = arith.constant 0 : i32
    %dma_wait3A_61 = tpu.memref_slice %arg12[%add3A_59, %dma_wait3A_60] : memref<10240x128xf32, #tpu.memory_space<vmem_shared>> -> memref<128x128xf32, #tpu.memory_space<vmem_shared>>
    %dma_wait3A_62 = arith.constant 0 : i32
    %dma_wait3A_63 = tpu.memref_slice %arg12[%add3A_59, %dma_wait3A_62] : memref<10240x128xf32, #tpu.memory_space<vmem_shared>> -> memref<128x128xf32, #tpu.memory_space<vmem_shared>>
    tpu.wait_dma2 semaphore(%arg15 : memref<!tpu.dma_semaphore, #tpu.memory_space<semaphore_mem>>) src(%arg7 : memref<128x128xf32, #tpu.memory_space<vmem>>) dst(%dma_wait3A_63 : memref<128x128xf32, #tpu.memory_space<vmem_shared>>)
    %add3A_64 = arith.constant 512 : i32
    %add3A_65 = arith.addi %mul3A_11, %add3A_64 : i32
    %dma_wait3A_66 = arith.constant 0 : i32
    %dma_wait3A_67 = tpu.memref_slice %arg12[%add3A_65, %dma_wait3A_66] : memref<10240x128xf32, #tpu.memory_space<vmem_shared>> -> memref<128x128xf32, #tpu.memory_space<vmem_shared>>
    %dma_wait3A_68 = arith.constant 0 : i32
    %dma_wait3A_69 = tpu.memref_slice %arg12[%add3A_65, %dma_wait3A_68] : memref<10240x128xf32, #tpu.memory_space<vmem_shared>> -> memref<128x128xf32, #tpu.memory_space<vmem_shared>>
    tpu.wait_dma2 semaphore(%arg15 : memref<!tpu.dma_semaphore, #tpu.memory_space<semaphore_mem>>) src(%arg7 : memref<128x128xf32, #tpu.memory_space<vmem>>) dst(%dma_wait3A_69 : memref<128x128xf32, #tpu.memory_space<vmem_shared>>)
    %barrier3A = arith.constant 0 : index
    tpu.barrier barrier_id(%barrier3A)
    %add3A_70 = arith.constant 0 : i32
    %add3A_71 = arith.addi %mul3A_2, %add3A_70 : i32
    %dma_start3A_72 = tpu.memref_slice %arg3[%add3A_71] : memref<320000xi32, #tpu.memory_space<hbm>> -> memref<128xi32, #tpu.memory_space<hbm>>
    %dma_start3A_73 = tpu.memref_slice %arg3[%add3A_71] : memref<320000xi32, #tpu.memory_space<hbm>> -> memref<128xi32, #tpu.memory_space<hbm>>
    tpu.enqueue_dma source(%dma_start3A_73 : memref<128xi32, #tpu.memory_space<hbm>>) target(%arg9 : memref<128xi32, #tpu.memory_space<vmem>>) target_semaphore(%arg17 : memref<!tpu.dma_semaphore, #tpu.memory_space<semaphore_mem>>)
    %dma_start3A_74 = arith.constant 0 : i32
    %dma_start3A_75 = tpu.memref_slice %arg6[%dma_start3A_74] : memref<10000xi32, #tpu.memory_space<vmem>> -> memref<128xi32, #tpu.memory_space<vmem>>
    %dma_start3A_76 = arith.constant 0 : i32
    %dma_start3A_77 = arith.constant 0 : i32
    %dma_start3A_78 = tpu.memref_slice %arg4[%dma_start3A_76, %dma_start3A_77] : memref<10000x128xf32, #tpu.memory_space<hbm>> -> memref<10000x128xf32, #tpu.memory_space<hbm>>
    tpu.enqueue_indirect_dma source(%dma_start3A_78 : memref<10000x128xf32, #tpu.memory_space<hbm>>) target(%arg7 : memref<128x128xf32, #tpu.memory_space<vmem>>) offsets(%dma_start3A_75 : memref<128xi32, #tpu.memory_space<vmem>>) semaphore(%arg13 : memref<!tpu.dma_semaphore, #tpu.memory_space<semaphore_mem>>)
    %add3A_79 = arith.constant 128 : i32
    %add3A_80 = arith.addi %mul3A_2, %add3A_79 : i32
    %dma_start3A_81 = tpu.memref_slice %arg3[%add3A_80] : memref<320000xi32, #tpu.memory_space<hbm>> -> memref<128xi32, #tpu.memory_space<hbm>>
    %dma_start3A_82 = tpu.memref_slice %arg3[%add3A_80] : memref<320000xi32, #tpu.memory_space<hbm>> -> memref<128xi32, #tpu.memory_space<hbm>>
    tpu.enqueue_dma source(%dma_start3A_82 : memref<128xi32, #tpu.memory_space<hbm>>) target(%arg10 : memref<128xi32, #tpu.memory_space<vmem>>) target_semaphore(%arg18 : memref<!tpu.dma_semaphore, #tpu.memory_space<semaphore_mem>>)
    %dma_start3A_83 = arith.constant 128 : i32
    %dma_start3A_84 = tpu.memref_slice %arg6[%dma_start3A_83] : memref<10000xi32, #tpu.memory_space<vmem>> -> memref<128xi32, #tpu.memory_space<vmem>>
    %dma_start3A_85 = arith.constant 0 : i32
    %dma_start3A_86 = arith.constant 0 : i32
    %dma_start3A_87 = tpu.memref_slice %arg4[%dma_start3A_85, %dma_start3A_86] : memref<10000x128xf32, #tpu.memory_space<hbm>> -> memref<10000x128xf32, #tpu.memory_space<hbm>>
    tpu.enqueue_indirect_dma source(%dma_start3A_87 : memref<10000x128xf32, #tpu.memory_space<hbm>>) target(%arg8 : memref<128x128xf32, #tpu.memory_space<vmem>>) offsets(%dma_start3A_84 : memref<128xi32, #tpu.memory_space<vmem>>) semaphore(%arg14 : memref<!tpu.dma_semaphore, #tpu.memory_space<semaphore_mem>>)
    %scan3A_88 = arith.constant 0 : i32
    %scan3A_89 = arith.constant 0 : i32
    %scan3A_90 = arith.constant 38 : i32
    %scan3A_91 = arith.addi %scan3A_89, %scan3A_90 : i32
    %scan3A_92 = arith.constant 1 : i32
    %scan3A_93 = scf.for %scan3A_144 = %scan3A_89 to %scan3A_91 step %scan3A_92 iter_args(%scan3A_145 = %scan3A_88) -> (i32)  : i32 {
      %mul3A_146 = arith.constant 2 : i32
      %mul3A_147 = arith.muli %scan3A_144, %mul3A_146 : i32
      %add3A_148 = arith.constant 0 : i32
      %add3A_149 = arith.addi %mul3A_147, %add3A_148 : i32
      %mul3A_150 = arith.constant 128 : i32
      %mul3A_151 = arith.muli %add3A_149, %mul3A_150 : i32
      %dma_wait3A_152 = tpu.memref_slice %arg6[%mul3A_151] : memref<10000xi32, #tpu.memory_space<vmem>> -> memref<128xi32, #tpu.memory_space<vmem>>
      %dma_wait3A_153 = arith.constant 0 : i32
      %dma_wait3A_154 = arith.constant 0 : i32
      %dma_wait3A_155 = tpu.memref_slice %arg4[%dma_wait3A_153, %dma_wait3A_154] : memref<10000x128xf32, #tpu.memory_space<hbm>> -> memref<10000x128xf32, #tpu.memory_space<hbm>>
      tpu.wait_indirect_dma semaphore(%arg13 : memref<!tpu.dma_semaphore, #tpu.memory_space<semaphore_mem>>) src(%dma_wait3A_155 : memref<10000x128xf32, #tpu.memory_space<hbm>>) dst(%arg7 : memref<128x128xf32, #tpu.memory_space<vmem>>)
      %mul3A_156 = arith.constant 128 : i32
      %mul3A_157 = arith.muli %add3A_149, %mul3A_156 : i32
      %add3A_158 = arith.addi %mul3A_2, %mul3A_157 : i32
      %dma_wait3A_159 = tpu.memref_slice %arg3[%add3A_158] : memref<320000xi32, #tpu.memory_space<hbm>> -> memref<128xi32, #tpu.memory_space<hbm>>
      %dma_wait3A_160 = tpu.memref_slice %arg3[%add3A_158] : memref<320000xi32, #tpu.memory_space<hbm>> -> memref<128xi32, #tpu.memory_space<hbm>>
      tpu.wait_dma2 semaphore(%arg17 : memref<!tpu.dma_semaphore, #tpu.memory_space<semaphore_mem>>) src(%dma_wait3A_160 : memref<128xi32, #tpu.memory_space<hbm>>) dst(%arg9 : memref<128xi32, #tpu.memory_space<vmem>>)
      %dma_start3A_161 = arith.constant 0 : i32
      %dma_start3A_162 = arith.constant 0 : i32
      %dma_start3A_163 = tpu.memref_slice %arg12[%dma_start3A_161, %dma_start3A_162] : memref<10240x128xf32, #tpu.memory_space<vmem_shared>> -> memref<10240x128xf32, #tpu.memory_space<vmem_shared>>
      tpu.enqueue_indirect_dma source(%arg7 : memref<128x128xf32, #tpu.memory_space<vmem>>) target(%dma_start3A_163 : memref<10240x128xf32, #tpu.memory_space<vmem_shared>>) offsets(%arg9 : memref<128xi32, #tpu.memory_space<vmem>>) semaphore(%arg15 : memref<!tpu.dma_semaphore, #tpu.memory_space<semaphore_mem>>) {add = true}
      %dma_wait3A_164 = arith.constant 0 : i32
      %dma_wait3A_165 = arith.constant 0 : i32
      %dma_wait3A_166 = tpu.memref_slice %arg12[%dma_wait3A_164, %dma_wait3A_165] : memref<10240x128xf32, #tpu.memory_space<vmem_shared>> -> memref<10240x128xf32, #tpu.memory_space<vmem_shared>>
      tpu.wait_indirect_dma semaphore(%arg15 : memref<!tpu.dma_semaphore, #tpu.memory_space<semaphore_mem>>) src(%arg7 : memref<128x128xf32, #tpu.memory_space<vmem>>) dst(%dma_wait3A_166 : memref<10240x128xf32, #tpu.memory_space<vmem_shared>>)
      %add3A_167 = arith.constant 2 : i32
      %add3A_168 = arith.addi %add3A_149, %add3A_167 : i32
      %mul3A_169 = arith.constant 128 : i32
      %mul3A_170 = arith.muli %add3A_168, %mul3A_169 : i32
      %add3A_171 = arith.addi %mul3A_2, %mul3A_170 : i32
      %dma_start3A_172 = tpu.memref_slice %arg3[%add3A_171] : memref<320000xi32, #tpu.memory_space<hbm>> -> memref<128xi32, #tpu.memory_space<hbm>>
      %dma_start3A_173 = tpu.memref_slice %arg3[%add3A_171] : memref<320000xi32, #tpu.memory_space<hbm>> -> memref<128xi32, #tpu.memory_space<hbm>>
      tpu.enqueue_dma source(%dma_start3A_173 : memref<128xi32, #tpu.memory_space<hbm>>) target(%arg9 : memref<128xi32, #tpu.memory_space<vmem>>) target_semaphore(%arg17 : memref<!tpu.dma_semaphore, #tpu.memory_space<semaphore_mem>>)
      %add3A_174 = arith.constant 2 : i32
      %add3A_175 = arith.addi %add3A_149, %add3A_174 : i32
      %mul3A_176 = arith.constant 128 : i32
      %mul3A_177 = arith.muli %add3A_175, %mul3A_176 : i32
      %dma_start3A_178 = tpu.memref_slice %arg6[%mul3A_177] : memref<10000xi32, #tpu.memory_space<vmem>> -> memref<128xi32, #tpu.memory_space<vmem>>
      %dma_start3A_179 = arith.constant 0 : i32
      %dma_start3A_180 = arith.constant 0 : i32
      %dma_start3A_181 = tpu.memref_slice %arg4[%dma_start3A_179, %dma_start3A_180] : memref<10000x128xf32, #tpu.memory_space<hbm>> -> memref<10000x128xf32, #tpu.memory_space<hbm>>
      tpu.enqueue_indirect_dma source(%dma_start3A_181 : memref<10000x128xf32, #tpu.memory_space<hbm>>) target(%arg7 : memref<128x128xf32, #tpu.memory_space<vmem>>) offsets(%dma_start3A_178 : memref<128xi32, #tpu.memory_space<vmem>>) semaphore(%arg13 : memref<!tpu.dma_semaphore, #tpu.memory_space<semaphore_mem>>)
      %mul3A_182 = arith.constant 2 : i32
      %mul3A_183 = arith.muli %scan3A_144, %mul3A_182 : i32
      %add3A_184 = arith.constant 1 : i32
      %add3A_185 = arith.addi %mul3A_183, %add3A_184 : i32
      %mul3A_186 = arith.constant 128 : i32
      %mul3A_187 = arith.muli %add3A_185, %mul3A_186 : i32
      %dma_wait3A_188 = tpu.memref_slice %arg6[%mul3A_187] : memref<10000xi32, #tpu.memory_space<vmem>> -> memref<128xi32, #tpu.memory_space<vmem>>
      %dma_wait3A_189 = arith.constant 0 : i32
      %dma_wait3A_190 = arith.constant 0 : i32
      %dma_wait3A_191 = tpu.memref_slice %arg4[%dma_wait3A_189, %dma_wait3A_190] : memref<10000x128xf32, #tpu.memory_space<hbm>> -> memref<10000x128xf32, #tpu.memory_space<hbm>>
      tpu.wait_indirect_dma semaphore(%arg14 : memref<!tpu.dma_semaphore, #tpu.memory_space<semaphore_mem>>) src(%dma_wait3A_191 : memref<10000x128xf32, #tpu.memory_space<hbm>>) dst(%arg8 : memref<128x128xf32, #tpu.memory_space<vmem>>)
      %mul3A_192 = arith.constant 128 : i32
      %mul3A_193 = arith.muli %add3A_185, %mul3A_192 : i32
      %add3A_194 = arith.addi %mul3A_2, %mul3A_193 : i32
      %dma_wait3A_195 = tpu.memref_slice %arg3[%add3A_194] : memref<320000xi32, #tpu.memory_space<hbm>> -> memref<128xi32, #tpu.memory_space<hbm>>
      %dma_wait3A_196 = tpu.memref_slice %arg3[%add3A_194] : memref<320000xi32, #tpu.memory_space<hbm>> -> memref<128xi32, #tpu.memory_space<hbm>>
      tpu.wait_dma2 semaphore(%arg18 : memref<!tpu.dma_semaphore, #tpu.memory_space<semaphore_mem>>) src(%dma_wait3A_196 : memref<128xi32, #tpu.memory_space<hbm>>) dst(%arg10 : memref<128xi32, #tpu.memory_space<vmem>>)
      %dma_start3A_197 = arith.constant 0 : i32
      %dma_start3A_198 = arith.constant 0 : i32
      %dma_start3A_199 = tpu.memref_slice %arg12[%dma_start3A_197, %dma_start3A_198] : memref<10240x128xf32, #tpu.memory_space<vmem_shared>> -> memref<10240x128xf32, #tpu.memory_space<vmem_shared>>
      tpu.enqueue_indirect_dma source(%arg8 : memref<128x128xf32, #tpu.memory_space<vmem>>) target(%dma_start3A_199 : memref<10240x128xf32, #tpu.memory_space<vmem_shared>>) offsets(%arg10 : memref<128xi32, #tpu.memory_space<vmem>>) semaphore(%arg16 : memref<!tpu.dma_semaphore, #tpu.memory_space<semaphore_mem>>) {add = true}
      %dma_wait3A_200 = arith.constant 0 : i32
      %dma_wait3A_201 = arith.constant 0 : i32
      %dma_wait3A_202 = tpu.memref_slice %arg12[%dma_wait3A_200, %dma_wait3A_201] : memref<10240x128xf32, #tpu.memory_space<vmem_shared>> -> memref<10240x128xf32, #tpu.memory_space<vmem_shared>>
      tpu.wait_indirect_dma semaphore(%arg16 : memref<!tpu.dma_semaphore, #tpu.memory_space<semaphore_mem>>) src(%arg8 : memref<128x128xf32, #tpu.memory_space<vmem>>) dst(%dma_wait3A_202 : memref<10240x128xf32, #tpu.memory_space<vmem_shared>>)
      %add3A_203 = arith.constant 2 : i32
      %add3A_204 = arith.addi %add3A_185, %add3A_203 : i32
      %mul3A_205 = arith.constant 128 : i32
      %mul3A_206 = arith.muli %add3A_204, %mul3A_205 : i32
      %add3A_207 = arith.addi %mul3A_2, %mul3A_206 : i32
      %dma_start3A_208 = tpu.memref_slice %arg3[%add3A_207] : memref<320000xi32, #tpu.memory_space<hbm>> -> memref<128xi32, #tpu.memory_space<hbm>>
      %dma_start3A_209 = tpu.memref_slice %arg3[%add3A_207] : memref<320000xi32, #tpu.memory_space<hbm>> -> memref<128xi32, #tpu.memory_space<hbm>>
      tpu.enqueue_dma source(%dma_start3A_209 : memref<128xi32, #tpu.memory_space<hbm>>) target(%arg10 : memref<128xi32, #tpu.memory_space<vmem>>) target_semaphore(%arg18 : memref<!tpu.dma_semaphore, #tpu.memory_space<semaphore_mem>>)
      %add3A_210 = arith.constant 2 : i32
      %add3A_211 = arith.addi %add3A_185, %add3A_210 : i32
      %mul3A_212 = arith.constant 128 : i32
      %mul3A_213 = arith.muli %add3A_211, %mul3A_212 : i32
      %dma_start3A_214 = tpu.memref_slice %arg6[%mul3A_213] : memref<10000xi32, #tpu.memory_space<vmem>> -> memref<128xi32, #tpu.memory_space<vmem>>
      %dma_start3A_215 = arith.constant 0 : i32
      %dma_start3A_216 = arith.constant 0 : i32
      %dma_start3A_217 = tpu.memref_slice %arg4[%dma_start3A_215, %dma_start3A_216] : memref<10000x128xf32, #tpu.memory_space<hbm>> -> memref<10000x128xf32, #tpu.memory_space<hbm>>
      tpu.enqueue_indirect_dma source(%dma_start3A_217 : memref<10000x128xf32, #tpu.memory_space<hbm>>) target(%arg8 : memref<128x128xf32, #tpu.memory_space<vmem>>) offsets(%dma_start3A_214 : memref<128xi32, #tpu.memory_space<vmem>>) semaphore(%arg14 : memref<!tpu.dma_semaphore, #tpu.memory_space<semaphore_mem>>)
      %scan3A_218 = arith.constant 0 : i32
      scf.yield %scan3A_218 : i32
    }
    %scan3A_94 = arith.constant 38 : i32
    %dma_wait3A_95 = arith.constant 9728 : i32
    %dma_wait3A_96 = tpu.memref_slice %arg6[%dma_wait3A_95] : memref<10000xi32, #tpu.memory_space<vmem>> -> memref<128xi32, #tpu.memory_space<vmem>>
    %dma_wait3A_97 = arith.constant 0 : i32
    %dma_wait3A_98 = arith.constant 0 : i32
    %dma_wait3A_99 = tpu.memref_slice %arg4[%dma_wait3A_97, %dma_wait3A_98] : memref<10000x128xf32, #tpu.memory_space<hbm>> -> memref<10000x128xf32, #tpu.memory_space<hbm>>
    tpu.wait_indirect_dma semaphore(%arg13 : memref<!tpu.dma_semaphore, #tpu.memory_space<semaphore_mem>>) src(%dma_wait3A_99 : memref<10000x128xf32, #tpu.memory_space<hbm>>) dst(%arg7 : memref<128x128xf32, #tpu.memory_space<vmem>>)
    %add3A_100 = arith.constant 9728 : i32
    %add3A_101 = arith.addi %mul3A_2, %add3A_100 : i32
    %dma_wait3A_102 = tpu.memref_slice %arg3[%add3A_101] : memref<320000xi32, #tpu.memory_space<hbm>> -> memref<128xi32, #tpu.memory_space<hbm>>
    %dma_wait3A_103 = tpu.memref_slice %arg3[%add3A_101] : memref<320000xi32, #tpu.memory_space<hbm>> -> memref<128xi32, #tpu.memory_space<hbm>>
    tpu.wait_dma2 semaphore(%arg17 : memref<!tpu.dma_semaphore, #tpu.memory_space<semaphore_mem>>) src(%dma_wait3A_103 : memref<128xi32, #tpu.memory_space<hbm>>) dst(%arg9 : memref<128xi32, #tpu.memory_space<vmem>>)
    %dma_start3A_104 = arith.constant 0 : i32
    %dma_start3A_105 = arith.constant 0 : i32
    %dma_start3A_106 = tpu.memref_slice %arg12[%dma_start3A_104, %dma_start3A_105] : memref<10240x128xf32, #tpu.memory_space<vmem_shared>> -> memref<10240x128xf32, #tpu.memory_space<vmem_shared>>
    tpu.enqueue_indirect_dma source(%arg7 : memref<128x128xf32, #tpu.memory_space<vmem>>) target(%dma_start3A_106 : memref<10240x128xf32, #tpu.memory_space<vmem_shared>>) offsets(%arg9 : memref<128xi32, #tpu.memory_space<vmem>>) semaphore(%arg15 : memref<!tpu.dma_semaphore, #tpu.memory_space<semaphore_mem>>) {add = true}
    %dma_wait3A_107 = arith.constant 0 : i32
    %dma_wait3A_108 = arith.constant 0 : i32
    %dma_wait3A_109 = tpu.memref_slice %arg12[%dma_wait3A_107, %dma_wait3A_108] : memref<10240x128xf32, #tpu.memory_space<vmem_shared>> -> memref<10240x128xf32, #tpu.memory_space<vmem_shared>>
    tpu.wait_indirect_dma semaphore(%arg15 : memref<!tpu.dma_semaphore, #tpu.memory_space<semaphore_mem>>) src(%arg7 : memref<128x128xf32, #tpu.memory_space<vmem>>) dst(%dma_wait3A_109 : memref<10240x128xf32, #tpu.memory_space<vmem_shared>>)
    %dma_wait3A_110 = arith.constant 9856 : i32
    %dma_wait3A_111 = tpu.memref_slice %arg6[%dma_wait3A_110] : memref<10000xi32, #tpu.memory_space<vmem>> -> memref<128xi32, #tpu.memory_space<vmem>>
    %dma_wait3A_112 = arith.constant 0 : i32
    %dma_wait3A_113 = arith.constant 0 : i32
    %dma_wait3A_114 = tpu.memref_slice %arg4[%dma_wait3A_112, %dma_wait3A_113] : memref<10000x128xf32, #tpu.memory_space<hbm>> -> memref<10000x128xf32, #tpu.memory_space<hbm>>
    tpu.wait_indirect_dma semaphore(%arg14 : memref<!tpu.dma_semaphore, #tpu.memory_space<semaphore_mem>>) src(%dma_wait3A_114 : memref<10000x128xf32, #tpu.memory_space<hbm>>) dst(%arg8 : memref<128x128xf32, #tpu.memory_space<vmem>>)
    %add3A_115 = arith.constant 9856 : i32
    %add3A_116 = arith.addi %mul3A_2, %add3A_115 : i32
    %dma_wait3A_117 = tpu.memref_slice %arg3[%add3A_116] : memref<320000xi32, #tpu.memory_space<hbm>> -> memref<128xi32, #tpu.memory_space<hbm>>
    %dma_wait3A_118 = tpu.memref_slice %arg3[%add3A_116] : memref<320000xi32, #tpu.memory_space<hbm>> -> memref<128xi32, #tpu.memory_space<hbm>>
    tpu.wait_dma2 semaphore(%arg18 : memref<!tpu.dma_semaphore, #tpu.memory_space<semaphore_mem>>) src(%dma_wait3A_118 : memref<128xi32, #tpu.memory_space<hbm>>) dst(%arg10 : memref<128xi32, #tpu.memory_space<vmem>>)
    %dma_start3A_119 = arith.constant 0 : i32
    %dma_start3A_120 = arith.constant 0 : i32
    %dma_start3A_121 = tpu.memref_slice %arg12[%dma_start3A_119, %dma_start3A_120] : memref<10240x128xf32, #tpu.memory_space<vmem_shared>> -> memref<10240x128xf32, #tpu.memory_space<vmem_shared>>
    tpu.enqueue_indirect_dma source(%arg8 : memref<128x128xf32, #tpu.memory_space<vmem>>) target(%dma_start3A_121 : memref<10240x128xf32, #tpu.memory_space<vmem_shared>>) offsets(%arg10 : memref<128xi32, #tpu.memory_space<vmem>>) semaphore(%arg16 : memref<!tpu.dma_semaphore, #tpu.memory_space<semaphore_mem>>) {add = true}
    %dma_wait3A_122 = arith.constant 0 : i32
    %dma_wait3A_123 = arith.constant 0 : i32
    %dma_wait3A_124 = tpu.memref_slice %arg12[%dma_wait3A_122, %dma_wait3A_123] : memref<10240x128xf32, #tpu.memory_space<vmem_shared>> -> memref<10240x128xf32, #tpu.memory_space<vmem_shared>>
    tpu.wait_indirect_dma semaphore(%arg16 : memref<!tpu.dma_semaphore, #tpu.memory_space<semaphore_mem>>) src(%arg8 : memref<128x128xf32, #tpu.memory_space<vmem>>) dst(%dma_wait3A_124 : memref<10240x128xf32, #tpu.memory_space<vmem_shared>>)
    %add3A_125 = arith.constant 9984 : i32
    %add3A_126 = arith.addi %mul3A_2, %add3A_125 : i32
    "tpu.region"() ({
      %run_scoped3A = tpu.sem_alloc : memref<!tpu.dma_semaphore, #tpu.memory_space<semaphore_mem>>
      %dma_start3A_144 = tpu.memref_slice %arg3[%add3A_126] : memref<320000xi32, #tpu.memory_space<hbm>> -> memref<16xi32, #tpu.memory_space<hbm>>
      %dma_start3A_145 = tpu.memref_slice %arg3[%add3A_126] : memref<320000xi32, #tpu.memory_space<hbm>> -> memref<16xi32, #tpu.memory_space<hbm>>
      tpu.enqueue_dma source(%dma_start3A_145 : memref<16xi32, #tpu.memory_space<hbm>>) target(%arg11 : memref<16xi32, #tpu.memory_space<vmem>>) target_semaphore(%run_scoped3A : memref<!tpu.dma_semaphore, #tpu.memory_space<semaphore_mem>>)
      %dma_wait3A_146 = tpu.memref_slice %arg3[%add3A_126] : memref<320000xi32, #tpu.memory_space<hbm>> -> memref<16xi32, #tpu.memory_space<hbm>>
      %dma_wait3A_147 = tpu.memref_slice %arg3[%add3A_126] : memref<320000xi32, #tpu.memory_space<hbm>> -> memref<16xi32, #tpu.memory_space<hbm>>
      tpu.wait_dma2 semaphore(%run_scoped3A : memref<!tpu.dma_semaphore, #tpu.memory_space<semaphore_mem>>) src(%dma_wait3A_147 : memref<16xi32, #tpu.memory_space<hbm>>) dst(%arg11 : memref<16xi32, #tpu.memory_space<vmem>>)
      tpu.yield
    }) : () -> ()
    %dma_start3A_127 = arith.constant 0 : i32
    %dma_start3A_128 = arith.constant 0 : i32
    %dma_start3A_129 = tpu.memref_slice %arg7[%dma_start3A_127, %dma_start3A_128] : memref<128x128xf32, #tpu.memory_space<vmem>> -> memref<16x128xf32, #tpu.memory_space<vmem>>
    %dma_start3A_130 = arith.constant 9984 : i32
    %dma_start3A_131 = tpu.memref_slice %arg6[%dma_start3A_130] : memref<10000xi32, #tpu.memory_space<vmem>> -> memref<16xi32, #tpu.memory_space<vmem>>
    %dma_start3A_132 = arith.constant 0 : i32
    %dma_start3A_133 = arith.constant 0 : i32
    %dma_start3A_134 = tpu.memref_slice %arg4[%dma_start3A_132, %dma_start3A_133] : memref<10000x128xf32, #tpu.memory_space<hbm>> -> memref<10000x128xf32, #tpu.memory_space<hbm>>
    tpu.enqueue_indirect_dma source(%dma_start3A_134 : memref<10000x128xf32, #tpu.memory_space<hbm>>) target(%dma_start3A_129 : memref<16x128xf32, #tpu.memory_space<vmem>>) offsets(%dma_start3A_131 : memref<16xi32, #tpu.memory_space<vmem>>) semaphore(%arg13 : memref<!tpu.dma_semaphore, #tpu.memory_space<semaphore_mem>>)
    %dma_wait3A_135 = arith.constant 0 : i32
    %dma_wait3A_136 = arith.constant 0 : i32
    %dma_wait3A_137 = tpu.memref_slice %arg7[%dma_wait3A_135, %dma_wait3A_136] : memref<128x128xf32, #tpu.memory_space<vmem>> -> memref<16x128xf32, #tpu.memory_space<vmem>>
    %dma_wait3A_138 = arith.constant 9984 : i32
    %dma_wait3A_139 = tpu.memref_slice %arg6[%dma_wait3A_138] : memref<10000xi32, #tpu.memory_space<vmem>> -> memref<16xi32, #tpu.memory_space<vmem>>
    %dma_wait3A_140 = arith.constant 0 : i32
    %dma_wait3A_141 = arith.constant 0 : i32
    %dma_wait3A_142 = tpu.memref_slice %arg4[%dma_wait3A_140, %dma_wait3A_141] : memref<10000x128xf32, #tpu.memory_space<hbm>> -> memref<10000x128xf32, #tpu.memory_space<hbm>>
    tpu.wait_indirect_dma semaphore(%arg13 : memref<!tpu.dma_semaphore, #tpu.memory_space<semaphore_mem>>) src(%dma_wait3A_142 : memref<10000x128xf32, #tpu.memory_space<hbm>>) dst(%dma_wait3A_137 : memref<16x128xf32, #tpu.memory_space<vmem>>)
    "tpu.region"() ({
      %run_scoped3A = tpu.sem_alloc : memref<!tpu.dma_semaphore, #tpu.memory_space<semaphore_mem>>
      %dma_start3A_144 = arith.constant 0 : i32
      %dma_start3A_145 = arith.constant 0 : i32
      %dma_start3A_146 = tpu.memref_slice %arg7[%dma_start3A_144, %dma_start3A_145] : memref<128x128xf32, #tpu.memory_space<vmem>> -> memref<16x128xf32, #tpu.memory_space<vmem>>
      %dma_start3A_147 = arith.constant 0 : i32
      %dma_start3A_148 = arith.constant 0 : i32
      %dma_start3A_149 = tpu.memref_slice %arg12[%dma_start3A_147, %dma_start3A_148] : memref<10240x128xf32, #tpu.memory_space<vmem_shared>> -> memref<10240x128xf32, #tpu.memory_space<vmem_shared>>
      tpu.enqueue_indirect_dma source(%dma_start3A_146 : memref<16x128xf32, #tpu.memory_space<vmem>>) target(%dma_start3A_149 : memref<10240x128xf32, #tpu.memory_space<vmem_shared>>) offsets(%arg11 : memref<16xi32, #tpu.memory_space<vmem>>) semaphore(%run_scoped3A : memref<!tpu.dma_semaphore, #tpu.memory_space<semaphore_mem>>) {add = true}
      %dma_wait3A_150 = arith.constant 0 : i32
      %dma_wait3A_151 = arith.constant 0 : i32
      %dma_wait3A_152 = tpu.memref_slice %arg7[%dma_wait3A_150, %dma_wait3A_151] : memref<128x128xf32, #tpu.memory_space<vmem>> -> memref<16x128xf32, #tpu.memory_space<vmem>>
      %dma_wait3A_153 = arith.constant 0 : i32
      %dma_wait3A_154 = arith.constant 0 : i32
      %dma_wait3A_155 = tpu.memref_slice %arg12[%dma_wait3A_153, %dma_wait3A_154] : memref<10240x128xf32, #tpu.memory_space<vmem_shared>> -> memref<10240x128xf32, #tpu.memory_space<vmem_shared>>
      tpu.wait_indirect_dma semaphore(%run_scoped3A : memref<!tpu.dma_semaphore, #tpu.memory_space<semaphore_mem>>) src(%dma_wait3A_152 : memref<16x128xf32, #tpu.memory_space<vmem>>) dst(%dma_wait3A_155 : memref<10240x128xf32, #tpu.memory_space<vmem_shared>>)
      tpu.yield
    }) : () -> ()
    %barrier3A_143 = arith.constant 0 : index
    tpu.barrier barrier_id(%barrier3A_143)
    "tpu.region"() ({
      %run_scoped3A = tpu.sem_alloc : memref<!tpu.dma_semaphore, #tpu.memory_space<semaphore_mem>>
      %dma_start3A_144 = arith.constant 0 : i32
      %dma_start3A_145 = tpu.memref_slice %arg5[%arg0, %mul3A_11, %dma_start3A_144] : memref<2x10240x128xf32, #tpu.memory_space<hbm>> -> memref<1x640x128xf32, #tpu.memory_space<hbm>>
      %dma_start3A_146 = tpu.memref_squeeze %dma_start3A_145 : memref<1x640x128xf32, #tpu.memory_space<hbm>> -> memref<640x128xf32, #tpu.memory_space<hbm>>
      %dma_start3A_147 = arith.constant 0 : i32
      %dma_start3A_148 = tpu.memref_slice %arg12[%mul3A_11, %dma_start3A_147] : memref<10240x128xf32, #tpu.memory_space<vmem_shared>> -> memref<640x128xf32, #tpu.memory_space<vmem_shared>>
      tpu.enqueue_dma source(%dma_start3A_148 : memref<640x128xf32, #tpu.memory_space<vmem_shared>>) target(%dma_start3A_146 : memref<640x128xf32, #tpu.memory_space<hbm>>) target_semaphore(%run_scoped3A : memref<!tpu.dma_semaphore, #tpu.memory_space<semaphore_mem>>)
      %dma_wait3A_149 = arith.constant 0 : i32
      %dma_wait3A_150 = tpu.memref_slice %arg5[%arg0, %mul3A_11, %dma_wait3A_149] : memref<2x10240x128xf32, #tpu.memory_space<hbm>> -> memref<1x640x128xf32, #tpu.memory_space<hbm>>
      %dma_wait3A_151 = tpu.memref_squeeze %dma_wait3A_150 : memref<1x640x128xf32, #tpu.memory_space<hbm>> -> memref<640x128xf32, #tpu.memory_space<hbm>>
      %dma_wait3A_152 = arith.constant 0 : i32
      %dma_wait3A_153 = tpu.memref_slice %arg12[%mul3A_11, %dma_wait3A_152] : memref<10240x128xf32, #tpu.memory_space<vmem_shared>> -> memref<640x128xf32, #tpu.memory_space<vmem_shared>>
      tpu.wait_dma2 semaphore(%run_scoped3A : memref<!tpu.dma_semaphore, #tpu.memory_space<semaphore_mem>>) src(%dma_wait3A_153 : memref<640x128xf32, #tpu.memory_space<vmem_shared>>) dst(%dma_wait3A_151 : memref<640x128xf32, #tpu.memory_space<hbm>>)
      tpu.yield
    }) : () -> ()
    return
  }
}

#map = affine_map<(d0, d1) -> (0)>
#map1 = affine_map<(d0, d1) -> (0, 0)>
module attributes {stable_mosaic.version = 14 : i64} {
  func.func @_deg_kernel(%arg0: i32, %arg1: i32, %arg2: memref<320000xi32, #tpu.memory_space<hbm>>, %arg3: memref<2x10240xf32, #tpu.memory_space<hbm>>, %arg4: memref<128xf32, #tpu.memory_space<vmem>>, %arg5: memref<640xf32, #tpu.memory_space<vmem>>, %arg6: memref<10240xf32, #tpu.memory_space<vmem_shared>>, %arg7: memref<128xi32, #tpu.memory_space<vmem>>, %arg8: memref<128xi32, #tpu.memory_space<vmem>>, %arg9: memref<128xi32, #tpu.memory_space<vmem>>, %arg10: memref<128xi32, #tpu.memory_space<vmem>>, %arg11: memref<128xi32, #tpu.memory_space<vmem>>, %arg12: memref<128xi32, #tpu.memory_space<vmem>>, %arg13: memref<128xi32, #tpu.memory_space<vmem>>, %arg14: memref<128xi32, #tpu.memory_space<vmem>>, %arg15: memref<128xi32, #tpu.memory_space<vmem>>, %arg16: memref<128xi32, #tpu.memory_space<vmem>>, %arg17: memref<128xi32, #tpu.memory_space<vmem>>, %arg18: memref<128xi32, #tpu.memory_space<vmem>>, %arg19: memref<128xi32, #tpu.memory_space<vmem>>, %arg20: memref<128xi32, #tpu.memory_space<vmem>>, %arg21: memref<128xi32, #tpu.memory_space<vmem>>, %arg22: memref<128xi32, #tpu.memory_space<vmem>>, %arg23: memref<128xi32, #tpu.memory_space<vmem>>, %arg24: memref<128xi32, #tpu.memory_space<vmem>>, %arg25: memref<128xi32, #tpu.memory_space<vmem>>, %arg26: memref<128xi32, #tpu.memory_space<vmem>>, %arg27: memref<128xi32, #tpu.memory_space<vmem>>, %arg28: memref<128xi32, #tpu.memory_space<vmem>>, %arg29: memref<128xi32, #tpu.memory_space<vmem>>, %arg30: memref<128xi32, #tpu.memory_space<vmem>>, %arg31: memref<128xi32, #tpu.memory_space<vmem>>, %arg32: memref<128xi32, #tpu.memory_space<vmem>>, %arg33: memref<128xi32, #tpu.memory_space<vmem>>, %arg34: memref<128xi32, #tpu.memory_space<vmem>>, %arg35: memref<128xi32, #tpu.memory_space<vmem>>, %arg36: memref<128xi32, #tpu.memory_space<vmem>>, %arg37: memref<128xi32, #tpu.memory_space<vmem>>, %arg38: memref<128xi32, #tpu.memory_space<vmem>>, %arg39: memref<128xi32, #tpu.memory_space<vmem>>, %arg40: memref<128xi32, #tpu.memory_space<vmem>>, %arg41: memref<128xi32, #tpu.memory_space<vmem>>, %arg42: memref<128xi32, #tpu.memory_space<vmem>>, %arg43: memref<128xi32, #tpu.memory_space<vmem>>, %arg44: memref<128xi32, #tpu.memory_space<vmem>>, %arg45: memref<128xi32, #tpu.memory_space<vmem>>, %arg46: memref<128xi32, #tpu.memory_space<vmem>>, %arg47: memref<128xi32, #tpu.memory_space<vmem>>, %arg48: memref<128xi32, #tpu.memory_space<vmem>>, %arg49: memref<128xi32, #tpu.memory_space<vmem>>, %arg50: memref<128xi32, #tpu.memory_space<vmem>>, %arg51: memref<128xi32, #tpu.memory_space<vmem>>, %arg52: memref<128xi32, #tpu.memory_space<vmem>>, %arg53: memref<128xi32, #tpu.memory_space<vmem>>, %arg54: memref<128xi32, #tpu.memory_space<vmem>>, %arg55: memref<128xi32, #tpu.memory_space<vmem>>, %arg56: memref<128xi32, #tpu.memory_space<vmem>>, %arg57: memref<128xi32, #tpu.memory_space<vmem>>, %arg58: memref<128xi32, #tpu.memory_space<vmem>>, %arg59: memref<128xi32, #tpu.memory_space<vmem>>, %arg60: memref<128xi32, #tpu.memory_space<vmem>>, %arg61: memref<128xi32, #tpu.memory_space<vmem>>, %arg62: memref<128xi32, #tpu.memory_space<vmem>>, %arg63: memref<128xi32, #tpu.memory_space<vmem>>, %arg64: memref<128xi32, #tpu.memory_space<vmem>>, %arg65: memref<128xi32, #tpu.memory_space<vmem>>, %arg66: memref<128xi32, #tpu.memory_space<vmem>>, %arg67: memref<128xi32, #tpu.memory_space<vmem>>, %arg68: memref<128xi32, #tpu.memory_space<vmem>>, %arg69: memref<128xi32, #tpu.memory_space<vmem>>, %arg70: memref<128xi32, #tpu.memory_space<vmem>>, %arg71: memref<128xi32, #tpu.memory_space<vmem>>, %arg72: memref<128xi32, #tpu.memory_space<vmem>>, %arg73: memref<128xi32, #tpu.memory_space<vmem>>, %arg74: memref<128xi32, #tpu.memory_space<vmem>>, %arg75: memref<128xi32, #tpu.memory_space<vmem>>, %arg76: memref<128xi32, #tpu.memory_space<vmem>>, %arg77: memref<128xi32, #tpu.memory_space<vmem>>, %arg78: memref<128xi32, #tpu.memory_space<vmem>>, %arg79: memref<128xi32, #tpu.memory_space<vmem>>, %arg80: memref<128xi32, #tpu.memory_space<vmem>>, %arg81: memref<128xi32, #tpu.memory_space<vmem>>, %arg82: memref<128xi32, #tpu.memory_space<vmem>>, %arg83: memref<128xi32, #tpu.memory_space<vmem>>, %arg84: memref<128xi32, #tpu.memory_space<vmem>>, %arg85: memref<16xi32, #tpu.memory_space<vmem>>, %arg86: memref<!tpu.dma_semaphore, #tpu.memory_space<semaphore_mem>>, %arg87: memref<!tpu.dma_semaphore, #tpu.memory_space<semaphore_mem>>) attributes {dimension_semantics = [#tpu.dimension_semantics<core_parallel>, #tpu.dimension_semantics<subcore_parallel>], iteration_bounds = array<i64: 2, 16>, scalar_prefetch = 0 : i64, scratch_operands = 84 : i64, tpu.core_type = #tpu.core_type<sc_vector_subcore>, window_params = [{transform_indices = #map}, {transform_indices = #map1}]} {
    %mul3A = arith.constant 16 : i32
    %mul3A_0 = arith.muli %arg0, %mul3A : i32
    %add3A = arith.addi %mul3A_0, %arg1 : i32
    %mul3A_1 = arith.constant 10000 : i32
    %mul3A_2 = arith.muli %add3A, %mul3A_1 : i32
    %broadcast_in_dim3A = arith.constant 1.000000e+00 : f32
    %broadcast_in_dim3A_3 = vector.broadcast %broadcast_in_dim3A : f32 to vector<16xf32>
    %scan3A = arith.constant 0 : i32
    %scan3A_4 = arith.constant 0 : i32
    %scan3A_5 = arith.constant 8 : i32
    %scan3A_6 = arith.addi %scan3A_4, %scan3A_5 : i32
    %scan3A_7 = arith.constant 1 : i32
    %scan3A_8 = scf.for %scan3A_976 = %scan3A_4 to %scan3A_6 step %scan3A_7 iter_args(%scan3A_977 = %scan3A) -> (i32)  : i32 {
      %mul3A_978 = arith.constant 16 : i32
      %mul3A_979 = arith.muli %scan3A_976, %mul3A_978 : i32
      %swap3A = arith.index_cast %mul3A_979 : i32 to index
      %swap3A_980 = tpu.vector_load %arg4[%swap3A] {strides = array<i32>} : memref<128xf32, #tpu.memory_space<vmem>>, vector<16xf32>,
      %swap3A_981 = vector.shape_cast %swap3A_980 : vector<16xf32> to vector<16xf32>
      %swap3A_982 = vector.shape_cast %broadcast_in_dim3A_3 : vector<16xf32> to vector<16xf32>
      tpu.vector_store %arg4[%swap3A], %swap3A_982 {strides = array<i32>} : memref<128xf32, #tpu.memory_space<vmem>>, vector<16xf32>,
      %scan3A_983 = arith.constant 0 : i32
      scf.yield %scan3A_983 : i32
    }
    %scan3A_9 = arith.constant 8 : i32
    %add3A_10 = arith.constant 0 : i32
    %add3A_11 = arith.addi %mul3A_2, %add3A_10 : i32
    %dma_start3A = tpu.memref_slice %arg2[%add3A_11] : memref<320000xi32, #tpu.memory_space<hbm>> -> memref<128xi32, #tpu.memory_space<hbm>>
    %dma_start3A_12 = tpu.memref_slice %arg2[%add3A_11] : memref<320000xi32, #tpu.memory_space<hbm>> -> memref<128xi32, #tpu.memory_space<hbm>>
    tpu.enqueue_dma source(%dma_start3A_12 : memref<128xi32, #tpu.memory_space<hbm>>) target(%arg7 : memref<128xi32, #tpu.memory_space<vmem>>) target_semaphore(%arg86 : memref<!tpu.dma_semaphore, #tpu.memory_space<semaphore_mem>>)
    %add3A_13 = arith.constant 128 : i32
    %add3A_14 = arith.addi %mul3A_2, %add3A_13 : i32
    %dma_start3A_15 = tpu.memref_slice %arg2[%add3A_14] : memref<320000xi32, #tpu.memory_space<hbm>> -> memref<128xi32, #tpu.memory_space<hbm>>
    %dma_start3A_16 = tpu.memref_slice %arg2[%add3A_14] : memref<320000xi32, #tpu.memory_space<hbm>> -> memref<128xi32, #tpu.memory_space<hbm>>
    tpu.enqueue_dma source(%dma_start3A_16 : memref<128xi32, #tpu.memory_space<hbm>>) target(%arg8 : memref<128xi32, #tpu.memory_space<vmem>>) target_semaphore(%arg86 : memref<!tpu.dma_semaphore, #tpu.memory_space<semaphore_mem>>)
    %add3A_17 = arith.constant 256 : i32
    %add3A_18 = arith.addi %mul3A_2, %add3A_17 : i32
    %dma_start3A_19 = tpu.memref_slice %arg2[%add3A_18] : memref<320000xi32, #tpu.memory_space<hbm>> -> memref<128xi32, #tpu.memory_space<hbm>>
    %dma_start3A_20 = tpu.memref_slice %arg2[%add3A_18] : memref<320000xi32, #tpu.memory_space<hbm>> -> memref<128xi32, #tpu.memory_space<hbm>>
    tpu.enqueue_dma source(%dma_start3A_20 : memref<128xi32, #tpu.memory_space<hbm>>) target(%arg9 : memref<128xi32, #tpu.memory_space<vmem>>) target_semaphore(%arg86 : memref<!tpu.dma_semaphore, #tpu.memory_space<semaphore_mem>>)
    %add3A_21 = arith.constant 384 : i32
    %add3A_22 = arith.addi %mul3A_2, %add3A_21 : i32
    %dma_start3A_23 = tpu.memref_slice %arg2[%add3A_22] : memref<320000xi32, #tpu.memory_space<hbm>> -> memref<128xi32, #tpu.memory_space<hbm>>
    %dma_start3A_24 = tpu.memref_slice %arg2[%add3A_22] : memref<320000xi32, #tpu.memory_space<hbm>> -> memref<128xi32, #tpu.memory_space<hbm>>
    tpu.enqueue_dma source(%dma_start3A_24 : memref<128xi32, #tpu.memory_space<hbm>>) target(%arg10 : memref<128xi32, #tpu.memory_space<vmem>>) target_semaphore(%arg86 : memref<!tpu.dma_semaphore, #tpu.memory_space<semaphore_mem>>)
    %add3A_25 = arith.constant 512 : i32
    %add3A_26 = arith.addi %mul3A_2, %add3A_25 : i32
    %dma_start3A_27 = tpu.memref_slice %arg2[%add3A_26] : memref<320000xi32, #tpu.memory_space<hbm>> -> memref<128xi32, #tpu.memory_space<hbm>>
    %dma_start3A_28 = tpu.memref_slice %arg2[%add3A_26] : memref<320000xi32, #tpu.memory_space<hbm>> -> memref<128xi32, #tpu.memory_space<hbm>>
    tpu.enqueue_dma source(%dma_start3A_28 : memref<128xi32, #tpu.memory_space<hbm>>) target(%arg11 : memref<128xi32, #tpu.memory_space<vmem>>) target_semaphore(%arg86 : memref<!tpu.dma_semaphore, #tpu.memory_space<semaphore_mem>>)
    %add3A_29 = arith.constant 640 : i32
    %add3A_30 = arith.addi %mul3A_2, %add3A_29 : i32
    %dma_start3A_31 = tpu.memref_slice %arg2[%add3A_30] : memref<320000xi32, #tpu.memory_space<hbm>> -> memref<128xi32, #tpu.memory_space<hbm>>
    %dma_start3A_32 = tpu.memref_slice %arg2[%add3A_30] : memref<320000xi32, #tpu.memory_space<hbm>> -> memref<128xi32, #tpu.memory_space<hbm>>
    tpu.enqueue_dma source(%dma_start3A_32 : memref<128xi32, #tpu.memory_space<hbm>>) target(%arg12 : memref<128xi32, #tpu.memory_space<vmem>>) target_semaphore(%arg86 : memref<!tpu.dma_semaphore, #tpu.memory_space<semaphore_mem>>)
    %add3A_33 = arith.constant 768 : i32
    %add3A_34 = arith.addi %mul3A_2, %add3A_33 : i32
    %dma_start3A_35 = tpu.memref_slice %arg2[%add3A_34] : memref<320000xi32, #tpu.memory_space<hbm>> -> memref<128xi32, #tpu.memory_space<hbm>>
    %dma_start3A_36 = tpu.memref_slice %arg2[%add3A_34] : memref<320000xi32, #tpu.memory_space<hbm>> -> memref<128xi32, #tpu.memory_space<hbm>>
    tpu.enqueue_dma source(%dma_start3A_36 : memref<128xi32, #tpu.memory_space<hbm>>) target(%arg13 : memref<128xi32, #tpu.memory_space<vmem>>) target_semaphore(%arg86 : memref<!tpu.dma_semaphore, #tpu.memory_space<semaphore_mem>>)
    %add3A_37 = arith.constant 896 : i32
    %add3A_38 = arith.addi %mul3A_2, %add3A_37 : i32
    %dma_start3A_39 = tpu.memref_slice %arg2[%add3A_38] : memref<320000xi32, #tpu.memory_space<hbm>> -> memref<128xi32, #tpu.memory_space<hbm>>
    %dma_start3A_40 = tpu.memref_slice %arg2[%add3A_38] : memref<320000xi32, #tpu.memory_space<hbm>> -> memref<128xi32, #tpu.memory_space<hbm>>
    tpu.enqueue_dma source(%dma_start3A_40 : memref<128xi32, #tpu.memory_space<hbm>>) target(%arg14 : memref<128xi32, #tpu.memory_space<vmem>>) target_semaphore(%arg86 : memref<!tpu.dma_semaphore, #tpu.memory_space<semaphore_mem>>)
    %add3A_41 = arith.constant 1024 : i32
    %add3A_42 = arith.addi %mul3A_2, %add3A_41 : i32
    %dma_start3A_43 = tpu.memref_slice %arg2[%add3A_42] : memref<320000xi32, #tpu.memory_space<hbm>> -> memref<128xi32, #tpu.memory_space<hbm>>
    %dma_start3A_44 = tpu.memref_slice %arg2[%add3A_42] : memref<320000xi32, #tpu.memory_space<hbm>> -> memref<128xi32, #tpu.memory_space<hbm>>
    tpu.enqueue_dma source(%dma_start3A_44 : memref<128xi32, #tpu.memory_space<hbm>>) target(%arg15 : memref<128xi32, #tpu.memory_space<vmem>>) target_semaphore(%arg86 : memref<!tpu.dma_semaphore, #tpu.memory_space<semaphore_mem>>)
    %add3A_45 = arith.constant 1152 : i32
    %add3A_46 = arith.addi %mul3A_2, %add3A_45 : i32
    %dma_start3A_47 = tpu.memref_slice %arg2[%add3A_46] : memref<320000xi32, #tpu.memory_space<hbm>> -> memref<128xi32, #tpu.memory_space<hbm>>
    %dma_start3A_48 = tpu.memref_slice %arg2[%add3A_46] : memref<320000xi32, #tpu.memory_space<hbm>> -> memref<128xi32, #tpu.memory_space<hbm>>
    tpu.enqueue_dma source(%dma_start3A_48 : memref<128xi32, #tpu.memory_space<hbm>>) target(%arg16 : memref<128xi32, #tpu.memory_space<vmem>>) target_semaphore(%arg86 : memref<!tpu.dma_semaphore, #tpu.memory_space<semaphore_mem>>)
    %add3A_49 = arith.constant 1280 : i32
    %add3A_50 = arith.addi %mul3A_2, %add3A_49 : i32
    %dma_start3A_51 = tpu.memref_slice %arg2[%add3A_50] : memref<320000xi32, #tpu.memory_space<hbm>> -> memref<128xi32, #tpu.memory_space<hbm>>
    %dma_start3A_52 = tpu.memref_slice %arg2[%add3A_50] : memref<320000xi32, #tpu.memory_space<hbm>> -> memref<128xi32, #tpu.memory_space<hbm>>
    tpu.enqueue_dma source(%dma_start3A_52 : memref<128xi32, #tpu.memory_space<hbm>>) target(%arg17 : memref<128xi32, #tpu.memory_space<vmem>>) target_semaphore(%arg86 : memref<!tpu.dma_semaphore, #tpu.memory_space<semaphore_mem>>)
    %add3A_53 = arith.constant 1408 : i32
    %add3A_54 = arith.addi %mul3A_2, %add3A_53 : i32
    %dma_start3A_55 = tpu.memref_slice %arg2[%add3A_54] : memref<320000xi32, #tpu.memory_space<hbm>> -> memref<128xi32, #tpu.memory_space<hbm>>
    %dma_start3A_56 = tpu.memref_slice %arg2[%add3A_54] : memref<320000xi32, #tpu.memory_space<hbm>> -> memref<128xi32, #tpu.memory_space<hbm>>
    tpu.enqueue_dma source(%dma_start3A_56 : memref<128xi32, #tpu.memory_space<hbm>>) target(%arg18 : memref<128xi32, #tpu.memory_space<vmem>>) target_semaphore(%arg86 : memref<!tpu.dma_semaphore, #tpu.memory_space<semaphore_mem>>)
    %add3A_57 = arith.constant 1536 : i32
    %add3A_58 = arith.addi %mul3A_2, %add3A_57 : i32
    %dma_start3A_59 = tpu.memref_slice %arg2[%add3A_58] : memref<320000xi32, #tpu.memory_space<hbm>> -> memref<128xi32, #tpu.memory_space<hbm>>
    %dma_start3A_60 = tpu.memref_slice %arg2[%add3A_58] : memref<320000xi32, #tpu.memory_space<hbm>> -> memref<128xi32, #tpu.memory_space<hbm>>
    tpu.enqueue_dma source(%dma_start3A_60 : memref<128xi32, #tpu.memory_space<hbm>>) target(%arg19 : memref<128xi32, #tpu.memory_space<vmem>>) target_semaphore(%arg86 : memref<!tpu.dma_semaphore, #tpu.memory_space<semaphore_mem>>)
    %add3A_61 = arith.constant 1664 : i32
    %add3A_62 = arith.addi %mul3A_2, %add3A_61 : i32
    %dma_start3A_63 = tpu.memref_slice %arg2[%add3A_62] : memref<320000xi32, #tpu.memory_space<hbm>> -> memref<128xi32, #tpu.memory_space<hbm>>
    %dma_start3A_64 = tpu.memref_slice %arg2[%add3A_62] : memref<320000xi32, #tpu.memory_space<hbm>> -> memref<128xi32, #tpu.memory_space<hbm>>
    tpu.enqueue_dma source(%dma_start3A_64 : memref<128xi32, #tpu.memory_space<hbm>>) target(%arg20 : memref<128xi32, #tpu.memory_space<vmem>>) target_semaphore(%arg86 : memref<!tpu.dma_semaphore, #tpu.memory_space<semaphore_mem>>)
    %add3A_65 = arith.constant 1792 : i32
    %add3A_66 = arith.addi %mul3A_2, %add3A_65 : i32
    %dma_start3A_67 = tpu.memref_slice %arg2[%add3A_66] : memref<320000xi32, #tpu.memory_space<hbm>> -> memref<128xi32, #tpu.memory_space<hbm>>
    %dma_start3A_68 = tpu.memref_slice %arg2[%add3A_66] : memref<320000xi32, #tpu.memory_space<hbm>> -> memref<128xi32, #tpu.memory_space<hbm>>
    tpu.enqueue_dma source(%dma_start3A_68 : memref<128xi32, #tpu.memory_space<hbm>>) target(%arg21 : memref<128xi32, #tpu.memory_space<vmem>>) target_semaphore(%arg86 : memref<!tpu.dma_semaphore, #tpu.memory_space<semaphore_mem>>)
    %add3A_69 = arith.constant 1920 : i32
    %add3A_70 = arith.addi %mul3A_2, %add3A_69 : i32
    %dma_start3A_71 = tpu.memref_slice %arg2[%add3A_70] : memref<320000xi32, #tpu.memory_space<hbm>> -> memref<128xi32, #tpu.memory_space<hbm>>
    %dma_start3A_72 = tpu.memref_slice %arg2[%add3A_70] : memref<320000xi32, #tpu.memory_space<hbm>> -> memref<128xi32, #tpu.memory_space<hbm>>
    tpu.enqueue_dma source(%dma_start3A_72 : memref<128xi32, #tpu.memory_space<hbm>>) target(%arg22 : memref<128xi32, #tpu.memory_space<vmem>>) target_semaphore(%arg86 : memref<!tpu.dma_semaphore, #tpu.memory_space<semaphore_mem>>)
    %add3A_73 = arith.constant 2048 : i32
    %add3A_74 = arith.addi %mul3A_2, %add3A_73 : i32
    %dma_start3A_75 = tpu.memref_slice %arg2[%add3A_74] : memref<320000xi32, #tpu.memory_space<hbm>> -> memref<128xi32, #tpu.memory_space<hbm>>
    %dma_start3A_76 = tpu.memref_slice %arg2[%add3A_74] : memref<320000xi32, #tpu.memory_space<hbm>> -> memref<128xi32, #tpu.memory_space<hbm>>
    tpu.enqueue_dma source(%dma_start3A_76 : memref<128xi32, #tpu.memory_space<hbm>>) target(%arg23 : memref<128xi32, #tpu.memory_space<vmem>>) target_semaphore(%arg86 : memref<!tpu.dma_semaphore, #tpu.memory_space<semaphore_mem>>)
    %add3A_77 = arith.constant 2176 : i32
    %add3A_78 = arith.addi %mul3A_2, %add3A_77 : i32
    %dma_start3A_79 = tpu.memref_slice %arg2[%add3A_78] : memref<320000xi32, #tpu.memory_space<hbm>> -> memref<128xi32, #tpu.memory_space<hbm>>
    %dma_start3A_80 = tpu.memref_slice %arg2[%add3A_78] : memref<320000xi32, #tpu.memory_space<hbm>> -> memref<128xi32, #tpu.memory_space<hbm>>
    tpu.enqueue_dma source(%dma_start3A_80 : memref<128xi32, #tpu.memory_space<hbm>>) target(%arg24 : memref<128xi32, #tpu.memory_space<vmem>>) target_semaphore(%arg86 : memref<!tpu.dma_semaphore, #tpu.memory_space<semaphore_mem>>)
    %add3A_81 = arith.constant 2304 : i32
    %add3A_82 = arith.addi %mul3A_2, %add3A_81 : i32
    %dma_start3A_83 = tpu.memref_slice %arg2[%add3A_82] : memref<320000xi32, #tpu.memory_space<hbm>> -> memref<128xi32, #tpu.memory_space<hbm>>
    %dma_start3A_84 = tpu.memref_slice %arg2[%add3A_82] : memref<320000xi32, #tpu.memory_space<hbm>> -> memref<128xi32, #tpu.memory_space<hbm>>
    tpu.enqueue_dma source(%dma_start3A_84 : memref<128xi32, #tpu.memory_space<hbm>>) target(%arg25 : memref<128xi32, #tpu.memory_space<vmem>>) target_semaphore(%arg86 : memref<!tpu.dma_semaphore, #tpu.memory_space<semaphore_mem>>)
    %add3A_85 = arith.constant 2432 : i32
    %add3A_86 = arith.addi %mul3A_2, %add3A_85 : i32
    %dma_start3A_87 = tpu.memref_slice %arg2[%add3A_86] : memref<320000xi32, #tpu.memory_space<hbm>> -> memref<128xi32, #tpu.memory_space<hbm>>
    %dma_start3A_88 = tpu.memref_slice %arg2[%add3A_86] : memref<320000xi32, #tpu.memory_space<hbm>> -> memref<128xi32, #tpu.memory_space<hbm>>
    tpu.enqueue_dma source(%dma_start3A_88 : memref<128xi32, #tpu.memory_space<hbm>>) target(%arg26 : memref<128xi32, #tpu.memory_space<vmem>>) target_semaphore(%arg86 : memref<!tpu.dma_semaphore, #tpu.memory_space<semaphore_mem>>)
    %add3A_89 = arith.constant 2560 : i32
    %add3A_90 = arith.addi %mul3A_2, %add3A_89 : i32
    %dma_start3A_91 = tpu.memref_slice %arg2[%add3A_90] : memref<320000xi32, #tpu.memory_space<hbm>> -> memref<128xi32, #tpu.memory_space<hbm>>
    %dma_start3A_92 = tpu.memref_slice %arg2[%add3A_90] : memref<320000xi32, #tpu.memory_space<hbm>> -> memref<128xi32, #tpu.memory_space<hbm>>
    tpu.enqueue_dma source(%dma_start3A_92 : memref<128xi32, #tpu.memory_space<hbm>>) target(%arg27 : memref<128xi32, #tpu.memory_space<vmem>>) target_semaphore(%arg86 : memref<!tpu.dma_semaphore, #tpu.memory_space<semaphore_mem>>)
    %add3A_93 = arith.constant 2688 : i32
    %add3A_94 = arith.addi %mul3A_2, %add3A_93 : i32
    %dma_start3A_95 = tpu.memref_slice %arg2[%add3A_94] : memref<320000xi32, #tpu.memory_space<hbm>> -> memref<128xi32, #tpu.memory_space<hbm>>
    %dma_start3A_96 = tpu.memref_slice %arg2[%add3A_94] : memref<320000xi32, #tpu.memory_space<hbm>> -> memref<128xi32, #tpu.memory_space<hbm>>
    tpu.enqueue_dma source(%dma_start3A_96 : memref<128xi32, #tpu.memory_space<hbm>>) target(%arg28 : memref<128xi32, #tpu.memory_space<vmem>>) target_semaphore(%arg86 : memref<!tpu.dma_semaphore, #tpu.memory_space<semaphore_mem>>)
    %add3A_97 = arith.constant 2816 : i32
    %add3A_98 = arith.addi %mul3A_2, %add3A_97 : i32
    %dma_start3A_99 = tpu.memref_slice %arg2[%add3A_98] : memref<320000xi32, #tpu.memory_space<hbm>> -> memref<128xi32, #tpu.memory_space<hbm>>
    %dma_start3A_100 = tpu.memref_slice %arg2[%add3A_98] : memref<320000xi32, #tpu.memory_space<hbm>> -> memref<128xi32, #tpu.memory_space<hbm>>
    tpu.enqueue_dma source(%dma_start3A_100 : memref<128xi32, #tpu.memory_space<hbm>>) target(%arg29 : memref<128xi32, #tpu.memory_space<vmem>>) target_semaphore(%arg86 : memref<!tpu.dma_semaphore, #tpu.memory_space<semaphore_mem>>)
    %add3A_101 = arith.constant 2944 : i32
    %add3A_102 = arith.addi %mul3A_2, %add3A_101 : i32
    %dma_start3A_103 = tpu.memref_slice %arg2[%add3A_102] : memref<320000xi32, #tpu.memory_space<hbm>> -> memref<128xi32, #tpu.memory_space<hbm>>
    %dma_start3A_104 = tpu.memref_slice %arg2[%add3A_102] : memref<320000xi32, #tpu.memory_space<hbm>> -> memref<128xi32, #tpu.memory_space<hbm>>
    tpu.enqueue_dma source(%dma_start3A_104 : memref<128xi32, #tpu.memory_space<hbm>>) target(%arg30 : memref<128xi32, #tpu.memory_space<vmem>>) target_semaphore(%arg86 : memref<!tpu.dma_semaphore, #tpu.memory_space<semaphore_mem>>)
    %add3A_105 = arith.constant 3072 : i32
    %add3A_106 = arith.addi %mul3A_2, %add3A_105 : i32
    %dma_start3A_107 = tpu.memref_slice %arg2[%add3A_106] : memref<320000xi32, #tpu.memory_space<hbm>> -> memref<128xi32, #tpu.memory_space<hbm>>
    %dma_start3A_108 = tpu.memref_slice %arg2[%add3A_106] : memref<320000xi32, #tpu.memory_space<hbm>> -> memref<128xi32, #tpu.memory_space<hbm>>
    tpu.enqueue_dma source(%dma_start3A_108 : memref<128xi32, #tpu.memory_space<hbm>>) target(%arg31 : memref<128xi32, #tpu.memory_space<vmem>>) target_semaphore(%arg86 : memref<!tpu.dma_semaphore, #tpu.memory_space<semaphore_mem>>)
    %add3A_109 = arith.constant 3200 : i32
    %add3A_110 = arith.addi %mul3A_2, %add3A_109 : i32
    %dma_start3A_111 = tpu.memref_slice %arg2[%add3A_110] : memref<320000xi32, #tpu.memory_space<hbm>> -> memref<128xi32, #tpu.memory_space<hbm>>
    %dma_start3A_112 = tpu.memref_slice %arg2[%add3A_110] : memref<320000xi32, #tpu.memory_space<hbm>> -> memref<128xi32, #tpu.memory_space<hbm>>
    tpu.enqueue_dma source(%dma_start3A_112 : memref<128xi32, #tpu.memory_space<hbm>>) target(%arg32 : memref<128xi32, #tpu.memory_space<vmem>>) target_semaphore(%arg86 : memref<!tpu.dma_semaphore, #tpu.memory_space<semaphore_mem>>)
    %add3A_113 = arith.constant 3328 : i32
    %add3A_114 = arith.addi %mul3A_2, %add3A_113 : i32
    %dma_start3A_115 = tpu.memref_slice %arg2[%add3A_114] : memref<320000xi32, #tpu.memory_space<hbm>> -> memref<128xi32, #tpu.memory_space<hbm>>
    %dma_start3A_116 = tpu.memref_slice %arg2[%add3A_114] : memref<320000xi32, #tpu.memory_space<hbm>> -> memref<128xi32, #tpu.memory_space<hbm>>
    tpu.enqueue_dma source(%dma_start3A_116 : memref<128xi32, #tpu.memory_space<hbm>>) target(%arg33 : memref<128xi32, #tpu.memory_space<vmem>>) target_semaphore(%arg86 : memref<!tpu.dma_semaphore, #tpu.memory_space<semaphore_mem>>)
    %add3A_117 = arith.constant 3456 : i32
    %add3A_118 = arith.addi %mul3A_2, %add3A_117 : i32
    %dma_start3A_119 = tpu.memref_slice %arg2[%add3A_118] : memref<320000xi32, #tpu.memory_space<hbm>> -> memref<128xi32, #tpu.memory_space<hbm>>
    %dma_start3A_120 = tpu.memref_slice %arg2[%add3A_118] : memref<320000xi32, #tpu.memory_space<hbm>> -> memref<128xi32, #tpu.memory_space<hbm>>
    tpu.enqueue_dma source(%dma_start3A_120 : memref<128xi32, #tpu.memory_space<hbm>>) target(%arg34 : memref<128xi32, #tpu.memory_space<vmem>>) target_semaphore(%arg86 : memref<!tpu.dma_semaphore, #tpu.memory_space<semaphore_mem>>)
    %add3A_121 = arith.constant 3584 : i32
    %add3A_122 = arith.addi %mul3A_2, %add3A_121 : i32
    %dma_start3A_123 = tpu.memref_slice %arg2[%add3A_122] : memref<320000xi32, #tpu.memory_space<hbm>> -> memref<128xi32, #tpu.memory_space<hbm>>
    %dma_start3A_124 = tpu.memref_slice %arg2[%add3A_122] : memref<320000xi32, #tpu.memory_space<hbm>> -> memref<128xi32, #tpu.memory_space<hbm>>
    tpu.enqueue_dma source(%dma_start3A_124 : memref<128xi32, #tpu.memory_space<hbm>>) target(%arg35 : memref<128xi32, #tpu.memory_space<vmem>>) target_semaphore(%arg86 : memref<!tpu.dma_semaphore, #tpu.memory_space<semaphore_mem>>)
    %add3A_125 = arith.constant 3712 : i32
    %add3A_126 = arith.addi %mul3A_2, %add3A_125 : i32
    %dma_start3A_127 = tpu.memref_slice %arg2[%add3A_126] : memref<320000xi32, #tpu.memory_space<hbm>> -> memref<128xi32, #tpu.memory_space<hbm>>
    %dma_start3A_128 = tpu.memref_slice %arg2[%add3A_126] : memref<320000xi32, #tpu.memory_space<hbm>> -> memref<128xi32, #tpu.memory_space<hbm>>
    tpu.enqueue_dma source(%dma_start3A_128 : memref<128xi32, #tpu.memory_space<hbm>>) target(%arg36 : memref<128xi32, #tpu.memory_space<vmem>>) target_semaphore(%arg86 : memref<!tpu.dma_semaphore, #tpu.memory_space<semaphore_mem>>)
    %add3A_129 = arith.constant 3840 : i32
    %add3A_130 = arith.addi %mul3A_2, %add3A_129 : i32
    %dma_start3A_131 = tpu.memref_slice %arg2[%add3A_130] : memref<320000xi32, #tpu.memory_space<hbm>> -> memref<128xi32, #tpu.memory_space<hbm>>
    %dma_start3A_132 = tpu.memref_slice %arg2[%add3A_130] : memref<320000xi32, #tpu.memory_space<hbm>> -> memref<128xi32, #tpu.memory_space<hbm>>
    tpu.enqueue_dma source(%dma_start3A_132 : memref<128xi32, #tpu.memory_space<hbm>>) target(%arg37 : memref<128xi32, #tpu.memory_space<vmem>>) target_semaphore(%arg86 : memref<!tpu.dma_semaphore, #tpu.memory_space<semaphore_mem>>)
    %add3A_133 = arith.constant 3968 : i32
    %add3A_134 = arith.addi %mul3A_2, %add3A_133 : i32
    %dma_start3A_135 = tpu.memref_slice %arg2[%add3A_134] : memref<320000xi32, #tpu.memory_space<hbm>> -> memref<128xi32, #tpu.memory_space<hbm>>
    %dma_start3A_136 = tpu.memref_slice %arg2[%add3A_134] : memref<320000xi32, #tpu.memory_space<hbm>> -> memref<128xi32, #tpu.memory_space<hbm>>
    tpu.enqueue_dma source(%dma_start3A_136 : memref<128xi32, #tpu.memory_space<hbm>>) target(%arg38 : memref<128xi32, #tpu.memory_space<vmem>>) target_semaphore(%arg86 : memref<!tpu.dma_semaphore, #tpu.memory_space<semaphore_mem>>)
    %add3A_137 = arith.constant 4096 : i32
    %add3A_138 = arith.addi %mul3A_2, %add3A_137 : i32
    %dma_start3A_139 = tpu.memref_slice %arg2[%add3A_138] : memref<320000xi32, #tpu.memory_space<hbm>> -> memref<128xi32, #tpu.memory_space<hbm>>
    %dma_start3A_140 = tpu.memref_slice %arg2[%add3A_138] : memref<320000xi32, #tpu.memory_space<hbm>> -> memref<128xi32, #tpu.memory_space<hbm>>
    tpu.enqueue_dma source(%dma_start3A_140 : memref<128xi32, #tpu.memory_space<hbm>>) target(%arg39 : memref<128xi32, #tpu.memory_space<vmem>>) target_semaphore(%arg86 : memref<!tpu.dma_semaphore, #tpu.memory_space<semaphore_mem>>)
    %add3A_141 = arith.constant 4224 : i32
    %add3A_142 = arith.addi %mul3A_2, %add3A_141 : i32
    %dma_start3A_143 = tpu.memref_slice %arg2[%add3A_142] : memref<320000xi32, #tpu.memory_space<hbm>> -> memref<128xi32, #tpu.memory_space<hbm>>
    %dma_start3A_144 = tpu.memref_slice %arg2[%add3A_142] : memref<320000xi32, #tpu.memory_space<hbm>> -> memref<128xi32, #tpu.memory_space<hbm>>
    tpu.enqueue_dma source(%dma_start3A_144 : memref<128xi32, #tpu.memory_space<hbm>>) target(%arg40 : memref<128xi32, #tpu.memory_space<vmem>>) target_semaphore(%arg86 : memref<!tpu.dma_semaphore, #tpu.memory_space<semaphore_mem>>)
    %add3A_145 = arith.constant 4352 : i32
    %add3A_146 = arith.addi %mul3A_2, %add3A_145 : i32
    %dma_start3A_147 = tpu.memref_slice %arg2[%add3A_146] : memref<320000xi32, #tpu.memory_space<hbm>> -> memref<128xi32, #tpu.memory_space<hbm>>
    %dma_start3A_148 = tpu.memref_slice %arg2[%add3A_146] : memref<320000xi32, #tpu.memory_space<hbm>> -> memref<128xi32, #tpu.memory_space<hbm>>
    tpu.enqueue_dma source(%dma_start3A_148 : memref<128xi32, #tpu.memory_space<hbm>>) target(%arg41 : memref<128xi32, #tpu.memory_space<vmem>>) target_semaphore(%arg86 : memref<!tpu.dma_semaphore, #tpu.memory_space<semaphore_mem>>)
    %add3A_149 = arith.constant 4480 : i32
    %add3A_150 = arith.addi %mul3A_2, %add3A_149 : i32
    %dma_start3A_151 = tpu.memref_slice %arg2[%add3A_150] : memref<320000xi32, #tpu.memory_space<hbm>> -> memref<128xi32, #tpu.memory_space<hbm>>
    %dma_start3A_152 = tpu.memref_slice %arg2[%add3A_150] : memref<320000xi32, #tpu.memory_space<hbm>> -> memref<128xi32, #tpu.memory_space<hbm>>
    tpu.enqueue_dma source(%dma_start3A_152 : memref<128xi32, #tpu.memory_space<hbm>>) target(%arg42 : memref<128xi32, #tpu.memory_space<vmem>>) target_semaphore(%arg86 : memref<!tpu.dma_semaphore, #tpu.memory_space<semaphore_mem>>)
    %add3A_153 = arith.constant 4608 : i32
    %add3A_154 = arith.addi %mul3A_2, %add3A_153 : i32
    %dma_start3A_155 = tpu.memref_slice %arg2[%add3A_154] : memref<320000xi32, #tpu.memory_space<hbm>> -> memref<128xi32, #tpu.memory_space<hbm>>
    %dma_start3A_156 = tpu.memref_slice %arg2[%add3A_154] : memref<320000xi32, #tpu.memory_space<hbm>> -> memref<128xi32, #tpu.memory_space<hbm>>
    tpu.enqueue_dma source(%dma_start3A_156 : memref<128xi32, #tpu.memory_space<hbm>>) target(%arg43 : memref<128xi32, #tpu.memory_space<vmem>>) target_semaphore(%arg86 : memref<!tpu.dma_semaphore, #tpu.memory_space<semaphore_mem>>)
    %add3A_157 = arith.constant 4736 : i32
    %add3A_158 = arith.addi %mul3A_2, %add3A_157 : i32
    %dma_start3A_159 = tpu.memref_slice %arg2[%add3A_158] : memref<320000xi32, #tpu.memory_space<hbm>> -> memref<128xi32, #tpu.memory_space<hbm>>
    %dma_start3A_160 = tpu.memref_slice %arg2[%add3A_158] : memref<320000xi32, #tpu.memory_space<hbm>> -> memref<128xi32, #tpu.memory_space<hbm>>
    tpu.enqueue_dma source(%dma_start3A_160 : memref<128xi32, #tpu.memory_space<hbm>>) target(%arg44 : memref<128xi32, #tpu.memory_space<vmem>>) target_semaphore(%arg86 : memref<!tpu.dma_semaphore, #tpu.memory_space<semaphore_mem>>)
    %add3A_161 = arith.constant 4864 : i32
    %add3A_162 = arith.addi %mul3A_2, %add3A_161 : i32
    %dma_start3A_163 = tpu.memref_slice %arg2[%add3A_162] : memref<320000xi32, #tpu.memory_space<hbm>> -> memref<128xi32, #tpu.memory_space<hbm>>
    %dma_start3A_164 = tpu.memref_slice %arg2[%add3A_162] : memref<320000xi32, #tpu.memory_space<hbm>> -> memref<128xi32, #tpu.memory_space<hbm>>
    tpu.enqueue_dma source(%dma_start3A_164 : memref<128xi32, #tpu.memory_space<hbm>>) target(%arg45 : memref<128xi32, #tpu.memory_space<vmem>>) target_semaphore(%arg86 : memref<!tpu.dma_semaphore, #tpu.memory_space<semaphore_mem>>)
    %add3A_165 = arith.constant 4992 : i32
    %add3A_166 = arith.addi %mul3A_2, %add3A_165 : i32
    %dma_start3A_167 = tpu.memref_slice %arg2[%add3A_166] : memref<320000xi32, #tpu.memory_space<hbm>> -> memref<128xi32, #tpu.memory_space<hbm>>
    %dma_start3A_168 = tpu.memref_slice %arg2[%add3A_166] : memref<320000xi32, #tpu.memory_space<hbm>> -> memref<128xi32, #tpu.memory_space<hbm>>
    tpu.enqueue_dma source(%dma_start3A_168 : memref<128xi32, #tpu.memory_space<hbm>>) target(%arg46 : memref<128xi32, #tpu.memory_space<vmem>>) target_semaphore(%arg86 : memref<!tpu.dma_semaphore, #tpu.memory_space<semaphore_mem>>)
    %add3A_169 = arith.constant 5120 : i32
    %add3A_170 = arith.addi %mul3A_2, %add3A_169 : i32
    %dma_start3A_171 = tpu.memref_slice %arg2[%add3A_170] : memref<320000xi32, #tpu.memory_space<hbm>> -> memref<128xi32, #tpu.memory_space<hbm>>
    %dma_start3A_172 = tpu.memref_slice %arg2[%add3A_170] : memref<320000xi32, #tpu.memory_space<hbm>> -> memref<128xi32, #tpu.memory_space<hbm>>
    tpu.enqueue_dma source(%dma_start3A_172 : memref<128xi32, #tpu.memory_space<hbm>>) target(%arg47 : memref<128xi32, #tpu.memory_space<vmem>>) target_semaphore(%arg86 : memref<!tpu.dma_semaphore, #tpu.memory_space<semaphore_mem>>)
    %add3A_173 = arith.constant 5248 : i32
    %add3A_174 = arith.addi %mul3A_2, %add3A_173 : i32
    %dma_start3A_175 = tpu.memref_slice %arg2[%add3A_174] : memref<320000xi32, #tpu.memory_space<hbm>> -> memref<128xi32, #tpu.memory_space<hbm>>
    %dma_start3A_176 = tpu.memref_slice %arg2[%add3A_174] : memref<320000xi32, #tpu.memory_space<hbm>> -> memref<128xi32, #tpu.memory_space<hbm>>
    tpu.enqueue_dma source(%dma_start3A_176 : memref<128xi32, #tpu.memory_space<hbm>>) target(%arg48 : memref<128xi32, #tpu.memory_space<vmem>>) target_semaphore(%arg86 : memref<!tpu.dma_semaphore, #tpu.memory_space<semaphore_mem>>)
    %add3A_177 = arith.constant 5376 : i32
    %add3A_178 = arith.addi %mul3A_2, %add3A_177 : i32
    %dma_start3A_179 = tpu.memref_slice %arg2[%add3A_178] : memref<320000xi32, #tpu.memory_space<hbm>> -> memref<128xi32, #tpu.memory_space<hbm>>
    %dma_start3A_180 = tpu.memref_slice %arg2[%add3A_178] : memref<320000xi32, #tpu.memory_space<hbm>> -> memref<128xi32, #tpu.memory_space<hbm>>
    tpu.enqueue_dma source(%dma_start3A_180 : memref<128xi32, #tpu.memory_space<hbm>>) target(%arg49 : memref<128xi32, #tpu.memory_space<vmem>>) target_semaphore(%arg86 : memref<!tpu.dma_semaphore, #tpu.memory_space<semaphore_mem>>)
    %add3A_181 = arith.constant 5504 : i32
    %add3A_182 = arith.addi %mul3A_2, %add3A_181 : i32
    %dma_start3A_183 = tpu.memref_slice %arg2[%add3A_182] : memref<320000xi32, #tpu.memory_space<hbm>> -> memref<128xi32, #tpu.memory_space<hbm>>
    %dma_start3A_184 = tpu.memref_slice %arg2[%add3A_182] : memref<320000xi32, #tpu.memory_space<hbm>> -> memref<128xi32, #tpu.memory_space<hbm>>
    tpu.enqueue_dma source(%dma_start3A_184 : memref<128xi32, #tpu.memory_space<hbm>>) target(%arg50 : memref<128xi32, #tpu.memory_space<vmem>>) target_semaphore(%arg86 : memref<!tpu.dma_semaphore, #tpu.memory_space<semaphore_mem>>)
    %add3A_185 = arith.constant 5632 : i32
    %add3A_186 = arith.addi %mul3A_2, %add3A_185 : i32
    %dma_start3A_187 = tpu.memref_slice %arg2[%add3A_186] : memref<320000xi32, #tpu.memory_space<hbm>> -> memref<128xi32, #tpu.memory_space<hbm>>
    %dma_start3A_188 = tpu.memref_slice %arg2[%add3A_186] : memref<320000xi32, #tpu.memory_space<hbm>> -> memref<128xi32, #tpu.memory_space<hbm>>
    tpu.enqueue_dma source(%dma_start3A_188 : memref<128xi32, #tpu.memory_space<hbm>>) target(%arg51 : memref<128xi32, #tpu.memory_space<vmem>>) target_semaphore(%arg86 : memref<!tpu.dma_semaphore, #tpu.memory_space<semaphore_mem>>)
    %add3A_189 = arith.constant 5760 : i32
    %add3A_190 = arith.addi %mul3A_2, %add3A_189 : i32
    %dma_start3A_191 = tpu.memref_slice %arg2[%add3A_190] : memref<320000xi32, #tpu.memory_space<hbm>> -> memref<128xi32, #tpu.memory_space<hbm>>
    %dma_start3A_192 = tpu.memref_slice %arg2[%add3A_190] : memref<320000xi32, #tpu.memory_space<hbm>> -> memref<128xi32, #tpu.memory_space<hbm>>
    tpu.enqueue_dma source(%dma_start3A_192 : memref<128xi32, #tpu.memory_space<hbm>>) target(%arg52 : memref<128xi32, #tpu.memory_space<vmem>>) target_semaphore(%arg86 : memref<!tpu.dma_semaphore, #tpu.memory_space<semaphore_mem>>)
    %add3A_193 = arith.constant 5888 : i32
    %add3A_194 = arith.addi %mul3A_2, %add3A_193 : i32
    %dma_start3A_195 = tpu.memref_slice %arg2[%add3A_194] : memref<320000xi32, #tpu.memory_space<hbm>> -> memref<128xi32, #tpu.memory_space<hbm>>
    %dma_start3A_196 = tpu.memref_slice %arg2[%add3A_194] : memref<320000xi32, #tpu.memory_space<hbm>> -> memref<128xi32, #tpu.memory_space<hbm>>
    tpu.enqueue_dma source(%dma_start3A_196 : memref<128xi32, #tpu.memory_space<hbm>>) target(%arg53 : memref<128xi32, #tpu.memory_space<vmem>>) target_semaphore(%arg86 : memref<!tpu.dma_semaphore, #tpu.memory_space<semaphore_mem>>)
    %add3A_197 = arith.constant 6016 : i32
    %add3A_198 = arith.addi %mul3A_2, %add3A_197 : i32
    %dma_start3A_199 = tpu.memref_slice %arg2[%add3A_198] : memref<320000xi32, #tpu.memory_space<hbm>> -> memref<128xi32, #tpu.memory_space<hbm>>
    %dma_start3A_200 = tpu.memref_slice %arg2[%add3A_198] : memref<320000xi32, #tpu.memory_space<hbm>> -> memref<128xi32, #tpu.memory_space<hbm>>
    tpu.enqueue_dma source(%dma_start3A_200 : memref<128xi32, #tpu.memory_space<hbm>>) target(%arg54 : memref<128xi32, #tpu.memory_space<vmem>>) target_semaphore(%arg86 : memref<!tpu.dma_semaphore, #tpu.memory_space<semaphore_mem>>)
    %add3A_201 = arith.constant 6144 : i32
    %add3A_202 = arith.addi %mul3A_2, %add3A_201 : i32
    %dma_start3A_203 = tpu.memref_slice %arg2[%add3A_202] : memref<320000xi32, #tpu.memory_space<hbm>> -> memref<128xi32, #tpu.memory_space<hbm>>
    %dma_start3A_204 = tpu.memref_slice %arg2[%add3A_202] : memref<320000xi32, #tpu.memory_space<hbm>> -> memref<128xi32, #tpu.memory_space<hbm>>
    tpu.enqueue_dma source(%dma_start3A_204 : memref<128xi32, #tpu.memory_space<hbm>>) target(%arg55 : memref<128xi32, #tpu.memory_space<vmem>>) target_semaphore(%arg86 : memref<!tpu.dma_semaphore, #tpu.memory_space<semaphore_mem>>)
    %add3A_205 = arith.constant 6272 : i32
    %add3A_206 = arith.addi %mul3A_2, %add3A_205 : i32
    %dma_start3A_207 = tpu.memref_slice %arg2[%add3A_206] : memref<320000xi32, #tpu.memory_space<hbm>> -> memref<128xi32, #tpu.memory_space<hbm>>
    %dma_start3A_208 = tpu.memref_slice %arg2[%add3A_206] : memref<320000xi32, #tpu.memory_space<hbm>> -> memref<128xi32, #tpu.memory_space<hbm>>
    tpu.enqueue_dma source(%dma_start3A_208 : memref<128xi32, #tpu.memory_space<hbm>>) target(%arg56 : memref<128xi32, #tpu.memory_space<vmem>>) target_semaphore(%arg86 : memref<!tpu.dma_semaphore, #tpu.memory_space<semaphore_mem>>)
    %add3A_209 = arith.constant 6400 : i32
    %add3A_210 = arith.addi %mul3A_2, %add3A_209 : i32
    %dma_start3A_211 = tpu.memref_slice %arg2[%add3A_210] : memref<320000xi32, #tpu.memory_space<hbm>> -> memref<128xi32, #tpu.memory_space<hbm>>
    %dma_start3A_212 = tpu.memref_slice %arg2[%add3A_210] : memref<320000xi32, #tpu.memory_space<hbm>> -> memref<128xi32, #tpu.memory_space<hbm>>
    tpu.enqueue_dma source(%dma_start3A_212 : memref<128xi32, #tpu.memory_space<hbm>>) target(%arg57 : memref<128xi32, #tpu.memory_space<vmem>>) target_semaphore(%arg86 : memref<!tpu.dma_semaphore, #tpu.memory_space<semaphore_mem>>)
    %add3A_213 = arith.constant 6528 : i32
    %add3A_214 = arith.addi %mul3A_2, %add3A_213 : i32
    %dma_start3A_215 = tpu.memref_slice %arg2[%add3A_214] : memref<320000xi32, #tpu.memory_space<hbm>> -> memref<128xi32, #tpu.memory_space<hbm>>
    %dma_start3A_216 = tpu.memref_slice %arg2[%add3A_214] : memref<320000xi32, #tpu.memory_space<hbm>> -> memref<128xi32, #tpu.memory_space<hbm>>
    tpu.enqueue_dma source(%dma_start3A_216 : memref<128xi32, #tpu.memory_space<hbm>>) target(%arg58 : memref<128xi32, #tpu.memory_space<vmem>>) target_semaphore(%arg86 : memref<!tpu.dma_semaphore, #tpu.memory_space<semaphore_mem>>)
    %add3A_217 = arith.constant 6656 : i32
    %add3A_218 = arith.addi %mul3A_2, %add3A_217 : i32
    %dma_start3A_219 = tpu.memref_slice %arg2[%add3A_218] : memref<320000xi32, #tpu.memory_space<hbm>> -> memref<128xi32, #tpu.memory_space<hbm>>
    %dma_start3A_220 = tpu.memref_slice %arg2[%add3A_218] : memref<320000xi32, #tpu.memory_space<hbm>> -> memref<128xi32, #tpu.memory_space<hbm>>
    tpu.enqueue_dma source(%dma_start3A_220 : memref<128xi32, #tpu.memory_space<hbm>>) target(%arg59 : memref<128xi32, #tpu.memory_space<vmem>>) target_semaphore(%arg86 : memref<!tpu.dma_semaphore, #tpu.memory_space<semaphore_mem>>)
    %add3A_221 = arith.constant 6784 : i32
    %add3A_222 = arith.addi %mul3A_2, %add3A_221 : i32
    %dma_start3A_223 = tpu.memref_slice %arg2[%add3A_222] : memref<320000xi32, #tpu.memory_space<hbm>> -> memref<128xi32, #tpu.memory_space<hbm>>
    %dma_start3A_224 = tpu.memref_slice %arg2[%add3A_222] : memref<320000xi32, #tpu.memory_space<hbm>> -> memref<128xi32, #tpu.memory_space<hbm>>
    tpu.enqueue_dma source(%dma_start3A_224 : memref<128xi32, #tpu.memory_space<hbm>>) target(%arg60 : memref<128xi32, #tpu.memory_space<vmem>>) target_semaphore(%arg86 : memref<!tpu.dma_semaphore, #tpu.memory_space<semaphore_mem>>)
    %add3A_225 = arith.constant 6912 : i32
    %add3A_226 = arith.addi %mul3A_2, %add3A_225 : i32
    %dma_start3A_227 = tpu.memref_slice %arg2[%add3A_226] : memref<320000xi32, #tpu.memory_space<hbm>> -> memref<128xi32, #tpu.memory_space<hbm>>
    %dma_start3A_228 = tpu.memref_slice %arg2[%add3A_226] : memref<320000xi32, #tpu.memory_space<hbm>> -> memref<128xi32, #tpu.memory_space<hbm>>
    tpu.enqueue_dma source(%dma_start3A_228 : memref<128xi32, #tpu.memory_space<hbm>>) target(%arg61 : memref<128xi32, #tpu.memory_space<vmem>>) target_semaphore(%arg86 : memref<!tpu.dma_semaphore, #tpu.memory_space<semaphore_mem>>)
    %add3A_229 = arith.constant 7040 : i32
    %add3A_230 = arith.addi %mul3A_2, %add3A_229 : i32
    %dma_start3A_231 = tpu.memref_slice %arg2[%add3A_230] : memref<320000xi32, #tpu.memory_space<hbm>> -> memref<128xi32, #tpu.memory_space<hbm>>
    %dma_start3A_232 = tpu.memref_slice %arg2[%add3A_230] : memref<320000xi32, #tpu.memory_space<hbm>> -> memref<128xi32, #tpu.memory_space<hbm>>
    tpu.enqueue_dma source(%dma_start3A_232 : memref<128xi32, #tpu.memory_space<hbm>>) target(%arg62 : memref<128xi32, #tpu.memory_space<vmem>>) target_semaphore(%arg86 : memref<!tpu.dma_semaphore, #tpu.memory_space<semaphore_mem>>)
    %add3A_233 = arith.constant 7168 : i32
    %add3A_234 = arith.addi %mul3A_2, %add3A_233 : i32
    %dma_start3A_235 = tpu.memref_slice %arg2[%add3A_234] : memref<320000xi32, #tpu.memory_space<hbm>> -> memref<128xi32, #tpu.memory_space<hbm>>
    %dma_start3A_236 = tpu.memref_slice %arg2[%add3A_234] : memref<320000xi32, #tpu.memory_space<hbm>> -> memref<128xi32, #tpu.memory_space<hbm>>
    tpu.enqueue_dma source(%dma_start3A_236 : memref<128xi32, #tpu.memory_space<hbm>>) target(%arg63 : memref<128xi32, #tpu.memory_space<vmem>>) target_semaphore(%arg86 : memref<!tpu.dma_semaphore, #tpu.memory_space<semaphore_mem>>)
    %add3A_237 = arith.constant 7296 : i32
    %add3A_238 = arith.addi %mul3A_2, %add3A_237 : i32
    %dma_start3A_239 = tpu.memref_slice %arg2[%add3A_238] : memref<320000xi32, #tpu.memory_space<hbm>> -> memref<128xi32, #tpu.memory_space<hbm>>
    %dma_start3A_240 = tpu.memref_slice %arg2[%add3A_238] : memref<320000xi32, #tpu.memory_space<hbm>> -> memref<128xi32, #tpu.memory_space<hbm>>
    tpu.enqueue_dma source(%dma_start3A_240 : memref<128xi32, #tpu.memory_space<hbm>>) target(%arg64 : memref<128xi32, #tpu.memory_space<vmem>>) target_semaphore(%arg86 : memref<!tpu.dma_semaphore, #tpu.memory_space<semaphore_mem>>)
    %add3A_241 = arith.constant 7424 : i32
    %add3A_242 = arith.addi %mul3A_2, %add3A_241 : i32
    %dma_start3A_243 = tpu.memref_slice %arg2[%add3A_242] : memref<320000xi32, #tpu.memory_space<hbm>> -> memref<128xi32, #tpu.memory_space<hbm>>
    %dma_start3A_244 = tpu.memref_slice %arg2[%add3A_242] : memref<320000xi32, #tpu.memory_space<hbm>> -> memref<128xi32, #tpu.memory_space<hbm>>
    tpu.enqueue_dma source(%dma_start3A_244 : memref<128xi32, #tpu.memory_space<hbm>>) target(%arg65 : memref<128xi32, #tpu.memory_space<vmem>>) target_semaphore(%arg86 : memref<!tpu.dma_semaphore, #tpu.memory_space<semaphore_mem>>)
    %add3A_245 = arith.constant 7552 : i32
    %add3A_246 = arith.addi %mul3A_2, %add3A_245 : i32
    %dma_start3A_247 = tpu.memref_slice %arg2[%add3A_246] : memref<320000xi32, #tpu.memory_space<hbm>> -> memref<128xi32, #tpu.memory_space<hbm>>
    %dma_start3A_248 = tpu.memref_slice %arg2[%add3A_246] : memref<320000xi32, #tpu.memory_space<hbm>> -> memref<128xi32, #tpu.memory_space<hbm>>
    tpu.enqueue_dma source(%dma_start3A_248 : memref<128xi32, #tpu.memory_space<hbm>>) target(%arg66 : memref<128xi32, #tpu.memory_space<vmem>>) target_semaphore(%arg86 : memref<!tpu.dma_semaphore, #tpu.memory_space<semaphore_mem>>)
    %add3A_249 = arith.constant 7680 : i32
    %add3A_250 = arith.addi %mul3A_2, %add3A_249 : i32
    %dma_start3A_251 = tpu.memref_slice %arg2[%add3A_250] : memref<320000xi32, #tpu.memory_space<hbm>> -> memref<128xi32, #tpu.memory_space<hbm>>
    %dma_start3A_252 = tpu.memref_slice %arg2[%add3A_250] : memref<320000xi32, #tpu.memory_space<hbm>> -> memref<128xi32, #tpu.memory_space<hbm>>
    tpu.enqueue_dma source(%dma_start3A_252 : memref<128xi32, #tpu.memory_space<hbm>>) target(%arg67 : memref<128xi32, #tpu.memory_space<vmem>>) target_semaphore(%arg86 : memref<!tpu.dma_semaphore, #tpu.memory_space<semaphore_mem>>)
    %add3A_253 = arith.constant 7808 : i32
    %add3A_254 = arith.addi %mul3A_2, %add3A_253 : i32
    %dma_start3A_255 = tpu.memref_slice %arg2[%add3A_254] : memref<320000xi32, #tpu.memory_space<hbm>> -> memref<128xi32, #tpu.memory_space<hbm>>
    %dma_start3A_256 = tpu.memref_slice %arg2[%add3A_254] : memref<320000xi32, #tpu.memory_space<hbm>> -> memref<128xi32, #tpu.memory_space<hbm>>
    tpu.enqueue_dma source(%dma_start3A_256 : memref<128xi32, #tpu.memory_space<hbm>>) target(%arg68 : memref<128xi32, #tpu.memory_space<vmem>>) target_semaphore(%arg86 : memref<!tpu.dma_semaphore, #tpu.memory_space<semaphore_mem>>)
    %add3A_257 = arith.constant 7936 : i32
    %add3A_258 = arith.addi %mul3A_2, %add3A_257 : i32
    %dma_start3A_259 = tpu.memref_slice %arg2[%add3A_258] : memref<320000xi32, #tpu.memory_space<hbm>> -> memref<128xi32, #tpu.memory_space<hbm>>
    %dma_start3A_260 = tpu.memref_slice %arg2[%add3A_258] : memref<320000xi32, #tpu.memory_space<hbm>> -> memref<128xi32, #tpu.memory_space<hbm>>
    tpu.enqueue_dma source(%dma_start3A_260 : memref<128xi32, #tpu.memory_space<hbm>>) target(%arg69 : memref<128xi32, #tpu.memory_space<vmem>>) target_semaphore(%arg86 : memref<!tpu.dma_semaphore, #tpu.memory_space<semaphore_mem>>)
    %add3A_261 = arith.constant 8064 : i32
    %add3A_262 = arith.addi %mul3A_2, %add3A_261 : i32
    %dma_start3A_263 = tpu.memref_slice %arg2[%add3A_262] : memref<320000xi32, #tpu.memory_space<hbm>> -> memref<128xi32, #tpu.memory_space<hbm>>
    %dma_start3A_264 = tpu.memref_slice %arg2[%add3A_262] : memref<320000xi32, #tpu.memory_space<hbm>> -> memref<128xi32, #tpu.memory_space<hbm>>
    tpu.enqueue_dma source(%dma_start3A_264 : memref<128xi32, #tpu.memory_space<hbm>>) target(%arg70 : memref<128xi32, #tpu.memory_space<vmem>>) target_semaphore(%arg86 : memref<!tpu.dma_semaphore, #tpu.memory_space<semaphore_mem>>)
    %add3A_265 = arith.constant 8192 : i32
    %add3A_266 = arith.addi %mul3A_2, %add3A_265 : i32
    %dma_start3A_267 = tpu.memref_slice %arg2[%add3A_266] : memref<320000xi32, #tpu.memory_space<hbm>> -> memref<128xi32, #tpu.memory_space<hbm>>
    %dma_start3A_268 = tpu.memref_slice %arg2[%add3A_266] : memref<320000xi32, #tpu.memory_space<hbm>> -> memref<128xi32, #tpu.memory_space<hbm>>
    tpu.enqueue_dma source(%dma_start3A_268 : memref<128xi32, #tpu.memory_space<hbm>>) target(%arg71 : memref<128xi32, #tpu.memory_space<vmem>>) target_semaphore(%arg86 : memref<!tpu.dma_semaphore, #tpu.memory_space<semaphore_mem>>)
    %add3A_269 = arith.constant 8320 : i32
    %add3A_270 = arith.addi %mul3A_2, %add3A_269 : i32
    %dma_start3A_271 = tpu.memref_slice %arg2[%add3A_270] : memref<320000xi32, #tpu.memory_space<hbm>> -> memref<128xi32, #tpu.memory_space<hbm>>
    %dma_start3A_272 = tpu.memref_slice %arg2[%add3A_270] : memref<320000xi32, #tpu.memory_space<hbm>> -> memref<128xi32, #tpu.memory_space<hbm>>
    tpu.enqueue_dma source(%dma_start3A_272 : memref<128xi32, #tpu.memory_space<hbm>>) target(%arg72 : memref<128xi32, #tpu.memory_space<vmem>>) target_semaphore(%arg86 : memref<!tpu.dma_semaphore, #tpu.memory_space<semaphore_mem>>)
    %add3A_273 = arith.constant 8448 : i32
    %add3A_274 = arith.addi %mul3A_2, %add3A_273 : i32
    %dma_start3A_275 = tpu.memref_slice %arg2[%add3A_274] : memref<320000xi32, #tpu.memory_space<hbm>> -> memref<128xi32, #tpu.memory_space<hbm>>
    %dma_start3A_276 = tpu.memref_slice %arg2[%add3A_274] : memref<320000xi32, #tpu.memory_space<hbm>> -> memref<128xi32, #tpu.memory_space<hbm>>
    tpu.enqueue_dma source(%dma_start3A_276 : memref<128xi32, #tpu.memory_space<hbm>>) target(%arg73 : memref<128xi32, #tpu.memory_space<vmem>>) target_semaphore(%arg86 : memref<!tpu.dma_semaphore, #tpu.memory_space<semaphore_mem>>)
    %add3A_277 = arith.constant 8576 : i32
    %add3A_278 = arith.addi %mul3A_2, %add3A_277 : i32
    %dma_start3A_279 = tpu.memref_slice %arg2[%add3A_278] : memref<320000xi32, #tpu.memory_space<hbm>> -> memref<128xi32, #tpu.memory_space<hbm>>
    %dma_start3A_280 = tpu.memref_slice %arg2[%add3A_278] : memref<320000xi32, #tpu.memory_space<hbm>> -> memref<128xi32, #tpu.memory_space<hbm>>
    tpu.enqueue_dma source(%dma_start3A_280 : memref<128xi32, #tpu.memory_space<hbm>>) target(%arg74 : memref<128xi32, #tpu.memory_space<vmem>>) target_semaphore(%arg86 : memref<!tpu.dma_semaphore, #tpu.memory_space<semaphore_mem>>)
    %add3A_281 = arith.constant 8704 : i32
    %add3A_282 = arith.addi %mul3A_2, %add3A_281 : i32
    %dma_start3A_283 = tpu.memref_slice %arg2[%add3A_282] : memref<320000xi32, #tpu.memory_space<hbm>> -> memref<128xi32, #tpu.memory_space<hbm>>
    %dma_start3A_284 = tpu.memref_slice %arg2[%add3A_282] : memref<320000xi32, #tpu.memory_space<hbm>> -> memref<128xi32, #tpu.memory_space<hbm>>
    tpu.enqueue_dma source(%dma_start3A_284 : memref<128xi32, #tpu.memory_space<hbm>>) target(%arg75 : memref<128xi32, #tpu.memory_space<vmem>>) target_semaphore(%arg86 : memref<!tpu.dma_semaphore, #tpu.memory_space<semaphore_mem>>)
    %add3A_285 = arith.constant 8832 : i32
    %add3A_286 = arith.addi %mul3A_2, %add3A_285 : i32
    %dma_start3A_287 = tpu.memref_slice %arg2[%add3A_286] : memref<320000xi32, #tpu.memory_space<hbm>> -> memref<128xi32, #tpu.memory_space<hbm>>
    %dma_start3A_288 = tpu.memref_slice %arg2[%add3A_286] : memref<320000xi32, #tpu.memory_space<hbm>> -> memref<128xi32, #tpu.memory_space<hbm>>
    tpu.enqueue_dma source(%dma_start3A_288 : memref<128xi32, #tpu.memory_space<hbm>>) target(%arg76 : memref<128xi32, #tpu.memory_space<vmem>>) target_semaphore(%arg86 : memref<!tpu.dma_semaphore, #tpu.memory_space<semaphore_mem>>)
    %add3A_289 = arith.constant 8960 : i32
    %add3A_290 = arith.addi %mul3A_2, %add3A_289 : i32
    %dma_start3A_291 = tpu.memref_slice %arg2[%add3A_290] : memref<320000xi32, #tpu.memory_space<hbm>> -> memref<128xi32, #tpu.memory_space<hbm>>
    %dma_start3A_292 = tpu.memref_slice %arg2[%add3A_290] : memref<320000xi32, #tpu.memory_space<hbm>> -> memref<128xi32, #tpu.memory_space<hbm>>
    tpu.enqueue_dma source(%dma_start3A_292 : memref<128xi32, #tpu.memory_space<hbm>>) target(%arg77 : memref<128xi32, #tpu.memory_space<vmem>>) target_semaphore(%arg86 : memref<!tpu.dma_semaphore, #tpu.memory_space<semaphore_mem>>)
    %add3A_293 = arith.constant 9088 : i32
    %add3A_294 = arith.addi %mul3A_2, %add3A_293 : i32
    %dma_start3A_295 = tpu.memref_slice %arg2[%add3A_294] : memref<320000xi32, #tpu.memory_space<hbm>> -> memref<128xi32, #tpu.memory_space<hbm>>
    %dma_start3A_296 = tpu.memref_slice %arg2[%add3A_294] : memref<320000xi32, #tpu.memory_space<hbm>> -> memref<128xi32, #tpu.memory_space<hbm>>
    tpu.enqueue_dma source(%dma_start3A_296 : memref<128xi32, #tpu.memory_space<hbm>>) target(%arg78 : memref<128xi32, #tpu.memory_space<vmem>>) target_semaphore(%arg86 : memref<!tpu.dma_semaphore, #tpu.memory_space<semaphore_mem>>)
    %add3A_297 = arith.constant 9216 : i32
    %add3A_298 = arith.addi %mul3A_2, %add3A_297 : i32
    %dma_start3A_299 = tpu.memref_slice %arg2[%add3A_298] : memref<320000xi32, #tpu.memory_space<hbm>> -> memref<128xi32, #tpu.memory_space<hbm>>
    %dma_start3A_300 = tpu.memref_slice %arg2[%add3A_298] : memref<320000xi32, #tpu.memory_space<hbm>> -> memref<128xi32, #tpu.memory_space<hbm>>
    tpu.enqueue_dma source(%dma_start3A_300 : memref<128xi32, #tpu.memory_space<hbm>>) target(%arg79 : memref<128xi32, #tpu.memory_space<vmem>>) target_semaphore(%arg86 : memref<!tpu.dma_semaphore, #tpu.memory_space<semaphore_mem>>)
    %add3A_301 = arith.constant 9344 : i32
    %add3A_302 = arith.addi %mul3A_2, %add3A_301 : i32
    %dma_start3A_303 = tpu.memref_slice %arg2[%add3A_302] : memref<320000xi32, #tpu.memory_space<hbm>> -> memref<128xi32, #tpu.memory_space<hbm>>
    %dma_start3A_304 = tpu.memref_slice %arg2[%add3A_302] : memref<320000xi32, #tpu.memory_space<hbm>> -> memref<128xi32, #tpu.memory_space<hbm>>
    tpu.enqueue_dma source(%dma_start3A_304 : memref<128xi32, #tpu.memory_space<hbm>>) target(%arg80 : memref<128xi32, #tpu.memory_space<vmem>>) target_semaphore(%arg86 : memref<!tpu.dma_semaphore, #tpu.memory_space<semaphore_mem>>)
    %add3A_305 = arith.constant 9472 : i32
    %add3A_306 = arith.addi %mul3A_2, %add3A_305 : i32
    %dma_start3A_307 = tpu.memref_slice %arg2[%add3A_306] : memref<320000xi32, #tpu.memory_space<hbm>> -> memref<128xi32, #tpu.memory_space<hbm>>
    %dma_start3A_308 = tpu.memref_slice %arg2[%add3A_306] : memref<320000xi32, #tpu.memory_space<hbm>> -> memref<128xi32, #tpu.memory_space<hbm>>
    tpu.enqueue_dma source(%dma_start3A_308 : memref<128xi32, #tpu.memory_space<hbm>>) target(%arg81 : memref<128xi32, #tpu.memory_space<vmem>>) target_semaphore(%arg86 : memref<!tpu.dma_semaphore, #tpu.memory_space<semaphore_mem>>)
    %add3A_309 = arith.constant 9600 : i32
    %add3A_310 = arith.addi %mul3A_2, %add3A_309 : i32
    %dma_start3A_311 = tpu.memref_slice %arg2[%add3A_310] : memref<320000xi32, #tpu.memory_space<hbm>> -> memref<128xi32, #tpu.memory_space<hbm>>
    %dma_start3A_312 = tpu.memref_slice %arg2[%add3A_310] : memref<320000xi32, #tpu.memory_space<hbm>> -> memref<128xi32, #tpu.memory_space<hbm>>
    tpu.enqueue_dma source(%dma_start3A_312 : memref<128xi32, #tpu.memory_space<hbm>>) target(%arg82 : memref<128xi32, #tpu.memory_space<vmem>>) target_semaphore(%arg86 : memref<!tpu.dma_semaphore, #tpu.memory_space<semaphore_mem>>)
    %add3A_313 = arith.constant 9728 : i32
    %add3A_314 = arith.addi %mul3A_2, %add3A_313 : i32
    %dma_start3A_315 = tpu.memref_slice %arg2[%add3A_314] : memref<320000xi32, #tpu.memory_space<hbm>> -> memref<128xi32, #tpu.memory_space<hbm>>
    %dma_start3A_316 = tpu.memref_slice %arg2[%add3A_314] : memref<320000xi32, #tpu.memory_space<hbm>> -> memref<128xi32, #tpu.memory_space<hbm>>
    tpu.enqueue_dma source(%dma_start3A_316 : memref<128xi32, #tpu.memory_space<hbm>>) target(%arg83 : memref<128xi32, #tpu.memory_space<vmem>>) target_semaphore(%arg86 : memref<!tpu.dma_semaphore, #tpu.memory_space<semaphore_mem>>)
    %add3A_317 = arith.constant 9856 : i32
    %add3A_318 = arith.addi %mul3A_2, %add3A_317 : i32
    %dma_start3A_319 = tpu.memref_slice %arg2[%add3A_318] : memref<320000xi32, #tpu.memory_space<hbm>> -> memref<128xi32, #tpu.memory_space<hbm>>
    %dma_start3A_320 = tpu.memref_slice %arg2[%add3A_318] : memref<320000xi32, #tpu.memory_space<hbm>> -> memref<128xi32, #tpu.memory_space<hbm>>
    tpu.enqueue_dma source(%dma_start3A_320 : memref<128xi32, #tpu.memory_space<hbm>>) target(%arg84 : memref<128xi32, #tpu.memory_space<vmem>>) target_semaphore(%arg86 : memref<!tpu.dma_semaphore, #tpu.memory_space<semaphore_mem>>)
    %add3A_321 = arith.constant 9984 : i32
    %add3A_322 = arith.addi %mul3A_2, %add3A_321 : i32
    %dma_start3A_323 = tpu.memref_slice %arg2[%add3A_322] : memref<320000xi32, #tpu.memory_space<hbm>> -> memref<16xi32, #tpu.memory_space<hbm>>
    %dma_start3A_324 = tpu.memref_slice %arg2[%add3A_322] : memref<320000xi32, #tpu.memory_space<hbm>> -> memref<16xi32, #tpu.memory_space<hbm>>
    tpu.enqueue_dma source(%dma_start3A_324 : memref<16xi32, #tpu.memory_space<hbm>>) target(%arg85 : memref<16xi32, #tpu.memory_space<vmem>>) target_semaphore(%arg86 : memref<!tpu.dma_semaphore, #tpu.memory_space<semaphore_mem>>)
    %broadcast_in_dim3A_325 = arith.constant 0.000000e+00 : f32
    %broadcast_in_dim3A_326 = vector.broadcast %broadcast_in_dim3A_325 : f32 to vector<16xf32>
    %scan3A_327 = arith.constant 0 : i32
    %scan3A_328 = arith.constant 0 : i32
    %scan3A_329 = arith.constant 40 : i32
    %scan3A_330 = arith.addi %scan3A_328, %scan3A_329 : i32
    %scan3A_331 = arith.constant 1 : i32
    %scan3A_332 = scf.for %scan3A_976 = %scan3A_328 to %scan3A_330 step %scan3A_331 iter_args(%scan3A_977 = %scan3A_327) -> (i32)  : i32 {
      %mul3A_978 = arith.constant 16 : i32
      %mul3A_979 = arith.muli %scan3A_976, %mul3A_978 : i32
      %swap3A = arith.index_cast %mul3A_979 : i32 to index
      %swap3A_980 = tpu.vector_load %arg5[%swap3A] {strides = array<i32>} : memref<640xf32, #tpu.memory_space<vmem>>, vector<16xf32>,
      %swap3A_981 = vector.shape_cast %swap3A_980 : vector<16xf32> to vector<16xf32>
      %swap3A_982 = vector.shape_cast %broadcast_in_dim3A_326 : vector<16xf32> to vector<16xf32>
      tpu.vector_store %arg5[%swap3A], %swap3A_982 {strides = array<i32>} : memref<640xf32, #tpu.memory_space<vmem>>, vector<16xf32>,
      %scan3A_983 = arith.constant 0 : i32
      scf.yield %scan3A_983 : i32
    }
    %scan3A_333 = arith.constant 40 : i32
    %mul3A_334 = arith.constant 640 : i32
    %mul3A_335 = arith.muli %arg1, %mul3A_334 : i32
    "tpu.region"() ({
      %run_scoped3A = tpu.sem_alloc : memref<!tpu.dma_semaphore, #tpu.memory_space<semaphore_mem>>
      %dma_start3A_976 = tpu.memref_slice %arg6[%mul3A_335] : memref<10240xf32, #tpu.memory_space<vmem_shared>> -> memref<640xf32, #tpu.memory_space<vmem_shared>>
      %dma_start3A_977 = tpu.memref_slice %arg6[%mul3A_335] : memref<10240xf32, #tpu.memory_space<vmem_shared>> -> memref<640xf32, #tpu.memory_space<vmem_shared>>
      tpu.enqueue_dma source(%arg5 : memref<640xf32, #tpu.memory_space<vmem>>) target(%dma_start3A_977 : memref<640xf32, #tpu.memory_space<vmem_shared>>) target_semaphore(%run_scoped3A : memref<!tpu.dma_semaphore, #tpu.memory_space<semaphore_mem>>)
      %dma_wait3A_978 = tpu.memref_slice %arg6[%mul3A_335] : memref<10240xf32, #tpu.memory_space<vmem_shared>> -> memref<640xf32, #tpu.memory_space<vmem_shared>>
      %dma_wait3A_979 = tpu.memref_slice %arg6[%mul3A_335] : memref<10240xf32, #tpu.memory_space<vmem_shared>> -> memref<640xf32, #tpu.memory_space<vmem_shared>>
      tpu.wait_dma2 semaphore(%run_scoped3A : memref<!tpu.dma_semaphore, #tpu.memory_space<semaphore_mem>>) src(%arg5 : memref<640xf32, #tpu.memory_space<vmem>>) dst(%dma_wait3A_979 : memref<640xf32, #tpu.memory_space<vmem_shared>>)
      tpu.yield
    }) : () -> ()
    %barrier3A = arith.constant 0 : index
    tpu.barrier barrier_id(%barrier3A)
    %add3A_336 = arith.constant 0 : i32
    %add3A_337 = arith.addi %mul3A_2, %add3A_336 : i32
    %dma_wait3A = tpu.memref_slice %arg2[%add3A_337] : memref<320000xi32, #tpu.memory_space<hbm>> -> memref<128xi32, #tpu.memory_space<hbm>>
    %dma_wait3A_338 = tpu.memref_slice %arg2[%add3A_337] : memref<320000xi32, #tpu.memory_space<hbm>> -> memref<128xi32, #tpu.memory_space<hbm>>
    tpu.wait_dma2 semaphore(%arg86 : memref<!tpu.dma_semaphore, #tpu.memory_space<semaphore_mem>>) src(%dma_wait3A_338 : memref<128xi32, #tpu.memory_space<hbm>>) dst(%arg7 : memref<128xi32, #tpu.memory_space<vmem>>)
    %add3A_339 = arith.constant 128 : i32
    %add3A_340 = arith.addi %mul3A_2, %add3A_339 : i32
    %dma_wait3A_341 = tpu.memref_slice %arg2[%add3A_340] : memref<320000xi32, #tpu.memory_space<hbm>> -> memref<128xi32, #tpu.memory_space<hbm>>
    %dma_wait3A_342 = tpu.memref_slice %arg2[%add3A_340] : memref<320000xi32, #tpu.memory_space<hbm>> -> memref<128xi32, #tpu.memory_space<hbm>>
    tpu.wait_dma2 semaphore(%arg86 : memref<!tpu.dma_semaphore, #tpu.memory_space<semaphore_mem>>) src(%dma_wait3A_342 : memref<128xi32, #tpu.memory_space<hbm>>) dst(%arg8 : memref<128xi32, #tpu.memory_space<vmem>>)
    %add3A_343 = arith.constant 256 : i32
    %add3A_344 = arith.addi %mul3A_2, %add3A_343 : i32
    %dma_wait3A_345 = tpu.memref_slice %arg2[%add3A_344] : memref<320000xi32, #tpu.memory_space<hbm>> -> memref<128xi32, #tpu.memory_space<hbm>>
    %dma_wait3A_346 = tpu.memref_slice %arg2[%add3A_344] : memref<320000xi32, #tpu.memory_space<hbm>> -> memref<128xi32, #tpu.memory_space<hbm>>
    tpu.wait_dma2 semaphore(%arg86 : memref<!tpu.dma_semaphore, #tpu.memory_space<semaphore_mem>>) src(%dma_wait3A_346 : memref<128xi32, #tpu.memory_space<hbm>>) dst(%arg9 : memref<128xi32, #tpu.memory_space<vmem>>)
    %add3A_347 = arith.constant 384 : i32
    %add3A_348 = arith.addi %mul3A_2, %add3A_347 : i32
    %dma_wait3A_349 = tpu.memref_slice %arg2[%add3A_348] : memref<320000xi32, #tpu.memory_space<hbm>> -> memref<128xi32, #tpu.memory_space<hbm>>
    %dma_wait3A_350 = tpu.memref_slice %arg2[%add3A_348] : memref<320000xi32, #tpu.memory_space<hbm>> -> memref<128xi32, #tpu.memory_space<hbm>>
    tpu.wait_dma2 semaphore(%arg86 : memref<!tpu.dma_semaphore, #tpu.memory_space<semaphore_mem>>) src(%dma_wait3A_350 : memref<128xi32, #tpu.memory_space<hbm>>) dst(%arg10 : memref<128xi32, #tpu.memory_space<vmem>>)
    %add3A_351 = arith.constant 512 : i32
    %add3A_352 = arith.addi %mul3A_2, %add3A_351 : i32
    %dma_wait3A_353 = tpu.memref_slice %arg2[%add3A_352] : memref<320000xi32, #tpu.memory_space<hbm>> -> memref<128xi32, #tpu.memory_space<hbm>>
    %dma_wait3A_354 = tpu.memref_slice %arg2[%add3A_352] : memref<320000xi32, #tpu.memory_space<hbm>> -> memref<128xi32, #tpu.memory_space<hbm>>
    tpu.wait_dma2 semaphore(%arg86 : memref<!tpu.dma_semaphore, #tpu.memory_space<semaphore_mem>>) src(%dma_wait3A_354 : memref<128xi32, #tpu.memory_space<hbm>>) dst(%arg11 : memref<128xi32, #tpu.memory_space<vmem>>)
    %add3A_355 = arith.constant 640 : i32
    %add3A_356 = arith.addi %mul3A_2, %add3A_355 : i32
    %dma_wait3A_357 = tpu.memref_slice %arg2[%add3A_356] : memref<320000xi32, #tpu.memory_space<hbm>> -> memref<128xi32, #tpu.memory_space<hbm>>
    %dma_wait3A_358 = tpu.memref_slice %arg2[%add3A_356] : memref<320000xi32, #tpu.memory_space<hbm>> -> memref<128xi32, #tpu.memory_space<hbm>>
    tpu.wait_dma2 semaphore(%arg86 : memref<!tpu.dma_semaphore, #tpu.memory_space<semaphore_mem>>) src(%dma_wait3A_358 : memref<128xi32, #tpu.memory_space<hbm>>) dst(%arg12 : memref<128xi32, #tpu.memory_space<vmem>>)
    %add3A_359 = arith.constant 768 : i32
    %add3A_360 = arith.addi %mul3A_2, %add3A_359 : i32
    %dma_wait3A_361 = tpu.memref_slice %arg2[%add3A_360] : memref<320000xi32, #tpu.memory_space<hbm>> -> memref<128xi32, #tpu.memory_space<hbm>>
    %dma_wait3A_362 = tpu.memref_slice %arg2[%add3A_360] : memref<320000xi32, #tpu.memory_space<hbm>> -> memref<128xi32, #tpu.memory_space<hbm>>
    tpu.wait_dma2 semaphore(%arg86 : memref<!tpu.dma_semaphore, #tpu.memory_space<semaphore_mem>>) src(%dma_wait3A_362 : memref<128xi32, #tpu.memory_space<hbm>>) dst(%arg13 : memref<128xi32, #tpu.memory_space<vmem>>)
    %add3A_363 = arith.constant 896 : i32
    %add3A_364 = arith.addi %mul3A_2, %add3A_363 : i32
    %dma_wait3A_365 = tpu.memref_slice %arg2[%add3A_364] : memref<320000xi32, #tpu.memory_space<hbm>> -> memref<128xi32, #tpu.memory_space<hbm>>
    %dma_wait3A_366 = tpu.memref_slice %arg2[%add3A_364] : memref<320000xi32, #tpu.memory_space<hbm>> -> memref<128xi32, #tpu.memory_space<hbm>>
    tpu.wait_dma2 semaphore(%arg86 : memref<!tpu.dma_semaphore, #tpu.memory_space<semaphore_mem>>) src(%dma_wait3A_366 : memref<128xi32, #tpu.memory_space<hbm>>) dst(%arg14 : memref<128xi32, #tpu.memory_space<vmem>>)
    %add3A_367 = arith.constant 1024 : i32
    %add3A_368 = arith.addi %mul3A_2, %add3A_367 : i32
    %dma_wait3A_369 = tpu.memref_slice %arg2[%add3A_368] : memref<320000xi32, #tpu.memory_space<hbm>> -> memref<128xi32, #tpu.memory_space<hbm>>
    %dma_wait3A_370 = tpu.memref_slice %arg2[%add3A_368] : memref<320000xi32, #tpu.memory_space<hbm>> -> memref<128xi32, #tpu.memory_space<hbm>>
    tpu.wait_dma2 semaphore(%arg86 : memref<!tpu.dma_semaphore, #tpu.memory_space<semaphore_mem>>) src(%dma_wait3A_370 : memref<128xi32, #tpu.memory_space<hbm>>) dst(%arg15 : memref<128xi32, #tpu.memory_space<vmem>>)
    %add3A_371 = arith.constant 1152 : i32
    %add3A_372 = arith.addi %mul3A_2, %add3A_371 : i32
    %dma_wait3A_373 = tpu.memref_slice %arg2[%add3A_372] : memref<320000xi32, #tpu.memory_space<hbm>> -> memref<128xi32, #tpu.memory_space<hbm>>
    %dma_wait3A_374 = tpu.memref_slice %arg2[%add3A_372] : memref<320000xi32, #tpu.memory_space<hbm>> -> memref<128xi32, #tpu.memory_space<hbm>>
    tpu.wait_dma2 semaphore(%arg86 : memref<!tpu.dma_semaphore, #tpu.memory_space<semaphore_mem>>) src(%dma_wait3A_374 : memref<128xi32, #tpu.memory_space<hbm>>) dst(%arg16 : memref<128xi32, #tpu.memory_space<vmem>>)
    %add3A_375 = arith.constant 1280 : i32
    %add3A_376 = arith.addi %mul3A_2, %add3A_375 : i32
    %dma_wait3A_377 = tpu.memref_slice %arg2[%add3A_376] : memref<320000xi32, #tpu.memory_space<hbm>> -> memref<128xi32, #tpu.memory_space<hbm>>
    %dma_wait3A_378 = tpu.memref_slice %arg2[%add3A_376] : memref<320000xi32, #tpu.memory_space<hbm>> -> memref<128xi32, #tpu.memory_space<hbm>>
    tpu.wait_dma2 semaphore(%arg86 : memref<!tpu.dma_semaphore, #tpu.memory_space<semaphore_mem>>) src(%dma_wait3A_378 : memref<128xi32, #tpu.memory_space<hbm>>) dst(%arg17 : memref<128xi32, #tpu.memory_space<vmem>>)
    %add3A_379 = arith.constant 1408 : i32
    %add3A_380 = arith.addi %mul3A_2, %add3A_379 : i32
    %dma_wait3A_381 = tpu.memref_slice %arg2[%add3A_380] : memref<320000xi32, #tpu.memory_space<hbm>> -> memref<128xi32, #tpu.memory_space<hbm>>
    %dma_wait3A_382 = tpu.memref_slice %arg2[%add3A_380] : memref<320000xi32, #tpu.memory_space<hbm>> -> memref<128xi32, #tpu.memory_space<hbm>>
    tpu.wait_dma2 semaphore(%arg86 : memref<!tpu.dma_semaphore, #tpu.memory_space<semaphore_mem>>) src(%dma_wait3A_382 : memref<128xi32, #tpu.memory_space<hbm>>) dst(%arg18 : memref<128xi32, #tpu.memory_space<vmem>>)
    %add3A_383 = arith.constant 1536 : i32
    %add3A_384 = arith.addi %mul3A_2, %add3A_383 : i32
    %dma_wait3A_385 = tpu.memref_slice %arg2[%add3A_384] : memref<320000xi32, #tpu.memory_space<hbm>> -> memref<128xi32, #tpu.memory_space<hbm>>
    %dma_wait3A_386 = tpu.memref_slice %arg2[%add3A_384] : memref<320000xi32, #tpu.memory_space<hbm>> -> memref<128xi32, #tpu.memory_space<hbm>>
    tpu.wait_dma2 semaphore(%arg86 : memref<!tpu.dma_semaphore, #tpu.memory_space<semaphore_mem>>) src(%dma_wait3A_386 : memref<128xi32, #tpu.memory_space<hbm>>) dst(%arg19 : memref<128xi32, #tpu.memory_space<vmem>>)
    %add3A_387 = arith.constant 1664 : i32
    %add3A_388 = arith.addi %mul3A_2, %add3A_387 : i32
    %dma_wait3A_389 = tpu.memref_slice %arg2[%add3A_388] : memref<320000xi32, #tpu.memory_space<hbm>> -> memref<128xi32, #tpu.memory_space<hbm>>
    %dma_wait3A_390 = tpu.memref_slice %arg2[%add3A_388] : memref<320000xi32, #tpu.memory_space<hbm>> -> memref<128xi32, #tpu.memory_space<hbm>>
    tpu.wait_dma2 semaphore(%arg86 : memref<!tpu.dma_semaphore, #tpu.memory_space<semaphore_mem>>) src(%dma_wait3A_390 : memref<128xi32, #tpu.memory_space<hbm>>) dst(%arg20 : memref<128xi32, #tpu.memory_space<vmem>>)
    %add3A_391 = arith.constant 1792 : i32
    %add3A_392 = arith.addi %mul3A_2, %add3A_391 : i32
    %dma_wait3A_393 = tpu.memref_slice %arg2[%add3A_392] : memref<320000xi32, #tpu.memory_space<hbm>> -> memref<128xi32, #tpu.memory_space<hbm>>
    %dma_wait3A_394 = tpu.memref_slice %arg2[%add3A_392] : memref<320000xi32, #tpu.memory_space<hbm>> -> memref<128xi32, #tpu.memory_space<hbm>>
    tpu.wait_dma2 semaphore(%arg86 : memref<!tpu.dma_semaphore, #tpu.memory_space<semaphore_mem>>) src(%dma_wait3A_394 : memref<128xi32, #tpu.memory_space<hbm>>) dst(%arg21 : memref<128xi32, #tpu.memory_space<vmem>>)
    %add3A_395 = arith.constant 1920 : i32
    %add3A_396 = arith.addi %mul3A_2, %add3A_395 : i32
    %dma_wait3A_397 = tpu.memref_slice %arg2[%add3A_396] : memref<320000xi32, #tpu.memory_space<hbm>> -> memref<128xi32, #tpu.memory_space<hbm>>
    %dma_wait3A_398 = tpu.memref_slice %arg2[%add3A_396] : memref<320000xi32, #tpu.memory_space<hbm>> -> memref<128xi32, #tpu.memory_space<hbm>>
    tpu.wait_dma2 semaphore(%arg86 : memref<!tpu.dma_semaphore, #tpu.memory_space<semaphore_mem>>) src(%dma_wait3A_398 : memref<128xi32, #tpu.memory_space<hbm>>) dst(%arg22 : memref<128xi32, #tpu.memory_space<vmem>>)
    %add3A_399 = arith.constant 2048 : i32
    %add3A_400 = arith.addi %mul3A_2, %add3A_399 : i32
    %dma_wait3A_401 = tpu.memref_slice %arg2[%add3A_400] : memref<320000xi32, #tpu.memory_space<hbm>> -> memref<128xi32, #tpu.memory_space<hbm>>
    %dma_wait3A_402 = tpu.memref_slice %arg2[%add3A_400] : memref<320000xi32, #tpu.memory_space<hbm>> -> memref<128xi32, #tpu.memory_space<hbm>>
    tpu.wait_dma2 semaphore(%arg86 : memref<!tpu.dma_semaphore, #tpu.memory_space<semaphore_mem>>) src(%dma_wait3A_402 : memref<128xi32, #tpu.memory_space<hbm>>) dst(%arg23 : memref<128xi32, #tpu.memory_space<vmem>>)
    %add3A_403 = arith.constant 2176 : i32
    %add3A_404 = arith.addi %mul3A_2, %add3A_403 : i32
    %dma_wait3A_405 = tpu.memref_slice %arg2[%add3A_404] : memref<320000xi32, #tpu.memory_space<hbm>> -> memref<128xi32, #tpu.memory_space<hbm>>
    %dma_wait3A_406 = tpu.memref_slice %arg2[%add3A_404] : memref<320000xi32, #tpu.memory_space<hbm>> -> memref<128xi32, #tpu.memory_space<hbm>>
    tpu.wait_dma2 semaphore(%arg86 : memref<!tpu.dma_semaphore, #tpu.memory_space<semaphore_mem>>) src(%dma_wait3A_406 : memref<128xi32, #tpu.memory_space<hbm>>) dst(%arg24 : memref<128xi32, #tpu.memory_space<vmem>>)
    %add3A_407 = arith.constant 2304 : i32
    %add3A_408 = arith.addi %mul3A_2, %add3A_407 : i32
    %dma_wait3A_409 = tpu.memref_slice %arg2[%add3A_408] : memref<320000xi32, #tpu.memory_space<hbm>> -> memref<128xi32, #tpu.memory_space<hbm>>
    %dma_wait3A_410 = tpu.memref_slice %arg2[%add3A_408] : memref<320000xi32, #tpu.memory_space<hbm>> -> memref<128xi32, #tpu.memory_space<hbm>>
    tpu.wait_dma2 semaphore(%arg86 : memref<!tpu.dma_semaphore, #tpu.memory_space<semaphore_mem>>) src(%dma_wait3A_410 : memref<128xi32, #tpu.memory_space<hbm>>) dst(%arg25 : memref<128xi32, #tpu.memory_space<vmem>>)
    %add3A_411 = arith.constant 2432 : i32
    %add3A_412 = arith.addi %mul3A_2, %add3A_411 : i32
    %dma_wait3A_413 = tpu.memref_slice %arg2[%add3A_412] : memref<320000xi32, #tpu.memory_space<hbm>> -> memref<128xi32, #tpu.memory_space<hbm>>
    %dma_wait3A_414 = tpu.memref_slice %arg2[%add3A_412] : memref<320000xi32, #tpu.memory_space<hbm>> -> memref<128xi32, #tpu.memory_space<hbm>>
    tpu.wait_dma2 semaphore(%arg86 : memref<!tpu.dma_semaphore, #tpu.memory_space<semaphore_mem>>) src(%dma_wait3A_414 : memref<128xi32, #tpu.memory_space<hbm>>) dst(%arg26 : memref<128xi32, #tpu.memory_space<vmem>>)
    %add3A_415 = arith.constant 2560 : i32
    %add3A_416 = arith.addi %mul3A_2, %add3A_415 : i32
    %dma_wait3A_417 = tpu.memref_slice %arg2[%add3A_416] : memref<320000xi32, #tpu.memory_space<hbm>> -> memref<128xi32, #tpu.memory_space<hbm>>
    %dma_wait3A_418 = tpu.memref_slice %arg2[%add3A_416] : memref<320000xi32, #tpu.memory_space<hbm>> -> memref<128xi32, #tpu.memory_space<hbm>>
    tpu.wait_dma2 semaphore(%arg86 : memref<!tpu.dma_semaphore, #tpu.memory_space<semaphore_mem>>) src(%dma_wait3A_418 : memref<128xi32, #tpu.memory_space<hbm>>) dst(%arg27 : memref<128xi32, #tpu.memory_space<vmem>>)
    %add3A_419 = arith.constant 2688 : i32
    %add3A_420 = arith.addi %mul3A_2, %add3A_419 : i32
    %dma_wait3A_421 = tpu.memref_slice %arg2[%add3A_420] : memref<320000xi32, #tpu.memory_space<hbm>> -> memref<128xi32, #tpu.memory_space<hbm>>
    %dma_wait3A_422 = tpu.memref_slice %arg2[%add3A_420] : memref<320000xi32, #tpu.memory_space<hbm>> -> memref<128xi32, #tpu.memory_space<hbm>>
    tpu.wait_dma2 semaphore(%arg86 : memref<!tpu.dma_semaphore, #tpu.memory_space<semaphore_mem>>) src(%dma_wait3A_422 : memref<128xi32, #tpu.memory_space<hbm>>) dst(%arg28 : memref<128xi32, #tpu.memory_space<vmem>>)
    %add3A_423 = arith.constant 2816 : i32
    %add3A_424 = arith.addi %mul3A_2, %add3A_423 : i32
    %dma_wait3A_425 = tpu.memref_slice %arg2[%add3A_424] : memref<320000xi32, #tpu.memory_space<hbm>> -> memref<128xi32, #tpu.memory_space<hbm>>
    %dma_wait3A_426 = tpu.memref_slice %arg2[%add3A_424] : memref<320000xi32, #tpu.memory_space<hbm>> -> memref<128xi32, #tpu.memory_space<hbm>>
    tpu.wait_dma2 semaphore(%arg86 : memref<!tpu.dma_semaphore, #tpu.memory_space<semaphore_mem>>) src(%dma_wait3A_426 : memref<128xi32, #tpu.memory_space<hbm>>) dst(%arg29 : memref<128xi32, #tpu.memory_space<vmem>>)
    %add3A_427 = arith.constant 2944 : i32
    %add3A_428 = arith.addi %mul3A_2, %add3A_427 : i32
    %dma_wait3A_429 = tpu.memref_slice %arg2[%add3A_428] : memref<320000xi32, #tpu.memory_space<hbm>> -> memref<128xi32, #tpu.memory_space<hbm>>
    %dma_wait3A_430 = tpu.memref_slice %arg2[%add3A_428] : memref<320000xi32, #tpu.memory_space<hbm>> -> memref<128xi32, #tpu.memory_space<hbm>>
    tpu.wait_dma2 semaphore(%arg86 : memref<!tpu.dma_semaphore, #tpu.memory_space<semaphore_mem>>) src(%dma_wait3A_430 : memref<128xi32, #tpu.memory_space<hbm>>) dst(%arg30 : memref<128xi32, #tpu.memory_space<vmem>>)
    %add3A_431 = arith.constant 3072 : i32
    %add3A_432 = arith.addi %mul3A_2, %add3A_431 : i32
    %dma_wait3A_433 = tpu.memref_slice %arg2[%add3A_432] : memref<320000xi32, #tpu.memory_space<hbm>> -> memref<128xi32, #tpu.memory_space<hbm>>
    %dma_wait3A_434 = tpu.memref_slice %arg2[%add3A_432] : memref<320000xi32, #tpu.memory_space<hbm>> -> memref<128xi32, #tpu.memory_space<hbm>>
    tpu.wait_dma2 semaphore(%arg86 : memref<!tpu.dma_semaphore, #tpu.memory_space<semaphore_mem>>) src(%dma_wait3A_434 : memref<128xi32, #tpu.memory_space<hbm>>) dst(%arg31 : memref<128xi32, #tpu.memory_space<vmem>>)
    %add3A_435 = arith.constant 3200 : i32
    %add3A_436 = arith.addi %mul3A_2, %add3A_435 : i32
    %dma_wait3A_437 = tpu.memref_slice %arg2[%add3A_436] : memref<320000xi32, #tpu.memory_space<hbm>> -> memref<128xi32, #tpu.memory_space<hbm>>
    %dma_wait3A_438 = tpu.memref_slice %arg2[%add3A_436] : memref<320000xi32, #tpu.memory_space<hbm>> -> memref<128xi32, #tpu.memory_space<hbm>>
    tpu.wait_dma2 semaphore(%arg86 : memref<!tpu.dma_semaphore, #tpu.memory_space<semaphore_mem>>) src(%dma_wait3A_438 : memref<128xi32, #tpu.memory_space<hbm>>) dst(%arg32 : memref<128xi32, #tpu.memory_space<vmem>>)
    %add3A_439 = arith.constant 3328 : i32
    %add3A_440 = arith.addi %mul3A_2, %add3A_439 : i32
    %dma_wait3A_441 = tpu.memref_slice %arg2[%add3A_440] : memref<320000xi32, #tpu.memory_space<hbm>> -> memref<128xi32, #tpu.memory_space<hbm>>
    %dma_wait3A_442 = tpu.memref_slice %arg2[%add3A_440] : memref<320000xi32, #tpu.memory_space<hbm>> -> memref<128xi32, #tpu.memory_space<hbm>>
    tpu.wait_dma2 semaphore(%arg86 : memref<!tpu.dma_semaphore, #tpu.memory_space<semaphore_mem>>) src(%dma_wait3A_442 : memref<128xi32, #tpu.memory_space<hbm>>) dst(%arg33 : memref<128xi32, #tpu.memory_space<vmem>>)
    %add3A_443 = arith.constant 3456 : i32
    %add3A_444 = arith.addi %mul3A_2, %add3A_443 : i32
    %dma_wait3A_445 = tpu.memref_slice %arg2[%add3A_444] : memref<320000xi32, #tpu.memory_space<hbm>> -> memref<128xi32, #tpu.memory_space<hbm>>
    %dma_wait3A_446 = tpu.memref_slice %arg2[%add3A_444] : memref<320000xi32, #tpu.memory_space<hbm>> -> memref<128xi32, #tpu.memory_space<hbm>>
    tpu.wait_dma2 semaphore(%arg86 : memref<!tpu.dma_semaphore, #tpu.memory_space<semaphore_mem>>) src(%dma_wait3A_446 : memref<128xi32, #tpu.memory_space<hbm>>) dst(%arg34 : memref<128xi32, #tpu.memory_space<vmem>>)
    %add3A_447 = arith.constant 3584 : i32
    %add3A_448 = arith.addi %mul3A_2, %add3A_447 : i32
    %dma_wait3A_449 = tpu.memref_slice %arg2[%add3A_448] : memref<320000xi32, #tpu.memory_space<hbm>> -> memref<128xi32, #tpu.memory_space<hbm>>
    %dma_wait3A_450 = tpu.memref_slice %arg2[%add3A_448] : memref<320000xi32, #tpu.memory_space<hbm>> -> memref<128xi32, #tpu.memory_space<hbm>>
    tpu.wait_dma2 semaphore(%arg86 : memref<!tpu.dma_semaphore, #tpu.memory_space<semaphore_mem>>) src(%dma_wait3A_450 : memref<128xi32, #tpu.memory_space<hbm>>) dst(%arg35 : memref<128xi32, #tpu.memory_space<vmem>>)
    %add3A_451 = arith.constant 3712 : i32
    %add3A_452 = arith.addi %mul3A_2, %add3A_451 : i32
    %dma_wait3A_453 = tpu.memref_slice %arg2[%add3A_452] : memref<320000xi32, #tpu.memory_space<hbm>> -> memref<128xi32, #tpu.memory_space<hbm>>
    %dma_wait3A_454 = tpu.memref_slice %arg2[%add3A_452] : memref<320000xi32, #tpu.memory_space<hbm>> -> memref<128xi32, #tpu.memory_space<hbm>>
    tpu.wait_dma2 semaphore(%arg86 : memref<!tpu.dma_semaphore, #tpu.memory_space<semaphore_mem>>) src(%dma_wait3A_454 : memref<128xi32, #tpu.memory_space<hbm>>) dst(%arg36 : memref<128xi32, #tpu.memory_space<vmem>>)
    %add3A_455 = arith.constant 3840 : i32
    %add3A_456 = arith.addi %mul3A_2, %add3A_455 : i32
    %dma_wait3A_457 = tpu.memref_slice %arg2[%add3A_456] : memref<320000xi32, #tpu.memory_space<hbm>> -> memref<128xi32, #tpu.memory_space<hbm>>
    %dma_wait3A_458 = tpu.memref_slice %arg2[%add3A_456] : memref<320000xi32, #tpu.memory_space<hbm>> -> memref<128xi32, #tpu.memory_space<hbm>>
    tpu.wait_dma2 semaphore(%arg86 : memref<!tpu.dma_semaphore, #tpu.memory_space<semaphore_mem>>) src(%dma_wait3A_458 : memref<128xi32, #tpu.memory_space<hbm>>) dst(%arg37 : memref<128xi32, #tpu.memory_space<vmem>>)
    %add3A_459 = arith.constant 3968 : i32
    %add3A_460 = arith.addi %mul3A_2, %add3A_459 : i32
    %dma_wait3A_461 = tpu.memref_slice %arg2[%add3A_460] : memref<320000xi32, #tpu.memory_space<hbm>> -> memref<128xi32, #tpu.memory_space<hbm>>
    %dma_wait3A_462 = tpu.memref_slice %arg2[%add3A_460] : memref<320000xi32, #tpu.memory_space<hbm>> -> memref<128xi32, #tpu.memory_space<hbm>>
    tpu.wait_dma2 semaphore(%arg86 : memref<!tpu.dma_semaphore, #tpu.memory_space<semaphore_mem>>) src(%dma_wait3A_462 : memref<128xi32, #tpu.memory_space<hbm>>) dst(%arg38 : memref<128xi32, #tpu.memory_space<vmem>>)
    %add3A_463 = arith.constant 4096 : i32
    %add3A_464 = arith.addi %mul3A_2, %add3A_463 : i32
    %dma_wait3A_465 = tpu.memref_slice %arg2[%add3A_464] : memref<320000xi32, #tpu.memory_space<hbm>> -> memref<128xi32, #tpu.memory_space<hbm>>
    %dma_wait3A_466 = tpu.memref_slice %arg2[%add3A_464] : memref<320000xi32, #tpu.memory_space<hbm>> -> memref<128xi32, #tpu.memory_space<hbm>>
    tpu.wait_dma2 semaphore(%arg86 : memref<!tpu.dma_semaphore, #tpu.memory_space<semaphore_mem>>) src(%dma_wait3A_466 : memref<128xi32, #tpu.memory_space<hbm>>) dst(%arg39 : memref<128xi32, #tpu.memory_space<vmem>>)
    %add3A_467 = arith.constant 4224 : i32
    %add3A_468 = arith.addi %mul3A_2, %add3A_467 : i32
    %dma_wait3A_469 = tpu.memref_slice %arg2[%add3A_468] : memref<320000xi32, #tpu.memory_space<hbm>> -> memref<128xi32, #tpu.memory_space<hbm>>
    %dma_wait3A_470 = tpu.memref_slice %arg2[%add3A_468] : memref<320000xi32, #tpu.memory_space<hbm>> -> memref<128xi32, #tpu.memory_space<hbm>>
    tpu.wait_dma2 semaphore(%arg86 : memref<!tpu.dma_semaphore, #tpu.memory_space<semaphore_mem>>) src(%dma_wait3A_470 : memref<128xi32, #tpu.memory_space<hbm>>) dst(%arg40 : memref<128xi32, #tpu.memory_space<vmem>>)
    %add3A_471 = arith.constant 4352 : i32
    %add3A_472 = arith.addi %mul3A_2, %add3A_471 : i32
    %dma_wait3A_473 = tpu.memref_slice %arg2[%add3A_472] : memref<320000xi32, #tpu.memory_space<hbm>> -> memref<128xi32, #tpu.memory_space<hbm>>
    %dma_wait3A_474 = tpu.memref_slice %arg2[%add3A_472] : memref<320000xi32, #tpu.memory_space<hbm>> -> memref<128xi32, #tpu.memory_space<hbm>>
    tpu.wait_dma2 semaphore(%arg86 : memref<!tpu.dma_semaphore, #tpu.memory_space<semaphore_mem>>) src(%dma_wait3A_474 : memref<128xi32, #tpu.memory_space<hbm>>) dst(%arg41 : memref<128xi32, #tpu.memory_space<vmem>>)
    %add3A_475 = arith.constant 4480 : i32
    %add3A_476 = arith.addi %mul3A_2, %add3A_475 : i32
    %dma_wait3A_477 = tpu.memref_slice %arg2[%add3A_476] : memref<320000xi32, #tpu.memory_space<hbm>> -> memref<128xi32, #tpu.memory_space<hbm>>
    %dma_wait3A_478 = tpu.memref_slice %arg2[%add3A_476] : memref<320000xi32, #tpu.memory_space<hbm>> -> memref<128xi32, #tpu.memory_space<hbm>>
    tpu.wait_dma2 semaphore(%arg86 : memref<!tpu.dma_semaphore, #tpu.memory_space<semaphore_mem>>) src(%dma_wait3A_478 : memref<128xi32, #tpu.memory_space<hbm>>) dst(%arg42 : memref<128xi32, #tpu.memory_space<vmem>>)
    %add3A_479 = arith.constant 4608 : i32
    %add3A_480 = arith.addi %mul3A_2, %add3A_479 : i32
    %dma_wait3A_481 = tpu.memref_slice %arg2[%add3A_480] : memref<320000xi32, #tpu.memory_space<hbm>> -> memref<128xi32, #tpu.memory_space<hbm>>
    %dma_wait3A_482 = tpu.memref_slice %arg2[%add3A_480] : memref<320000xi32, #tpu.memory_space<hbm>> -> memref<128xi32, #tpu.memory_space<hbm>>
    tpu.wait_dma2 semaphore(%arg86 : memref<!tpu.dma_semaphore, #tpu.memory_space<semaphore_mem>>) src(%dma_wait3A_482 : memref<128xi32, #tpu.memory_space<hbm>>) dst(%arg43 : memref<128xi32, #tpu.memory_space<vmem>>)
    %add3A_483 = arith.constant 4736 : i32
    %add3A_484 = arith.addi %mul3A_2, %add3A_483 : i32
    %dma_wait3A_485 = tpu.memref_slice %arg2[%add3A_484] : memref<320000xi32, #tpu.memory_space<hbm>> -> memref<128xi32, #tpu.memory_space<hbm>>
    %dma_wait3A_486 = tpu.memref_slice %arg2[%add3A_484] : memref<320000xi32, #tpu.memory_space<hbm>> -> memref<128xi32, #tpu.memory_space<hbm>>
    tpu.wait_dma2 semaphore(%arg86 : memref<!tpu.dma_semaphore, #tpu.memory_space<semaphore_mem>>) src(%dma_wait3A_486 : memref<128xi32, #tpu.memory_space<hbm>>) dst(%arg44 : memref<128xi32, #tpu.memory_space<vmem>>)
    %add3A_487 = arith.constant 4864 : i32
    %add3A_488 = arith.addi %mul3A_2, %add3A_487 : i32
    %dma_wait3A_489 = tpu.memref_slice %arg2[%add3A_488] : memref<320000xi32, #tpu.memory_space<hbm>> -> memref<128xi32, #tpu.memory_space<hbm>>
    %dma_wait3A_490 = tpu.memref_slice %arg2[%add3A_488] : memref<320000xi32, #tpu.memory_space<hbm>> -> memref<128xi32, #tpu.memory_space<hbm>>
    tpu.wait_dma2 semaphore(%arg86 : memref<!tpu.dma_semaphore, #tpu.memory_space<semaphore_mem>>) src(%dma_wait3A_490 : memref<128xi32, #tpu.memory_space<hbm>>) dst(%arg45 : memref<128xi32, #tpu.memory_space<vmem>>)
    %add3A_491 = arith.constant 4992 : i32
    %add3A_492 = arith.addi %mul3A_2, %add3A_491 : i32
    %dma_wait3A_493 = tpu.memref_slice %arg2[%add3A_492] : memref<320000xi32, #tpu.memory_space<hbm>> -> memref<128xi32, #tpu.memory_space<hbm>>
    %dma_wait3A_494 = tpu.memref_slice %arg2[%add3A_492] : memref<320000xi32, #tpu.memory_space<hbm>> -> memref<128xi32, #tpu.memory_space<hbm>>
    tpu.wait_dma2 semaphore(%arg86 : memref<!tpu.dma_semaphore, #tpu.memory_space<semaphore_mem>>) src(%dma_wait3A_494 : memref<128xi32, #tpu.memory_space<hbm>>) dst(%arg46 : memref<128xi32, #tpu.memory_space<vmem>>)
    %add3A_495 = arith.constant 5120 : i32
    %add3A_496 = arith.addi %mul3A_2, %add3A_495 : i32
    %dma_wait3A_497 = tpu.memref_slice %arg2[%add3A_496] : memref<320000xi32, #tpu.memory_space<hbm>> -> memref<128xi32, #tpu.memory_space<hbm>>
    %dma_wait3A_498 = tpu.memref_slice %arg2[%add3A_496] : memref<320000xi32, #tpu.memory_space<hbm>> -> memref<128xi32, #tpu.memory_space<hbm>>
    tpu.wait_dma2 semaphore(%arg86 : memref<!tpu.dma_semaphore, #tpu.memory_space<semaphore_mem>>) src(%dma_wait3A_498 : memref<128xi32, #tpu.memory_space<hbm>>) dst(%arg47 : memref<128xi32, #tpu.memory_space<vmem>>)
    %add3A_499 = arith.constant 5248 : i32
    %add3A_500 = arith.addi %mul3A_2, %add3A_499 : i32
    %dma_wait3A_501 = tpu.memref_slice %arg2[%add3A_500] : memref<320000xi32, #tpu.memory_space<hbm>> -> memref<128xi32, #tpu.memory_space<hbm>>
    %dma_wait3A_502 = tpu.memref_slice %arg2[%add3A_500] : memref<320000xi32, #tpu.memory_space<hbm>> -> memref<128xi32, #tpu.memory_space<hbm>>
    tpu.wait_dma2 semaphore(%arg86 : memref<!tpu.dma_semaphore, #tpu.memory_space<semaphore_mem>>) src(%dma_wait3A_502 : memref<128xi32, #tpu.memory_space<hbm>>) dst(%arg48 : memref<128xi32, #tpu.memory_space<vmem>>)
    %add3A_503 = arith.constant 5376 : i32
    %add3A_504 = arith.addi %mul3A_2, %add3A_503 : i32
    %dma_wait3A_505 = tpu.memref_slice %arg2[%add3A_504] : memref<320000xi32, #tpu.memory_space<hbm>> -> memref<128xi32, #tpu.memory_space<hbm>>
    %dma_wait3A_506 = tpu.memref_slice %arg2[%add3A_504] : memref<320000xi32, #tpu.memory_space<hbm>> -> memref<128xi32, #tpu.memory_space<hbm>>
    tpu.wait_dma2 semaphore(%arg86 : memref<!tpu.dma_semaphore, #tpu.memory_space<semaphore_mem>>) src(%dma_wait3A_506 : memref<128xi32, #tpu.memory_space<hbm>>) dst(%arg49 : memref<128xi32, #tpu.memory_space<vmem>>)
    %add3A_507 = arith.constant 5504 : i32
    %add3A_508 = arith.addi %mul3A_2, %add3A_507 : i32
    %dma_wait3A_509 = tpu.memref_slice %arg2[%add3A_508] : memref<320000xi32, #tpu.memory_space<hbm>> -> memref<128xi32, #tpu.memory_space<hbm>>
    %dma_wait3A_510 = tpu.memref_slice %arg2[%add3A_508] : memref<320000xi32, #tpu.memory_space<hbm>> -> memref<128xi32, #tpu.memory_space<hbm>>
    tpu.wait_dma2 semaphore(%arg86 : memref<!tpu.dma_semaphore, #tpu.memory_space<semaphore_mem>>) src(%dma_wait3A_510 : memref<128xi32, #tpu.memory_space<hbm>>) dst(%arg50 : memref<128xi32, #tpu.memory_space<vmem>>)
    %add3A_511 = arith.constant 5632 : i32
    %add3A_512 = arith.addi %mul3A_2, %add3A_511 : i32
    %dma_wait3A_513 = tpu.memref_slice %arg2[%add3A_512] : memref<320000xi32, #tpu.memory_space<hbm>> -> memref<128xi32, #tpu.memory_space<hbm>>
    %dma_wait3A_514 = tpu.memref_slice %arg2[%add3A_512] : memref<320000xi32, #tpu.memory_space<hbm>> -> memref<128xi32, #tpu.memory_space<hbm>>
    tpu.wait_dma2 semaphore(%arg86 : memref<!tpu.dma_semaphore, #tpu.memory_space<semaphore_mem>>) src(%dma_wait3A_514 : memref<128xi32, #tpu.memory_space<hbm>>) dst(%arg51 : memref<128xi32, #tpu.memory_space<vmem>>)
    %add3A_515 = arith.constant 5760 : i32
    %add3A_516 = arith.addi %mul3A_2, %add3A_515 : i32
    %dma_wait3A_517 = tpu.memref_slice %arg2[%add3A_516] : memref<320000xi32, #tpu.memory_space<hbm>> -> memref<128xi32, #tpu.memory_space<hbm>>
    %dma_wait3A_518 = tpu.memref_slice %arg2[%add3A_516] : memref<320000xi32, #tpu.memory_space<hbm>> -> memref<128xi32, #tpu.memory_space<hbm>>
    tpu.wait_dma2 semaphore(%arg86 : memref<!tpu.dma_semaphore, #tpu.memory_space<semaphore_mem>>) src(%dma_wait3A_518 : memref<128xi32, #tpu.memory_space<hbm>>) dst(%arg52 : memref<128xi32, #tpu.memory_space<vmem>>)
    %add3A_519 = arith.constant 5888 : i32
    %add3A_520 = arith.addi %mul3A_2, %add3A_519 : i32
    %dma_wait3A_521 = tpu.memref_slice %arg2[%add3A_520] : memref<320000xi32, #tpu.memory_space<hbm>> -> memref<128xi32, #tpu.memory_space<hbm>>
    %dma_wait3A_522 = tpu.memref_slice %arg2[%add3A_520] : memref<320000xi32, #tpu.memory_space<hbm>> -> memref<128xi32, #tpu.memory_space<hbm>>
    tpu.wait_dma2 semaphore(%arg86 : memref<!tpu.dma_semaphore, #tpu.memory_space<semaphore_mem>>) src(%dma_wait3A_522 : memref<128xi32, #tpu.memory_space<hbm>>) dst(%arg53 : memref<128xi32, #tpu.memory_space<vmem>>)
    %add3A_523 = arith.constant 6016 : i32
    %add3A_524 = arith.addi %mul3A_2, %add3A_523 : i32
    %dma_wait3A_525 = tpu.memref_slice %arg2[%add3A_524] : memref<320000xi32, #tpu.memory_space<hbm>> -> memref<128xi32, #tpu.memory_space<hbm>>
    %dma_wait3A_526 = tpu.memref_slice %arg2[%add3A_524] : memref<320000xi32, #tpu.memory_space<hbm>> -> memref<128xi32, #tpu.memory_space<hbm>>
    tpu.wait_dma2 semaphore(%arg86 : memref<!tpu.dma_semaphore, #tpu.memory_space<semaphore_mem>>) src(%dma_wait3A_526 : memref<128xi32, #tpu.memory_space<hbm>>) dst(%arg54 : memref<128xi32, #tpu.memory_space<vmem>>)
    %add3A_527 = arith.constant 6144 : i32
    %add3A_528 = arith.addi %mul3A_2, %add3A_527 : i32
    %dma_wait3A_529 = tpu.memref_slice %arg2[%add3A_528] : memref<320000xi32, #tpu.memory_space<hbm>> -> memref<128xi32, #tpu.memory_space<hbm>>
    %dma_wait3A_530 = tpu.memref_slice %arg2[%add3A_528] : memref<320000xi32, #tpu.memory_space<hbm>> -> memref<128xi32, #tpu.memory_space<hbm>>
    tpu.wait_dma2 semaphore(%arg86 : memref<!tpu.dma_semaphore, #tpu.memory_space<semaphore_mem>>) src(%dma_wait3A_530 : memref<128xi32, #tpu.memory_space<hbm>>) dst(%arg55 : memref<128xi32, #tpu.memory_space<vmem>>)
    %add3A_531 = arith.constant 6272 : i32
    %add3A_532 = arith.addi %mul3A_2, %add3A_531 : i32
    %dma_wait3A_533 = tpu.memref_slice %arg2[%add3A_532] : memref<320000xi32, #tpu.memory_space<hbm>> -> memref<128xi32, #tpu.memory_space<hbm>>
    %dma_wait3A_534 = tpu.memref_slice %arg2[%add3A_532] : memref<320000xi32, #tpu.memory_space<hbm>> -> memref<128xi32, #tpu.memory_space<hbm>>
    tpu.wait_dma2 semaphore(%arg86 : memref<!tpu.dma_semaphore, #tpu.memory_space<semaphore_mem>>) src(%dma_wait3A_534 : memref<128xi32, #tpu.memory_space<hbm>>) dst(%arg56 : memref<128xi32, #tpu.memory_space<vmem>>)
    %add3A_535 = arith.constant 6400 : i32
    %add3A_536 = arith.addi %mul3A_2, %add3A_535 : i32
    %dma_wait3A_537 = tpu.memref_slice %arg2[%add3A_536] : memref<320000xi32, #tpu.memory_space<hbm>> -> memref<128xi32, #tpu.memory_space<hbm>>
    %dma_wait3A_538 = tpu.memref_slice %arg2[%add3A_536] : memref<320000xi32, #tpu.memory_space<hbm>> -> memref<128xi32, #tpu.memory_space<hbm>>
    tpu.wait_dma2 semaphore(%arg86 : memref<!tpu.dma_semaphore, #tpu.memory_space<semaphore_mem>>) src(%dma_wait3A_538 : memref<128xi32, #tpu.memory_space<hbm>>) dst(%arg57 : memref<128xi32, #tpu.memory_space<vmem>>)
    %add3A_539 = arith.constant 6528 : i32
    %add3A_540 = arith.addi %mul3A_2, %add3A_539 : i32
    %dma_wait3A_541 = tpu.memref_slice %arg2[%add3A_540] : memref<320000xi32, #tpu.memory_space<hbm>> -> memref<128xi32, #tpu.memory_space<hbm>>
    %dma_wait3A_542 = tpu.memref_slice %arg2[%add3A_540] : memref<320000xi32, #tpu.memory_space<hbm>> -> memref<128xi32, #tpu.memory_space<hbm>>
    tpu.wait_dma2 semaphore(%arg86 : memref<!tpu.dma_semaphore, #tpu.memory_space<semaphore_mem>>) src(%dma_wait3A_542 : memref<128xi32, #tpu.memory_space<hbm>>) dst(%arg58 : memref<128xi32, #tpu.memory_space<vmem>>)
    %add3A_543 = arith.constant 6656 : i32
    %add3A_544 = arith.addi %mul3A_2, %add3A_543 : i32
    %dma_wait3A_545 = tpu.memref_slice %arg2[%add3A_544] : memref<320000xi32, #tpu.memory_space<hbm>> -> memref<128xi32, #tpu.memory_space<hbm>>
    %dma_wait3A_546 = tpu.memref_slice %arg2[%add3A_544] : memref<320000xi32, #tpu.memory_space<hbm>> -> memref<128xi32, #tpu.memory_space<hbm>>
    tpu.wait_dma2 semaphore(%arg86 : memref<!tpu.dma_semaphore, #tpu.memory_space<semaphore_mem>>) src(%dma_wait3A_546 : memref<128xi32, #tpu.memory_space<hbm>>) dst(%arg59 : memref<128xi32, #tpu.memory_space<vmem>>)
    %add3A_547 = arith.constant 6784 : i32
    %add3A_548 = arith.addi %mul3A_2, %add3A_547 : i32
    %dma_wait3A_549 = tpu.memref_slice %arg2[%add3A_548] : memref<320000xi32, #tpu.memory_space<hbm>> -> memref<128xi32, #tpu.memory_space<hbm>>
    %dma_wait3A_550 = tpu.memref_slice %arg2[%add3A_548] : memref<320000xi32, #tpu.memory_space<hbm>> -> memref<128xi32, #tpu.memory_space<hbm>>
    tpu.wait_dma2 semaphore(%arg86 : memref<!tpu.dma_semaphore, #tpu.memory_space<semaphore_mem>>) src(%dma_wait3A_550 : memref<128xi32, #tpu.memory_space<hbm>>) dst(%arg60 : memref<128xi32, #tpu.memory_space<vmem>>)
    %add3A_551 = arith.constant 6912 : i32
    %add3A_552 = arith.addi %mul3A_2, %add3A_551 : i32
    %dma_wait3A_553 = tpu.memref_slice %arg2[%add3A_552] : memref<320000xi32, #tpu.memory_space<hbm>> -> memref<128xi32, #tpu.memory_space<hbm>>
    %dma_wait3A_554 = tpu.memref_slice %arg2[%add3A_552] : memref<320000xi32, #tpu.memory_space<hbm>> -> memref<128xi32, #tpu.memory_space<hbm>>
    tpu.wait_dma2 semaphore(%arg86 : memref<!tpu.dma_semaphore, #tpu.memory_space<semaphore_mem>>) src(%dma_wait3A_554 : memref<128xi32, #tpu.memory_space<hbm>>) dst(%arg61 : memref<128xi32, #tpu.memory_space<vmem>>)
    %add3A_555 = arith.constant 7040 : i32
    %add3A_556 = arith.addi %mul3A_2, %add3A_555 : i32
    %dma_wait3A_557 = tpu.memref_slice %arg2[%add3A_556] : memref<320000xi32, #tpu.memory_space<hbm>> -> memref<128xi32, #tpu.memory_space<hbm>>
    %dma_wait3A_558 = tpu.memref_slice %arg2[%add3A_556] : memref<320000xi32, #tpu.memory_space<hbm>> -> memref<128xi32, #tpu.memory_space<hbm>>
    tpu.wait_dma2 semaphore(%arg86 : memref<!tpu.dma_semaphore, #tpu.memory_space<semaphore_mem>>) src(%dma_wait3A_558 : memref<128xi32, #tpu.memory_space<hbm>>) dst(%arg62 : memref<128xi32, #tpu.memory_space<vmem>>)
    %add3A_559 = arith.constant 7168 : i32
    %add3A_560 = arith.addi %mul3A_2, %add3A_559 : i32
    %dma_wait3A_561 = tpu.memref_slice %arg2[%add3A_560] : memref<320000xi32, #tpu.memory_space<hbm>> -> memref<128xi32, #tpu.memory_space<hbm>>
    %dma_wait3A_562 = tpu.memref_slice %arg2[%add3A_560] : memref<320000xi32, #tpu.memory_space<hbm>> -> memref<128xi32, #tpu.memory_space<hbm>>
    tpu.wait_dma2 semaphore(%arg86 : memref<!tpu.dma_semaphore, #tpu.memory_space<semaphore_mem>>) src(%dma_wait3A_562 : memref<128xi32, #tpu.memory_space<hbm>>) dst(%arg63 : memref<128xi32, #tpu.memory_space<vmem>>)
    %add3A_563 = arith.constant 7296 : i32
    %add3A_564 = arith.addi %mul3A_2, %add3A_563 : i32
    %dma_wait3A_565 = tpu.memref_slice %arg2[%add3A_564] : memref<320000xi32, #tpu.memory_space<hbm>> -> memref<128xi32, #tpu.memory_space<hbm>>
    %dma_wait3A_566 = tpu.memref_slice %arg2[%add3A_564] : memref<320000xi32, #tpu.memory_space<hbm>> -> memref<128xi32, #tpu.memory_space<hbm>>
    tpu.wait_dma2 semaphore(%arg86 : memref<!tpu.dma_semaphore, #tpu.memory_space<semaphore_mem>>) src(%dma_wait3A_566 : memref<128xi32, #tpu.memory_space<hbm>>) dst(%arg64 : memref<128xi32, #tpu.memory_space<vmem>>)
    %add3A_567 = arith.constant 7424 : i32
    %add3A_568 = arith.addi %mul3A_2, %add3A_567 : i32
    %dma_wait3A_569 = tpu.memref_slice %arg2[%add3A_568] : memref<320000xi32, #tpu.memory_space<hbm>> -> memref<128xi32, #tpu.memory_space<hbm>>
    %dma_wait3A_570 = tpu.memref_slice %arg2[%add3A_568] : memref<320000xi32, #tpu.memory_space<hbm>> -> memref<128xi32, #tpu.memory_space<hbm>>
    tpu.wait_dma2 semaphore(%arg86 : memref<!tpu.dma_semaphore, #tpu.memory_space<semaphore_mem>>) src(%dma_wait3A_570 : memref<128xi32, #tpu.memory_space<hbm>>) dst(%arg65 : memref<128xi32, #tpu.memory_space<vmem>>)
    %add3A_571 = arith.constant 7552 : i32
    %add3A_572 = arith.addi %mul3A_2, %add3A_571 : i32
    %dma_wait3A_573 = tpu.memref_slice %arg2[%add3A_572] : memref<320000xi32, #tpu.memory_space<hbm>> -> memref<128xi32, #tpu.memory_space<hbm>>
    %dma_wait3A_574 = tpu.memref_slice %arg2[%add3A_572] : memref<320000xi32, #tpu.memory_space<hbm>> -> memref<128xi32, #tpu.memory_space<hbm>>
    tpu.wait_dma2 semaphore(%arg86 : memref<!tpu.dma_semaphore, #tpu.memory_space<semaphore_mem>>) src(%dma_wait3A_574 : memref<128xi32, #tpu.memory_space<hbm>>) dst(%arg66 : memref<128xi32, #tpu.memory_space<vmem>>)
    %add3A_575 = arith.constant 7680 : i32
    %add3A_576 = arith.addi %mul3A_2, %add3A_575 : i32
    %dma_wait3A_577 = tpu.memref_slice %arg2[%add3A_576] : memref<320000xi32, #tpu.memory_space<hbm>> -> memref<128xi32, #tpu.memory_space<hbm>>
    %dma_wait3A_578 = tpu.memref_slice %arg2[%add3A_576] : memref<320000xi32, #tpu.memory_space<hbm>> -> memref<128xi32, #tpu.memory_space<hbm>>
    tpu.wait_dma2 semaphore(%arg86 : memref<!tpu.dma_semaphore, #tpu.memory_space<semaphore_mem>>) src(%dma_wait3A_578 : memref<128xi32, #tpu.memory_space<hbm>>) dst(%arg67 : memref<128xi32, #tpu.memory_space<vmem>>)
    %add3A_579 = arith.constant 7808 : i32
    %add3A_580 = arith.addi %mul3A_2, %add3A_579 : i32
    %dma_wait3A_581 = tpu.memref_slice %arg2[%add3A_580] : memref<320000xi32, #tpu.memory_space<hbm>> -> memref<128xi32, #tpu.memory_space<hbm>>
    %dma_wait3A_582 = tpu.memref_slice %arg2[%add3A_580] : memref<320000xi32, #tpu.memory_space<hbm>> -> memref<128xi32, #tpu.memory_space<hbm>>
    tpu.wait_dma2 semaphore(%arg86 : memref<!tpu.dma_semaphore, #tpu.memory_space<semaphore_mem>>) src(%dma_wait3A_582 : memref<128xi32, #tpu.memory_space<hbm>>) dst(%arg68 : memref<128xi32, #tpu.memory_space<vmem>>)
    %add3A_583 = arith.constant 7936 : i32
    %add3A_584 = arith.addi %mul3A_2, %add3A_583 : i32
    %dma_wait3A_585 = tpu.memref_slice %arg2[%add3A_584] : memref<320000xi32, #tpu.memory_space<hbm>> -> memref<128xi32, #tpu.memory_space<hbm>>
    %dma_wait3A_586 = tpu.memref_slice %arg2[%add3A_584] : memref<320000xi32, #tpu.memory_space<hbm>> -> memref<128xi32, #tpu.memory_space<hbm>>
    tpu.wait_dma2 semaphore(%arg86 : memref<!tpu.dma_semaphore, #tpu.memory_space<semaphore_mem>>) src(%dma_wait3A_586 : memref<128xi32, #tpu.memory_space<hbm>>) dst(%arg69 : memref<128xi32, #tpu.memory_space<vmem>>)
    %add3A_587 = arith.constant 8064 : i32
    %add3A_588 = arith.addi %mul3A_2, %add3A_587 : i32
    %dma_wait3A_589 = tpu.memref_slice %arg2[%add3A_588] : memref<320000xi32, #tpu.memory_space<hbm>> -> memref<128xi32, #tpu.memory_space<hbm>>
    %dma_wait3A_590 = tpu.memref_slice %arg2[%add3A_588] : memref<320000xi32, #tpu.memory_space<hbm>> -> memref<128xi32, #tpu.memory_space<hbm>>
    tpu.wait_dma2 semaphore(%arg86 : memref<!tpu.dma_semaphore, #tpu.memory_space<semaphore_mem>>) src(%dma_wait3A_590 : memref<128xi32, #tpu.memory_space<hbm>>) dst(%arg70 : memref<128xi32, #tpu.memory_space<vmem>>)
    %add3A_591 = arith.constant 8192 : i32
    %add3A_592 = arith.addi %mul3A_2, %add3A_591 : i32
    %dma_wait3A_593 = tpu.memref_slice %arg2[%add3A_592] : memref<320000xi32, #tpu.memory_space<hbm>> -> memref<128xi32, #tpu.memory_space<hbm>>
    %dma_wait3A_594 = tpu.memref_slice %arg2[%add3A_592] : memref<320000xi32, #tpu.memory_space<hbm>> -> memref<128xi32, #tpu.memory_space<hbm>>
    tpu.wait_dma2 semaphore(%arg86 : memref<!tpu.dma_semaphore, #tpu.memory_space<semaphore_mem>>) src(%dma_wait3A_594 : memref<128xi32, #tpu.memory_space<hbm>>) dst(%arg71 : memref<128xi32, #tpu.memory_space<vmem>>)
    %add3A_595 = arith.constant 8320 : i32
    %add3A_596 = arith.addi %mul3A_2, %add3A_595 : i32
    %dma_wait3A_597 = tpu.memref_slice %arg2[%add3A_596] : memref<320000xi32, #tpu.memory_space<hbm>> -> memref<128xi32, #tpu.memory_space<hbm>>
    %dma_wait3A_598 = tpu.memref_slice %arg2[%add3A_596] : memref<320000xi32, #tpu.memory_space<hbm>> -> memref<128xi32, #tpu.memory_space<hbm>>
    tpu.wait_dma2 semaphore(%arg86 : memref<!tpu.dma_semaphore, #tpu.memory_space<semaphore_mem>>) src(%dma_wait3A_598 : memref<128xi32, #tpu.memory_space<hbm>>) dst(%arg72 : memref<128xi32, #tpu.memory_space<vmem>>)
    %add3A_599 = arith.constant 8448 : i32
    %add3A_600 = arith.addi %mul3A_2, %add3A_599 : i32
    %dma_wait3A_601 = tpu.memref_slice %arg2[%add3A_600] : memref<320000xi32, #tpu.memory_space<hbm>> -> memref<128xi32, #tpu.memory_space<hbm>>
    %dma_wait3A_602 = tpu.memref_slice %arg2[%add3A_600] : memref<320000xi32, #tpu.memory_space<hbm>> -> memref<128xi32, #tpu.memory_space<hbm>>
    tpu.wait_dma2 semaphore(%arg86 : memref<!tpu.dma_semaphore, #tpu.memory_space<semaphore_mem>>) src(%dma_wait3A_602 : memref<128xi32, #tpu.memory_space<hbm>>) dst(%arg73 : memref<128xi32, #tpu.memory_space<vmem>>)
    %add3A_603 = arith.constant 8576 : i32
    %add3A_604 = arith.addi %mul3A_2, %add3A_603 : i32
    %dma_wait3A_605 = tpu.memref_slice %arg2[%add3A_604] : memref<320000xi32, #tpu.memory_space<hbm>> -> memref<128xi32, #tpu.memory_space<hbm>>
    %dma_wait3A_606 = tpu.memref_slice %arg2[%add3A_604] : memref<320000xi32, #tpu.memory_space<hbm>> -> memref<128xi32, #tpu.memory_space<hbm>>
    tpu.wait_dma2 semaphore(%arg86 : memref<!tpu.dma_semaphore, #tpu.memory_space<semaphore_mem>>) src(%dma_wait3A_606 : memref<128xi32, #tpu.memory_space<hbm>>) dst(%arg74 : memref<128xi32, #tpu.memory_space<vmem>>)
    %add3A_607 = arith.constant 8704 : i32
    %add3A_608 = arith.addi %mul3A_2, %add3A_607 : i32
    %dma_wait3A_609 = tpu.memref_slice %arg2[%add3A_608] : memref<320000xi32, #tpu.memory_space<hbm>> -> memref<128xi32, #tpu.memory_space<hbm>>
    %dma_wait3A_610 = tpu.memref_slice %arg2[%add3A_608] : memref<320000xi32, #tpu.memory_space<hbm>> -> memref<128xi32, #tpu.memory_space<hbm>>
    tpu.wait_dma2 semaphore(%arg86 : memref<!tpu.dma_semaphore, #tpu.memory_space<semaphore_mem>>) src(%dma_wait3A_610 : memref<128xi32, #tpu.memory_space<hbm>>) dst(%arg75 : memref<128xi32, #tpu.memory_space<vmem>>)
    %add3A_611 = arith.constant 8832 : i32
    %add3A_612 = arith.addi %mul3A_2, %add3A_611 : i32
    %dma_wait3A_613 = tpu.memref_slice %arg2[%add3A_612] : memref<320000xi32, #tpu.memory_space<hbm>> -> memref<128xi32, #tpu.memory_space<hbm>>
    %dma_wait3A_614 = tpu.memref_slice %arg2[%add3A_612] : memref<320000xi32, #tpu.memory_space<hbm>> -> memref<128xi32, #tpu.memory_space<hbm>>
    tpu.wait_dma2 semaphore(%arg86 : memref<!tpu.dma_semaphore, #tpu.memory_space<semaphore_mem>>) src(%dma_wait3A_614 : memref<128xi32, #tpu.memory_space<hbm>>) dst(%arg76 : memref<128xi32, #tpu.memory_space<vmem>>)
    %add3A_615 = arith.constant 8960 : i32
    %add3A_616 = arith.addi %mul3A_2, %add3A_615 : i32
    %dma_wait3A_617 = tpu.memref_slice %arg2[%add3A_616] : memref<320000xi32, #tpu.memory_space<hbm>> -> memref<128xi32, #tpu.memory_space<hbm>>
    %dma_wait3A_618 = tpu.memref_slice %arg2[%add3A_616] : memref<320000xi32, #tpu.memory_space<hbm>> -> memref<128xi32, #tpu.memory_space<hbm>>
    tpu.wait_dma2 semaphore(%arg86 : memref<!tpu.dma_semaphore, #tpu.memory_space<semaphore_mem>>) src(%dma_wait3A_618 : memref<128xi32, #tpu.memory_space<hbm>>) dst(%arg77 : memref<128xi32, #tpu.memory_space<vmem>>)
    %add3A_619 = arith.constant 9088 : i32
    %add3A_620 = arith.addi %mul3A_2, %add3A_619 : i32
    %dma_wait3A_621 = tpu.memref_slice %arg2[%add3A_620] : memref<320000xi32, #tpu.memory_space<hbm>> -> memref<128xi32, #tpu.memory_space<hbm>>
    %dma_wait3A_622 = tpu.memref_slice %arg2[%add3A_620] : memref<320000xi32, #tpu.memory_space<hbm>> -> memref<128xi32, #tpu.memory_space<hbm>>
    tpu.wait_dma2 semaphore(%arg86 : memref<!tpu.dma_semaphore, #tpu.memory_space<semaphore_mem>>) src(%dma_wait3A_622 : memref<128xi32, #tpu.memory_space<hbm>>) dst(%arg78 : memref<128xi32, #tpu.memory_space<vmem>>)
    %add3A_623 = arith.constant 9216 : i32
    %add3A_624 = arith.addi %mul3A_2, %add3A_623 : i32
    %dma_wait3A_625 = tpu.memref_slice %arg2[%add3A_624] : memref<320000xi32, #tpu.memory_space<hbm>> -> memref<128xi32, #tpu.memory_space<hbm>>
    %dma_wait3A_626 = tpu.memref_slice %arg2[%add3A_624] : memref<320000xi32, #tpu.memory_space<hbm>> -> memref<128xi32, #tpu.memory_space<hbm>>
    tpu.wait_dma2 semaphore(%arg86 : memref<!tpu.dma_semaphore, #tpu.memory_space<semaphore_mem>>) src(%dma_wait3A_626 : memref<128xi32, #tpu.memory_space<hbm>>) dst(%arg79 : memref<128xi32, #tpu.memory_space<vmem>>)
    %add3A_627 = arith.constant 9344 : i32
    %add3A_628 = arith.addi %mul3A_2, %add3A_627 : i32
    %dma_wait3A_629 = tpu.memref_slice %arg2[%add3A_628] : memref<320000xi32, #tpu.memory_space<hbm>> -> memref<128xi32, #tpu.memory_space<hbm>>
    %dma_wait3A_630 = tpu.memref_slice %arg2[%add3A_628] : memref<320000xi32, #tpu.memory_space<hbm>> -> memref<128xi32, #tpu.memory_space<hbm>>
    tpu.wait_dma2 semaphore(%arg86 : memref<!tpu.dma_semaphore, #tpu.memory_space<semaphore_mem>>) src(%dma_wait3A_630 : memref<128xi32, #tpu.memory_space<hbm>>) dst(%arg80 : memref<128xi32, #tpu.memory_space<vmem>>)
    %add3A_631 = arith.constant 9472 : i32
    %add3A_632 = arith.addi %mul3A_2, %add3A_631 : i32
    %dma_wait3A_633 = tpu.memref_slice %arg2[%add3A_632] : memref<320000xi32, #tpu.memory_space<hbm>> -> memref<128xi32, #tpu.memory_space<hbm>>
    %dma_wait3A_634 = tpu.memref_slice %arg2[%add3A_632] : memref<320000xi32, #tpu.memory_space<hbm>> -> memref<128xi32, #tpu.memory_space<hbm>>
    tpu.wait_dma2 semaphore(%arg86 : memref<!tpu.dma_semaphore, #tpu.memory_space<semaphore_mem>>) src(%dma_wait3A_634 : memref<128xi32, #tpu.memory_space<hbm>>) dst(%arg81 : memref<128xi32, #tpu.memory_space<vmem>>)
    %add3A_635 = arith.constant 9600 : i32
    %add3A_636 = arith.addi %mul3A_2, %add3A_635 : i32
    %dma_wait3A_637 = tpu.memref_slice %arg2[%add3A_636] : memref<320000xi32, #tpu.memory_space<hbm>> -> memref<128xi32, #tpu.memory_space<hbm>>
    %dma_wait3A_638 = tpu.memref_slice %arg2[%add3A_636] : memref<320000xi32, #tpu.memory_space<hbm>> -> memref<128xi32, #tpu.memory_space<hbm>>
    tpu.wait_dma2 semaphore(%arg86 : memref<!tpu.dma_semaphore, #tpu.memory_space<semaphore_mem>>) src(%dma_wait3A_638 : memref<128xi32, #tpu.memory_space<hbm>>) dst(%arg82 : memref<128xi32, #tpu.memory_space<vmem>>)
    %add3A_639 = arith.constant 9728 : i32
    %add3A_640 = arith.addi %mul3A_2, %add3A_639 : i32
    %dma_wait3A_641 = tpu.memref_slice %arg2[%add3A_640] : memref<320000xi32, #tpu.memory_space<hbm>> -> memref<128xi32, #tpu.memory_space<hbm>>
    %dma_wait3A_642 = tpu.memref_slice %arg2[%add3A_640] : memref<320000xi32, #tpu.memory_space<hbm>> -> memref<128xi32, #tpu.memory_space<hbm>>
    tpu.wait_dma2 semaphore(%arg86 : memref<!tpu.dma_semaphore, #tpu.memory_space<semaphore_mem>>) src(%dma_wait3A_642 : memref<128xi32, #tpu.memory_space<hbm>>) dst(%arg83 : memref<128xi32, #tpu.memory_space<vmem>>)
    %add3A_643 = arith.constant 9856 : i32
    %add3A_644 = arith.addi %mul3A_2, %add3A_643 : i32
    %dma_wait3A_645 = tpu.memref_slice %arg2[%add3A_644] : memref<320000xi32, #tpu.memory_space<hbm>> -> memref<128xi32, #tpu.memory_space<hbm>>
    %dma_wait3A_646 = tpu.memref_slice %arg2[%add3A_644] : memref<320000xi32, #tpu.memory_space<hbm>> -> memref<128xi32, #tpu.memory_space<hbm>>
    tpu.wait_dma2 semaphore(%arg86 : memref<!tpu.dma_semaphore, #tpu.memory_space<semaphore_mem>>) src(%dma_wait3A_646 : memref<128xi32, #tpu.memory_space<hbm>>) dst(%arg84 : memref<128xi32, #tpu.memory_space<vmem>>)
    %add3A_647 = arith.constant 9984 : i32
    %add3A_648 = arith.addi %mul3A_2, %add3A_647 : i32
    %dma_wait3A_649 = tpu.memref_slice %arg2[%add3A_648] : memref<320000xi32, #tpu.memory_space<hbm>> -> memref<16xi32, #tpu.memory_space<hbm>>
    %dma_wait3A_650 = tpu.memref_slice %arg2[%add3A_648] : memref<320000xi32, #tpu.memory_space<hbm>> -> memref<16xi32, #tpu.memory_space<hbm>>
    tpu.wait_dma2 semaphore(%arg86 : memref<!tpu.dma_semaphore, #tpu.memory_space<semaphore_mem>>) src(%dma_wait3A_650 : memref<16xi32, #tpu.memory_space<hbm>>) dst(%arg85 : memref<16xi32, #tpu.memory_space<vmem>>)
    %dma_start3A_651 = arith.constant 0 : i32
    %dma_start3A_652 = tpu.memref_slice %arg6[%dma_start3A_651] : memref<10240xf32, #tpu.memory_space<vmem_shared>> -> memref<10240xf32, #tpu.memory_space<vmem_shared>>
    tpu.enqueue_indirect_dma source(%arg4 : memref<128xf32, #tpu.memory_space<vmem>>) target(%dma_start3A_652 : memref<10240xf32, #tpu.memory_space<vmem_shared>>) offsets(%arg7 : memref<128xi32, #tpu.memory_space<vmem>>) semaphore(%arg87 : memref<!tpu.dma_semaphore, #tpu.memory_space<semaphore_mem>>) {add = true}
    %dma_start3A_653 = arith.constant 0 : i32
    %dma_start3A_654 = tpu.memref_slice %arg6[%dma_start3A_653] : memref<10240xf32, #tpu.memory_space<vmem_shared>> -> memref<10240xf32, #tpu.memory_space<vmem_shared>>
    tpu.enqueue_indirect_dma source(%arg4 : memref<128xf32, #tpu.memory_space<vmem>>) target(%dma_start3A_654 : memref<10240xf32, #tpu.memory_space<vmem_shared>>) offsets(%arg8 : memref<128xi32, #tpu.memory_space<vmem>>) semaphore(%arg87 : memref<!tpu.dma_semaphore, #tpu.memory_space<semaphore_mem>>) {add = true}
    %dma_start3A_655 = arith.constant 0 : i32
    %dma_start3A_656 = tpu.memref_slice %arg6[%dma_start3A_655] : memref<10240xf32, #tpu.memory_space<vmem_shared>> -> memref<10240xf32, #tpu.memory_space<vmem_shared>>
    tpu.enqueue_indirect_dma source(%arg4 : memref<128xf32, #tpu.memory_space<vmem>>) target(%dma_start3A_656 : memref<10240xf32, #tpu.memory_space<vmem_shared>>) offsets(%arg9 : memref<128xi32, #tpu.memory_space<vmem>>) semaphore(%arg87 : memref<!tpu.dma_semaphore, #tpu.memory_space<semaphore_mem>>) {add = true}
    %dma_start3A_657 = arith.constant 0 : i32
    %dma_start3A_658 = tpu.memref_slice %arg6[%dma_start3A_657] : memref<10240xf32, #tpu.memory_space<vmem_shared>> -> memref<10240xf32, #tpu.memory_space<vmem_shared>>
    tpu.enqueue_indirect_dma source(%arg4 : memref<128xf32, #tpu.memory_space<vmem>>) target(%dma_start3A_658 : memref<10240xf32, #tpu.memory_space<vmem_shared>>) offsets(%arg10 : memref<128xi32, #tpu.memory_space<vmem>>) semaphore(%arg87 : memref<!tpu.dma_semaphore, #tpu.memory_space<semaphore_mem>>) {add = true}
    %dma_start3A_659 = arith.constant 0 : i32
    %dma_start3A_660 = tpu.memref_slice %arg6[%dma_start3A_659] : memref<10240xf32, #tpu.memory_space<vmem_shared>> -> memref<10240xf32, #tpu.memory_space<vmem_shared>>
    tpu.enqueue_indirect_dma source(%arg4 : memref<128xf32, #tpu.memory_space<vmem>>) target(%dma_start3A_660 : memref<10240xf32, #tpu.memory_space<vmem_shared>>) offsets(%arg11 : memref<128xi32, #tpu.memory_space<vmem>>) semaphore(%arg87 : memref<!tpu.dma_semaphore, #tpu.memory_space<semaphore_mem>>) {add = true}
    %dma_start3A_661 = arith.constant 0 : i32
    %dma_start3A_662 = tpu.memref_slice %arg6[%dma_start3A_661] : memref<10240xf32, #tpu.memory_space<vmem_shared>> -> memref<10240xf32, #tpu.memory_space<vmem_shared>>
    tpu.enqueue_indirect_dma source(%arg4 : memref<128xf32, #tpu.memory_space<vmem>>) target(%dma_start3A_662 : memref<10240xf32, #tpu.memory_space<vmem_shared>>) offsets(%arg12 : memref<128xi32, #tpu.memory_space<vmem>>) semaphore(%arg87 : memref<!tpu.dma_semaphore, #tpu.memory_space<semaphore_mem>>) {add = true}
    %dma_start3A_663 = arith.constant 0 : i32
    %dma_start3A_664 = tpu.memref_slice %arg6[%dma_start3A_663] : memref<10240xf32, #tpu.memory_space<vmem_shared>> -> memref<10240xf32, #tpu.memory_space<vmem_shared>>
    tpu.enqueue_indirect_dma source(%arg4 : memref<128xf32, #tpu.memory_space<vmem>>) target(%dma_start3A_664 : memref<10240xf32, #tpu.memory_space<vmem_shared>>) offsets(%arg13 : memref<128xi32, #tpu.memory_space<vmem>>) semaphore(%arg87 : memref<!tpu.dma_semaphore, #tpu.memory_space<semaphore_mem>>) {add = true}
    %dma_start3A_665 = arith.constant 0 : i32
    %dma_start3A_666 = tpu.memref_slice %arg6[%dma_start3A_665] : memref<10240xf32, #tpu.memory_space<vmem_shared>> -> memref<10240xf32, #tpu.memory_space<vmem_shared>>
    tpu.enqueue_indirect_dma source(%arg4 : memref<128xf32, #tpu.memory_space<vmem>>) target(%dma_start3A_666 : memref<10240xf32, #tpu.memory_space<vmem_shared>>) offsets(%arg14 : memref<128xi32, #tpu.memory_space<vmem>>) semaphore(%arg87 : memref<!tpu.dma_semaphore, #tpu.memory_space<semaphore_mem>>) {add = true}
    %dma_start3A_667 = arith.constant 0 : i32
    %dma_start3A_668 = tpu.memref_slice %arg6[%dma_start3A_667] : memref<10240xf32, #tpu.memory_space<vmem_shared>> -> memref<10240xf32, #tpu.memory_space<vmem_shared>>
    tpu.enqueue_indirect_dma source(%arg4 : memref<128xf32, #tpu.memory_space<vmem>>) target(%dma_start3A_668 : memref<10240xf32, #tpu.memory_space<vmem_shared>>) offsets(%arg15 : memref<128xi32, #tpu.memory_space<vmem>>) semaphore(%arg87 : memref<!tpu.dma_semaphore, #tpu.memory_space<semaphore_mem>>) {add = true}
    %dma_start3A_669 = arith.constant 0 : i32
    %dma_start3A_670 = tpu.memref_slice %arg6[%dma_start3A_669] : memref<10240xf32, #tpu.memory_space<vmem_shared>> -> memref<10240xf32, #tpu.memory_space<vmem_shared>>
    tpu.enqueue_indirect_dma source(%arg4 : memref<128xf32, #tpu.memory_space<vmem>>) target(%dma_start3A_670 : memref<10240xf32, #tpu.memory_space<vmem_shared>>) offsets(%arg16 : memref<128xi32, #tpu.memory_space<vmem>>) semaphore(%arg87 : memref<!tpu.dma_semaphore, #tpu.memory_space<semaphore_mem>>) {add = true}
    %dma_start3A_671 = arith.constant 0 : i32
    %dma_start3A_672 = tpu.memref_slice %arg6[%dma_start3A_671] : memref<10240xf32, #tpu.memory_space<vmem_shared>> -> memref<10240xf32, #tpu.memory_space<vmem_shared>>
    tpu.enqueue_indirect_dma source(%arg4 : memref<128xf32, #tpu.memory_space<vmem>>) target(%dma_start3A_672 : memref<10240xf32, #tpu.memory_space<vmem_shared>>) offsets(%arg17 : memref<128xi32, #tpu.memory_space<vmem>>) semaphore(%arg87 : memref<!tpu.dma_semaphore, #tpu.memory_space<semaphore_mem>>) {add = true}
    %dma_start3A_673 = arith.constant 0 : i32
    %dma_start3A_674 = tpu.memref_slice %arg6[%dma_start3A_673] : memref<10240xf32, #tpu.memory_space<vmem_shared>> -> memref<10240xf32, #tpu.memory_space<vmem_shared>>
    tpu.enqueue_indirect_dma source(%arg4 : memref<128xf32, #tpu.memory_space<vmem>>) target(%dma_start3A_674 : memref<10240xf32, #tpu.memory_space<vmem_shared>>) offsets(%arg18 : memref<128xi32, #tpu.memory_space<vmem>>) semaphore(%arg87 : memref<!tpu.dma_semaphore, #tpu.memory_space<semaphore_mem>>) {add = true}
    %dma_start3A_675 = arith.constant 0 : i32
    %dma_start3A_676 = tpu.memref_slice %arg6[%dma_start3A_675] : memref<10240xf32, #tpu.memory_space<vmem_shared>> -> memref<10240xf32, #tpu.memory_space<vmem_shared>>
    tpu.enqueue_indirect_dma source(%arg4 : memref<128xf32, #tpu.memory_space<vmem>>) target(%dma_start3A_676 : memref<10240xf32, #tpu.memory_space<vmem_shared>>) offsets(%arg19 : memref<128xi32, #tpu.memory_space<vmem>>) semaphore(%arg87 : memref<!tpu.dma_semaphore, #tpu.memory_space<semaphore_mem>>) {add = true}
    %dma_start3A_677 = arith.constant 0 : i32
    %dma_start3A_678 = tpu.memref_slice %arg6[%dma_start3A_677] : memref<10240xf32, #tpu.memory_space<vmem_shared>> -> memref<10240xf32, #tpu.memory_space<vmem_shared>>
    tpu.enqueue_indirect_dma source(%arg4 : memref<128xf32, #tpu.memory_space<vmem>>) target(%dma_start3A_678 : memref<10240xf32, #tpu.memory_space<vmem_shared>>) offsets(%arg20 : memref<128xi32, #tpu.memory_space<vmem>>) semaphore(%arg87 : memref<!tpu.dma_semaphore, #tpu.memory_space<semaphore_mem>>) {add = true}
    %dma_start3A_679 = arith.constant 0 : i32
    %dma_start3A_680 = tpu.memref_slice %arg6[%dma_start3A_679] : memref<10240xf32, #tpu.memory_space<vmem_shared>> -> memref<10240xf32, #tpu.memory_space<vmem_shared>>
    tpu.enqueue_indirect_dma source(%arg4 : memref<128xf32, #tpu.memory_space<vmem>>) target(%dma_start3A_680 : memref<10240xf32, #tpu.memory_space<vmem_shared>>) offsets(%arg21 : memref<128xi32, #tpu.memory_space<vmem>>) semaphore(%arg87 : memref<!tpu.dma_semaphore, #tpu.memory_space<semaphore_mem>>) {add = true}
    %dma_start3A_681 = arith.constant 0 : i32
    %dma_start3A_682 = tpu.memref_slice %arg6[%dma_start3A_681] : memref<10240xf32, #tpu.memory_space<vmem_shared>> -> memref<10240xf32, #tpu.memory_space<vmem_shared>>
    tpu.enqueue_indirect_dma source(%arg4 : memref<128xf32, #tpu.memory_space<vmem>>) target(%dma_start3A_682 : memref<10240xf32, #tpu.memory_space<vmem_shared>>) offsets(%arg22 : memref<128xi32, #tpu.memory_space<vmem>>) semaphore(%arg87 : memref<!tpu.dma_semaphore, #tpu.memory_space<semaphore_mem>>) {add = true}
    %dma_start3A_683 = arith.constant 0 : i32
    %dma_start3A_684 = tpu.memref_slice %arg6[%dma_start3A_683] : memref<10240xf32, #tpu.memory_space<vmem_shared>> -> memref<10240xf32, #tpu.memory_space<vmem_shared>>
    tpu.enqueue_indirect_dma source(%arg4 : memref<128xf32, #tpu.memory_space<vmem>>) target(%dma_start3A_684 : memref<10240xf32, #tpu.memory_space<vmem_shared>>) offsets(%arg23 : memref<128xi32, #tpu.memory_space<vmem>>) semaphore(%arg87 : memref<!tpu.dma_semaphore, #tpu.memory_space<semaphore_mem>>) {add = true}
    %dma_start3A_685 = arith.constant 0 : i32
    %dma_start3A_686 = tpu.memref_slice %arg6[%dma_start3A_685] : memref<10240xf32, #tpu.memory_space<vmem_shared>> -> memref<10240xf32, #tpu.memory_space<vmem_shared>>
    tpu.enqueue_indirect_dma source(%arg4 : memref<128xf32, #tpu.memory_space<vmem>>) target(%dma_start3A_686 : memref<10240xf32, #tpu.memory_space<vmem_shared>>) offsets(%arg24 : memref<128xi32, #tpu.memory_space<vmem>>) semaphore(%arg87 : memref<!tpu.dma_semaphore, #tpu.memory_space<semaphore_mem>>) {add = true}
    %dma_start3A_687 = arith.constant 0 : i32
    %dma_start3A_688 = tpu.memref_slice %arg6[%dma_start3A_687] : memref<10240xf32, #tpu.memory_space<vmem_shared>> -> memref<10240xf32, #tpu.memory_space<vmem_shared>>
    tpu.enqueue_indirect_dma source(%arg4 : memref<128xf32, #tpu.memory_space<vmem>>) target(%dma_start3A_688 : memref<10240xf32, #tpu.memory_space<vmem_shared>>) offsets(%arg25 : memref<128xi32, #tpu.memory_space<vmem>>) semaphore(%arg87 : memref<!tpu.dma_semaphore, #tpu.memory_space<semaphore_mem>>) {add = true}
    %dma_start3A_689 = arith.constant 0 : i32
    %dma_start3A_690 = tpu.memref_slice %arg6[%dma_start3A_689] : memref<10240xf32, #tpu.memory_space<vmem_shared>> -> memref<10240xf32, #tpu.memory_space<vmem_shared>>
    tpu.enqueue_indirect_dma source(%arg4 : memref<128xf32, #tpu.memory_space<vmem>>) target(%dma_start3A_690 : memref<10240xf32, #tpu.memory_space<vmem_shared>>) offsets(%arg26 : memref<128xi32, #tpu.memory_space<vmem>>) semaphore(%arg87 : memref<!tpu.dma_semaphore, #tpu.memory_space<semaphore_mem>>) {add = true}
    %dma_start3A_691 = arith.constant 0 : i32
    %dma_start3A_692 = tpu.memref_slice %arg6[%dma_start3A_691] : memref<10240xf32, #tpu.memory_space<vmem_shared>> -> memref<10240xf32, #tpu.memory_space<vmem_shared>>
    tpu.enqueue_indirect_dma source(%arg4 : memref<128xf32, #tpu.memory_space<vmem>>) target(%dma_start3A_692 : memref<10240xf32, #tpu.memory_space<vmem_shared>>) offsets(%arg27 : memref<128xi32, #tpu.memory_space<vmem>>) semaphore(%arg87 : memref<!tpu.dma_semaphore, #tpu.memory_space<semaphore_mem>>) {add = true}
    %dma_start3A_693 = arith.constant 0 : i32
    %dma_start3A_694 = tpu.memref_slice %arg6[%dma_start3A_693] : memref<10240xf32, #tpu.memory_space<vmem_shared>> -> memref<10240xf32, #tpu.memory_space<vmem_shared>>
    tpu.enqueue_indirect_dma source(%arg4 : memref<128xf32, #tpu.memory_space<vmem>>) target(%dma_start3A_694 : memref<10240xf32, #tpu.memory_space<vmem_shared>>) offsets(%arg28 : memref<128xi32, #tpu.memory_space<vmem>>) semaphore(%arg87 : memref<!tpu.dma_semaphore, #tpu.memory_space<semaphore_mem>>) {add = true}
    %dma_start3A_695 = arith.constant 0 : i32
    %dma_start3A_696 = tpu.memref_slice %arg6[%dma_start3A_695] : memref<10240xf32, #tpu.memory_space<vmem_shared>> -> memref<10240xf32, #tpu.memory_space<vmem_shared>>
    tpu.enqueue_indirect_dma source(%arg4 : memref<128xf32, #tpu.memory_space<vmem>>) target(%dma_start3A_696 : memref<10240xf32, #tpu.memory_space<vmem_shared>>) offsets(%arg29 : memref<128xi32, #tpu.memory_space<vmem>>) semaphore(%arg87 : memref<!tpu.dma_semaphore, #tpu.memory_space<semaphore_mem>>) {add = true}
    %dma_start3A_697 = arith.constant 0 : i32
    %dma_start3A_698 = tpu.memref_slice %arg6[%dma_start3A_697] : memref<10240xf32, #tpu.memory_space<vmem_shared>> -> memref<10240xf32, #tpu.memory_space<vmem_shared>>
    tpu.enqueue_indirect_dma source(%arg4 : memref<128xf32, #tpu.memory_space<vmem>>) target(%dma_start3A_698 : memref<10240xf32, #tpu.memory_space<vmem_shared>>) offsets(%arg30 : memref<128xi32, #tpu.memory_space<vmem>>) semaphore(%arg87 : memref<!tpu.dma_semaphore, #tpu.memory_space<semaphore_mem>>) {add = true}
    %dma_start3A_699 = arith.constant 0 : i32
    %dma_start3A_700 = tpu.memref_slice %arg6[%dma_start3A_699] : memref<10240xf32, #tpu.memory_space<vmem_shared>> -> memref<10240xf32, #tpu.memory_space<vmem_shared>>
    tpu.enqueue_indirect_dma source(%arg4 : memref<128xf32, #tpu.memory_space<vmem>>) target(%dma_start3A_700 : memref<10240xf32, #tpu.memory_space<vmem_shared>>) offsets(%arg31 : memref<128xi32, #tpu.memory_space<vmem>>) semaphore(%arg87 : memref<!tpu.dma_semaphore, #tpu.memory_space<semaphore_mem>>) {add = true}
    %dma_start3A_701 = arith.constant 0 : i32
    %dma_start3A_702 = tpu.memref_slice %arg6[%dma_start3A_701] : memref<10240xf32, #tpu.memory_space<vmem_shared>> -> memref<10240xf32, #tpu.memory_space<vmem_shared>>
    tpu.enqueue_indirect_dma source(%arg4 : memref<128xf32, #tpu.memory_space<vmem>>) target(%dma_start3A_702 : memref<10240xf32, #tpu.memory_space<vmem_shared>>) offsets(%arg32 : memref<128xi32, #tpu.memory_space<vmem>>) semaphore(%arg87 : memref<!tpu.dma_semaphore, #tpu.memory_space<semaphore_mem>>) {add = true}
    %dma_start3A_703 = arith.constant 0 : i32
    %dma_start3A_704 = tpu.memref_slice %arg6[%dma_start3A_703] : memref<10240xf32, #tpu.memory_space<vmem_shared>> -> memref<10240xf32, #tpu.memory_space<vmem_shared>>
    tpu.enqueue_indirect_dma source(%arg4 : memref<128xf32, #tpu.memory_space<vmem>>) target(%dma_start3A_704 : memref<10240xf32, #tpu.memory_space<vmem_shared>>) offsets(%arg33 : memref<128xi32, #tpu.memory_space<vmem>>) semaphore(%arg87 : memref<!tpu.dma_semaphore, #tpu.memory_space<semaphore_mem>>) {add = true}
    %dma_start3A_705 = arith.constant 0 : i32
    %dma_start3A_706 = tpu.memref_slice %arg6[%dma_start3A_705] : memref<10240xf32, #tpu.memory_space<vmem_shared>> -> memref<10240xf32, #tpu.memory_space<vmem_shared>>
    tpu.enqueue_indirect_dma source(%arg4 : memref<128xf32, #tpu.memory_space<vmem>>) target(%dma_start3A_706 : memref<10240xf32, #tpu.memory_space<vmem_shared>>) offsets(%arg34 : memref<128xi32, #tpu.memory_space<vmem>>) semaphore(%arg87 : memref<!tpu.dma_semaphore, #tpu.memory_space<semaphore_mem>>) {add = true}
    %dma_start3A_707 = arith.constant 0 : i32
    %dma_start3A_708 = tpu.memref_slice %arg6[%dma_start3A_707] : memref<10240xf32, #tpu.memory_space<vmem_shared>> -> memref<10240xf32, #tpu.memory_space<vmem_shared>>
    tpu.enqueue_indirect_dma source(%arg4 : memref<128xf32, #tpu.memory_space<vmem>>) target(%dma_start3A_708 : memref<10240xf32, #tpu.memory_space<vmem_shared>>) offsets(%arg35 : memref<128xi32, #tpu.memory_space<vmem>>) semaphore(%arg87 : memref<!tpu.dma_semaphore, #tpu.memory_space<semaphore_mem>>) {add = true}
    %dma_start3A_709 = arith.constant 0 : i32
    %dma_start3A_710 = tpu.memref_slice %arg6[%dma_start3A_709] : memref<10240xf32, #tpu.memory_space<vmem_shared>> -> memref<10240xf32, #tpu.memory_space<vmem_shared>>
    tpu.enqueue_indirect_dma source(%arg4 : memref<128xf32, #tpu.memory_space<vmem>>) target(%dma_start3A_710 : memref<10240xf32, #tpu.memory_space<vmem_shared>>) offsets(%arg36 : memref<128xi32, #tpu.memory_space<vmem>>) semaphore(%arg87 : memref<!tpu.dma_semaphore, #tpu.memory_space<semaphore_mem>>) {add = true}
    %dma_start3A_711 = arith.constant 0 : i32
    %dma_start3A_712 = tpu.memref_slice %arg6[%dma_start3A_711] : memref<10240xf32, #tpu.memory_space<vmem_shared>> -> memref<10240xf32, #tpu.memory_space<vmem_shared>>
    tpu.enqueue_indirect_dma source(%arg4 : memref<128xf32, #tpu.memory_space<vmem>>) target(%dma_start3A_712 : memref<10240xf32, #tpu.memory_space<vmem_shared>>) offsets(%arg37 : memref<128xi32, #tpu.memory_space<vmem>>) semaphore(%arg87 : memref<!tpu.dma_semaphore, #tpu.memory_space<semaphore_mem>>) {add = true}
    %dma_start3A_713 = arith.constant 0 : i32
    %dma_start3A_714 = tpu.memref_slice %arg6[%dma_start3A_713] : memref<10240xf32, #tpu.memory_space<vmem_shared>> -> memref<10240xf32, #tpu.memory_space<vmem_shared>>
    tpu.enqueue_indirect_dma source(%arg4 : memref<128xf32, #tpu.memory_space<vmem>>) target(%dma_start3A_714 : memref<10240xf32, #tpu.memory_space<vmem_shared>>) offsets(%arg38 : memref<128xi32, #tpu.memory_space<vmem>>) semaphore(%arg87 : memref<!tpu.dma_semaphore, #tpu.memory_space<semaphore_mem>>) {add = true}
    %dma_start3A_715 = arith.constant 0 : i32
    %dma_start3A_716 = tpu.memref_slice %arg6[%dma_start3A_715] : memref<10240xf32, #tpu.memory_space<vmem_shared>> -> memref<10240xf32, #tpu.memory_space<vmem_shared>>
    tpu.enqueue_indirect_dma source(%arg4 : memref<128xf32, #tpu.memory_space<vmem>>) target(%dma_start3A_716 : memref<10240xf32, #tpu.memory_space<vmem_shared>>) offsets(%arg39 : memref<128xi32, #tpu.memory_space<vmem>>) semaphore(%arg87 : memref<!tpu.dma_semaphore, #tpu.memory_space<semaphore_mem>>) {add = true}
    %dma_start3A_717 = arith.constant 0 : i32
    %dma_start3A_718 = tpu.memref_slice %arg6[%dma_start3A_717] : memref<10240xf32, #tpu.memory_space<vmem_shared>> -> memref<10240xf32, #tpu.memory_space<vmem_shared>>
    tpu.enqueue_indirect_dma source(%arg4 : memref<128xf32, #tpu.memory_space<vmem>>) target(%dma_start3A_718 : memref<10240xf32, #tpu.memory_space<vmem_shared>>) offsets(%arg40 : memref<128xi32, #tpu.memory_space<vmem>>) semaphore(%arg87 : memref<!tpu.dma_semaphore, #tpu.memory_space<semaphore_mem>>) {add = true}
    %dma_start3A_719 = arith.constant 0 : i32
    %dma_start3A_720 = tpu.memref_slice %arg6[%dma_start3A_719] : memref<10240xf32, #tpu.memory_space<vmem_shared>> -> memref<10240xf32, #tpu.memory_space<vmem_shared>>
    tpu.enqueue_indirect_dma source(%arg4 : memref<128xf32, #tpu.memory_space<vmem>>) target(%dma_start3A_720 : memref<10240xf32, #tpu.memory_space<vmem_shared>>) offsets(%arg41 : memref<128xi32, #tpu.memory_space<vmem>>) semaphore(%arg87 : memref<!tpu.dma_semaphore, #tpu.memory_space<semaphore_mem>>) {add = true}
    %dma_start3A_721 = arith.constant 0 : i32
    %dma_start3A_722 = tpu.memref_slice %arg6[%dma_start3A_721] : memref<10240xf32, #tpu.memory_space<vmem_shared>> -> memref<10240xf32, #tpu.memory_space<vmem_shared>>
    tpu.enqueue_indirect_dma source(%arg4 : memref<128xf32, #tpu.memory_space<vmem>>) target(%dma_start3A_722 : memref<10240xf32, #tpu.memory_space<vmem_shared>>) offsets(%arg42 : memref<128xi32, #tpu.memory_space<vmem>>) semaphore(%arg87 : memref<!tpu.dma_semaphore, #tpu.memory_space<semaphore_mem>>) {add = true}
    %dma_start3A_723 = arith.constant 0 : i32
    %dma_start3A_724 = tpu.memref_slice %arg6[%dma_start3A_723] : memref<10240xf32, #tpu.memory_space<vmem_shared>> -> memref<10240xf32, #tpu.memory_space<vmem_shared>>
    tpu.enqueue_indirect_dma source(%arg4 : memref<128xf32, #tpu.memory_space<vmem>>) target(%dma_start3A_724 : memref<10240xf32, #tpu.memory_space<vmem_shared>>) offsets(%arg43 : memref<128xi32, #tpu.memory_space<vmem>>) semaphore(%arg87 : memref<!tpu.dma_semaphore, #tpu.memory_space<semaphore_mem>>) {add = true}
    %dma_start3A_725 = arith.constant 0 : i32
    %dma_start3A_726 = tpu.memref_slice %arg6[%dma_start3A_725] : memref<10240xf32, #tpu.memory_space<vmem_shared>> -> memref<10240xf32, #tpu.memory_space<vmem_shared>>
    tpu.enqueue_indirect_dma source(%arg4 : memref<128xf32, #tpu.memory_space<vmem>>) target(%dma_start3A_726 : memref<10240xf32, #tpu.memory_space<vmem_shared>>) offsets(%arg44 : memref<128xi32, #tpu.memory_space<vmem>>) semaphore(%arg87 : memref<!tpu.dma_semaphore, #tpu.memory_space<semaphore_mem>>) {add = true}
    %dma_start3A_727 = arith.constant 0 : i32
    %dma_start3A_728 = tpu.memref_slice %arg6[%dma_start3A_727] : memref<10240xf32, #tpu.memory_space<vmem_shared>> -> memref<10240xf32, #tpu.memory_space<vmem_shared>>
    tpu.enqueue_indirect_dma source(%arg4 : memref<128xf32, #tpu.memory_space<vmem>>) target(%dma_start3A_728 : memref<10240xf32, #tpu.memory_space<vmem_shared>>) offsets(%arg45 : memref<128xi32, #tpu.memory_space<vmem>>) semaphore(%arg87 : memref<!tpu.dma_semaphore, #tpu.memory_space<semaphore_mem>>) {add = true}
    %dma_start3A_729 = arith.constant 0 : i32
    %dma_start3A_730 = tpu.memref_slice %arg6[%dma_start3A_729] : memref<10240xf32, #tpu.memory_space<vmem_shared>> -> memref<10240xf32, #tpu.memory_space<vmem_shared>>
    tpu.enqueue_indirect_dma source(%arg4 : memref<128xf32, #tpu.memory_space<vmem>>) target(%dma_start3A_730 : memref<10240xf32, #tpu.memory_space<vmem_shared>>) offsets(%arg46 : memref<128xi32, #tpu.memory_space<vmem>>) semaphore(%arg87 : memref<!tpu.dma_semaphore, #tpu.memory_space<semaphore_mem>>) {add = true}
    %dma_start3A_731 = arith.constant 0 : i32
    %dma_start3A_732 = tpu.memref_slice %arg6[%dma_start3A_731] : memref<10240xf32, #tpu.memory_space<vmem_shared>> -> memref<10240xf32, #tpu.memory_space<vmem_shared>>
    tpu.enqueue_indirect_dma source(%arg4 : memref<128xf32, #tpu.memory_space<vmem>>) target(%dma_start3A_732 : memref<10240xf32, #tpu.memory_space<vmem_shared>>) offsets(%arg47 : memref<128xi32, #tpu.memory_space<vmem>>) semaphore(%arg87 : memref<!tpu.dma_semaphore, #tpu.memory_space<semaphore_mem>>) {add = true}
    %dma_start3A_733 = arith.constant 0 : i32
    %dma_start3A_734 = tpu.memref_slice %arg6[%dma_start3A_733] : memref<10240xf32, #tpu.memory_space<vmem_shared>> -> memref<10240xf32, #tpu.memory_space<vmem_shared>>
    tpu.enqueue_indirect_dma source(%arg4 : memref<128xf32, #tpu.memory_space<vmem>>) target(%dma_start3A_734 : memref<10240xf32, #tpu.memory_space<vmem_shared>>) offsets(%arg48 : memref<128xi32, #tpu.memory_space<vmem>>) semaphore(%arg87 : memref<!tpu.dma_semaphore, #tpu.memory_space<semaphore_mem>>) {add = true}
    %dma_start3A_735 = arith.constant 0 : i32
    %dma_start3A_736 = tpu.memref_slice %arg6[%dma_start3A_735] : memref<10240xf32, #tpu.memory_space<vmem_shared>> -> memref<10240xf32, #tpu.memory_space<vmem_shared>>
    tpu.enqueue_indirect_dma source(%arg4 : memref<128xf32, #tpu.memory_space<vmem>>) target(%dma_start3A_736 : memref<10240xf32, #tpu.memory_space<vmem_shared>>) offsets(%arg49 : memref<128xi32, #tpu.memory_space<vmem>>) semaphore(%arg87 : memref<!tpu.dma_semaphore, #tpu.memory_space<semaphore_mem>>) {add = true}
    %dma_start3A_737 = arith.constant 0 : i32
    %dma_start3A_738 = tpu.memref_slice %arg6[%dma_start3A_737] : memref<10240xf32, #tpu.memory_space<vmem_shared>> -> memref<10240xf32, #tpu.memory_space<vmem_shared>>
    tpu.enqueue_indirect_dma source(%arg4 : memref<128xf32, #tpu.memory_space<vmem>>) target(%dma_start3A_738 : memref<10240xf32, #tpu.memory_space<vmem_shared>>) offsets(%arg50 : memref<128xi32, #tpu.memory_space<vmem>>) semaphore(%arg87 : memref<!tpu.dma_semaphore, #tpu.memory_space<semaphore_mem>>) {add = true}
    %dma_start3A_739 = arith.constant 0 : i32
    %dma_start3A_740 = tpu.memref_slice %arg6[%dma_start3A_739] : memref<10240xf32, #tpu.memory_space<vmem_shared>> -> memref<10240xf32, #tpu.memory_space<vmem_shared>>
    tpu.enqueue_indirect_dma source(%arg4 : memref<128xf32, #tpu.memory_space<vmem>>) target(%dma_start3A_740 : memref<10240xf32, #tpu.memory_space<vmem_shared>>) offsets(%arg51 : memref<128xi32, #tpu.memory_space<vmem>>) semaphore(%arg87 : memref<!tpu.dma_semaphore, #tpu.memory_space<semaphore_mem>>) {add = true}
    %dma_start3A_741 = arith.constant 0 : i32
    %dma_start3A_742 = tpu.memref_slice %arg6[%dma_start3A_741] : memref<10240xf32, #tpu.memory_space<vmem_shared>> -> memref<10240xf32, #tpu.memory_space<vmem_shared>>
    tpu.enqueue_indirect_dma source(%arg4 : memref<128xf32, #tpu.memory_space<vmem>>) target(%dma_start3A_742 : memref<10240xf32, #tpu.memory_space<vmem_shared>>) offsets(%arg52 : memref<128xi32, #tpu.memory_space<vmem>>) semaphore(%arg87 : memref<!tpu.dma_semaphore, #tpu.memory_space<semaphore_mem>>) {add = true}
    %dma_start3A_743 = arith.constant 0 : i32
    %dma_start3A_744 = tpu.memref_slice %arg6[%dma_start3A_743] : memref<10240xf32, #tpu.memory_space<vmem_shared>> -> memref<10240xf32, #tpu.memory_space<vmem_shared>>
    tpu.enqueue_indirect_dma source(%arg4 : memref<128xf32, #tpu.memory_space<vmem>>) target(%dma_start3A_744 : memref<10240xf32, #tpu.memory_space<vmem_shared>>) offsets(%arg53 : memref<128xi32, #tpu.memory_space<vmem>>) semaphore(%arg87 : memref<!tpu.dma_semaphore, #tpu.memory_space<semaphore_mem>>) {add = true}
    %dma_start3A_745 = arith.constant 0 : i32
    %dma_start3A_746 = tpu.memref_slice %arg6[%dma_start3A_745] : memref<10240xf32, #tpu.memory_space<vmem_shared>> -> memref<10240xf32, #tpu.memory_space<vmem_shared>>
    tpu.enqueue_indirect_dma source(%arg4 : memref<128xf32, #tpu.memory_space<vmem>>) target(%dma_start3A_746 : memref<10240xf32, #tpu.memory_space<vmem_shared>>) offsets(%arg54 : memref<128xi32, #tpu.memory_space<vmem>>) semaphore(%arg87 : memref<!tpu.dma_semaphore, #tpu.memory_space<semaphore_mem>>) {add = true}
    %dma_start3A_747 = arith.constant 0 : i32
    %dma_start3A_748 = tpu.memref_slice %arg6[%dma_start3A_747] : memref<10240xf32, #tpu.memory_space<vmem_shared>> -> memref<10240xf32, #tpu.memory_space<vmem_shared>>
    tpu.enqueue_indirect_dma source(%arg4 : memref<128xf32, #tpu.memory_space<vmem>>) target(%dma_start3A_748 : memref<10240xf32, #tpu.memory_space<vmem_shared>>) offsets(%arg55 : memref<128xi32, #tpu.memory_space<vmem>>) semaphore(%arg87 : memref<!tpu.dma_semaphore, #tpu.memory_space<semaphore_mem>>) {add = true}
    %dma_start3A_749 = arith.constant 0 : i32
    %dma_start3A_750 = tpu.memref_slice %arg6[%dma_start3A_749] : memref<10240xf32, #tpu.memory_space<vmem_shared>> -> memref<10240xf32, #tpu.memory_space<vmem_shared>>
    tpu.enqueue_indirect_dma source(%arg4 : memref<128xf32, #tpu.memory_space<vmem>>) target(%dma_start3A_750 : memref<10240xf32, #tpu.memory_space<vmem_shared>>) offsets(%arg56 : memref<128xi32, #tpu.memory_space<vmem>>) semaphore(%arg87 : memref<!tpu.dma_semaphore, #tpu.memory_space<semaphore_mem>>) {add = true}
    %dma_start3A_751 = arith.constant 0 : i32
    %dma_start3A_752 = tpu.memref_slice %arg6[%dma_start3A_751] : memref<10240xf32, #tpu.memory_space<vmem_shared>> -> memref<10240xf32, #tpu.memory_space<vmem_shared>>
    tpu.enqueue_indirect_dma source(%arg4 : memref<128xf32, #tpu.memory_space<vmem>>) target(%dma_start3A_752 : memref<10240xf32, #tpu.memory_space<vmem_shared>>) offsets(%arg57 : memref<128xi32, #tpu.memory_space<vmem>>) semaphore(%arg87 : memref<!tpu.dma_semaphore, #tpu.memory_space<semaphore_mem>>) {add = true}
    %dma_start3A_753 = arith.constant 0 : i32
    %dma_start3A_754 = tpu.memref_slice %arg6[%dma_start3A_753] : memref<10240xf32, #tpu.memory_space<vmem_shared>> -> memref<10240xf32, #tpu.memory_space<vmem_shared>>
    tpu.enqueue_indirect_dma source(%arg4 : memref<128xf32, #tpu.memory_space<vmem>>) target(%dma_start3A_754 : memref<10240xf32, #tpu.memory_space<vmem_shared>>) offsets(%arg58 : memref<128xi32, #tpu.memory_space<vmem>>) semaphore(%arg87 : memref<!tpu.dma_semaphore, #tpu.memory_space<semaphore_mem>>) {add = true}
    %dma_start3A_755 = arith.constant 0 : i32
    %dma_start3A_756 = tpu.memref_slice %arg6[%dma_start3A_755] : memref<10240xf32, #tpu.memory_space<vmem_shared>> -> memref<10240xf32, #tpu.memory_space<vmem_shared>>
    tpu.enqueue_indirect_dma source(%arg4 : memref<128xf32, #tpu.memory_space<vmem>>) target(%dma_start3A_756 : memref<10240xf32, #tpu.memory_space<vmem_shared>>) offsets(%arg59 : memref<128xi32, #tpu.memory_space<vmem>>) semaphore(%arg87 : memref<!tpu.dma_semaphore, #tpu.memory_space<semaphore_mem>>) {add = true}
    %dma_start3A_757 = arith.constant 0 : i32
    %dma_start3A_758 = tpu.memref_slice %arg6[%dma_start3A_757] : memref<10240xf32, #tpu.memory_space<vmem_shared>> -> memref<10240xf32, #tpu.memory_space<vmem_shared>>
    tpu.enqueue_indirect_dma source(%arg4 : memref<128xf32, #tpu.memory_space<vmem>>) target(%dma_start3A_758 : memref<10240xf32, #tpu.memory_space<vmem_shared>>) offsets(%arg60 : memref<128xi32, #tpu.memory_space<vmem>>) semaphore(%arg87 : memref<!tpu.dma_semaphore, #tpu.memory_space<semaphore_mem>>) {add = true}
    %dma_start3A_759 = arith.constant 0 : i32
    %dma_start3A_760 = tpu.memref_slice %arg6[%dma_start3A_759] : memref<10240xf32, #tpu.memory_space<vmem_shared>> -> memref<10240xf32, #tpu.memory_space<vmem_shared>>
    tpu.enqueue_indirect_dma source(%arg4 : memref<128xf32, #tpu.memory_space<vmem>>) target(%dma_start3A_760 : memref<10240xf32, #tpu.memory_space<vmem_shared>>) offsets(%arg61 : memref<128xi32, #tpu.memory_space<vmem>>) semaphore(%arg87 : memref<!tpu.dma_semaphore, #tpu.memory_space<semaphore_mem>>) {add = true}
    %dma_start3A_761 = arith.constant 0 : i32
    %dma_start3A_762 = tpu.memref_slice %arg6[%dma_start3A_761] : memref<10240xf32, #tpu.memory_space<vmem_shared>> -> memref<10240xf32, #tpu.memory_space<vmem_shared>>
    tpu.enqueue_indirect_dma source(%arg4 : memref<128xf32, #tpu.memory_space<vmem>>) target(%dma_start3A_762 : memref<10240xf32, #tpu.memory_space<vmem_shared>>) offsets(%arg62 : memref<128xi32, #tpu.memory_space<vmem>>) semaphore(%arg87 : memref<!tpu.dma_semaphore, #tpu.memory_space<semaphore_mem>>) {add = true}
    %dma_start3A_763 = arith.constant 0 : i32
    %dma_start3A_764 = tpu.memref_slice %arg6[%dma_start3A_763] : memref<10240xf32, #tpu.memory_space<vmem_shared>> -> memref<10240xf32, #tpu.memory_space<vmem_shared>>
    tpu.enqueue_indirect_dma source(%arg4 : memref<128xf32, #tpu.memory_space<vmem>>) target(%dma_start3A_764 : memref<10240xf32, #tpu.memory_space<vmem_shared>>) offsets(%arg63 : memref<128xi32, #tpu.memory_space<vmem>>) semaphore(%arg87 : memref<!tpu.dma_semaphore, #tpu.memory_space<semaphore_mem>>) {add = true}
    %dma_start3A_765 = arith.constant 0 : i32
    %dma_start3A_766 = tpu.memref_slice %arg6[%dma_start3A_765] : memref<10240xf32, #tpu.memory_space<vmem_shared>> -> memref<10240xf32, #tpu.memory_space<vmem_shared>>
    tpu.enqueue_indirect_dma source(%arg4 : memref<128xf32, #tpu.memory_space<vmem>>) target(%dma_start3A_766 : memref<10240xf32, #tpu.memory_space<vmem_shared>>) offsets(%arg64 : memref<128xi32, #tpu.memory_space<vmem>>) semaphore(%arg87 : memref<!tpu.dma_semaphore, #tpu.memory_space<semaphore_mem>>) {add = true}
    %dma_start3A_767 = arith.constant 0 : i32
    %dma_start3A_768 = tpu.memref_slice %arg6[%dma_start3A_767] : memref<10240xf32, #tpu.memory_space<vmem_shared>> -> memref<10240xf32, #tpu.memory_space<vmem_shared>>
    tpu.enqueue_indirect_dma source(%arg4 : memref<128xf32, #tpu.memory_space<vmem>>) target(%dma_start3A_768 : memref<10240xf32, #tpu.memory_space<vmem_shared>>) offsets(%arg65 : memref<128xi32, #tpu.memory_space<vmem>>) semaphore(%arg87 : memref<!tpu.dma_semaphore, #tpu.memory_space<semaphore_mem>>) {add = true}
    %dma_start3A_769 = arith.constant 0 : i32
    %dma_start3A_770 = tpu.memref_slice %arg6[%dma_start3A_769] : memref<10240xf32, #tpu.memory_space<vmem_shared>> -> memref<10240xf32, #tpu.memory_space<vmem_shared>>
    tpu.enqueue_indirect_dma source(%arg4 : memref<128xf32, #tpu.memory_space<vmem>>) target(%dma_start3A_770 : memref<10240xf32, #tpu.memory_space<vmem_shared>>) offsets(%arg66 : memref<128xi32, #tpu.memory_space<vmem>>) semaphore(%arg87 : memref<!tpu.dma_semaphore, #tpu.memory_space<semaphore_mem>>) {add = true}
    %dma_start3A_771 = arith.constant 0 : i32
    %dma_start3A_772 = tpu.memref_slice %arg6[%dma_start3A_771] : memref<10240xf32, #tpu.memory_space<vmem_shared>> -> memref<10240xf32, #tpu.memory_space<vmem_shared>>
    tpu.enqueue_indirect_dma source(%arg4 : memref<128xf32, #tpu.memory_space<vmem>>) target(%dma_start3A_772 : memref<10240xf32, #tpu.memory_space<vmem_shared>>) offsets(%arg67 : memref<128xi32, #tpu.memory_space<vmem>>) semaphore(%arg87 : memref<!tpu.dma_semaphore, #tpu.memory_space<semaphore_mem>>) {add = true}
    %dma_start3A_773 = arith.constant 0 : i32
    %dma_start3A_774 = tpu.memref_slice %arg6[%dma_start3A_773] : memref<10240xf32, #tpu.memory_space<vmem_shared>> -> memref<10240xf32, #tpu.memory_space<vmem_shared>>
    tpu.enqueue_indirect_dma source(%arg4 : memref<128xf32, #tpu.memory_space<vmem>>) target(%dma_start3A_774 : memref<10240xf32, #tpu.memory_space<vmem_shared>>) offsets(%arg68 : memref<128xi32, #tpu.memory_space<vmem>>) semaphore(%arg87 : memref<!tpu.dma_semaphore, #tpu.memory_space<semaphore_mem>>) {add = true}
    %dma_start3A_775 = arith.constant 0 : i32
    %dma_start3A_776 = tpu.memref_slice %arg6[%dma_start3A_775] : memref<10240xf32, #tpu.memory_space<vmem_shared>> -> memref<10240xf32, #tpu.memory_space<vmem_shared>>
    tpu.enqueue_indirect_dma source(%arg4 : memref<128xf32, #tpu.memory_space<vmem>>) target(%dma_start3A_776 : memref<10240xf32, #tpu.memory_space<vmem_shared>>) offsets(%arg69 : memref<128xi32, #tpu.memory_space<vmem>>) semaphore(%arg87 : memref<!tpu.dma_semaphore, #tpu.memory_space<semaphore_mem>>) {add = true}
    %dma_start3A_777 = arith.constant 0 : i32
    %dma_start3A_778 = tpu.memref_slice %arg6[%dma_start3A_777] : memref<10240xf32, #tpu.memory_space<vmem_shared>> -> memref<10240xf32, #tpu.memory_space<vmem_shared>>
    tpu.enqueue_indirect_dma source(%arg4 : memref<128xf32, #tpu.memory_space<vmem>>) target(%dma_start3A_778 : memref<10240xf32, #tpu.memory_space<vmem_shared>>) offsets(%arg70 : memref<128xi32, #tpu.memory_space<vmem>>) semaphore(%arg87 : memref<!tpu.dma_semaphore, #tpu.memory_space<semaphore_mem>>) {add = true}
    %dma_start3A_779 = arith.constant 0 : i32
    %dma_start3A_780 = tpu.memref_slice %arg6[%dma_start3A_779] : memref<10240xf32, #tpu.memory_space<vmem_shared>> -> memref<10240xf32, #tpu.memory_space<vmem_shared>>
    tpu.enqueue_indirect_dma source(%arg4 : memref<128xf32, #tpu.memory_space<vmem>>) target(%dma_start3A_780 : memref<10240xf32, #tpu.memory_space<vmem_shared>>) offsets(%arg71 : memref<128xi32, #tpu.memory_space<vmem>>) semaphore(%arg87 : memref<!tpu.dma_semaphore, #tpu.memory_space<semaphore_mem>>) {add = true}
    %dma_start3A_781 = arith.constant 0 : i32
    %dma_start3A_782 = tpu.memref_slice %arg6[%dma_start3A_781] : memref<10240xf32, #tpu.memory_space<vmem_shared>> -> memref<10240xf32, #tpu.memory_space<vmem_shared>>
    tpu.enqueue_indirect_dma source(%arg4 : memref<128xf32, #tpu.memory_space<vmem>>) target(%dma_start3A_782 : memref<10240xf32, #tpu.memory_space<vmem_shared>>) offsets(%arg72 : memref<128xi32, #tpu.memory_space<vmem>>) semaphore(%arg87 : memref<!tpu.dma_semaphore, #tpu.memory_space<semaphore_mem>>) {add = true}
    %dma_start3A_783 = arith.constant 0 : i32
    %dma_start3A_784 = tpu.memref_slice %arg6[%dma_start3A_783] : memref<10240xf32, #tpu.memory_space<vmem_shared>> -> memref<10240xf32, #tpu.memory_space<vmem_shared>>
    tpu.enqueue_indirect_dma source(%arg4 : memref<128xf32, #tpu.memory_space<vmem>>) target(%dma_start3A_784 : memref<10240xf32, #tpu.memory_space<vmem_shared>>) offsets(%arg73 : memref<128xi32, #tpu.memory_space<vmem>>) semaphore(%arg87 : memref<!tpu.dma_semaphore, #tpu.memory_space<semaphore_mem>>) {add = true}
    %dma_start3A_785 = arith.constant 0 : i32
    %dma_start3A_786 = tpu.memref_slice %arg6[%dma_start3A_785] : memref<10240xf32, #tpu.memory_space<vmem_shared>> -> memref<10240xf32, #tpu.memory_space<vmem_shared>>
    tpu.enqueue_indirect_dma source(%arg4 : memref<128xf32, #tpu.memory_space<vmem>>) target(%dma_start3A_786 : memref<10240xf32, #tpu.memory_space<vmem_shared>>) offsets(%arg74 : memref<128xi32, #tpu.memory_space<vmem>>) semaphore(%arg87 : memref<!tpu.dma_semaphore, #tpu.memory_space<semaphore_mem>>) {add = true}
    %dma_start3A_787 = arith.constant 0 : i32
    %dma_start3A_788 = tpu.memref_slice %arg6[%dma_start3A_787] : memref<10240xf32, #tpu.memory_space<vmem_shared>> -> memref<10240xf32, #tpu.memory_space<vmem_shared>>
    tpu.enqueue_indirect_dma source(%arg4 : memref<128xf32, #tpu.memory_space<vmem>>) target(%dma_start3A_788 : memref<10240xf32, #tpu.memory_space<vmem_shared>>) offsets(%arg75 : memref<128xi32, #tpu.memory_space<vmem>>) semaphore(%arg87 : memref<!tpu.dma_semaphore, #tpu.memory_space<semaphore_mem>>) {add = true}
    %dma_start3A_789 = arith.constant 0 : i32
    %dma_start3A_790 = tpu.memref_slice %arg6[%dma_start3A_789] : memref<10240xf32, #tpu.memory_space<vmem_shared>> -> memref<10240xf32, #tpu.memory_space<vmem_shared>>
    tpu.enqueue_indirect_dma source(%arg4 : memref<128xf32, #tpu.memory_space<vmem>>) target(%dma_start3A_790 : memref<10240xf32, #tpu.memory_space<vmem_shared>>) offsets(%arg76 : memref<128xi32, #tpu.memory_space<vmem>>) semaphore(%arg87 : memref<!tpu.dma_semaphore, #tpu.memory_space<semaphore_mem>>) {add = true}
    %dma_start3A_791 = arith.constant 0 : i32
    %dma_start3A_792 = tpu.memref_slice %arg6[%dma_start3A_791] : memref<10240xf32, #tpu.memory_space<vmem_shared>> -> memref<10240xf32, #tpu.memory_space<vmem_shared>>
    tpu.enqueue_indirect_dma source(%arg4 : memref<128xf32, #tpu.memory_space<vmem>>) target(%dma_start3A_792 : memref<10240xf32, #tpu.memory_space<vmem_shared>>) offsets(%arg77 : memref<128xi32, #tpu.memory_space<vmem>>) semaphore(%arg87 : memref<!tpu.dma_semaphore, #tpu.memory_space<semaphore_mem>>) {add = true}
    %dma_start3A_793 = arith.constant 0 : i32
    %dma_start3A_794 = tpu.memref_slice %arg6[%dma_start3A_793] : memref<10240xf32, #tpu.memory_space<vmem_shared>> -> memref<10240xf32, #tpu.memory_space<vmem_shared>>
    tpu.enqueue_indirect_dma source(%arg4 : memref<128xf32, #tpu.memory_space<vmem>>) target(%dma_start3A_794 : memref<10240xf32, #tpu.memory_space<vmem_shared>>) offsets(%arg78 : memref<128xi32, #tpu.memory_space<vmem>>) semaphore(%arg87 : memref<!tpu.dma_semaphore, #tpu.memory_space<semaphore_mem>>) {add = true}
    %dma_start3A_795 = arith.constant 0 : i32
    %dma_start3A_796 = tpu.memref_slice %arg6[%dma_start3A_795] : memref<10240xf32, #tpu.memory_space<vmem_shared>> -> memref<10240xf32, #tpu.memory_space<vmem_shared>>
    tpu.enqueue_indirect_dma source(%arg4 : memref<128xf32, #tpu.memory_space<vmem>>) target(%dma_start3A_796 : memref<10240xf32, #tpu.memory_space<vmem_shared>>) offsets(%arg79 : memref<128xi32, #tpu.memory_space<vmem>>) semaphore(%arg87 : memref<!tpu.dma_semaphore, #tpu.memory_space<semaphore_mem>>) {add = true}
    %dma_start3A_797 = arith.constant 0 : i32
    %dma_start3A_798 = tpu.memref_slice %arg6[%dma_start3A_797] : memref<10240xf32, #tpu.memory_space<vmem_shared>> -> memref<10240xf32, #tpu.memory_space<vmem_shared>>
    tpu.enqueue_indirect_dma source(%arg4 : memref<128xf32, #tpu.memory_space<vmem>>) target(%dma_start3A_798 : memref<10240xf32, #tpu.memory_space<vmem_shared>>) offsets(%arg80 : memref<128xi32, #tpu.memory_space<vmem>>) semaphore(%arg87 : memref<!tpu.dma_semaphore, #tpu.memory_space<semaphore_mem>>) {add = true}
    %dma_start3A_799 = arith.constant 0 : i32
    %dma_start3A_800 = tpu.memref_slice %arg6[%dma_start3A_799] : memref<10240xf32, #tpu.memory_space<vmem_shared>> -> memref<10240xf32, #tpu.memory_space<vmem_shared>>
    tpu.enqueue_indirect_dma source(%arg4 : memref<128xf32, #tpu.memory_space<vmem>>) target(%dma_start3A_800 : memref<10240xf32, #tpu.memory_space<vmem_shared>>) offsets(%arg81 : memref<128xi32, #tpu.memory_space<vmem>>) semaphore(%arg87 : memref<!tpu.dma_semaphore, #tpu.memory_space<semaphore_mem>>) {add = true}
    %dma_start3A_801 = arith.constant 0 : i32
    %dma_start3A_802 = tpu.memref_slice %arg6[%dma_start3A_801] : memref<10240xf32, #tpu.memory_space<vmem_shared>> -> memref<10240xf32, #tpu.memory_space<vmem_shared>>
    tpu.enqueue_indirect_dma source(%arg4 : memref<128xf32, #tpu.memory_space<vmem>>) target(%dma_start3A_802 : memref<10240xf32, #tpu.memory_space<vmem_shared>>) offsets(%arg82 : memref<128xi32, #tpu.memory_space<vmem>>) semaphore(%arg87 : memref<!tpu.dma_semaphore, #tpu.memory_space<semaphore_mem>>) {add = true}
    %dma_start3A_803 = arith.constant 0 : i32
    %dma_start3A_804 = tpu.memref_slice %arg6[%dma_start3A_803] : memref<10240xf32, #tpu.memory_space<vmem_shared>> -> memref<10240xf32, #tpu.memory_space<vmem_shared>>
    tpu.enqueue_indirect_dma source(%arg4 : memref<128xf32, #tpu.memory_space<vmem>>) target(%dma_start3A_804 : memref<10240xf32, #tpu.memory_space<vmem_shared>>) offsets(%arg83 : memref<128xi32, #tpu.memory_space<vmem>>) semaphore(%arg87 : memref<!tpu.dma_semaphore, #tpu.memory_space<semaphore_mem>>) {add = true}
    %dma_start3A_805 = arith.constant 0 : i32
    %dma_start3A_806 = tpu.memref_slice %arg6[%dma_start3A_805] : memref<10240xf32, #tpu.memory_space<vmem_shared>> -> memref<10240xf32, #tpu.memory_space<vmem_shared>>
    tpu.enqueue_indirect_dma source(%arg4 : memref<128xf32, #tpu.memory_space<vmem>>) target(%dma_start3A_806 : memref<10240xf32, #tpu.memory_space<vmem_shared>>) offsets(%arg84 : memref<128xi32, #tpu.memory_space<vmem>>) semaphore(%arg87 : memref<!tpu.dma_semaphore, #tpu.memory_space<semaphore_mem>>) {add = true}
    %dma_start3A_807 = arith.constant 0 : i32
    %dma_start3A_808 = tpu.memref_slice %arg4[%dma_start3A_807] : memref<128xf32, #tpu.memory_space<vmem>> -> memref<16xf32, #tpu.memory_space<vmem>>
    %dma_start3A_809 = arith.constant 0 : i32
    %dma_start3A_810 = tpu.memref_slice %arg6[%dma_start3A_809] : memref<10240xf32, #tpu.memory_space<vmem_shared>> -> memref<10240xf32, #tpu.memory_space<vmem_shared>>
    tpu.enqueue_indirect_dma source(%dma_start3A_808 : memref<16xf32, #tpu.memory_space<vmem>>) target(%dma_start3A_810 : memref<10240xf32, #tpu.memory_space<vmem_shared>>) offsets(%arg85 : memref<16xi32, #tpu.memory_space<vmem>>) semaphore(%arg87 : memref<!tpu.dma_semaphore, #tpu.memory_space<semaphore_mem>>) {add = true}
    %dma_wait3A_811 = arith.constant 0 : i32
    %dma_wait3A_812 = tpu.memref_slice %arg6[%dma_wait3A_811] : memref<10240xf32, #tpu.memory_space<vmem_shared>> -> memref<10240xf32, #tpu.memory_space<vmem_shared>>
    tpu.wait_indirect_dma semaphore(%arg87 : memref<!tpu.dma_semaphore, #tpu.memory_space<semaphore_mem>>) src(%arg4 : memref<128xf32, #tpu.memory_space<vmem>>) dst(%dma_wait3A_812 : memref<10240xf32, #tpu.memory_space<vmem_shared>>)
    %dma_wait3A_813 = arith.constant 0 : i32
    %dma_wait3A_814 = tpu.memref_slice %arg6[%dma_wait3A_813] : memref<10240xf32, #tpu.memory_space<vmem_shared>> -> memref<10240xf32, #tpu.memory_space<vmem_shared>>
    tpu.wait_indirect_dma semaphore(%arg87 : memref<!tpu.dma_semaphore, #tpu.memory_space<semaphore_mem>>) src(%arg4 : memref<128xf32, #tpu.memory_space<vmem>>) dst(%dma_wait3A_814 : memref<10240xf32, #tpu.memory_space<vmem_shared>>)
    %dma_wait3A_815 = arith.constant 0 : i32
    %dma_wait3A_816 = tpu.memref_slice %arg6[%dma_wait3A_815] : memref<10240xf32, #tpu.memory_space<vmem_shared>> -> memref<10240xf32, #tpu.memory_space<vmem_shared>>
    tpu.wait_indirect_dma semaphore(%arg87 : memref<!tpu.dma_semaphore, #tpu.memory_space<semaphore_mem>>) src(%arg4 : memref<128xf32, #tpu.memory_space<vmem>>) dst(%dma_wait3A_816 : memref<10240xf32, #tpu.memory_space<vmem_shared>>)
    %dma_wait3A_817 = arith.constant 0 : i32
    %dma_wait3A_818 = tpu.memref_slice %arg6[%dma_wait3A_817] : memref<10240xf32, #tpu.memory_space<vmem_shared>> -> memref<10240xf32, #tpu.memory_space<vmem_shared>>
    tpu.wait_indirect_dma semaphore(%arg87 : memref<!tpu.dma_semaphore, #tpu.memory_space<semaphore_mem>>) src(%arg4 : memref<128xf32, #tpu.memory_space<vmem>>) dst(%dma_wait3A_818 : memref<10240xf32, #tpu.memory_space<vmem_shared>>)
    %dma_wait3A_819 = arith.constant 0 : i32
    %dma_wait3A_820 = tpu.memref_slice %arg6[%dma_wait3A_819] : memref<10240xf32, #tpu.memory_space<vmem_shared>> -> memref<10240xf32, #tpu.memory_space<vmem_shared>>
    tpu.wait_indirect_dma semaphore(%arg87 : memref<!tpu.dma_semaphore, #tpu.memory_space<semaphore_mem>>) src(%arg4 : memref<128xf32, #tpu.memory_space<vmem>>) dst(%dma_wait3A_820 : memref<10240xf32, #tpu.memory_space<vmem_shared>>)
    %dma_wait3A_821 = arith.constant 0 : i32
    %dma_wait3A_822 = tpu.memref_slice %arg6[%dma_wait3A_821] : memref<10240xf32, #tpu.memory_space<vmem_shared>> -> memref<10240xf32, #tpu.memory_space<vmem_shared>>
    tpu.wait_indirect_dma semaphore(%arg87 : memref<!tpu.dma_semaphore, #tpu.memory_space<semaphore_mem>>) src(%arg4 : memref<128xf32, #tpu.memory_space<vmem>>) dst(%dma_wait3A_822 : memref<10240xf32, #tpu.memory_space<vmem_shared>>)
    %dma_wait3A_823 = arith.constant 0 : i32
    %dma_wait3A_824 = tpu.memref_slice %arg6[%dma_wait3A_823] : memref<10240xf32, #tpu.memory_space<vmem_shared>> -> memref<10240xf32, #tpu.memory_space<vmem_shared>>
    tpu.wait_indirect_dma semaphore(%arg87 : memref<!tpu.dma_semaphore, #tpu.memory_space<semaphore_mem>>) src(%arg4 : memref<128xf32, #tpu.memory_space<vmem>>) dst(%dma_wait3A_824 : memref<10240xf32, #tpu.memory_space<vmem_shared>>)
    %dma_wait3A_825 = arith.constant 0 : i32
    %dma_wait3A_826 = tpu.memref_slice %arg6[%dma_wait3A_825] : memref<10240xf32, #tpu.memory_space<vmem_shared>> -> memref<10240xf32, #tpu.memory_space<vmem_shared>>
    tpu.wait_indirect_dma semaphore(%arg87 : memref<!tpu.dma_semaphore, #tpu.memory_space<semaphore_mem>>) src(%arg4 : memref<128xf32, #tpu.memory_space<vmem>>) dst(%dma_wait3A_826 : memref<10240xf32, #tpu.memory_space<vmem_shared>>)
    %dma_wait3A_827 = arith.constant 0 : i32
    %dma_wait3A_828 = tpu.memref_slice %arg6[%dma_wait3A_827] : memref<10240xf32, #tpu.memory_space<vmem_shared>> -> memref<10240xf32, #tpu.memory_space<vmem_shared>>
    tpu.wait_indirect_dma semaphore(%arg87 : memref<!tpu.dma_semaphore, #tpu.memory_space<semaphore_mem>>) src(%arg4 : memref<128xf32, #tpu.memory_space<vmem>>) dst(%dma_wait3A_828 : memref<10240xf32, #tpu.memory_space<vmem_shared>>)
    %dma_wait3A_829 = arith.constant 0 : i32
    %dma_wait3A_830 = tpu.memref_slice %arg6[%dma_wait3A_829] : memref<10240xf32, #tpu.memory_space<vmem_shared>> -> memref<10240xf32, #tpu.memory_space<vmem_shared>>
    tpu.wait_indirect_dma semaphore(%arg87 : memref<!tpu.dma_semaphore, #tpu.memory_space<semaphore_mem>>) src(%arg4 : memref<128xf32, #tpu.memory_space<vmem>>) dst(%dma_wait3A_830 : memref<10240xf32, #tpu.memory_space<vmem_shared>>)
    %dma_wait3A_831 = arith.constant 0 : i32
    %dma_wait3A_832 = tpu.memref_slice %arg6[%dma_wait3A_831] : memref<10240xf32, #tpu.memory_space<vmem_shared>> -> memref<10240xf32, #tpu.memory_space<vmem_shared>>
    tpu.wait_indirect_dma semaphore(%arg87 : memref<!tpu.dma_semaphore, #tpu.memory_space<semaphore_mem>>) src(%arg4 : memref<128xf32, #tpu.memory_space<vmem>>) dst(%dma_wait3A_832 : memref<10240xf32, #tpu.memory_space<vmem_shared>>)
    %dma_wait3A_833 = arith.constant 0 : i32
    %dma_wait3A_834 = tpu.memref_slice %arg6[%dma_wait3A_833] : memref<10240xf32, #tpu.memory_space<vmem_shared>> -> memref<10240xf32, #tpu.memory_space<vmem_shared>>
    tpu.wait_indirect_dma semaphore(%arg87 : memref<!tpu.dma_semaphore, #tpu.memory_space<semaphore_mem>>) src(%arg4 : memref<128xf32, #tpu.memory_space<vmem>>) dst(%dma_wait3A_834 : memref<10240xf32, #tpu.memory_space<vmem_shared>>)
    %dma_wait3A_835 = arith.constant 0 : i32
    %dma_wait3A_836 = tpu.memref_slice %arg6[%dma_wait3A_835] : memref<10240xf32, #tpu.memory_space<vmem_shared>> -> memref<10240xf32, #tpu.memory_space<vmem_shared>>
    tpu.wait_indirect_dma semaphore(%arg87 : memref<!tpu.dma_semaphore, #tpu.memory_space<semaphore_mem>>) src(%arg4 : memref<128xf32, #tpu.memory_space<vmem>>) dst(%dma_wait3A_836 : memref<10240xf32, #tpu.memory_space<vmem_shared>>)
    %dma_wait3A_837 = arith.constant 0 : i32
    %dma_wait3A_838 = tpu.memref_slice %arg6[%dma_wait3A_837] : memref<10240xf32, #tpu.memory_space<vmem_shared>> -> memref<10240xf32, #tpu.memory_space<vmem_shared>>
    tpu.wait_indirect_dma semaphore(%arg87 : memref<!tpu.dma_semaphore, #tpu.memory_space<semaphore_mem>>) src(%arg4 : memref<128xf32, #tpu.memory_space<vmem>>) dst(%dma_wait3A_838 : memref<10240xf32, #tpu.memory_space<vmem_shared>>)
    %dma_wait3A_839 = arith.constant 0 : i32
    %dma_wait3A_840 = tpu.memref_slice %arg6[%dma_wait3A_839] : memref<10240xf32, #tpu.memory_space<vmem_shared>> -> memref<10240xf32, #tpu.memory_space<vmem_shared>>
    tpu.wait_indirect_dma semaphore(%arg87 : memref<!tpu.dma_semaphore, #tpu.memory_space<semaphore_mem>>) src(%arg4 : memref<128xf32, #tpu.memory_space<vmem>>) dst(%dma_wait3A_840 : memref<10240xf32, #tpu.memory_space<vmem_shared>>)
    %dma_wait3A_841 = arith.constant 0 : i32
    %dma_wait3A_842 = tpu.memref_slice %arg6[%dma_wait3A_841] : memref<10240xf32, #tpu.memory_space<vmem_shared>> -> memref<10240xf32, #tpu.memory_space<vmem_shared>>
    tpu.wait_indirect_dma semaphore(%arg87 : memref<!tpu.dma_semaphore, #tpu.memory_space<semaphore_mem>>) src(%arg4 : memref<128xf32, #tpu.memory_space<vmem>>) dst(%dma_wait3A_842 : memref<10240xf32, #tpu.memory_space<vmem_shared>>)
    %dma_wait3A_843 = arith.constant 0 : i32
    %dma_wait3A_844 = tpu.memref_slice %arg6[%dma_wait3A_843] : memref<10240xf32, #tpu.memory_space<vmem_shared>> -> memref<10240xf32, #tpu.memory_space<vmem_shared>>
    tpu.wait_indirect_dma semaphore(%arg87 : memref<!tpu.dma_semaphore, #tpu.memory_space<semaphore_mem>>) src(%arg4 : memref<128xf32, #tpu.memory_space<vmem>>) dst(%dma_wait3A_844 : memref<10240xf32, #tpu.memory_space<vmem_shared>>)
    %dma_wait3A_845 = arith.constant 0 : i32
    %dma_wait3A_846 = tpu.memref_slice %arg6[%dma_wait3A_845] : memref<10240xf32, #tpu.memory_space<vmem_shared>> -> memref<10240xf32, #tpu.memory_space<vmem_shared>>
    tpu.wait_indirect_dma semaphore(%arg87 : memref<!tpu.dma_semaphore, #tpu.memory_space<semaphore_mem>>) src(%arg4 : memref<128xf32, #tpu.memory_space<vmem>>) dst(%dma_wait3A_846 : memref<10240xf32, #tpu.memory_space<vmem_shared>>)
    %dma_wait3A_847 = arith.constant 0 : i32
    %dma_wait3A_848 = tpu.memref_slice %arg6[%dma_wait3A_847] : memref<10240xf32, #tpu.memory_space<vmem_shared>> -> memref<10240xf32, #tpu.memory_space<vmem_shared>>
    tpu.wait_indirect_dma semaphore(%arg87 : memref<!tpu.dma_semaphore, #tpu.memory_space<semaphore_mem>>) src(%arg4 : memref<128xf32, #tpu.memory_space<vmem>>) dst(%dma_wait3A_848 : memref<10240xf32, #tpu.memory_space<vmem_shared>>)
    %dma_wait3A_849 = arith.constant 0 : i32
    %dma_wait3A_850 = tpu.memref_slice %arg6[%dma_wait3A_849] : memref<10240xf32, #tpu.memory_space<vmem_shared>> -> memref<10240xf32, #tpu.memory_space<vmem_shared>>
    tpu.wait_indirect_dma semaphore(%arg87 : memref<!tpu.dma_semaphore, #tpu.memory_space<semaphore_mem>>) src(%arg4 : memref<128xf32, #tpu.memory_space<vmem>>) dst(%dma_wait3A_850 : memref<10240xf32, #tpu.memory_space<vmem_shared>>)
    %dma_wait3A_851 = arith.constant 0 : i32
    %dma_wait3A_852 = tpu.memref_slice %arg6[%dma_wait3A_851] : memref<10240xf32, #tpu.memory_space<vmem_shared>> -> memref<10240xf32, #tpu.memory_space<vmem_shared>>
    tpu.wait_indirect_dma semaphore(%arg87 : memref<!tpu.dma_semaphore, #tpu.memory_space<semaphore_mem>>) src(%arg4 : memref<128xf32, #tpu.memory_space<vmem>>) dst(%dma_wait3A_852 : memref<10240xf32, #tpu.memory_space<vmem_shared>>)
    %dma_wait3A_853 = arith.constant 0 : i32
    %dma_wait3A_854 = tpu.memref_slice %arg6[%dma_wait3A_853] : memref<10240xf32, #tpu.memory_space<vmem_shared>> -> memref<10240xf32, #tpu.memory_space<vmem_shared>>
    tpu.wait_indirect_dma semaphore(%arg87 : memref<!tpu.dma_semaphore, #tpu.memory_space<semaphore_mem>>) src(%arg4 : memref<128xf32, #tpu.memory_space<vmem>>) dst(%dma_wait3A_854 : memref<10240xf32, #tpu.memory_space<vmem_shared>>)
    %dma_wait3A_855 = arith.constant 0 : i32
    %dma_wait3A_856 = tpu.memref_slice %arg6[%dma_wait3A_855] : memref<10240xf32, #tpu.memory_space<vmem_shared>> -> memref<10240xf32, #tpu.memory_space<vmem_shared>>
    tpu.wait_indirect_dma semaphore(%arg87 : memref<!tpu.dma_semaphore, #tpu.memory_space<semaphore_mem>>) src(%arg4 : memref<128xf32, #tpu.memory_space<vmem>>) dst(%dma_wait3A_856 : memref<10240xf32, #tpu.memory_space<vmem_shared>>)
    %dma_wait3A_857 = arith.constant 0 : i32
    %dma_wait3A_858 = tpu.memref_slice %arg6[%dma_wait3A_857] : memref<10240xf32, #tpu.memory_space<vmem_shared>> -> memref<10240xf32, #tpu.memory_space<vmem_shared>>
    tpu.wait_indirect_dma semaphore(%arg87 : memref<!tpu.dma_semaphore, #tpu.memory_space<semaphore_mem>>) src(%arg4 : memref<128xf32, #tpu.memory_space<vmem>>) dst(%dma_wait3A_858 : memref<10240xf32, #tpu.memory_space<vmem_shared>>)
    %dma_wait3A_859 = arith.constant 0 : i32
    %dma_wait3A_860 = tpu.memref_slice %arg6[%dma_wait3A_859] : memref<10240xf32, #tpu.memory_space<vmem_shared>> -> memref<10240xf32, #tpu.memory_space<vmem_shared>>
    tpu.wait_indirect_dma semaphore(%arg87 : memref<!tpu.dma_semaphore, #tpu.memory_space<semaphore_mem>>) src(%arg4 : memref<128xf32, #tpu.memory_space<vmem>>) dst(%dma_wait3A_860 : memref<10240xf32, #tpu.memory_space<vmem_shared>>)
    %dma_wait3A_861 = arith.constant 0 : i32
    %dma_wait3A_862 = tpu.memref_slice %arg6[%dma_wait3A_861] : memref<10240xf32, #tpu.memory_space<vmem_shared>> -> memref<10240xf32, #tpu.memory_space<vmem_shared>>
    tpu.wait_indirect_dma semaphore(%arg87 : memref<!tpu.dma_semaphore, #tpu.memory_space<semaphore_mem>>) src(%arg4 : memref<128xf32, #tpu.memory_space<vmem>>) dst(%dma_wait3A_862 : memref<10240xf32, #tpu.memory_space<vmem_shared>>)
    %dma_wait3A_863 = arith.constant 0 : i32
    %dma_wait3A_864 = tpu.memref_slice %arg6[%dma_wait3A_863] : memref<10240xf32, #tpu.memory_space<vmem_shared>> -> memref<10240xf32, #tpu.memory_space<vmem_shared>>
    tpu.wait_indirect_dma semaphore(%arg87 : memref<!tpu.dma_semaphore, #tpu.memory_space<semaphore_mem>>) src(%arg4 : memref<128xf32, #tpu.memory_space<vmem>>) dst(%dma_wait3A_864 : memref<10240xf32, #tpu.memory_space<vmem_shared>>)
    %dma_wait3A_865 = arith.constant 0 : i32
    %dma_wait3A_866 = tpu.memref_slice %arg6[%dma_wait3A_865] : memref<10240xf32, #tpu.memory_space<vmem_shared>> -> memref<10240xf32, #tpu.memory_space<vmem_shared>>
    tpu.wait_indirect_dma semaphore(%arg87 : memref<!tpu.dma_semaphore, #tpu.memory_space<semaphore_mem>>) src(%arg4 : memref<128xf32, #tpu.memory_space<vmem>>) dst(%dma_wait3A_866 : memref<10240xf32, #tpu.memory_space<vmem_shared>>)
    %dma_wait3A_867 = arith.constant 0 : i32
    %dma_wait3A_868 = tpu.memref_slice %arg6[%dma_wait3A_867] : memref<10240xf32, #tpu.memory_space<vmem_shared>> -> memref<10240xf32, #tpu.memory_space<vmem_shared>>
    tpu.wait_indirect_dma semaphore(%arg87 : memref<!tpu.dma_semaphore, #tpu.memory_space<semaphore_mem>>) src(%arg4 : memref<128xf32, #tpu.memory_space<vmem>>) dst(%dma_wait3A_868 : memref<10240xf32, #tpu.memory_space<vmem_shared>>)
    %dma_wait3A_869 = arith.constant 0 : i32
    %dma_wait3A_870 = tpu.memref_slice %arg6[%dma_wait3A_869] : memref<10240xf32, #tpu.memory_space<vmem_shared>> -> memref<10240xf32, #tpu.memory_space<vmem_shared>>
    tpu.wait_indirect_dma semaphore(%arg87 : memref<!tpu.dma_semaphore, #tpu.memory_space<semaphore_mem>>) src(%arg4 : memref<128xf32, #tpu.memory_space<vmem>>) dst(%dma_wait3A_870 : memref<10240xf32, #tpu.memory_space<vmem_shared>>)
    %dma_wait3A_871 = arith.constant 0 : i32
    %dma_wait3A_872 = tpu.memref_slice %arg6[%dma_wait3A_871] : memref<10240xf32, #tpu.memory_space<vmem_shared>> -> memref<10240xf32, #tpu.memory_space<vmem_shared>>
    tpu.wait_indirect_dma semaphore(%arg87 : memref<!tpu.dma_semaphore, #tpu.memory_space<semaphore_mem>>) src(%arg4 : memref<128xf32, #tpu.memory_space<vmem>>) dst(%dma_wait3A_872 : memref<10240xf32, #tpu.memory_space<vmem_shared>>)
    %dma_wait3A_873 = arith.constant 0 : i32
    %dma_wait3A_874 = tpu.memref_slice %arg6[%dma_wait3A_873] : memref<10240xf32, #tpu.memory_space<vmem_shared>> -> memref<10240xf32, #tpu.memory_space<vmem_shared>>
    tpu.wait_indirect_dma semaphore(%arg87 : memref<!tpu.dma_semaphore, #tpu.memory_space<semaphore_mem>>) src(%arg4 : memref<128xf32, #tpu.memory_space<vmem>>) dst(%dma_wait3A_874 : memref<10240xf32, #tpu.memory_space<vmem_shared>>)
    %dma_wait3A_875 = arith.constant 0 : i32
    %dma_wait3A_876 = tpu.memref_slice %arg6[%dma_wait3A_875] : memref<10240xf32, #tpu.memory_space<vmem_shared>> -> memref<10240xf32, #tpu.memory_space<vmem_shared>>
    tpu.wait_indirect_dma semaphore(%arg87 : memref<!tpu.dma_semaphore, #tpu.memory_space<semaphore_mem>>) src(%arg4 : memref<128xf32, #tpu.memory_space<vmem>>) dst(%dma_wait3A_876 : memref<10240xf32, #tpu.memory_space<vmem_shared>>)
    %dma_wait3A_877 = arith.constant 0 : i32
    %dma_wait3A_878 = tpu.memref_slice %arg6[%dma_wait3A_877] : memref<10240xf32, #tpu.memory_space<vmem_shared>> -> memref<10240xf32, #tpu.memory_space<vmem_shared>>
    tpu.wait_indirect_dma semaphore(%arg87 : memref<!tpu.dma_semaphore, #tpu.memory_space<semaphore_mem>>) src(%arg4 : memref<128xf32, #tpu.memory_space<vmem>>) dst(%dma_wait3A_878 : memref<10240xf32, #tpu.memory_space<vmem_shared>>)
    %dma_wait3A_879 = arith.constant 0 : i32
    %dma_wait3A_880 = tpu.memref_slice %arg6[%dma_wait3A_879] : memref<10240xf32, #tpu.memory_space<vmem_shared>> -> memref<10240xf32, #tpu.memory_space<vmem_shared>>
    tpu.wait_indirect_dma semaphore(%arg87 : memref<!tpu.dma_semaphore, #tpu.memory_space<semaphore_mem>>) src(%arg4 : memref<128xf32, #tpu.memory_space<vmem>>) dst(%dma_wait3A_880 : memref<10240xf32, #tpu.memory_space<vmem_shared>>)
    %dma_wait3A_881 = arith.constant 0 : i32
    %dma_wait3A_882 = tpu.memref_slice %arg6[%dma_wait3A_881] : memref<10240xf32, #tpu.memory_space<vmem_shared>> -> memref<10240xf32, #tpu.memory_space<vmem_shared>>
    tpu.wait_indirect_dma semaphore(%arg87 : memref<!tpu.dma_semaphore, #tpu.memory_space<semaphore_mem>>) src(%arg4 : memref<128xf32, #tpu.memory_space<vmem>>) dst(%dma_wait3A_882 : memref<10240xf32, #tpu.memory_space<vmem_shared>>)
    %dma_wait3A_883 = arith.constant 0 : i32
    %dma_wait3A_884 = tpu.memref_slice %arg6[%dma_wait3A_883] : memref<10240xf32, #tpu.memory_space<vmem_shared>> -> memref<10240xf32, #tpu.memory_space<vmem_shared>>
    tpu.wait_indirect_dma semaphore(%arg87 : memref<!tpu.dma_semaphore, #tpu.memory_space<semaphore_mem>>) src(%arg4 : memref<128xf32, #tpu.memory_space<vmem>>) dst(%dma_wait3A_884 : memref<10240xf32, #tpu.memory_space<vmem_shared>>)
    %dma_wait3A_885 = arith.constant 0 : i32
    %dma_wait3A_886 = tpu.memref_slice %arg6[%dma_wait3A_885] : memref<10240xf32, #tpu.memory_space<vmem_shared>> -> memref<10240xf32, #tpu.memory_space<vmem_shared>>
    tpu.wait_indirect_dma semaphore(%arg87 : memref<!tpu.dma_semaphore, #tpu.memory_space<semaphore_mem>>) src(%arg4 : memref<128xf32, #tpu.memory_space<vmem>>) dst(%dma_wait3A_886 : memref<10240xf32, #tpu.memory_space<vmem_shared>>)
    %dma_wait3A_887 = arith.constant 0 : i32
    %dma_wait3A_888 = tpu.memref_slice %arg6[%dma_wait3A_887] : memref<10240xf32, #tpu.memory_space<vmem_shared>> -> memref<10240xf32, #tpu.memory_space<vmem_shared>>
    tpu.wait_indirect_dma semaphore(%arg87 : memref<!tpu.dma_semaphore, #tpu.memory_space<semaphore_mem>>) src(%arg4 : memref<128xf32, #tpu.memory_space<vmem>>) dst(%dma_wait3A_888 : memref<10240xf32, #tpu.memory_space<vmem_shared>>)
    %dma_wait3A_889 = arith.constant 0 : i32
    %dma_wait3A_890 = tpu.memref_slice %arg6[%dma_wait3A_889] : memref<10240xf32, #tpu.memory_space<vmem_shared>> -> memref<10240xf32, #tpu.memory_space<vmem_shared>>
    tpu.wait_indirect_dma semaphore(%arg87 : memref<!tpu.dma_semaphore, #tpu.memory_space<semaphore_mem>>) src(%arg4 : memref<128xf32, #tpu.memory_space<vmem>>) dst(%dma_wait3A_890 : memref<10240xf32, #tpu.memory_space<vmem_shared>>)
    %dma_wait3A_891 = arith.constant 0 : i32
    %dma_wait3A_892 = tpu.memref_slice %arg6[%dma_wait3A_891] : memref<10240xf32, #tpu.memory_space<vmem_shared>> -> memref<10240xf32, #tpu.memory_space<vmem_shared>>
    tpu.wait_indirect_dma semaphore(%arg87 : memref<!tpu.dma_semaphore, #tpu.memory_space<semaphore_mem>>) src(%arg4 : memref<128xf32, #tpu.memory_space<vmem>>) dst(%dma_wait3A_892 : memref<10240xf32, #tpu.memory_space<vmem_shared>>)
    %dma_wait3A_893 = arith.constant 0 : i32
    %dma_wait3A_894 = tpu.memref_slice %arg6[%dma_wait3A_893] : memref<10240xf32, #tpu.memory_space<vmem_shared>> -> memref<10240xf32, #tpu.memory_space<vmem_shared>>
    tpu.wait_indirect_dma semaphore(%arg87 : memref<!tpu.dma_semaphore, #tpu.memory_space<semaphore_mem>>) src(%arg4 : memref<128xf32, #tpu.memory_space<vmem>>) dst(%dma_wait3A_894 : memref<10240xf32, #tpu.memory_space<vmem_shared>>)
    %dma_wait3A_895 = arith.constant 0 : i32
    %dma_wait3A_896 = tpu.memref_slice %arg6[%dma_wait3A_895] : memref<10240xf32, #tpu.memory_space<vmem_shared>> -> memref<10240xf32, #tpu.memory_space<vmem_shared>>
    tpu.wait_indirect_dma semaphore(%arg87 : memref<!tpu.dma_semaphore, #tpu.memory_space<semaphore_mem>>) src(%arg4 : memref<128xf32, #tpu.memory_space<vmem>>) dst(%dma_wait3A_896 : memref<10240xf32, #tpu.memory_space<vmem_shared>>)
    %dma_wait3A_897 = arith.constant 0 : i32
    %dma_wait3A_898 = tpu.memref_slice %arg6[%dma_wait3A_897] : memref<10240xf32, #tpu.memory_space<vmem_shared>> -> memref<10240xf32, #tpu.memory_space<vmem_shared>>
    tpu.wait_indirect_dma semaphore(%arg87 : memref<!tpu.dma_semaphore, #tpu.memory_space<semaphore_mem>>) src(%arg4 : memref<128xf32, #tpu.memory_space<vmem>>) dst(%dma_wait3A_898 : memref<10240xf32, #tpu.memory_space<vmem_shared>>)
    %dma_wait3A_899 = arith.constant 0 : i32
    %dma_wait3A_900 = tpu.memref_slice %arg6[%dma_wait3A_899] : memref<10240xf32, #tpu.memory_space<vmem_shared>> -> memref<10240xf32, #tpu.memory_space<vmem_shared>>
    tpu.wait_indirect_dma semaphore(%arg87 : memref<!tpu.dma_semaphore, #tpu.memory_space<semaphore_mem>>) src(%arg4 : memref<128xf32, #tpu.memory_space<vmem>>) dst(%dma_wait3A_900 : memref<10240xf32, #tpu.memory_space<vmem_shared>>)
    %dma_wait3A_901 = arith.constant 0 : i32
    %dma_wait3A_902 = tpu.memref_slice %arg6[%dma_wait3A_901] : memref<10240xf32, #tpu.memory_space<vmem_shared>> -> memref<10240xf32, #tpu.memory_space<vmem_shared>>
    tpu.wait_indirect_dma semaphore(%arg87 : memref<!tpu.dma_semaphore, #tpu.memory_space<semaphore_mem>>) src(%arg4 : memref<128xf32, #tpu.memory_space<vmem>>) dst(%dma_wait3A_902 : memref<10240xf32, #tpu.memory_space<vmem_shared>>)
    %dma_wait3A_903 = arith.constant 0 : i32
    %dma_wait3A_904 = tpu.memref_slice %arg6[%dma_wait3A_903] : memref<10240xf32, #tpu.memory_space<vmem_shared>> -> memref<10240xf32, #tpu.memory_space<vmem_shared>>
    tpu.wait_indirect_dma semaphore(%arg87 : memref<!tpu.dma_semaphore, #tpu.memory_space<semaphore_mem>>) src(%arg4 : memref<128xf32, #tpu.memory_space<vmem>>) dst(%dma_wait3A_904 : memref<10240xf32, #tpu.memory_space<vmem_shared>>)
    %dma_wait3A_905 = arith.constant 0 : i32
    %dma_wait3A_906 = tpu.memref_slice %arg6[%dma_wait3A_905] : memref<10240xf32, #tpu.memory_space<vmem_shared>> -> memref<10240xf32, #tpu.memory_space<vmem_shared>>
    tpu.wait_indirect_dma semaphore(%arg87 : memref<!tpu.dma_semaphore, #tpu.memory_space<semaphore_mem>>) src(%arg4 : memref<128xf32, #tpu.memory_space<vmem>>) dst(%dma_wait3A_906 : memref<10240xf32, #tpu.memory_space<vmem_shared>>)
    %dma_wait3A_907 = arith.constant 0 : i32
    %dma_wait3A_908 = tpu.memref_slice %arg6[%dma_wait3A_907] : memref<10240xf32, #tpu.memory_space<vmem_shared>> -> memref<10240xf32, #tpu.memory_space<vmem_shared>>
    tpu.wait_indirect_dma semaphore(%arg87 : memref<!tpu.dma_semaphore, #tpu.memory_space<semaphore_mem>>) src(%arg4 : memref<128xf32, #tpu.memory_space<vmem>>) dst(%dma_wait3A_908 : memref<10240xf32, #tpu.memory_space<vmem_shared>>)
    %dma_wait3A_909 = arith.constant 0 : i32
    %dma_wait3A_910 = tpu.memref_slice %arg6[%dma_wait3A_909] : memref<10240xf32, #tpu.memory_space<vmem_shared>> -> memref<10240xf32, #tpu.memory_space<vmem_shared>>
    tpu.wait_indirect_dma semaphore(%arg87 : memref<!tpu.dma_semaphore, #tpu.memory_space<semaphore_mem>>) src(%arg4 : memref<128xf32, #tpu.memory_space<vmem>>) dst(%dma_wait3A_910 : memref<10240xf32, #tpu.memory_space<vmem_shared>>)
    %dma_wait3A_911 = arith.constant 0 : i32
    %dma_wait3A_912 = tpu.memref_slice %arg6[%dma_wait3A_911] : memref<10240xf32, #tpu.memory_space<vmem_shared>> -> memref<10240xf32, #tpu.memory_space<vmem_shared>>
    tpu.wait_indirect_dma semaphore(%arg87 : memref<!tpu.dma_semaphore, #tpu.memory_space<semaphore_mem>>) src(%arg4 : memref<128xf32, #tpu.memory_space<vmem>>) dst(%dma_wait3A_912 : memref<10240xf32, #tpu.memory_space<vmem_shared>>)
    %dma_wait3A_913 = arith.constant 0 : i32
    %dma_wait3A_914 = tpu.memref_slice %arg6[%dma_wait3A_913] : memref<10240xf32, #tpu.memory_space<vmem_shared>> -> memref<10240xf32, #tpu.memory_space<vmem_shared>>
    tpu.wait_indirect_dma semaphore(%arg87 : memref<!tpu.dma_semaphore, #tpu.memory_space<semaphore_mem>>) src(%arg4 : memref<128xf32, #tpu.memory_space<vmem>>) dst(%dma_wait3A_914 : memref<10240xf32, #tpu.memory_space<vmem_shared>>)
    %dma_wait3A_915 = arith.constant 0 : i32
    %dma_wait3A_916 = tpu.memref_slice %arg6[%dma_wait3A_915] : memref<10240xf32, #tpu.memory_space<vmem_shared>> -> memref<10240xf32, #tpu.memory_space<vmem_shared>>
    tpu.wait_indirect_dma semaphore(%arg87 : memref<!tpu.dma_semaphore, #tpu.memory_space<semaphore_mem>>) src(%arg4 : memref<128xf32, #tpu.memory_space<vmem>>) dst(%dma_wait3A_916 : memref<10240xf32, #tpu.memory_space<vmem_shared>>)
    %dma_wait3A_917 = arith.constant 0 : i32
    %dma_wait3A_918 = tpu.memref_slice %arg6[%dma_wait3A_917] : memref<10240xf32, #tpu.memory_space<vmem_shared>> -> memref<10240xf32, #tpu.memory_space<vmem_shared>>
    tpu.wait_indirect_dma semaphore(%arg87 : memref<!tpu.dma_semaphore, #tpu.memory_space<semaphore_mem>>) src(%arg4 : memref<128xf32, #tpu.memory_space<vmem>>) dst(%dma_wait3A_918 : memref<10240xf32, #tpu.memory_space<vmem_shared>>)
    %dma_wait3A_919 = arith.constant 0 : i32
    %dma_wait3A_920 = tpu.memref_slice %arg6[%dma_wait3A_919] : memref<10240xf32, #tpu.memory_space<vmem_shared>> -> memref<10240xf32, #tpu.memory_space<vmem_shared>>
    tpu.wait_indirect_dma semaphore(%arg87 : memref<!tpu.dma_semaphore, #tpu.memory_space<semaphore_mem>>) src(%arg4 : memref<128xf32, #tpu.memory_space<vmem>>) dst(%dma_wait3A_920 : memref<10240xf32, #tpu.memory_space<vmem_shared>>)
    %dma_wait3A_921 = arith.constant 0 : i32
    %dma_wait3A_922 = tpu.memref_slice %arg6[%dma_wait3A_921] : memref<10240xf32, #tpu.memory_space<vmem_shared>> -> memref<10240xf32, #tpu.memory_space<vmem_shared>>
    tpu.wait_indirect_dma semaphore(%arg87 : memref<!tpu.dma_semaphore, #tpu.memory_space<semaphore_mem>>) src(%arg4 : memref<128xf32, #tpu.memory_space<vmem>>) dst(%dma_wait3A_922 : memref<10240xf32, #tpu.memory_space<vmem_shared>>)
    %dma_wait3A_923 = arith.constant 0 : i32
    %dma_wait3A_924 = tpu.memref_slice %arg6[%dma_wait3A_923] : memref<10240xf32, #tpu.memory_space<vmem_shared>> -> memref<10240xf32, #tpu.memory_space<vmem_shared>>
    tpu.wait_indirect_dma semaphore(%arg87 : memref<!tpu.dma_semaphore, #tpu.memory_space<semaphore_mem>>) src(%arg4 : memref<128xf32, #tpu.memory_space<vmem>>) dst(%dma_wait3A_924 : memref<10240xf32, #tpu.memory_space<vmem_shared>>)
    %dma_wait3A_925 = arith.constant 0 : i32
    %dma_wait3A_926 = tpu.memref_slice %arg6[%dma_wait3A_925] : memref<10240xf32, #tpu.memory_space<vmem_shared>> -> memref<10240xf32, #tpu.memory_space<vmem_shared>>
    tpu.wait_indirect_dma semaphore(%arg87 : memref<!tpu.dma_semaphore, #tpu.memory_space<semaphore_mem>>) src(%arg4 : memref<128xf32, #tpu.memory_space<vmem>>) dst(%dma_wait3A_926 : memref<10240xf32, #tpu.memory_space<vmem_shared>>)
    %dma_wait3A_927 = arith.constant 0 : i32
    %dma_wait3A_928 = tpu.memref_slice %arg6[%dma_wait3A_927] : memref<10240xf32, #tpu.memory_space<vmem_shared>> -> memref<10240xf32, #tpu.memory_space<vmem_shared>>
    tpu.wait_indirect_dma semaphore(%arg87 : memref<!tpu.dma_semaphore, #tpu.memory_space<semaphore_mem>>) src(%arg4 : memref<128xf32, #tpu.memory_space<vmem>>) dst(%dma_wait3A_928 : memref<10240xf32, #tpu.memory_space<vmem_shared>>)
    %dma_wait3A_929 = arith.constant 0 : i32
    %dma_wait3A_930 = tpu.memref_slice %arg6[%dma_wait3A_929] : memref<10240xf32, #tpu.memory_space<vmem_shared>> -> memref<10240xf32, #tpu.memory_space<vmem_shared>>
    tpu.wait_indirect_dma semaphore(%arg87 : memref<!tpu.dma_semaphore, #tpu.memory_space<semaphore_mem>>) src(%arg4 : memref<128xf32, #tpu.memory_space<vmem>>) dst(%dma_wait3A_930 : memref<10240xf32, #tpu.memory_space<vmem_shared>>)
    %dma_wait3A_931 = arith.constant 0 : i32
    %dma_wait3A_932 = tpu.memref_slice %arg6[%dma_wait3A_931] : memref<10240xf32, #tpu.memory_space<vmem_shared>> -> memref<10240xf32, #tpu.memory_space<vmem_shared>>
    tpu.wait_indirect_dma semaphore(%arg87 : memref<!tpu.dma_semaphore, #tpu.memory_space<semaphore_mem>>) src(%arg4 : memref<128xf32, #tpu.memory_space<vmem>>) dst(%dma_wait3A_932 : memref<10240xf32, #tpu.memory_space<vmem_shared>>)
    %dma_wait3A_933 = arith.constant 0 : i32
    %dma_wait3A_934 = tpu.memref_slice %arg6[%dma_wait3A_933] : memref<10240xf32, #tpu.memory_space<vmem_shared>> -> memref<10240xf32, #tpu.memory_space<vmem_shared>>
    tpu.wait_indirect_dma semaphore(%arg87 : memref<!tpu.dma_semaphore, #tpu.memory_space<semaphore_mem>>) src(%arg4 : memref<128xf32, #tpu.memory_space<vmem>>) dst(%dma_wait3A_934 : memref<10240xf32, #tpu.memory_space<vmem_shared>>)
    %dma_wait3A_935 = arith.constant 0 : i32
    %dma_wait3A_936 = tpu.memref_slice %arg6[%dma_wait3A_935] : memref<10240xf32, #tpu.memory_space<vmem_shared>> -> memref<10240xf32, #tpu.memory_space<vmem_shared>>
    tpu.wait_indirect_dma semaphore(%arg87 : memref<!tpu.dma_semaphore, #tpu.memory_space<semaphore_mem>>) src(%arg4 : memref<128xf32, #tpu.memory_space<vmem>>) dst(%dma_wait3A_936 : memref<10240xf32, #tpu.memory_space<vmem_shared>>)
    %dma_wait3A_937 = arith.constant 0 : i32
    %dma_wait3A_938 = tpu.memref_slice %arg6[%dma_wait3A_937] : memref<10240xf32, #tpu.memory_space<vmem_shared>> -> memref<10240xf32, #tpu.memory_space<vmem_shared>>
    tpu.wait_indirect_dma semaphore(%arg87 : memref<!tpu.dma_semaphore, #tpu.memory_space<semaphore_mem>>) src(%arg4 : memref<128xf32, #tpu.memory_space<vmem>>) dst(%dma_wait3A_938 : memref<10240xf32, #tpu.memory_space<vmem_shared>>)
    %dma_wait3A_939 = arith.constant 0 : i32
    %dma_wait3A_940 = tpu.memref_slice %arg6[%dma_wait3A_939] : memref<10240xf32, #tpu.memory_space<vmem_shared>> -> memref<10240xf32, #tpu.memory_space<vmem_shared>>
    tpu.wait_indirect_dma semaphore(%arg87 : memref<!tpu.dma_semaphore, #tpu.memory_space<semaphore_mem>>) src(%arg4 : memref<128xf32, #tpu.memory_space<vmem>>) dst(%dma_wait3A_940 : memref<10240xf32, #tpu.memory_space<vmem_shared>>)
    %dma_wait3A_941 = arith.constant 0 : i32
    %dma_wait3A_942 = tpu.memref_slice %arg6[%dma_wait3A_941] : memref<10240xf32, #tpu.memory_space<vmem_shared>> -> memref<10240xf32, #tpu.memory_space<vmem_shared>>
    tpu.wait_indirect_dma semaphore(%arg87 : memref<!tpu.dma_semaphore, #tpu.memory_space<semaphore_mem>>) src(%arg4 : memref<128xf32, #tpu.memory_space<vmem>>) dst(%dma_wait3A_942 : memref<10240xf32, #tpu.memory_space<vmem_shared>>)
    %dma_wait3A_943 = arith.constant 0 : i32
    %dma_wait3A_944 = tpu.memref_slice %arg6[%dma_wait3A_943] : memref<10240xf32, #tpu.memory_space<vmem_shared>> -> memref<10240xf32, #tpu.memory_space<vmem_shared>>
    tpu.wait_indirect_dma semaphore(%arg87 : memref<!tpu.dma_semaphore, #tpu.memory_space<semaphore_mem>>) src(%arg4 : memref<128xf32, #tpu.memory_space<vmem>>) dst(%dma_wait3A_944 : memref<10240xf32, #tpu.memory_space<vmem_shared>>)
    %dma_wait3A_945 = arith.constant 0 : i32
    %dma_wait3A_946 = tpu.memref_slice %arg6[%dma_wait3A_945] : memref<10240xf32, #tpu.memory_space<vmem_shared>> -> memref<10240xf32, #tpu.memory_space<vmem_shared>>
    tpu.wait_indirect_dma semaphore(%arg87 : memref<!tpu.dma_semaphore, #tpu.memory_space<semaphore_mem>>) src(%arg4 : memref<128xf32, #tpu.memory_space<vmem>>) dst(%dma_wait3A_946 : memref<10240xf32, #tpu.memory_space<vmem_shared>>)
    %dma_wait3A_947 = arith.constant 0 : i32
    %dma_wait3A_948 = tpu.memref_slice %arg6[%dma_wait3A_947] : memref<10240xf32, #tpu.memory_space<vmem_shared>> -> memref<10240xf32, #tpu.memory_space<vmem_shared>>
    tpu.wait_indirect_dma semaphore(%arg87 : memref<!tpu.dma_semaphore, #tpu.memory_space<semaphore_mem>>) src(%arg4 : memref<128xf32, #tpu.memory_space<vmem>>) dst(%dma_wait3A_948 : memref<10240xf32, #tpu.memory_space<vmem_shared>>)
    %dma_wait3A_949 = arith.constant 0 : i32
    %dma_wait3A_950 = tpu.memref_slice %arg6[%dma_wait3A_949] : memref<10240xf32, #tpu.memory_space<vmem_shared>> -> memref<10240xf32, #tpu.memory_space<vmem_shared>>
    tpu.wait_indirect_dma semaphore(%arg87 : memref<!tpu.dma_semaphore, #tpu.memory_space<semaphore_mem>>) src(%arg4 : memref<128xf32, #tpu.memory_space<vmem>>) dst(%dma_wait3A_950 : memref<10240xf32, #tpu.memory_space<vmem_shared>>)
    %dma_wait3A_951 = arith.constant 0 : i32
    %dma_wait3A_952 = tpu.memref_slice %arg6[%dma_wait3A_951] : memref<10240xf32, #tpu.memory_space<vmem_shared>> -> memref<10240xf32, #tpu.memory_space<vmem_shared>>
    tpu.wait_indirect_dma semaphore(%arg87 : memref<!tpu.dma_semaphore, #tpu.memory_space<semaphore_mem>>) src(%arg4 : memref<128xf32, #tpu.memory_space<vmem>>) dst(%dma_wait3A_952 : memref<10240xf32, #tpu.memory_space<vmem_shared>>)
    %dma_wait3A_953 = arith.constant 0 : i32
    %dma_wait3A_954 = tpu.memref_slice %arg6[%dma_wait3A_953] : memref<10240xf32, #tpu.memory_space<vmem_shared>> -> memref<10240xf32, #tpu.memory_space<vmem_shared>>
    tpu.wait_indirect_dma semaphore(%arg87 : memref<!tpu.dma_semaphore, #tpu.memory_space<semaphore_mem>>) src(%arg4 : memref<128xf32, #tpu.memory_space<vmem>>) dst(%dma_wait3A_954 : memref<10240xf32, #tpu.memory_space<vmem_shared>>)
    %dma_wait3A_955 = arith.constant 0 : i32
    %dma_wait3A_956 = tpu.memref_slice %arg6[%dma_wait3A_955] : memref<10240xf32, #tpu.memory_space<vmem_shared>> -> memref<10240xf32, #tpu.memory_space<vmem_shared>>
    tpu.wait_indirect_dma semaphore(%arg87 : memref<!tpu.dma_semaphore, #tpu.memory_space<semaphore_mem>>) src(%arg4 : memref<128xf32, #tpu.memory_space<vmem>>) dst(%dma_wait3A_956 : memref<10240xf32, #tpu.memory_space<vmem_shared>>)
    %dma_wait3A_957 = arith.constant 0 : i32
    %dma_wait3A_958 = tpu.memref_slice %arg6[%dma_wait3A_957] : memref<10240xf32, #tpu.memory_space<vmem_shared>> -> memref<10240xf32, #tpu.memory_space<vmem_shared>>
    tpu.wait_indirect_dma semaphore(%arg87 : memref<!tpu.dma_semaphore, #tpu.memory_space<semaphore_mem>>) src(%arg4 : memref<128xf32, #tpu.memory_space<vmem>>) dst(%dma_wait3A_958 : memref<10240xf32, #tpu.memory_space<vmem_shared>>)
    %dma_wait3A_959 = arith.constant 0 : i32
    %dma_wait3A_960 = tpu.memref_slice %arg6[%dma_wait3A_959] : memref<10240xf32, #tpu.memory_space<vmem_shared>> -> memref<10240xf32, #tpu.memory_space<vmem_shared>>
    tpu.wait_indirect_dma semaphore(%arg87 : memref<!tpu.dma_semaphore, #tpu.memory_space<semaphore_mem>>) src(%arg4 : memref<128xf32, #tpu.memory_space<vmem>>) dst(%dma_wait3A_960 : memref<10240xf32, #tpu.memory_space<vmem_shared>>)
    %dma_wait3A_961 = arith.constant 0 : i32
    %dma_wait3A_962 = tpu.memref_slice %arg6[%dma_wait3A_961] : memref<10240xf32, #tpu.memory_space<vmem_shared>> -> memref<10240xf32, #tpu.memory_space<vmem_shared>>
    tpu.wait_indirect_dma semaphore(%arg87 : memref<!tpu.dma_semaphore, #tpu.memory_space<semaphore_mem>>) src(%arg4 : memref<128xf32, #tpu.memory_space<vmem>>) dst(%dma_wait3A_962 : memref<10240xf32, #tpu.memory_space<vmem_shared>>)
    %dma_wait3A_963 = arith.constant 0 : i32
    %dma_wait3A_964 = tpu.memref_slice %arg6[%dma_wait3A_963] : memref<10240xf32, #tpu.memory_space<vmem_shared>> -> memref<10240xf32, #tpu.memory_space<vmem_shared>>
    tpu.wait_indirect_dma semaphore(%arg87 : memref<!tpu.dma_semaphore, #tpu.memory_space<semaphore_mem>>) src(%arg4 : memref<128xf32, #tpu.memory_space<vmem>>) dst(%dma_wait3A_964 : memref<10240xf32, #tpu.memory_space<vmem_shared>>)
    %dma_wait3A_965 = arith.constant 0 : i32
    %dma_wait3A_966 = tpu.memref_slice %arg6[%dma_wait3A_965] : memref<10240xf32, #tpu.memory_space<vmem_shared>> -> memref<10240xf32, #tpu.memory_space<vmem_shared>>
    tpu.wait_indirect_dma semaphore(%arg87 : memref<!tpu.dma_semaphore, #tpu.memory_space<semaphore_mem>>) src(%arg4 : memref<128xf32, #tpu.memory_space<vmem>>) dst(%dma_wait3A_966 : memref<10240xf32, #tpu.memory_space<vmem_shared>>)
    %dma_wait3A_967 = arith.constant 0 : i32
    %dma_wait3A_968 = tpu.memref_slice %arg4[%dma_wait3A_967] : memref<128xf32, #tpu.memory_space<vmem>> -> memref<16xf32, #tpu.memory_space<vmem>>
    %dma_wait3A_969 = arith.constant 0 : i32
    %dma_wait3A_970 = tpu.memref_slice %arg6[%dma_wait3A_969] : memref<10240xf32, #tpu.memory_space<vmem_shared>> -> memref<10240xf32, #tpu.memory_space<vmem_shared>>
    tpu.wait_indirect_dma semaphore(%arg87 : memref<!tpu.dma_semaphore, #tpu.memory_space<semaphore_mem>>) src(%dma_wait3A_968 : memref<16xf32, #tpu.memory_space<vmem>>) dst(%dma_wait3A_970 : memref<10240xf32, #tpu.memory_space<vmem_shared>>)
    %barrier3A_971 = arith.constant 0 : index
    tpu.barrier barrier_id(%barrier3A_971)
    %mul3A_972 = arith.constant 640 : i32
    %mul3A_973 = arith.muli %arg1, %mul3A_972 : i32
    %mul3A_974 = arith.constant 640 : i32
    %mul3A_975 = arith.muli %arg1, %mul3A_974 : i32
    "tpu.region"() ({
      %run_scoped3A = tpu.sem_alloc : memref<!tpu.dma_semaphore, #tpu.memory_space<semaphore_mem>>
      %dma_start3A_976 = tpu.memref_slice %arg3[%arg0, %mul3A_975] : memref<2x10240xf32, #tpu.memory_space<hbm>> -> memref<1x640xf32, #tpu.memory_space<hbm>>
      %dma_start3A_977 = tpu.memref_squeeze %dma_start3A_976 : memref<1x640xf32, #tpu.memory_space<hbm>> -> memref<640xf32, #tpu.memory_space<hbm>>
      %dma_start3A_978 = tpu.memref_slice %arg6[%mul3A_973] : memref<10240xf32, #tpu.memory_space<vmem_shared>> -> memref<640xf32, #tpu.memory_space<vmem_shared>>
      tpu.enqueue_dma source(%dma_start3A_978 : memref<640xf32, #tpu.memory_space<vmem_shared>>) target(%dma_start3A_977 : memref<640xf32, #tpu.memory_space<hbm>>) target_semaphore(%run_scoped3A : memref<!tpu.dma_semaphore, #tpu.memory_space<semaphore_mem>>)
      %dma_wait3A_979 = tpu.memref_slice %arg3[%arg0, %mul3A_975] : memref<2x10240xf32, #tpu.memory_space<hbm>> -> memref<1x640xf32, #tpu.memory_space<hbm>>
      %dma_wait3A_980 = tpu.memref_squeeze %dma_wait3A_979 : memref<1x640xf32, #tpu.memory_space<hbm>> -> memref<640xf32, #tpu.memory_space<hbm>>
      %dma_wait3A_981 = tpu.memref_slice %arg6[%mul3A_973] : memref<10240xf32, #tpu.memory_space<vmem_shared>> -> memref<640xf32, #tpu.memory_space<vmem_shared>>
      tpu.wait_dma2 semaphore(%run_scoped3A : memref<!tpu.dma_semaphore, #tpu.memory_space<semaphore_mem>>) src(%dma_wait3A_981 : memref<640xf32, #tpu.memory_space<vmem_shared>>) dst(%dma_wait3A_980 : memref<640xf32, #tpu.memory_space<hbm>>)
      tpu.yield
    }) : () -> ()
    return
  }
}

#map = affine_map<(d0, d1) -> (0)>
#map1 = affine_map<(d0, d1) -> (0, 0)>
#map2 = affine_map<(d0, d1) -> (0, 0, 0)>
module attributes {stable_mosaic.version = 14 : i64} {
  func.func @_agg_kernel(%arg0: i32, %arg1: i32, %arg2: memref<320000xi32, #tpu.memory_space<hbm>>, %arg3: memref<320000xi32, #tpu.memory_space<hbm>>, %arg4: memref<10000x128xf32, #tpu.memory_space<hbm>>, %arg5: memref<2x10240x128xf32, #tpu.memory_space<hbm>>, %arg6: memref<10000xi32, #tpu.memory_space<vmem>>, %arg7: memref<128x128xf32, #tpu.memory_space<vmem>>, %arg8: memref<128x128xf32, #tpu.memory_space<vmem>>, %arg9: memref<128xi32, #tpu.memory_space<vmem>>, %arg10: memref<128xi32, #tpu.memory_space<vmem>>, %arg11: memref<16xi32, #tpu.memory_space<vmem>>, %arg12: memref<10240x128xf32, #tpu.memory_space<vmem_shared>>, %arg13: memref<!tpu.dma_semaphore, #tpu.memory_space<semaphore_mem>>, %arg14: memref<!tpu.dma_semaphore, #tpu.memory_space<semaphore_mem>>, %arg15: memref<!tpu.dma_semaphore, #tpu.memory_space<semaphore_mem>>, %arg16: memref<!tpu.dma_semaphore, #tpu.memory_space<semaphore_mem>>, %arg17: memref<!tpu.dma_semaphore, #tpu.memory_space<semaphore_mem>>, %arg18: memref<!tpu.dma_semaphore, #tpu.memory_space<semaphore_mem>>) attributes {dimension_semantics = [#tpu.dimension_semantics<core_parallel>, #tpu.dimension_semantics<subcore_parallel>], iteration_bounds = array<i64: 2, 16>, scalar_prefetch = 0 : i64, scratch_operands = 13 : i64, tpu.core_type = #tpu.core_type<sc_vector_subcore>, window_params = [{transform_indices = #map}, {transform_indices = #map}, {transform_indices = #map1}, {transform_indices = #map2}]} {
    %mul3A = arith.constant 16 : i32
    %mul3A_0 = arith.muli %arg0, %mul3A : i32
    %add3A = arith.addi %mul3A_0, %arg1 : i32
    %mul3A_1 = arith.constant 10000 : i32
    %mul3A_2 = arith.muli %add3A, %mul3A_1 : i32
    %broadcast_in_dim3A = arith.constant 0.000000e+00 : f32
    %broadcast_in_dim3A_3 = vector.broadcast %broadcast_in_dim3A : f32 to vector<16xf32>
    %scan3A = arith.constant 0 : i32
    %scan3A_4 = arith.constant 0 : i32
    %scan3A_5 = arith.constant 128 : i32
    %scan3A_6 = arith.addi %scan3A_4, %scan3A_5 : i32
    %scan3A_7 = arith.constant 1 : i32
    %scan3A_8 = scf.for %scan3A_144 = %scan3A_4 to %scan3A_6 step %scan3A_7 iter_args(%scan3A_145 = %scan3A) -> (i32)  : i32 {
      %scan3A_146 = arith.constant 0 : i32
      %scan3A_147 = arith.constant 0 : i32
      %scan3A_148 = arith.constant 8 : i32
      %scan3A_149 = arith.addi %scan3A_147, %scan3A_148 : i32
      %scan3A_150 = arith.constant 1 : i32
      %scan3A_151 = scf.for %scan3A_153 = %scan3A_147 to %scan3A_149 step %scan3A_150 iter_args(%scan3A_154 = %scan3A_146) -> (i32)  : i32 {
        %mul3A_155 = arith.constant 16 : i32
        %mul3A_156 = arith.muli %scan3A_153, %mul3A_155 : i32
        %swap3A = arith.index_cast %scan3A_144 : i32 to index
        %swap3A_157 = arith.index_cast %mul3A_156 : i32 to index
        %swap3A_158 = tpu.vector_load %arg7[%swap3A, %swap3A_157] {strides = array<i32>} : memref<128x128xf32, #tpu.memory_space<vmem>>, vector<1x16xf32>,
        %swap3A_159 = vector.shape_cast %swap3A_158 : vector<1x16xf32> to vector<16xf32>
        %swap3A_160 = vector.shape_cast %broadcast_in_dim3A_3 : vector<16xf32> to vector<1x16xf32>
        tpu.vector_store %arg7[%swap3A, %swap3A_157], %swap3A_160 {strides = array<i32>} : memref<128x128xf32, #tpu.memory_space<vmem>>, vector<1x16xf32>,
        %scan3A_161 = arith.constant 0 : i32
        scf.yield %scan3A_161 : i32
      }
      %scan3A_152 = arith.constant 8 : i32
      scf.yield %scan3A_151 : i32
    }
    %scan3A_9 = arith.constant 128 : i32
    %mul3A_10 = arith.constant 640 : i32
    %mul3A_11 = arith.muli %arg1, %mul3A_10 : i32
    %add3A_12 = arith.constant 0 : i32
    %add3A_13 = arith.addi %mul3A_11, %add3A_12 : i32
    %dma_start3A = arith.constant 0 : i32
    %dma_start3A_14 = tpu.memref_slice %arg12[%add3A_13, %dma_start3A] : memref<10240x128xf32, #tpu.memory_space<vmem_shared>> -> memref<128x128xf32, #tpu.memory_space<vmem_shared>>
    %dma_start3A_15 = arith.constant 0 : i32
    %dma_start3A_16 = tpu.memref_slice %arg12[%add3A_13, %dma_start3A_15] : memref<10240x128xf32, #tpu.memory_space<vmem_shared>> -> memref<128x128xf32, #tpu.memory_space<vmem_shared>>
    tpu.enqueue_dma source(%arg7 : memref<128x128xf32, #tpu.memory_space<vmem>>) target(%dma_start3A_16 : memref<128x128xf32, #tpu.memory_space<vmem_shared>>) target_semaphore(%arg15 : memref<!tpu.dma_semaphore, #tpu.memory_space<semaphore_mem>>)
    %add3A_17 = arith.constant 128 : i32
    %add3A_18 = arith.addi %mul3A_11, %add3A_17 : i32
    %dma_start3A_19 = arith.constant 0 : i32
    %dma_start3A_20 = tpu.memref_slice %arg12[%add3A_18, %dma_start3A_19] : memref<10240x128xf32, #tpu.memory_space<vmem_shared>> -> memref<128x128xf32, #tpu.memory_space<vmem_shared>>
    %dma_start3A_21 = arith.constant 0 : i32
    %dma_start3A_22 = tpu.memref_slice %arg12[%add3A_18, %dma_start3A_21] : memref<10240x128xf32, #tpu.memory_space<vmem_shared>> -> memref<128x128xf32, #tpu.memory_space<vmem_shared>>
    tpu.enqueue_dma source(%arg7 : memref<128x128xf32, #tpu.memory_space<vmem>>) target(%dma_start3A_22 : memref<128x128xf32, #tpu.memory_space<vmem_shared>>) target_semaphore(%arg15 : memref<!tpu.dma_semaphore, #tpu.memory_space<semaphore_mem>>)
    %add3A_23 = arith.constant 256 : i32
    %add3A_24 = arith.addi %mul3A_11, %add3A_23 : i32
    %dma_start3A_25 = arith.constant 0 : i32
    %dma_start3A_26 = tpu.memref_slice %arg12[%add3A_24, %dma_start3A_25] : memref<10240x128xf32, #tpu.memory_space<vmem_shared>> -> memref<128x128xf32, #tpu.memory_space<vmem_shared>>
    %dma_start3A_27 = arith.constant 0 : i32
    %dma_start3A_28 = tpu.memref_slice %arg12[%add3A_24, %dma_start3A_27] : memref<10240x128xf32, #tpu.memory_space<vmem_shared>> -> memref<128x128xf32, #tpu.memory_space<vmem_shared>>
    tpu.enqueue_dma source(%arg7 : memref<128x128xf32, #tpu.memory_space<vmem>>) target(%dma_start3A_28 : memref<128x128xf32, #tpu.memory_space<vmem_shared>>) target_semaphore(%arg15 : memref<!tpu.dma_semaphore, #tpu.memory_space<semaphore_mem>>)
    %add3A_29 = arith.constant 384 : i32
    %add3A_30 = arith.addi %mul3A_11, %add3A_29 : i32
    %dma_start3A_31 = arith.constant 0 : i32
    %dma_start3A_32 = tpu.memref_slice %arg12[%add3A_30, %dma_start3A_31] : memref<10240x128xf32, #tpu.memory_space<vmem_shared>> -> memref<128x128xf32, #tpu.memory_space<vmem_shared>>
    %dma_start3A_33 = arith.constant 0 : i32
    %dma_start3A_34 = tpu.memref_slice %arg12[%add3A_30, %dma_start3A_33] : memref<10240x128xf32, #tpu.memory_space<vmem_shared>> -> memref<128x128xf32, #tpu.memory_space<vmem_shared>>
    tpu.enqueue_dma source(%arg7 : memref<128x128xf32, #tpu.memory_space<vmem>>) target(%dma_start3A_34 : memref<128x128xf32, #tpu.memory_space<vmem_shared>>) target_semaphore(%arg15 : memref<!tpu.dma_semaphore, #tpu.memory_space<semaphore_mem>>)
    %add3A_35 = arith.constant 512 : i32
    %add3A_36 = arith.addi %mul3A_11, %add3A_35 : i32
    %dma_start3A_37 = arith.constant 0 : i32
    %dma_start3A_38 = tpu.memref_slice %arg12[%add3A_36, %dma_start3A_37] : memref<10240x128xf32, #tpu.memory_space<vmem_shared>> -> memref<128x128xf32, #tpu.memory_space<vmem_shared>>
    %dma_start3A_39 = arith.constant 0 : i32
    %dma_start3A_40 = tpu.memref_slice %arg12[%add3A_36, %dma_start3A_39] : memref<10240x128xf32, #tpu.memory_space<vmem_shared>> -> memref<128x128xf32, #tpu.memory_space<vmem_shared>>
    tpu.enqueue_dma source(%arg7 : memref<128x128xf32, #tpu.memory_space<vmem>>) target(%dma_start3A_40 : memref<128x128xf32, #tpu.memory_space<vmem_shared>>) target_semaphore(%arg15 : memref<!tpu.dma_semaphore, #tpu.memory_space<semaphore_mem>>)
    "tpu.region"() ({
      %run_scoped3A = tpu.sem_alloc : memref<!tpu.dma_semaphore, #tpu.memory_space<semaphore_mem>>
      %dma_start3A_144 = tpu.memref_slice %arg2[%mul3A_2] : memref<320000xi32, #tpu.memory_space<hbm>> -> memref<10000xi32, #tpu.memory_space<hbm>>
      %dma_start3A_145 = tpu.memref_slice %arg2[%mul3A_2] : memref<320000xi32, #tpu.memory_space<hbm>> -> memref<10000xi32, #tpu.memory_space<hbm>>
      tpu.enqueue_dma source(%dma_start3A_145 : memref<10000xi32, #tpu.memory_space<hbm>>) target(%arg6 : memref<10000xi32, #tpu.memory_space<vmem>>) target_semaphore(%run_scoped3A : memref<!tpu.dma_semaphore, #tpu.memory_space<semaphore_mem>>)
      %dma_wait3A_146 = tpu.memref_slice %arg2[%mul3A_2] : memref<320000xi32, #tpu.memory_space<hbm>> -> memref<10000xi32, #tpu.memory_space<hbm>>
      %dma_wait3A_147 = tpu.memref_slice %arg2[%mul3A_2] : memref<320000xi32, #tpu.memory_space<hbm>> -> memref<10000xi32, #tpu.memory_space<hbm>>
      tpu.wait_dma2 semaphore(%run_scoped3A : memref<!tpu.dma_semaphore, #tpu.memory_space<semaphore_mem>>) src(%dma_wait3A_147 : memref<10000xi32, #tpu.memory_space<hbm>>) dst(%arg6 : memref<10000xi32, #tpu.memory_space<vmem>>)
      tpu.yield
    }) : () -> ()
    %add3A_41 = arith.constant 0 : i32
    %add3A_42 = arith.addi %mul3A_11, %add3A_41 : i32
    %dma_wait3A = arith.constant 0 : i32
    %dma_wait3A_43 = tpu.memref_slice %arg12[%add3A_42, %dma_wait3A] : memref<10240x128xf32, #tpu.memory_space<vmem_shared>> -> memref<128x128xf32, #tpu.memory_space<vmem_shared>>
    %dma_wait3A_44 = arith.constant 0 : i32
    %dma_wait3A_45 = tpu.memref_slice %arg12[%add3A_42, %dma_wait3A_44] : memref<10240x128xf32, #tpu.memory_space<vmem_shared>> -> memref<128x128xf32, #tpu.memory_space<vmem_shared>>
    tpu.wait_dma2 semaphore(%arg15 : memref<!tpu.dma_semaphore, #tpu.memory_space<semaphore_mem>>) src(%arg7 : memref<128x128xf32, #tpu.memory_space<vmem>>) dst(%dma_wait3A_45 : memref<128x128xf32, #tpu.memory_space<vmem_shared>>)
    %add3A_46 = arith.constant 128 : i32
    %add3A_47 = arith.addi %mul3A_11, %add3A_46 : i32
    %dma_wait3A_48 = arith.constant 0 : i32
    %dma_wait3A_49 = tpu.memref_slice %arg12[%add3A_47, %dma_wait3A_48] : memref<10240x128xf32, #tpu.memory_space<vmem_shared>> -> memref<128x128xf32, #tpu.memory_space<vmem_shared>>
    %dma_wait3A_50 = arith.constant 0 : i32
    %dma_wait3A_51 = tpu.memref_slice %arg12[%add3A_47, %dma_wait3A_50] : memref<10240x128xf32, #tpu.memory_space<vmem_shared>> -> memref<128x128xf32, #tpu.memory_space<vmem_shared>>
    tpu.wait_dma2 semaphore(%arg15 : memref<!tpu.dma_semaphore, #tpu.memory_space<semaphore_mem>>) src(%arg7 : memref<128x128xf32, #tpu.memory_space<vmem>>) dst(%dma_wait3A_51 : memref<128x128xf32, #tpu.memory_space<vmem_shared>>)
    %add3A_52 = arith.constant 256 : i32
    %add3A_53 = arith.addi %mul3A_11, %add3A_52 : i32
    %dma_wait3A_54 = arith.constant 0 : i32
    %dma_wait3A_55 = tpu.memref_slice %arg12[%add3A_53, %dma_wait3A_54] : memref<10240x128xf32, #tpu.memory_space<vmem_shared>> -> memref<128x128xf32, #tpu.memory_space<vmem_shared>>
    %dma_wait3A_56 = arith.constant 0 : i32
    %dma_wait3A_57 = tpu.memref_slice %arg12[%add3A_53, %dma_wait3A_56] : memref<10240x128xf32, #tpu.memory_space<vmem_shared>> -> memref<128x128xf32, #tpu.memory_space<vmem_shared>>
    tpu.wait_dma2 semaphore(%arg15 : memref<!tpu.dma_semaphore, #tpu.memory_space<semaphore_mem>>) src(%arg7 : memref<128x128xf32, #tpu.memory_space<vmem>>) dst(%dma_wait3A_57 : memref<128x128xf32, #tpu.memory_space<vmem_shared>>)
    %add3A_58 = arith.constant 384 : i32
    %add3A_59 = arith.addi %mul3A_11, %add3A_58 : i32
    %dma_wait3A_60 = arith.constant 0 : i32
    %dma_wait3A_61 = tpu.memref_slice %arg12[%add3A_59, %dma_wait3A_60] : memref<10240x128xf32, #tpu.memory_space<vmem_shared>> -> memref<128x128xf32, #tpu.memory_space<vmem_shared>>
    %dma_wait3A_62 = arith.constant 0 : i32
    %dma_wait3A_63 = tpu.memref_slice %arg12[%add3A_59, %dma_wait3A_62] : memref<10240x128xf32, #tpu.memory_space<vmem_shared>> -> memref<128x128xf32, #tpu.memory_space<vmem_shared>>
    tpu.wait_dma2 semaphore(%arg15 : memref<!tpu.dma_semaphore, #tpu.memory_space<semaphore_mem>>) src(%arg7 : memref<128x128xf32, #tpu.memory_space<vmem>>) dst(%dma_wait3A_63 : memref<128x128xf32, #tpu.memory_space<vmem_shared>>)
    %add3A_64 = arith.constant 512 : i32
    %add3A_65 = arith.addi %mul3A_11, %add3A_64 : i32
    %dma_wait3A_66 = arith.constant 0 : i32
    %dma_wait3A_67 = tpu.memref_slice %arg12[%add3A_65, %dma_wait3A_66] : memref<10240x128xf32, #tpu.memory_space<vmem_shared>> -> memref<128x128xf32, #tpu.memory_space<vmem_shared>>
    %dma_wait3A_68 = arith.constant 0 : i32
    %dma_wait3A_69 = tpu.memref_slice %arg12[%add3A_65, %dma_wait3A_68] : memref<10240x128xf32, #tpu.memory_space<vmem_shared>> -> memref<128x128xf32, #tpu.memory_space<vmem_shared>>
    tpu.wait_dma2 semaphore(%arg15 : memref<!tpu.dma_semaphore, #tpu.memory_space<semaphore_mem>>) src(%arg7 : memref<128x128xf32, #tpu.memory_space<vmem>>) dst(%dma_wait3A_69 : memref<128x128xf32, #tpu.memory_space<vmem_shared>>)
    %barrier3A = arith.constant 0 : index
    tpu.barrier barrier_id(%barrier3A)
    %add3A_70 = arith.constant 0 : i32
    %add3A_71 = arith.addi %mul3A_2, %add3A_70 : i32
    %dma_start3A_72 = tpu.memref_slice %arg3[%add3A_71] : memref<320000xi32, #tpu.memory_space<hbm>> -> memref<128xi32, #tpu.memory_space<hbm>>
    %dma_start3A_73 = tpu.memref_slice %arg3[%add3A_71] : memref<320000xi32, #tpu.memory_space<hbm>> -> memref<128xi32, #tpu.memory_space<hbm>>
    tpu.enqueue_dma source(%dma_start3A_73 : memref<128xi32, #tpu.memory_space<hbm>>) target(%arg9 : memref<128xi32, #tpu.memory_space<vmem>>) target_semaphore(%arg17 : memref<!tpu.dma_semaphore, #tpu.memory_space<semaphore_mem>>)
    %dma_start3A_74 = arith.constant 0 : i32
    %dma_start3A_75 = tpu.memref_slice %arg6[%dma_start3A_74] : memref<10000xi32, #tpu.memory_space<vmem>> -> memref<128xi32, #tpu.memory_space<vmem>>
    %dma_start3A_76 = arith.constant 0 : i32
    %dma_start3A_77 = arith.constant 0 : i32
    %dma_start3A_78 = tpu.memref_slice %arg4[%dma_start3A_76, %dma_start3A_77] : memref<10000x128xf32, #tpu.memory_space<hbm>> -> memref<10000x128xf32, #tpu.memory_space<hbm>>
    tpu.enqueue_indirect_dma source(%dma_start3A_78 : memref<10000x128xf32, #tpu.memory_space<hbm>>) target(%arg7 : memref<128x128xf32, #tpu.memory_space<vmem>>) offsets(%dma_start3A_75 : memref<128xi32, #tpu.memory_space<vmem>>) semaphore(%arg13 : memref<!tpu.dma_semaphore, #tpu.memory_space<semaphore_mem>>)
    %add3A_79 = arith.constant 128 : i32
    %add3A_80 = arith.addi %mul3A_2, %add3A_79 : i32
    %dma_start3A_81 = tpu.memref_slice %arg3[%add3A_80] : memref<320000xi32, #tpu.memory_space<hbm>> -> memref<128xi32, #tpu.memory_space<hbm>>
    %dma_start3A_82 = tpu.memref_slice %arg3[%add3A_80] : memref<320000xi32, #tpu.memory_space<hbm>> -> memref<128xi32, #tpu.memory_space<hbm>>
    tpu.enqueue_dma source(%dma_start3A_82 : memref<128xi32, #tpu.memory_space<hbm>>) target(%arg10 : memref<128xi32, #tpu.memory_space<vmem>>) target_semaphore(%arg18 : memref<!tpu.dma_semaphore, #tpu.memory_space<semaphore_mem>>)
    %dma_start3A_83 = arith.constant 128 : i32
    %dma_start3A_84 = tpu.memref_slice %arg6[%dma_start3A_83] : memref<10000xi32, #tpu.memory_space<vmem>> -> memref<128xi32, #tpu.memory_space<vmem>>
    %dma_start3A_85 = arith.constant 0 : i32
    %dma_start3A_86 = arith.constant 0 : i32
    %dma_start3A_87 = tpu.memref_slice %arg4[%dma_start3A_85, %dma_start3A_86] : memref<10000x128xf32, #tpu.memory_space<hbm>> -> memref<10000x128xf32, #tpu.memory_space<hbm>>
    tpu.enqueue_indirect_dma source(%dma_start3A_87 : memref<10000x128xf32, #tpu.memory_space<hbm>>) target(%arg8 : memref<128x128xf32, #tpu.memory_space<vmem>>) offsets(%dma_start3A_84 : memref<128xi32, #tpu.memory_space<vmem>>) semaphore(%arg14 : memref<!tpu.dma_semaphore, #tpu.memory_space<semaphore_mem>>)
    %scan3A_88 = arith.constant 0 : i32
    %scan3A_89 = arith.constant 0 : i32
    %scan3A_90 = arith.constant 38 : i32
    %scan3A_91 = arith.addi %scan3A_89, %scan3A_90 : i32
    %scan3A_92 = arith.constant 1 : i32
    %scan3A_93 = scf.for %scan3A_144 = %scan3A_89 to %scan3A_91 step %scan3A_92 iter_args(%scan3A_145 = %scan3A_88) -> (i32)  : i32 {
      %mul3A_146 = arith.constant 2 : i32
      %mul3A_147 = arith.muli %scan3A_144, %mul3A_146 : i32
      %add3A_148 = arith.constant 0 : i32
      %add3A_149 = arith.addi %mul3A_147, %add3A_148 : i32
      %mul3A_150 = arith.constant 128 : i32
      %mul3A_151 = arith.muli %add3A_149, %mul3A_150 : i32
      %dma_wait3A_152 = tpu.memref_slice %arg6[%mul3A_151] : memref<10000xi32, #tpu.memory_space<vmem>> -> memref<128xi32, #tpu.memory_space<vmem>>
      %dma_wait3A_153 = arith.constant 0 : i32
      %dma_wait3A_154 = arith.constant 0 : i32
      %dma_wait3A_155 = tpu.memref_slice %arg4[%dma_wait3A_153, %dma_wait3A_154] : memref<10000x128xf32, #tpu.memory_space<hbm>> -> memref<10000x128xf32, #tpu.memory_space<hbm>>
      tpu.wait_indirect_dma semaphore(%arg13 : memref<!tpu.dma_semaphore, #tpu.memory_space<semaphore_mem>>) src(%dma_wait3A_155 : memref<10000x128xf32, #tpu.memory_space<hbm>>) dst(%arg7 : memref<128x128xf32, #tpu.memory_space<vmem>>)
      %mul3A_156 = arith.constant 128 : i32
      %mul3A_157 = arith.muli %add3A_149, %mul3A_156 : i32
      %add3A_158 = arith.addi %mul3A_2, %mul3A_157 : i32
      %dma_wait3A_159 = tpu.memref_slice %arg3[%add3A_158] : memref<320000xi32, #tpu.memory_space<hbm>> -> memref<128xi32, #tpu.memory_space<hbm>>
      %dma_wait3A_160 = tpu.memref_slice %arg3[%add3A_158] : memref<320000xi32, #tpu.memory_space<hbm>> -> memref<128xi32, #tpu.memory_space<hbm>>
      tpu.wait_dma2 semaphore(%arg17 : memref<!tpu.dma_semaphore, #tpu.memory_space<semaphore_mem>>) src(%dma_wait3A_160 : memref<128xi32, #tpu.memory_space<hbm>>) dst(%arg9 : memref<128xi32, #tpu.memory_space<vmem>>)
      %dma_start3A_161 = arith.constant 0 : i32
      %dma_start3A_162 = arith.constant 0 : i32
      %dma_start3A_163 = tpu.memref_slice %arg12[%dma_start3A_161, %dma_start3A_162] : memref<10240x128xf32, #tpu.memory_space<vmem_shared>> -> memref<10240x128xf32, #tpu.memory_space<vmem_shared>>
      tpu.enqueue_indirect_dma source(%arg7 : memref<128x128xf32, #tpu.memory_space<vmem>>) target(%dma_start3A_163 : memref<10240x128xf32, #tpu.memory_space<vmem_shared>>) offsets(%arg9 : memref<128xi32, #tpu.memory_space<vmem>>) semaphore(%arg15 : memref<!tpu.dma_semaphore, #tpu.memory_space<semaphore_mem>>) {add = true}
      %dma_wait3A_164 = arith.constant 0 : i32
      %dma_wait3A_165 = arith.constant 0 : i32
      %dma_wait3A_166 = tpu.memref_slice %arg12[%dma_wait3A_164, %dma_wait3A_165] : memref<10240x128xf32, #tpu.memory_space<vmem_shared>> -> memref<10240x128xf32, #tpu.memory_space<vmem_shared>>
      tpu.wait_indirect_dma semaphore(%arg15 : memref<!tpu.dma_semaphore, #tpu.memory_space<semaphore_mem>>) src(%arg7 : memref<128x128xf32, #tpu.memory_space<vmem>>) dst(%dma_wait3A_166 : memref<10240x128xf32, #tpu.memory_space<vmem_shared>>)
      %add3A_167 = arith.constant 2 : i32
      %add3A_168 = arith.addi %add3A_149, %add3A_167 : i32
      %mul3A_169 = arith.constant 128 : i32
      %mul3A_170 = arith.muli %add3A_168, %mul3A_169 : i32
      %add3A_171 = arith.addi %mul3A_2, %mul3A_170 : i32
      %dma_start3A_172 = tpu.memref_slice %arg3[%add3A_171] : memref<320000xi32, #tpu.memory_space<hbm>> -> memref<128xi32, #tpu.memory_space<hbm>>
      %dma_start3A_173 = tpu.memref_slice %arg3[%add3A_171] : memref<320000xi32, #tpu.memory_space<hbm>> -> memref<128xi32, #tpu.memory_space<hbm>>
      tpu.enqueue_dma source(%dma_start3A_173 : memref<128xi32, #tpu.memory_space<hbm>>) target(%arg9 : memref<128xi32, #tpu.memory_space<vmem>>) target_semaphore(%arg17 : memref<!tpu.dma_semaphore, #tpu.memory_space<semaphore_mem>>)
      %add3A_174 = arith.constant 2 : i32
      %add3A_175 = arith.addi %add3A_149, %add3A_174 : i32
      %mul3A_176 = arith.constant 128 : i32
      %mul3A_177 = arith.muli %add3A_175, %mul3A_176 : i32
      %dma_start3A_178 = tpu.memref_slice %arg6[%mul3A_177] : memref<10000xi32, #tpu.memory_space<vmem>> -> memref<128xi32, #tpu.memory_space<vmem>>
      %dma_start3A_179 = arith.constant 0 : i32
      %dma_start3A_180 = arith.constant 0 : i32
      %dma_start3A_181 = tpu.memref_slice %arg4[%dma_start3A_179, %dma_start3A_180] : memref<10000x128xf32, #tpu.memory_space<hbm>> -> memref<10000x128xf32, #tpu.memory_space<hbm>>
      tpu.enqueue_indirect_dma source(%dma_start3A_181 : memref<10000x128xf32, #tpu.memory_space<hbm>>) target(%arg7 : memref<128x128xf32, #tpu.memory_space<vmem>>) offsets(%dma_start3A_178 : memref<128xi32, #tpu.memory_space<vmem>>) semaphore(%arg13 : memref<!tpu.dma_semaphore, #tpu.memory_space<semaphore_mem>>)
      %mul3A_182 = arith.constant 2 : i32
      %mul3A_183 = arith.muli %scan3A_144, %mul3A_182 : i32
      %add3A_184 = arith.constant 1 : i32
      %add3A_185 = arith.addi %mul3A_183, %add3A_184 : i32
      %mul3A_186 = arith.constant 128 : i32
      %mul3A_187 = arith.muli %add3A_185, %mul3A_186 : i32
      %dma_wait3A_188 = tpu.memref_slice %arg6[%mul3A_187] : memref<10000xi32, #tpu.memory_space<vmem>> -> memref<128xi32, #tpu.memory_space<vmem>>
      %dma_wait3A_189 = arith.constant 0 : i32
      %dma_wait3A_190 = arith.constant 0 : i32
      %dma_wait3A_191 = tpu.memref_slice %arg4[%dma_wait3A_189, %dma_wait3A_190] : memref<10000x128xf32, #tpu.memory_space<hbm>> -> memref<10000x128xf32, #tpu.memory_space<hbm>>
      tpu.wait_indirect_dma semaphore(%arg14 : memref<!tpu.dma_semaphore, #tpu.memory_space<semaphore_mem>>) src(%dma_wait3A_191 : memref<10000x128xf32, #tpu.memory_space<hbm>>) dst(%arg8 : memref<128x128xf32, #tpu.memory_space<vmem>>)
      %mul3A_192 = arith.constant 128 : i32
      %mul3A_193 = arith.muli %add3A_185, %mul3A_192 : i32
      %add3A_194 = arith.addi %mul3A_2, %mul3A_193 : i32
      %dma_wait3A_195 = tpu.memref_slice %arg3[%add3A_194] : memref<320000xi32, #tpu.memory_space<hbm>> -> memref<128xi32, #tpu.memory_space<hbm>>
      %dma_wait3A_196 = tpu.memref_slice %arg3[%add3A_194] : memref<320000xi32, #tpu.memory_space<hbm>> -> memref<128xi32, #tpu.memory_space<hbm>>
      tpu.wait_dma2 semaphore(%arg18 : memref<!tpu.dma_semaphore, #tpu.memory_space<semaphore_mem>>) src(%dma_wait3A_196 : memref<128xi32, #tpu.memory_space<hbm>>) dst(%arg10 : memref<128xi32, #tpu.memory_space<vmem>>)
      %dma_start3A_197 = arith.constant 0 : i32
      %dma_start3A_198 = arith.constant 0 : i32
      %dma_start3A_199 = tpu.memref_slice %arg12[%dma_start3A_197, %dma_start3A_198] : memref<10240x128xf32, #tpu.memory_space<vmem_shared>> -> memref<10240x128xf32, #tpu.memory_space<vmem_shared>>
      tpu.enqueue_indirect_dma source(%arg8 : memref<128x128xf32, #tpu.memory_space<vmem>>) target(%dma_start3A_199 : memref<10240x128xf32, #tpu.memory_space<vmem_shared>>) offsets(%arg10 : memref<128xi32, #tpu.memory_space<vmem>>) semaphore(%arg16 : memref<!tpu.dma_semaphore, #tpu.memory_space<semaphore_mem>>) {add = true}
      %dma_wait3A_200 = arith.constant 0 : i32
      %dma_wait3A_201 = arith.constant 0 : i32
      %dma_wait3A_202 = tpu.memref_slice %arg12[%dma_wait3A_200, %dma_wait3A_201] : memref<10240x128xf32, #tpu.memory_space<vmem_shared>> -> memref<10240x128xf32, #tpu.memory_space<vmem_shared>>
      tpu.wait_indirect_dma semaphore(%arg16 : memref<!tpu.dma_semaphore, #tpu.memory_space<semaphore_mem>>) src(%arg8 : memref<128x128xf32, #tpu.memory_space<vmem>>) dst(%dma_wait3A_202 : memref<10240x128xf32, #tpu.memory_space<vmem_shared>>)
      %add3A_203 = arith.constant 2 : i32
      %add3A_204 = arith.addi %add3A_185, %add3A_203 : i32
      %mul3A_205 = arith.constant 128 : i32
      %mul3A_206 = arith.muli %add3A_204, %mul3A_205 : i32
      %add3A_207 = arith.addi %mul3A_2, %mul3A_206 : i32
      %dma_start3A_208 = tpu.memref_slice %arg3[%add3A_207] : memref<320000xi32, #tpu.memory_space<hbm>> -> memref<128xi32, #tpu.memory_space<hbm>>
      %dma_start3A_209 = tpu.memref_slice %arg3[%add3A_207] : memref<320000xi32, #tpu.memory_space<hbm>> -> memref<128xi32, #tpu.memory_space<hbm>>
      tpu.enqueue_dma source(%dma_start3A_209 : memref<128xi32, #tpu.memory_space<hbm>>) target(%arg10 : memref<128xi32, #tpu.memory_space<vmem>>) target_semaphore(%arg18 : memref<!tpu.dma_semaphore, #tpu.memory_space<semaphore_mem>>)
      %add3A_210 = arith.constant 2 : i32
      %add3A_211 = arith.addi %add3A_185, %add3A_210 : i32
      %mul3A_212 = arith.constant 128 : i32
      %mul3A_213 = arith.muli %add3A_211, %mul3A_212 : i32
      %dma_start3A_214 = tpu.memref_slice %arg6[%mul3A_213] : memref<10000xi32, #tpu.memory_space<vmem>> -> memref<128xi32, #tpu.memory_space<vmem>>
      %dma_start3A_215 = arith.constant 0 : i32
      %dma_start3A_216 = arith.constant 0 : i32
      %dma_start3A_217 = tpu.memref_slice %arg4[%dma_start3A_215, %dma_start3A_216] : memref<10000x128xf32, #tpu.memory_space<hbm>> -> memref<10000x128xf32, #tpu.memory_space<hbm>>
      tpu.enqueue_indirect_dma source(%dma_start3A_217 : memref<10000x128xf32, #tpu.memory_space<hbm>>) target(%arg8 : memref<128x128xf32, #tpu.memory_space<vmem>>) offsets(%dma_start3A_214 : memref<128xi32, #tpu.memory_space<vmem>>) semaphore(%arg14 : memref<!tpu.dma_semaphore, #tpu.memory_space<semaphore_mem>>)
      %scan3A_218 = arith.constant 0 : i32
      scf.yield %scan3A_218 : i32
    }
    %scan3A_94 = arith.constant 38 : i32
    %dma_wait3A_95 = arith.constant 9728 : i32
    %dma_wait3A_96 = tpu.memref_slice %arg6[%dma_wait3A_95] : memref<10000xi32, #tpu.memory_space<vmem>> -> memref<128xi32, #tpu.memory_space<vmem>>
    %dma_wait3A_97 = arith.constant 0 : i32
    %dma_wait3A_98 = arith.constant 0 : i32
    %dma_wait3A_99 = tpu.memref_slice %arg4[%dma_wait3A_97, %dma_wait3A_98] : memref<10000x128xf32, #tpu.memory_space<hbm>> -> memref<10000x128xf32, #tpu.memory_space<hbm>>
    tpu.wait_indirect_dma semaphore(%arg13 : memref<!tpu.dma_semaphore, #tpu.memory_space<semaphore_mem>>) src(%dma_wait3A_99 : memref<10000x128xf32, #tpu.memory_space<hbm>>) dst(%arg7 : memref<128x128xf32, #tpu.memory_space<vmem>>)
    %add3A_100 = arith.constant 9728 : i32
    %add3A_101 = arith.addi %mul3A_2, %add3A_100 : i32
    %dma_wait3A_102 = tpu.memref_slice %arg3[%add3A_101] : memref<320000xi32, #tpu.memory_space<hbm>> -> memref<128xi32, #tpu.memory_space<hbm>>
    %dma_wait3A_103 = tpu.memref_slice %arg3[%add3A_101] : memref<320000xi32, #tpu.memory_space<hbm>> -> memref<128xi32, #tpu.memory_space<hbm>>
    tpu.wait_dma2 semaphore(%arg17 : memref<!tpu.dma_semaphore, #tpu.memory_space<semaphore_mem>>) src(%dma_wait3A_103 : memref<128xi32, #tpu.memory_space<hbm>>) dst(%arg9 : memref<128xi32, #tpu.memory_space<vmem>>)
    %dma_start3A_104 = arith.constant 0 : i32
    %dma_start3A_105 = arith.constant 0 : i32
    %dma_start3A_106 = tpu.memref_slice %arg12[%dma_start3A_104, %dma_start3A_105] : memref<10240x128xf32, #tpu.memory_space<vmem_shared>> -> memref<10240x128xf32, #tpu.memory_space<vmem_shared>>
    tpu.enqueue_indirect_dma source(%arg7 : memref<128x128xf32, #tpu.memory_space<vmem>>) target(%dma_start3A_106 : memref<10240x128xf32, #tpu.memory_space<vmem_shared>>) offsets(%arg9 : memref<128xi32, #tpu.memory_space<vmem>>) semaphore(%arg15 : memref<!tpu.dma_semaphore, #tpu.memory_space<semaphore_mem>>) {add = true}
    %dma_wait3A_107 = arith.constant 0 : i32
    %dma_wait3A_108 = arith.constant 0 : i32
    %dma_wait3A_109 = tpu.memref_slice %arg12[%dma_wait3A_107, %dma_wait3A_108] : memref<10240x128xf32, #tpu.memory_space<vmem_shared>> -> memref<10240x128xf32, #tpu.memory_space<vmem_shared>>
    tpu.wait_indirect_dma semaphore(%arg15 : memref<!tpu.dma_semaphore, #tpu.memory_space<semaphore_mem>>) src(%arg7 : memref<128x128xf32, #tpu.memory_space<vmem>>) dst(%dma_wait3A_109 : memref<10240x128xf32, #tpu.memory_space<vmem_shared>>)
    %dma_wait3A_110 = arith.constant 9856 : i32
    %dma_wait3A_111 = tpu.memref_slice %arg6[%dma_wait3A_110] : memref<10000xi32, #tpu.memory_space<vmem>> -> memref<128xi32, #tpu.memory_space<vmem>>
    %dma_wait3A_112 = arith.constant 0 : i32
    %dma_wait3A_113 = arith.constant 0 : i32
    %dma_wait3A_114 = tpu.memref_slice %arg4[%dma_wait3A_112, %dma_wait3A_113] : memref<10000x128xf32, #tpu.memory_space<hbm>> -> memref<10000x128xf32, #tpu.memory_space<hbm>>
    tpu.wait_indirect_dma semaphore(%arg14 : memref<!tpu.dma_semaphore, #tpu.memory_space<semaphore_mem>>) src(%dma_wait3A_114 : memref<10000x128xf32, #tpu.memory_space<hbm>>) dst(%arg8 : memref<128x128xf32, #tpu.memory_space<vmem>>)
    %add3A_115 = arith.constant 9856 : i32
    %add3A_116 = arith.addi %mul3A_2, %add3A_115 : i32
    %dma_wait3A_117 = tpu.memref_slice %arg3[%add3A_116] : memref<320000xi32, #tpu.memory_space<hbm>> -> memref<128xi32, #tpu.memory_space<hbm>>
    %dma_wait3A_118 = tpu.memref_slice %arg3[%add3A_116] : memref<320000xi32, #tpu.memory_space<hbm>> -> memref<128xi32, #tpu.memory_space<hbm>>
    tpu.wait_dma2 semaphore(%arg18 : memref<!tpu.dma_semaphore, #tpu.memory_space<semaphore_mem>>) src(%dma_wait3A_118 : memref<128xi32, #tpu.memory_space<hbm>>) dst(%arg10 : memref<128xi32, #tpu.memory_space<vmem>>)
    %dma_start3A_119 = arith.constant 0 : i32
    %dma_start3A_120 = arith.constant 0 : i32
    %dma_start3A_121 = tpu.memref_slice %arg12[%dma_start3A_119, %dma_start3A_120] : memref<10240x128xf32, #tpu.memory_space<vmem_shared>> -> memref<10240x128xf32, #tpu.memory_space<vmem_shared>>
    tpu.enqueue_indirect_dma source(%arg8 : memref<128x128xf32, #tpu.memory_space<vmem>>) target(%dma_start3A_121 : memref<10240x128xf32, #tpu.memory_space<vmem_shared>>) offsets(%arg10 : memref<128xi32, #tpu.memory_space<vmem>>) semaphore(%arg16 : memref<!tpu.dma_semaphore, #tpu.memory_space<semaphore_mem>>) {add = true}
    %dma_wait3A_122 = arith.constant 0 : i32
    %dma_wait3A_123 = arith.constant 0 : i32
    %dma_wait3A_124 = tpu.memref_slice %arg12[%dma_wait3A_122, %dma_wait3A_123] : memref<10240x128xf32, #tpu.memory_space<vmem_shared>> -> memref<10240x128xf32, #tpu.memory_space<vmem_shared>>
    tpu.wait_indirect_dma semaphore(%arg16 : memref<!tpu.dma_semaphore, #tpu.memory_space<semaphore_mem>>) src(%arg8 : memref<128x128xf32, #tpu.memory_space<vmem>>) dst(%dma_wait3A_124 : memref<10240x128xf32, #tpu.memory_space<vmem_shared>>)
    %add3A_125 = arith.constant 9984 : i32
    %add3A_126 = arith.addi %mul3A_2, %add3A_125 : i32
    "tpu.region"() ({
      %run_scoped3A = tpu.sem_alloc : memref<!tpu.dma_semaphore, #tpu.memory_space<semaphore_mem>>
      %dma_start3A_144 = tpu.memref_slice %arg3[%add3A_126] : memref<320000xi32, #tpu.memory_space<hbm>> -> memref<16xi32, #tpu.memory_space<hbm>>
      %dma_start3A_145 = tpu.memref_slice %arg3[%add3A_126] : memref<320000xi32, #tpu.memory_space<hbm>> -> memref<16xi32, #tpu.memory_space<hbm>>
      tpu.enqueue_dma source(%dma_start3A_145 : memref<16xi32, #tpu.memory_space<hbm>>) target(%arg11 : memref<16xi32, #tpu.memory_space<vmem>>) target_semaphore(%run_scoped3A : memref<!tpu.dma_semaphore, #tpu.memory_space<semaphore_mem>>)
      %dma_wait3A_146 = tpu.memref_slice %arg3[%add3A_126] : memref<320000xi32, #tpu.memory_space<hbm>> -> memref<16xi32, #tpu.memory_space<hbm>>
      %dma_wait3A_147 = tpu.memref_slice %arg3[%add3A_126] : memref<320000xi32, #tpu.memory_space<hbm>> -> memref<16xi32, #tpu.memory_space<hbm>>
      tpu.wait_dma2 semaphore(%run_scoped3A : memref<!tpu.dma_semaphore, #tpu.memory_space<semaphore_mem>>) src(%dma_wait3A_147 : memref<16xi32, #tpu.memory_space<hbm>>) dst(%arg11 : memref<16xi32, #tpu.memory_space<vmem>>)
      tpu.yield
    }) : () -> ()
    %dma_start3A_127 = arith.constant 0 : i32
    %dma_start3A_128 = arith.constant 0 : i32
    %dma_start3A_129 = tpu.memref_slice %arg7[%dma_start3A_127, %dma_start3A_128] : memref<128x128xf32, #tpu.memory_space<vmem>> -> memref<16x128xf32, #tpu.memory_space<vmem>>
    %dma_start3A_130 = arith.constant 9984 : i32
    %dma_start3A_131 = tpu.memref_slice %arg6[%dma_start3A_130] : memref<10000xi32, #tpu.memory_space<vmem>> -> memref<16xi32, #tpu.memory_space<vmem>>
    %dma_start3A_132 = arith.constant 0 : i32
    %dma_start3A_133 = arith.constant 0 : i32
    %dma_start3A_134 = tpu.memref_slice %arg4[%dma_start3A_132, %dma_start3A_133] : memref<10000x128xf32, #tpu.memory_space<hbm>> -> memref<10000x128xf32, #tpu.memory_space<hbm>>
    tpu.enqueue_indirect_dma source(%dma_start3A_134 : memref<10000x128xf32, #tpu.memory_space<hbm>>) target(%dma_start3A_129 : memref<16x128xf32, #tpu.memory_space<vmem>>) offsets(%dma_start3A_131 : memref<16xi32, #tpu.memory_space<vmem>>) semaphore(%arg13 : memref<!tpu.dma_semaphore, #tpu.memory_space<semaphore_mem>>)
    %dma_wait3A_135 = arith.constant 0 : i32
    %dma_wait3A_136 = arith.constant 0 : i32
    %dma_wait3A_137 = tpu.memref_slice %arg7[%dma_wait3A_135, %dma_wait3A_136] : memref<128x128xf32, #tpu.memory_space<vmem>> -> memref<16x128xf32, #tpu.memory_space<vmem>>
    %dma_wait3A_138 = arith.constant 9984 : i32
    %dma_wait3A_139 = tpu.memref_slice %arg6[%dma_wait3A_138] : memref<10000xi32, #tpu.memory_space<vmem>> -> memref<16xi32, #tpu.memory_space<vmem>>
    %dma_wait3A_140 = arith.constant 0 : i32
    %dma_wait3A_141 = arith.constant 0 : i32
    %dma_wait3A_142 = tpu.memref_slice %arg4[%dma_wait3A_140, %dma_wait3A_141] : memref<10000x128xf32, #tpu.memory_space<hbm>> -> memref<10000x128xf32, #tpu.memory_space<hbm>>
    tpu.wait_indirect_dma semaphore(%arg13 : memref<!tpu.dma_semaphore, #tpu.memory_space<semaphore_mem>>) src(%dma_wait3A_142 : memref<10000x128xf32, #tpu.memory_space<hbm>>) dst(%dma_wait3A_137 : memref<16x128xf32, #tpu.memory_space<vmem>>)
    "tpu.region"() ({
      %run_scoped3A = tpu.sem_alloc : memref<!tpu.dma_semaphore, #tpu.memory_space<semaphore_mem>>
      %dma_start3A_144 = arith.constant 0 : i32
      %dma_start3A_145 = arith.constant 0 : i32
      %dma_start3A_146 = tpu.memref_slice %arg7[%dma_start3A_144, %dma_start3A_145] : memref<128x128xf32, #tpu.memory_space<vmem>> -> memref<16x128xf32, #tpu.memory_space<vmem>>
      %dma_start3A_147 = arith.constant 0 : i32
      %dma_start3A_148 = arith.constant 0 : i32
      %dma_start3A_149 = tpu.memref_slice %arg12[%dma_start3A_147, %dma_start3A_148] : memref<10240x128xf32, #tpu.memory_space<vmem_shared>> -> memref<10240x128xf32, #tpu.memory_space<vmem_shared>>
      tpu.enqueue_indirect_dma source(%dma_start3A_146 : memref<16x128xf32, #tpu.memory_space<vmem>>) target(%dma_start3A_149 : memref<10240x128xf32, #tpu.memory_space<vmem_shared>>) offsets(%arg11 : memref<16xi32, #tpu.memory_space<vmem>>) semaphore(%run_scoped3A : memref<!tpu.dma_semaphore, #tpu.memory_space<semaphore_mem>>) {add = true}
      %dma_wait3A_150 = arith.constant 0 : i32
      %dma_wait3A_151 = arith.constant 0 : i32
      %dma_wait3A_152 = tpu.memref_slice %arg7[%dma_wait3A_150, %dma_wait3A_151] : memref<128x128xf32, #tpu.memory_space<vmem>> -> memref<16x128xf32, #tpu.memory_space<vmem>>
      %dma_wait3A_153 = arith.constant 0 : i32
      %dma_wait3A_154 = arith.constant 0 : i32
      %dma_wait3A_155 = tpu.memref_slice %arg12[%dma_wait3A_153, %dma_wait3A_154] : memref<10240x128xf32, #tpu.memory_space<vmem_shared>> -> memref<10240x128xf32, #tpu.memory_space<vmem_shared>>
      tpu.wait_indirect_dma semaphore(%run_scoped3A : memref<!tpu.dma_semaphore, #tpu.memory_space<semaphore_mem>>) src(%dma_wait3A_152 : memref<16x128xf32, #tpu.memory_space<vmem>>) dst(%dma_wait3A_155 : memref<10240x128xf32, #tpu.memory_space<vmem_shared>>)
      tpu.yield
    }) : () -> ()
    %barrier3A_143 = arith.constant 0 : index
    tpu.barrier barrier_id(%barrier3A_143)
    "tpu.region"() ({
      %run_scoped3A = tpu.sem_alloc : memref<!tpu.dma_semaphore, #tpu.memory_space<semaphore_mem>>
      %dma_start3A_144 = arith.constant 0 : i32
      %dma_start3A_145 = tpu.memref_slice %arg5[%arg0, %mul3A_11, %dma_start3A_144] : memref<2x10240x128xf32, #tpu.memory_space<hbm>> -> memref<1x640x128xf32, #tpu.memory_space<hbm>>
      %dma_start3A_146 = tpu.memref_squeeze %dma_start3A_145 : memref<1x640x128xf32, #tpu.memory_space<hbm>> -> memref<640x128xf32, #tpu.memory_space<hbm>>
      %dma_start3A_147 = arith.constant 0 : i32
      %dma_start3A_148 = tpu.memref_slice %arg12[%mul3A_11, %dma_start3A_147] : memref<10240x128xf32, #tpu.memory_space<vmem_shared>> -> memref<640x128xf32, #tpu.memory_space<vmem_shared>>
      tpu.enqueue_dma source(%dma_start3A_148 : memref<640x128xf32, #tpu.memory_space<vmem_shared>>) target(%dma_start3A_146 : memref<640x128xf32, #tpu.memory_space<hbm>>) target_semaphore(%run_scoped3A : memref<!tpu.dma_semaphore, #tpu.memory_space<semaphore_mem>>)
      %dma_wait3A_149 = arith.constant 0 : i32
      %dma_wait3A_150 = tpu.memref_slice %arg5[%arg0, %mul3A_11, %dma_wait3A_149] : memref<2x10240x128xf32, #tpu.memory_space<hbm>> -> memref<1x640x128xf32, #tpu.memory_space<hbm>>
      %dma_wait3A_151 = tpu.memref_squeeze %dma_wait3A_150 : memref<1x640x128xf32, #tpu.memory_space<hbm>> -> memref<640x128xf32, #tpu.memory_space<hbm>>
      %dma_wait3A_152 = arith.constant 0 : i32
      %dma_wait3A_153 = tpu.memref_slice %arg12[%mul3A_11, %dma_wait3A_152] : memref<10240x128xf32, #tpu.memory_space<vmem_shared>> -> memref<640x128xf32, #tpu.memory_space<vmem_shared>>
      tpu.wait_dma2 semaphore(%run_scoped3A : memref<!tpu.dma_semaphore, #tpu.memory_space<semaphore_mem>>) src(%dma_wait3A_153 : memref<640x128xf32, #tpu.memory_space<vmem_shared>>) dst(%dma_wait3A_151 : memref<640x128xf32, #tpu.memory_space<hbm>>)
      tpu.yield
    }) : () -> ()
    return
  }
}

module attributes {stable_mosaic.version = 14 : i64} {
  func.func @_mm_scale_body(%arg0: i32, %arg1: memref<2000x128xf32, #tpu.memory_space<vmem>>, %arg2: memref<128x128xf32, #tpu.memory_space<vmem>>, %arg3: memref<2x2000x1xf32, #tpu.memory_space<vmem>>, %arg4: memref<2000x128xf32, #tpu.memory_space<vmem>>, %arg5: memref<2000x1xf32, #tpu.memory_space<vmem>>) attributes {dimension_semantics = [#tpu.dimension_semantics<arbitrary>], iteration_bounds = array<i64: 5>, scalar_prefetch = 0 : i64, scratch_operands = 0 : i64, tpu.core_type = #tpu.core_type<tc>, window_params = [{transform_indices = @transform_0, window_bounds = array<i64: 2000, 128>}, {pipeline_mode = #tpu.pipeline_mode<synchronous>, transform_indices = @transform_1, window_bounds = array<i64: 128, 128>}, {transform_indices = @transform_2, window_bounds = array<i64: 2, 2000, 1>}, {transform_indices = @transform_3, window_bounds = array<i64: 2000, 128>}, {transform_indices = @transform_4, window_bounds = array<i64: 2000, 1>}]} {
    %get3A = arith.constant 0 : index
    %get3A_0 = arith.constant 0 : index
    %get3A_1 = arith.constant 0 : index
    %get3A_2 = vector.load %arg3[%get3A, %get3A_0, %get3A_1] : memref<2x2000x1xf32, #tpu.memory_space<vmem>>, vector<1x2000x1xf32>
    %get3A_3 = vector.shape_cast %get3A_2 : vector<1x2000x1xf32> to vector<2000x1xf32>
    %get3A_4 = arith.constant 1 : index
    %get3A_5 = arith.constant 0 : index
    %get3A_6 = arith.constant 0 : index
    %get3A_7 = vector.load %arg3[%get3A_4, %get3A_5, %get3A_6] : memref<2x2000x1xf32, #tpu.memory_space<vmem>>, vector<1x2000x1xf32>
    %get3A_8 = vector.shape_cast %get3A_7 : vector<1x2000x1xf32> to vector<2000x1xf32>
    %add3A = arith.addf %get3A_3, %get3A_8 : vector<2000x1xf32>
    %add3A_9 = arith.constant 1.000000e+00 : f32
    %add3A_10 = vector.broadcast %add3A_9 : f32 to vector<2000x1xf32>
    %add3A_11 = arith.addf %add3A, %add3A_10 : vector<2000x1xf32>
    %rsqrt3A = math.rsqrt %add3A_11 : vector<2000x1xf32>
    %get3A_12 = arith.constant 0 : index
    %get3A_13 = arith.constant 0 : index
    %get3A_14 = vector.load %arg1[%get3A_12, %get3A_13] : memref<2000x128xf32, #tpu.memory_space<vmem>>, vector<2000x128xf32>
    %get3A_15 = arith.constant 0 : index
    %get3A_16 = arith.constant 0 : index
    %get3A_17 = vector.load %arg2[%get3A_15, %get3A_16] : memref<128x128xf32, #tpu.memory_space<vmem>>, vector<128x128xf32>
    %dot_general3A = arith.constant dense<0.000000e+00> : vector<2000x128xf32>
    %dot_general3A_18 = tpu.matmul %get3A_14, %get3A_17, %dot_general3A {dimension_numbers = #tpu.dot_dimension_numbers<[1], [0], [0], [1], [0, 0, 1, 1], [], []>, transpose_lhs_hint = false} : vector<2000x128xf32>, vector<128x128xf32>, vector<2000x128xf32> -> vector<2000x128xf32>
    %swap3A = arith.constant 0 : index
    %swap3A_19 = arith.constant 0 : index
    %swap3A_20 = vector.load %arg5[%swap3A, %swap3A_19] : memref<2000x1xf32, #tpu.memory_space<vmem>>, vector<2000x1xf32>
    tpu.vector_store %arg5[%swap3A, %swap3A_19], %rsqrt3A {strides = array<i32>} : memref<2000x1xf32, #tpu.memory_space<vmem>>, vector<2000x1xf32>,
    %mul3A = vector.broadcast %rsqrt3A : vector<2000x1xf32> to vector<2000x128xf32>
    %mul3A_21 = arith.mulf %mul3A, %dot_general3A_18 : vector<2000x128xf32>
    %swap3A_22 = arith.constant 0 : index
    %swap3A_23 = arith.constant 0 : index
    %swap3A_24 = vector.load %arg4[%swap3A_22, %swap3A_23] : memref<2000x128xf32, #tpu.memory_space<vmem>>, vector<2000x128xf32>
    tpu.vector_store %arg4[%swap3A_22, %swap3A_23], %mul3A_21 {strides = array<i32>} : memref<2000x128xf32, #tpu.memory_space<vmem>>, vector<2000x128xf32>,
    return
  }
  func.func @transform_0(%arg0: i32) -> (i32, i32) {
    %c0_i32 = arith.constant 0 : i32
    %c0_i32_0 = arith.constant 0 : i32
    return %arg0, %c0_i32 : i32, i32
  }
  func.func @transform_1(%arg0: i32) -> (i32, i32) {
    %c0_i32 = arith.constant 0 : i32
    %c0_i32_0 = arith.constant 0 : i32
    %c0_i32_1 = arith.constant 0 : i32
    return %c0_i32, %c0_i32_0 : i32, i32
  }
  func.func @transform_2(%arg0: i32) -> (i32, i32, i32) {
    %c0_i32 = arith.constant 0 : i32
    %c0_i32_0 = arith.constant 0 : i32
    %c0_i32_1 = arith.constant 0 : i32
    return %c0_i32, %arg0, %c0_i32_0 : i32, i32, i32
  }
  func.func @transform_3(%arg0: i32) -> (i32, i32) {
    %c0_i32 = arith.constant 0 : i32
    %c0_i32_0 = arith.constant 0 : i32
    return %arg0, %c0_i32 : i32, i32
  }
  func.func @transform_4(%arg0: i32) -> (i32, i32) {
    %c0_i32 = arith.constant 0 : i32
    %c0_i32_0 = arith.constant 0 : i32
    return %arg0, %c0_i32 : i32, i32
  }
}

module attributes {stable_mosaic.version = 14 : i64} {
  func.func @_mid_body(%arg0: i32, %arg1: memref<2000x128xf32, #tpu.memory_space<vmem>>, %arg2: memref<2x2000x128xf32, #tpu.memory_space<vmem>>, %arg3: memref<2000x1xf32, #tpu.memory_space<vmem>>, %arg4: memref<1x128xf32, #tpu.memory_space<vmem>>, %arg5: memref<128x128xf32, #tpu.memory_space<vmem>>, %arg6: memref<2000x128xf32, #tpu.memory_space<vmem>>) attributes {dimension_semantics = [#tpu.dimension_semantics<arbitrary>], iteration_bounds = array<i64: 5>, scalar_prefetch = 0 : i64, scratch_operands = 0 : i64, tpu.core_type = #tpu.core_type<tc>, window_params = [{transform_indices = @transform_0, window_bounds = array<i64: 2000, 128>}, {transform_indices = @transform_1, window_bounds = array<i64: 2, 2000, 128>}, {transform_indices = @transform_2, window_bounds = array<i64: 2000, 1>}, {pipeline_mode = #tpu.pipeline_mode<synchronous>, transform_indices = @transform_3, window_bounds = array<i64: 1, 128>}, {pipeline_mode = #tpu.pipeline_mode<synchronous>, transform_indices = @transform_4, window_bounds = array<i64: 128, 128>}, {transform_indices = @transform_5, window_bounds = array<i64: 2000, 128>}]} {
    %get3A = arith.constant 0 : index
    %get3A_0 = arith.constant 0 : index
    %get3A_1 = vector.load %arg3[%get3A, %get3A_0] : memref<2000x1xf32, #tpu.memory_space<vmem>>, vector<2000x1xf32>
    %get3A_2 = arith.constant 0 : index
    %get3A_3 = arith.constant 0 : index
    %get3A_4 = vector.load %arg1[%get3A_2, %get3A_3] : memref<2000x128xf32, #tpu.memory_space<vmem>>, vector<2000x128xf32>
    %get3A_5 = arith.constant 0 : index
    %get3A_6 = arith.constant 0 : index
    %get3A_7 = arith.constant 0 : index
    %get3A_8 = vector.load %arg2[%get3A_5, %get3A_6, %get3A_7] : memref<2x2000x128xf32, #tpu.memory_space<vmem>>, vector<1x2000x128xf32>
    %get3A_9 = vector.shape_cast %get3A_8 : vector<1x2000x128xf32> to vector<2000x128xf32>
    %add3A = arith.addf %get3A_4, %get3A_9 : vector<2000x128xf32>
    %get3A_10 = arith.constant 1 : index
    %get3A_11 = arith.constant 0 : index
    %get3A_12 = arith.constant 0 : index
    %get3A_13 = vector.load %arg2[%get3A_10, %get3A_11, %get3A_12] : memref<2x2000x128xf32, #tpu.memory_space<vmem>>, vector<1x2000x128xf32>
    %get3A_14 = vector.shape_cast %get3A_13 : vector<1x2000x128xf32> to vector<2000x128xf32>
    %add3A_15 = arith.addf %add3A, %get3A_14 : vector<2000x128xf32>
    %mul3A = vector.broadcast %get3A_1 : vector<2000x1xf32> to vector<2000x128xf32>
    %mul3A_16 = arith.mulf %mul3A, %add3A_15 : vector<2000x128xf32>
    %get3A_17 = arith.constant 0 : index
    %get3A_18 = arith.constant 0 : index
    %get3A_19 = vector.load %arg4[%get3A_17, %get3A_18] : memref<1x128xf32, #tpu.memory_space<vmem>>, vector<1x128xf32>
    %add3A_20 = vector.broadcast %get3A_19 : vector<1x128xf32> to vector<2000x128xf32>
    %add3A_21 = arith.addf %mul3A_16, %add3A_20 : vector<2000x128xf32>
    %max3A = arith.constant 0.000000e+00 : f32
    %max3A_22 = vector.broadcast %max3A : f32 to vector<2000x128xf32>
    %max3A_23 = arith.maximumf %add3A_21, %max3A_22 : vector<2000x128xf32>
    %get3A_24 = arith.constant 0 : index
    %get3A_25 = arith.constant 0 : index
    %get3A_26 = vector.load %arg5[%get3A_24, %get3A_25] : memref<128x128xf32, #tpu.memory_space<vmem>>, vector<128x128xf32>
    %dot_general3A = arith.constant dense<0.000000e+00> : vector<2000x128xf32>
    %dot_general3A_27 = tpu.matmul %max3A_23, %get3A_26, %dot_general3A {dimension_numbers = #tpu.dot_dimension_numbers<[1], [0], [0], [1], [0, 0, 1, 1], [], []>, transpose_lhs_hint = false} : vector<2000x128xf32>, vector<128x128xf32>, vector<2000x128xf32> -> vector<2000x128xf32>
    %mul3A_28 = vector.broadcast %get3A_1 : vector<2000x1xf32> to vector<2000x128xf32>
    %mul3A_29 = arith.mulf %mul3A_28, %dot_general3A_27 : vector<2000x128xf32>
    %swap3A = arith.constant 0 : index
    %swap3A_30 = arith.constant 0 : index
    %swap3A_31 = vector.load %arg6[%swap3A, %swap3A_30] : memref<2000x128xf32, #tpu.memory_space<vmem>>, vector<2000x128xf32>
    tpu.vector_store %arg6[%swap3A, %swap3A_30], %mul3A_29 {strides = array<i32>} : memref<2000x128xf32, #tpu.memory_space<vmem>>, vector<2000x128xf32>,
    return
  }
  func.func @transform_0(%arg0: i32) -> (i32, i32) {
    %c0_i32 = arith.constant 0 : i32
    %c0_i32_0 = arith.constant 0 : i32
    return %arg0, %c0_i32 : i32, i32
  }
  func.func @transform_1(%arg0: i32) -> (i32, i32, i32) {
    %c0_i32 = arith.constant 0 : i32
    %c0_i32_0 = arith.constant 0 : i32
    %c0_i32_1 = arith.constant 0 : i32
    return %c0_i32, %arg0, %c0_i32_0 : i32, i32, i32
  }
  func.func @transform_2(%arg0: i32) -> (i32, i32) {
    %c0_i32 = arith.constant 0 : i32
    %c0_i32_0 = arith.constant 0 : i32
    return %arg0, %c0_i32 : i32, i32
  }
  func.func @transform_3(%arg0: i32) -> (i32, i32) {
    %c0_i32 = arith.constant 0 : i32
    %c0_i32_0 = arith.constant 0 : i32
    %c0_i32_1 = arith.constant 0 : i32
    return %c0_i32, %c0_i32_0 : i32, i32
  }
  func.func @transform_4(%arg0: i32) -> (i32, i32) {
    %c0_i32 = arith.constant 0 : i32
    %c0_i32_0 = arith.constant 0 : i32
    %c0_i32_1 = arith.constant 0 : i32
    return %c0_i32, %c0_i32_0 : i32, i32
  }
  func.func @transform_5(%arg0: i32) -> (i32, i32) {
    %c0_i32 = arith.constant 0 : i32
    %c0_i32_0 = arith.constant 0 : i32
    return %arg0, %c0_i32 : i32, i32
  }
}

module attributes {stable_mosaic.version = 14 : i64} {
  func.func @_final_body(%arg0: i32, %arg1: memref<2000x128xf32, #tpu.memory_space<vmem>>, %arg2: memref<2x2000x128xf32, #tpu.memory_space<vmem>>, %arg3: memref<2000x1xf32, #tpu.memory_space<vmem>>, %arg4: memref<1x128xf32, #tpu.memory_space<vmem>>, %arg5: memref<2000x128xf32, #tpu.memory_space<vmem>>) attributes {dimension_semantics = [#tpu.dimension_semantics<arbitrary>], iteration_bounds = array<i64: 5>, scalar_prefetch = 0 : i64, scratch_operands = 0 : i64, tpu.core_type = #tpu.core_type<tc>, window_params = [{transform_indices = @transform_0, window_bounds = array<i64: 2000, 128>}, {transform_indices = @transform_1, window_bounds = array<i64: 2, 2000, 128>}, {transform_indices = @transform_2, window_bounds = array<i64: 2000, 1>}, {pipeline_mode = #tpu.pipeline_mode<synchronous>, transform_indices = @transform_3, window_bounds = array<i64: 1, 128>}, {transform_indices = @transform_4, window_bounds = array<i64: 2000, 128>}]} {
    %get3A = arith.constant 0 : index
    %get3A_0 = arith.constant 0 : index
    %get3A_1 = vector.load %arg3[%get3A, %get3A_0] : memref<2000x1xf32, #tpu.memory_space<vmem>>, vector<2000x1xf32>
    %get3A_2 = arith.constant 0 : index
    %get3A_3 = arith.constant 0 : index
    %get3A_4 = vector.load %arg1[%get3A_2, %get3A_3] : memref<2000x128xf32, #tpu.memory_space<vmem>>, vector<2000x128xf32>
    %get3A_5 = arith.constant 0 : index
    %get3A_6 = arith.constant 0 : index
    %get3A_7 = arith.constant 0 : index
    %get3A_8 = vector.load %arg2[%get3A_5, %get3A_6, %get3A_7] : memref<2x2000x128xf32, #tpu.memory_space<vmem>>, vector<1x2000x128xf32>
    %get3A_9 = vector.shape_cast %get3A_8 : vector<1x2000x128xf32> to vector<2000x128xf32>
    %add3A = arith.addf %get3A_4, %get3A_9 : vector<2000x128xf32>
    %get3A_10 = arith.constant 1 : index
    %get3A_11 = arith.constant 0 : index
    %get3A_12 = arith.constant 0 : index
    %get3A_13 = vector.load %arg2[%get3A_10, %get3A_11, %get3A_12] : memref<2x2000x128xf32, #tpu.memory_space<vmem>>, vector<1x2000x128xf32>
    %get3A_14 = vector.shape_cast %get3A_13 : vector<1x2000x128xf32> to vector<2000x128xf32>
    %add3A_15 = arith.addf %add3A, %get3A_14 : vector<2000x128xf32>
    %mul3A = vector.broadcast %get3A_1 : vector<2000x1xf32> to vector<2000x128xf32>
    %mul3A_16 = arith.mulf %mul3A, %add3A_15 : vector<2000x128xf32>
    %get3A_17 = arith.constant 0 : index
    %get3A_18 = arith.constant 0 : index
    %get3A_19 = vector.load %arg4[%get3A_17, %get3A_18] : memref<1x128xf32, #tpu.memory_space<vmem>>, vector<1x128xf32>
    %add3A_20 = vector.broadcast %get3A_19 : vector<1x128xf32> to vector<2000x128xf32>
    %add3A_21 = arith.addf %mul3A_16, %add3A_20 : vector<2000x128xf32>
    %swap3A = arith.constant 0 : index
    %swap3A_22 = arith.constant 0 : index
    %swap3A_23 = vector.load %arg5[%swap3A, %swap3A_22] : memref<2000x128xf32, #tpu.memory_space<vmem>>, vector<2000x128xf32>
    tpu.vector_store %arg5[%swap3A, %swap3A_22], %add3A_21 {strides = array<i32>} : memref<2000x128xf32, #tpu.memory_space<vmem>>, vector<2000x128xf32>,
    return
  }
  func.func @transform_0(%arg0: i32) -> (i32, i32) {
    %c0_i32 = arith.constant 0 : i32
    %c0_i32_0 = arith.constant 0 : i32
    return %arg0, %c0_i32 : i32, i32
  }
  func.func @transform_1(%arg0: i32) -> (i32, i32, i32) {
    %c0_i32 = arith.constant 0 : i32
    %c0_i32_0 = arith.constant 0 : i32
    %c0_i32_1 = arith.constant 0 : i32
    return %c0_i32, %arg0, %c0_i32_0 : i32, i32, i32
  }
  func.func @transform_2(%arg0: i32) -> (i32, i32) {
    %c0_i32 = arith.constant 0 : i32
    %c0_i32_0 = arith.constant 0 : i32
    return %arg0, %c0_i32 : i32, i32
  }
  func.func @transform_3(%arg0: i32) -> (i32, i32) {
    %c0_i32 = arith.constant 0 : i32
    %c0_i32_0 = arith.constant 0 : i32
    %c0_i32_1 = arith.constant 0 : i32
    return %c0_i32, %c0_i32_0 : i32, i32
  }
  func.func @transform_4(%arg0: i32) -> (i32, i32) {
    %c0_i32 = arith.constant 0 : i32
    %c0_i32_0 = arith.constant 0 : i32
    return %arg0, %c0_i32 : i32, i32
  }
}

</mosaic_0001>

<sc_bundles>
// kernel: kernel.11.cloned.1.call-start
scs
__scs_entry_jumppad:
0x0: {  	(pc) =	sbr.rel $0x88, $3  }
0x1: {  	(tag) =	ssettag $0x0;
	lr =	simm.s32 $0x1  }
0x2: {  	[smem:$0x3F9B] =	sst lr;
	_ =	strace $0xD0000000  }
0x3: {  	_ = 	snop  }
0x4: {  	_ = 	snop  }
0x5: {  	_ = 	snop  }
0x6: {  	_ = 	snop  }
0x7: {  	_ = 	snop  }
__scs_overlays_trampoline_lowered:
0x8: {  	[smem:$0x3FAA] =	sst s0  }
0x9: {  	[smem:$0x3FAB] =	sst s1  }
0xa: {  	[smem:$0x3FAC] =	sst s2  }
0xb: {  	[smem:$0x3FAD] =	sst s3  }
0xc: {  	[smem:$0x3FAE] =	sst s4  }
0xd: {  	[smem:$0x3FAF] =	sst s5  }
0xe: {  	[smem:$0x3FB0] =	sst s6  }
0xf: {  	[smem:$0x3FB1] =	sst s7  }
0x10: {  	[smem:$0x3FB2] =	sst s8  }
0x11: {  	[smem:$0x3FB3] =	sst s9;
	s0 =	simm.s32 @!p0 $0x0  }
0x12: {  	s1 =	sld [smem:$0x3F99];
	s0 =	simm.s32 @p0 $0x1  }
0x13: {  	[smem:$0x3FB4] =	sst s0;
	s0 =	simm.s32 @!p1 $0x0  }
0x14: {  	s2 =	sld [smem:$0x3F98];
	s0 =	simm.s32 @p1 $0x1  }
0x15: {  	[smem:$0x3FB5] =	sst s0;
	s0 =	simm.s32 @!p2 $0x0  }
0x16: {  	s3 =	sld [smem:$0x3FDB];
	s0 =	simm.s32 @p2 $0x1  }
0x17: {  	s4 =	simm.s32 $0x1BF5;
	[smem:$0x3FB7] =	sst s0  }
0x18: {  	s0 =	sld [smem:$0x3F9A];
	_ =	swait.ge [sflag:s4], $0x0  }
0x19: {  	s7 =	sld [smem:$0x3F9B]  }
0x1a: {  	s8 =	sadd.s32 $0xFFFFE003, lr  }
0x1b: {  	s9 =	sadd.s32 $0xFFFFFEF7, lr;
	s5 =	simm.s32 $0xFFFFFFFF;
	p2 =	slt.u32 s8, $0xFFFFF086  }
0x1c: {  	p1 =	slt.u32 s9, $0xF7A;
	s5 =	simm.s32 @!p2 $0x0  }
0x1d: {  	s5 =	simm.s32 @p1 $0x1;
	p0 =	seq.s32 s7, s2  }
0x1e: {  	s7 =	smul.u32 @!p0 $0xF7A, s2;
	p2 =	seq.s32 @!p0 s5, $0x0  }
0x1f: {  	s9 =	smul.u32 $0xF7A, s1;
	s8 =	simm.s32 @!p0 $0x1BF5;
	p2 =	por !p2, p0  }
0x20: {  	[sflag:s8] =	ssyncset.s32 @!p0 $0xFFFFF086;
	s6 =	sadd.s32 @!p0 s3, s7;
	s7 =	simm.s32 @!p0 $0x108  }
0x21: {  	s3 =	sadd.s32 s3, s9;
	s6 =	sadd.s32 @!p0 $0x88, s6;
	s7 =	simm.s32 @p2 $0x1082  }
0x22: {  	[simem:s7], [sflag:s8] =	dma.local @!p0 [hbm:s6], $0xF7A  }
0x23: {  	s9 =	sor.u32 $0xD0000000, s2;
	s6 =	simm.s32 $0x108;
	_ =	swait.ge @!p0 [sflag:s8], $0x0  }
0x24: {  	s3 =	sadd.s32 $0x88, s3;
	s6 =	simm.s32 @!p1 $0x1082;
	[sflag:s4] =	ssyncset.s32 $0xFFFFF086  }
0x25: {  	[simem:s6], [sflag:s4] =	dma.local [hbm:s3], $0xF7A  }
0x26: {  	[smem:$0x3F9B] =	sst s1;
	(tag) =	ssettag s2;
	_ =	strace s9  }
0x27: {  	s1 =	sld [smem:$0x3FAB]  }
0x28: {  	s2 =	sld [smem:$0x3FAC]  }
0x29: {  	s4 =	sld [smem:$0x3FAE]  }
0x2a: {  	p0 =	seq.s32 s5, $0x0;
	s5 =	sld [smem:$0x3FAF]  }
0x2b: {  	s6 =	sld [smem:$0x3FB0]  }
0x2c: {  	s7 =	sld [smem:$0x3FB1]  }
0x2d: {  	s3 =	simm.s32 $0x108;
	s8 =	sld [smem:$0x3FB2]  }
0x2e: {  	s3 =	simm.s32 @!p0 $0x1082;
	s9 =	sld [smem:$0x3FB3]  }
0x2f: {  	lr =	sadd.s32 s0, s3;
	s0 =	sld [smem:$0x3FAA]  }
0x30: {  	s3 =	sld [smem:$0x3FAD]  }
0x31: {  	[smem:$0x3FB6] =	sst s10  }
0x32: {  	s10 =	sld [smem:$0x3FB4];
	_ =	sdelay $0x3  }
0x33: {  	p0 =	seq.s32 s10, $0x1;
	s10 =	sld [smem:$0x3FB6];
	_ =	sdelay $0x3  }
0x34: {  	[smem:$0x3FB6] =	sst s10  }
0x35: {  	s10 =	sld [smem:$0x3FB5];
	_ =	sdelay $0x3  }
0x36: {  	p1 =	seq.s32 s10, $0x1;
	s10 =	sld [smem:$0x3FB6];
	_ =	sdelay $0x3  }
0x37: {  	[smem:$0x3FB6] =	sst s10  }
0x38: {  	s10 =	sld [smem:$0x3FB7]  }
0x39: {  	_ = 	snop;
	(pc) =	sbr.ind lr, $3  }
0x3a: {  	_ = 	snop  }
0x3b: {  	_ = 	snop  }
0x3c: {  	p2 =	seq.s32 s10, $0x1;
	s10 =	sld [smem:$0x3FB6]  }
0x3d: {  	_ =	shalt  }
0x3e: {  	_ =	shalt  }
0x3f: {  	_ =	shalt  }
0x40: {  	_ =	shalt  }
0x41: {  	_ =	shalt  }
0x42: {  	_ =	shalt  }
0x43: {  	_ =	shalt  }
0x44: {  	_ =	shalt  }
0x45: {  	_ =	shalt  }
0x46: {  	_ =	shalt  }
0x47: {  	_ =	shalt  }
0x48: {  	_ =	shalt  }
0x49: {  	_ =	shalt  }
0x4a: {  	_ =	shalt  }
0x4b: {  	_ =	shalt  }
0x4c: {  	_ =	shalt  }
0x4d: {  	_ =	shalt  }
0x4e: {  	_ =	shalt  }
0x4f: {  	_ =	shalt  }
0x50: {  	_ =	shalt  }
0x51: {  	_ =	shalt  }
0x52: {  	_ =	shalt  }
0x53: {  	_ =	shalt  }
0x54: {  	_ =	shalt  }
0x55: {  	_ =	shalt  }
0x56: {  	_ =	shalt  }
0x57: {  	_ =	shalt  }
0x58: {  	_ =	shalt  }
0x59: {  	_ =	shalt  }
0x5a: {  	_ =	shalt  }
0x5b: {  	_ =	shalt  }
0x5c: {  	_ =	shalt  }
0x5d: {  	_ =	shalt  }
0x5e: {  	_ =	shalt  }
0x5f: {  	_ =	shalt  }
0x60: {  	_ =	shalt  }
0x61: {  	_ =	shalt  }
0x62: {  	_ =	shalt  }
0x63: {  	_ =	shalt  }
0x64: {  	_ =	shalt  }
0x65: {  	_ =	shalt  }
0x66: {  	_ =	shalt  }
0x67: {  	_ =	shalt  }
0x68: {  	_ =	shalt  }
0x69: {  	_ =	shalt  }
0x6a: {  	_ =	shalt  }
0x6b: {  	_ =	shalt  }
0x6c: {  	_ =	shalt  }
0x6d: {  	_ =	shalt  }
0x6e: {  	_ =	shalt  }
0x6f: {  	_ =	shalt  }
0x70: {  	_ =	shalt  }
0x71: {  	_ =	shalt  }
0x72: {  	_ =	shalt  }
0x73: {  	_ =	shalt  }
0x74: {  	_ =	shalt  }
0x75: {  	_ =	shalt  }
0x76: {  	_ =	shalt  }
0x77: {  	_ =	shalt  }
0x78: {  	_ =	shalt  }
0x79: {  	_ =	shalt  }
0x7a: {  	_ =	shalt  }
0x7b: {  	_ =	shalt  }
0x7c: {  	_ =	shalt  }
0x7d: {  	_ =	shalt  }
0x7e: {  	_ =	shalt  }
0x7f: {  	_ =	shalt  }
0x80: {  	_ =	shalt  }
0x81: {  	_ =	shalt  }
0x82: {  	_ =	shalt  }
0x83: {  	_ =	shalt  }
0x84: {  	_ =	shalt  }
0x85: {  	_ =	shalt  }
0x86: {  	_ =	shalt  }
0x87: {  	_ =	shalt  }
.Lfunc_end0:
.L_simem_size_0:
called_computation.1_lowered:
.L_overlay_start_0:
0x88: {  	s2 =	sld [smem:$0x3FD9]  }
0x89: {  	s3 =	sld [smem:$0x3FFE];
	_ =	sdelay $0x1  }
0x8a: {  	s1 =	srdreg.scid  }
0x8b: {  	s0 =	sand.u32 $0x1, s1  }
0x8c: {  	s17 =	sshll.u32 s0, $0xA;
	s2 =	sadd.s32 s3, s2  }
0x8d: {  	s2 =	sadd.s32 s2, s17  }
0x8e: {  	[smem:$0x3FC2] =	sst s2  }
0x8f: {  	_ = 	snop  }
0x90: {  	s2 =	sld [smem:$0x3FD0];
	(tm) =	ssettm $0x1  }
0x91: {  	s18 =	sld [smem:$0x3FFB];
	_ =	sdelay $0x3  }
0x92: {  	_ =	strace s18  }
0x93: {  	s3 =	sld [smem:$0x3FFC];
	_ =	sdelay $0x3  }
0x94: {  	_ =	strace s3  }
0x95: {  	s3 =	sld [smem:$0x3FFD];
	_ =	sdelay $0x3  }
0x96: {  	_ =	strace s3  }
0x97: {  	_ =	strace $0x8FFFFFFF  }
0x98: {  	s19 =	sld [smem:$0x3FDB];
	_ =	sdelay $0x1  }
0x99: {  	s4 =	simm.s32 $_scs_section_size  }
0x9a: {  	s5 =	simm.s32 $_size__tile_overlayer_lowered;
	s6 =	simm.s32 $_tile_overlayer_lowered  }
0x9b: {  	s22 =	simm.s32 $0x1BFF;
	s21 =	sshll.u32 s6, $0x1;
	s3 =	sadd.s32 s4, s19  }
0x9c: {  	s7 =	simm.s32 $0x0;
	s20 =	sshll.u32 s5, $0x1;
	s5 =	sadd.s32 s21, s3  }
0x9d: {  	[timem:s7], [sflag:s22] =	dma.local [hbm:s5], s20  }
0x9e: {  	_ =	swait.ge [sflag:s22], s20  }
0x9f: {  	s4 =	ssub.s32 $0x0, s20;
	[sflag:s22] =	ssyncset.done $0x0  }
0xa0: {  	[sflag:s22] =	ssyncadd.s32 s4;
	_ =	sdelay $0x1  }
0xa1: {  	s23 =	simm.s32 $0x1B8B  }
0xa2: {  	_ =	swait.ge [sflag:s23], $0x1  }
0xa3: {  	[sflag:s23] =	ssyncset.done $0x0  }
0xa4: {  	s25 =	simm.s32 $0x1B8E;
	s24 =	sld [smem:$0x3FFE];
	[sflag:s23] =	ssyncadd.s32 $0xFFFFFFFF  }
0xa5: {  	s26 =	simm.s32 $execute0_lowered;
	[smem:$0x3FD2] =	sst s25  }
0xa6: {  	s5 =	sshll.u32 s26, $0x1;
	_ =	strace $0x80000049;
	[dreg:$0x1] =	wrdreg $0xFFFFFFFF  }
0xa7: {  	s28 =	simm.s32 $_size_execute0_lowered;
	s3 =	sadd.s32 s3, s5;
	[dreg:$0x0] =	wrdreg $0x0  }
0xa8: {  	s5 =	sshll.u32 s28, $0x1;
	[dreg:$0x2] =	wrdreg s3  }
0xa9: {  	[dreg:$0x3] =	wrdreg s5  }
0xaa: {  	[dreg:$0x4] =	wrdreg $0xC0  }
0xab: {  	_ =	task [dreg:s7], $0x5FFFF  }
0xac: {  	[dreg:$0x1] =	wrdreg $0xFFFFFFFF  }
0xad: {  	[dreg:$0x0] =	wrdreg $0x60  }
0xae: {  	[dreg:$0x2] =	wrdreg s24  }
0xaf: {  	[dreg:$0x3] =	wrdreg s2  }
0xb0: {  	[dreg:$0x4] =	wrdreg $0xA9000  }
0xb1: {  	[dreg:$0x5] =	wrdreg $0x9  }
0xb2: {  	_ =	task.clear_ibuf [dreg:s7], $0x6FFFF;
	_ =	strace $0x90000049  }
0xb3: {  	s29 =	simm.s32 $0x9;
	_ =	strace $0x8000004B  }
0xb4: {  	_ =	swait.ge [sflag:s29], $0x1  }
0xb5: {  	[sflag:s29] =	ssyncadd.s32 $0xFFFFFFFF  }
0xb6: {  	_ =	strace $0x9000004B  }
0xb7: {  	_ =	sfence  }
0xb8: {  	s30 =	sld [smem:$0x0];
	_ =	sdelay $0x2  }
0xb9: {  	s31 =	sshll.u32 s1, $0xD;
	s1 =	sshrl.u32 s1, $0x2  }
0xba: {  	s3 =	sand.u32 $0x4000, s31;
	s1 =	sadd.s32 s1, s30  }
0xbb: {  	s0 =	sor.u32 s3, s0;
	s1 =	sshll.u32 s1, $0x11  }
0xbc: {  	s0 =	sor.u32 s1, s0  }
0xbd: {  	s0 =	sadd.s32 $0x8F2B, s0  }
0xbe: {  	[sflag:s0] =	ssyncadd.remote.s32 $0x1  }
0xbf: {  	_ =	sfence.sel $0xFFFF  }
0xc0: {  	[dreg:$0x0] =	wrdreg $0xFFFFFFFF;
	(pc) =	sbr.abs _section_cstart, $3  }
0xc1: {  	[dreg:$0x1] =	wrdreg $0xFFFFFFFF  }
0xc2: {  	_ =	task.clear_ibuf [dreg:s7], $0x2FFFF;
	_ =	strace $0x9FFFFFFF  }
0xc3: {  	(tm) =	ssettm $0x7FFFFFFF  }
tec
execute0_lowered:
.L_overlay_start_1:
0x0: {  	(tag) =	ssettag $0x1  }
0x1: {  	s0 =	srdreg.scid  }
0x2: {  	s1 =	rddreg [dreg:$0x0];
	s11 =	stileid.u32  }
0x3: {  	s2 =	rddreg [dreg:$0x1];
	s7 =	smul.u32 $0x14000, s11  }
0x4: {  	s28 =	simm.s32 $0x5;
	s29 =	simm.s32 $0x2;
	s16 =	smul.u32 $0x50000, s11  }
0x5: {  	s30 =	simm.s32 $0x6;
	s0 =	sand.u32 $0x1, s0;
	s20 =	smul.u32 $0x2710, s11  }
0x6: {  	s31 =	simm.s32 $0x4;
	s3 =	sshll.u32 s0, $0x4;
	s6 =	smul.u32 $0x140000, s0  }
0x7: {  	s10 =	ssub.s32 $0x2, s0;
	s0 =	smul.u32 $0x27100, s0;
	s4 =	sor.u32 s11, s3  }
0x8: {  	s3 =	rddreg [dreg:$0x2];
	s17 =	sshrl.u32 s16, $0x2;
	s18 =	sshrl.u32 s10, $0x1  }
0x9: {  	s5 =	smul.u32 $0x2710, s4;
	s4 =	simm.s32 $0x0;
	s6 =	sadd.s32 s7, s6  }
0xa: {  	s7 =	ssub.s32 s10, s18;
	s0 =	sadd.s32 s20, s0;
	s20 =	simm.s32 $0x7  }
0xb: {  	[smem:$0x7FF] =	sst s4;
	s6 =	sshrl.u32 s6, $0x3;
	s25 =	sadd.s32 $0x180, s0  }
0xc: {  	s16 =	smax.u32 s7, $0x1;
	s18 =	sadd.s32 $0x100, s0;
	s0 =	simm.s32 $0x10  }
0xd: {  	s7 =	simm.s32 $0x0;
	s8 =	sshrl.u32 s5, $0x3;
	s5 =	sadd.s32 $0xBE00, s1  }
0xe: {  	s9 =	sadd.s32 s8, s1;
	s1 =	sadd.s32 s6, s1;
	s6 =	sadd.s32 s17, s3  }
0xf: {  	_ =	strace $0x8000004A;
	s26 =	sshrl.u32 s25, $0x3;
	s19 =	sadd.s32 $0x4000, s6  }
0x10: {  	s25 =	simm.s32 $0x6780;
	s21 =	sadd.s32 $0x8000, s6;
	[dreg:$0x4] =	wrdreg s19  }
0x11: {  	s12 =	sadd.s32 s5, s8;
	s22 =	sadd.s32 $0xC000, s6;
	[dreg:$0x5] =	wrdreg s21  }
0x12: {  	s17 =	sadd.s32 s26, s5;
	s23 =	sadd.s32 $0x10000, s6;
	[dreg:$0x6] =	wrdreg s22  }
0x13: {  	s26 =	simm.s32 $0x1;
	s9 =	sadd.s32 $0x2000, s9;
	[dreg:$0x7] =	wrdreg s23  }
0x14: {  	s8 =	sadd.s32 $0x10, s12;
	s24 =	sadd.s32 $0x4E0, s12;
	[dreg:$0x8] =	wrdreg s9  }
0x15: {  	s15 =	sadd.s32 $0x15C00, s1;
	s1 =	simm.s32 $0xA880;
	[dreg:$0x9] =	wrdreg s8  }
0x16: {  	[dreg:$0xa] =	wrdreg s24;
	s19 =	simm.s32 $0x2780;
	s21 =	simm.s32 $0x3  }
0x17: {  	v0 =	vimm.f32 $0.0e+00;
	s22 =	simm.s32 $0xA780;
	s23 =	simm.s32 $0x80;
	s24 =	simm.s32 $0xA800  }
.LBB2_1:
0x18: {  	s8 =	simm.s32 $0x0;
	s9 =	simm.s32 $0x200  }
.LBB2_2:
0x19: {  	p0 =	sne.s32 s9, $0xFE00;
	[tilespmem:s8+$0x27F0] =	vst v0  }
0x1a: {  	[tilespmem:s8+$0x2780] =	vst v0  }
0x1b: {  	[tilespmem:s8+$0x2790] =	vst v0  }
.Ltmp0:
0x1c: {  	[tilespmem:s8+$0x27A0] =	vst v0;
	(pc) =	sbr.rel @p0 .LBB2_2-.Ltmp0, $4  }
0x1d: {  	[tilespmem:s8+$0x27B0] =	vst v0  }
0x1e: {  	[tilespmem:s8+$0x27C0] =	vst v0  }
0x1f: {  	[tilespmem:s8+$0x27D0] =	vst v0  }
0x20: {  	[tilespmem:s8+$0x27E0] =	vst v0;
	s8 =	sshra.s32 s9, $0x2;
	s9 =	sadd.s32 $0x200, s9  }
0x21: {  	[tilespmem:s8+$0x27F0] =	vst v0  }
0x22: {  	[tilespmem:s8+$0x2780] =	vst v0  }
0x23: {  	[tilespmem:s8+$0x2790] =	vst v0  }
0x24: {  	[tilespmem:s8+$0x27A0] =	vst v0  }
0x25: {  	[tilespmem:s8+$0x27B0] =	vst v0  }
0x26: {  	[tilespmem:s8+$0x27C0] =	vst v0  }
0x27: {  	[tilespmem:s8+$0x27D0] =	vst v0  }
0x28: {  	[tilespmem:s8+$0x27E0] =	vst v0  }
0x29: {  	[spmem:s6] =	stream.linear.scatter [tilespmem:s19], [sflag:$0x3], $0x4000, $0x38;
	[tilespmem:$0x1E900] =	vst v63  }
0x2a: {  	s9 =	rddreg [dreg:$0x4]  }
0x2b: {  	[spmem:s9] =	stream.linear.scatter [tilespmem:s19], [sflag:$0x3], $0x4000, $0x38;
	[tilespmem:$0x1E900] =	vst v63  }
0x2c: {  	s10 =	rddreg [dreg:$0x5]  }
0x2d: {  	[spmem:s10] =	stream.linear.scatter [tilespmem:s19], [sflag:$0x3], $0x4000, $0x38;
	[tilespmem:$0x1E900] =	vst v63  }
0x2e: {  	s11 =	rddreg [dreg:$0x6]  }
0x2f: {  	[spmem:s11] =	stream.linear.scatter [tilespmem:s19], [sflag:$0x3], $0x4000, $0x38;
	[tilespmem:$0x1E900] =	vst v63  }
0x30: {  	s13 =	rddreg [dreg:$0x7]  }
0x31: {  	[spmem:s13] =	stream.linear.scatter [tilespmem:s19], [sflag:$0x3], $0x4000, $0x38;
	[tilespmem:$0x1E900] =	vst v63  }
0x32: {  	s14 =	simm.s32 $0x0;
	s9 =	rddreg [dreg:$0x8]  }
0x33: {  	[tilespmem:s14], [sflag:$0x7] =	stream.linear.gather [hbm4b:s9+s14], $0x2710, $0x38;
	[tilespmem:$0x1E900] =	vst v63  }
0x34: {  	_ =	swait.ge [sflag:s20], $0x2710  }
0x35: {  	[sflag:s20] =	ssyncset.done $0x0  }
0x36: {  	[sflag:s20] =	ssyncadd.s32 $0xFFFFD8F0  }
0x37: {  	_ =	swait.ge [sflag:s21], $0x4000  }
0x38: {  	[sflag:s21] =	ssyncset.done $0x0  }
0x39: {  	[sflag:s21] =	ssyncadd.s32 $0xFFFFC000  }
0x3a: {  	_ =	swait.ge [sflag:s21], $0x4000  }
0x3b: {  	[sflag:s21] =	ssyncset.done $0x0  }
0x3c: {  	[sflag:s21] =	ssyncadd.s32 $0xFFFFC000  }
0x3d: {  	_ =	swait.ge [sflag:s21], $0x4000  }
0x3e: {  	[sflag:s21] =	ssyncset.done $0x0  }
0x3f: {  	[sflag:s21] =	ssyncadd.s32 $0xFFFFC000  }
0x40: {  	_ =	swait.ge [sflag:s21], $0x4000  }
0x41: {  	[sflag:s21] =	ssyncset.done $0x0  }
0x42: {  	[sflag:s21] =	ssyncadd.s32 $0xFFFFC000  }
0x43: {  	_ =	swait.ge [sflag:s21], $0x4000  }
0x44: {  	[sflag:s21] =	ssyncset.done $0x0  }
0x45: {  	[sflag:s21] =	ssyncadd.s32 $0xFFFFC000  }
0x46: {  	[bflag:$0x0] =	sbarrier.arrive $0xFFFF  }
0x47: {  	[tilespmem:s22], [sflag:$0x5] =	stream.linear.gather [hbm4b:s12+s14], $0x80, $0x38;
	[tilespmem:$0x1E900] =	vst v63  }
0x48: {  	_ = 	snop  }
0x49: {  	[tilespmem:s19], [sflag:$0x1] =	stream.indirect.gather [hbm4b:s2+s23], $0x80, s14, s23, $0xb8;
	[tilespmem:$0x1E900] =	vst v63  }
0x4a: {  	s10 =	rddreg [dreg:$0x9]  }
0x4b: {  	[tilespmem:s24], [sflag:$0x6] =	stream.linear.gather [hbm4b:s10+s14], $0x80, $0x38;
	[tilespmem:$0x1E900] =	vst v63  }
0x4c: {  	_ = 	snop  }
0x4d: {  	[tilespmem:s25], [sflag:$0x2] =	stream.indirect.gather [hbm4b:s2+s23], $0x80, s23, s23, $0xb8;
	[tilespmem:$0x1E900] =	vst v63  }
0x4e: {  	_ =	swait.ge [sflag:s26], $0x4000  }
0x4f: {  	[sflag:s26] =	ssyncset.done $0x0  }
0x50: {  	[sflag:s26] =	ssyncadd.s32 $0xFFFFC000  }
0x51: {  	_ =	swait.ge [sflag:s28], $0x80  }
0x52: {  	[sflag:s28] =	ssyncset.done $0x0  }
0x53: {  	[sflag:s28] =	ssyncadd.s32 $0xFFFFFF80  }
0x54: {  	[spmem:s3] =	stream.indirect.scatter.add.f32 [tilespmem:s19], [sflag:$0x3], $0x80, s22, s23, $0xb8;
	[tilespmem:$0x1E900] =	vst v63  }
0x55: {  	_ =	swait.ge [sflag:s21], $0x4000  }
0x56: {  	s11 =	sshrl.u32 s18, $0x3;
	[sflag:s21] =	ssyncset.done $0x0  }
0x57: {  	s8 =	sadd.s32 s5, s11;
	[sflag:s21] =	ssyncadd.s32 $0xFFFFC000  }
0x58: {  	[tilespmem:s22], [sflag:$0x5] =	stream.linear.gather [hbm4b:s8+s4], $0x80, $0x38;
	[tilespmem:$0x1E900] =	vst v63  }
0x59: {  	s13 =	simm.s32 $0x100  }
0x5a: {  	[tilespmem:s19], [sflag:$0x1] =	stream.indirect.gather [hbm4b:s2+s23], $0x80, s13, s23, $0xb8;
	[tilespmem:$0x1E900] =	vst v63  }
0x5b: {  	_ =	swait.ge [sflag:s29], $0x4000  }
0x5c: {  	[sflag:s29] =	ssyncset.done $0x0  }
0x5d: {  	[sflag:s29] =	ssyncadd.s32 $0xFFFFC000  }
0x5e: {  	_ =	swait.ge [sflag:s30], $0x80  }
0x5f: {  	[sflag:s30] =	ssyncset.done $0x0  }
0x60: {  	[sflag:s30] =	ssyncadd.s32 $0xFFFFFF80  }
0x61: {  	[spmem:s3] =	stream.indirect.scatter.add.f32 [tilespmem:s25], [sflag:$0x4], $0x80, s24, s23, $0xb8;
	[tilespmem:$0x1E900] =	vst v63  }
0x62: {  	s11 =	sadd.s32 $0x100, s18;
	_ =	swait.ge [sflag:s31], $0x4000  }
0x63: {  	s9 =	simm.s32 $0x20;
	s14 =	sadd.s32 $0x0, s17;
	[sflag:s31] =	ssyncset.done $0x0  }
0x64: {  	s10 =	simm.s32 $0x280;
	s8 =	simm.s32 $0x180;
	[sflag:s31] =	ssyncadd.s32 $0xFFFFC000  }
0x65: {  	[tilespmem:s24], [sflag:$0x6] =	stream.linear.gather [hbm4b:s14+s4], $0x80, $0x38;
	[tilespmem:$0x1E900] =	vst v63  }
.LBB2_4:
0x66: {  	[tilespmem:s25], [sflag:$0x2] =	stream.indirect.gather [hbm4b:s2+s23], $0x80, s8, s23, $0xb8;
	[tilespmem:$0x1E900] =	vst v63  }
0x67: {  	s13 =	smov.u32 s9;
	s8 =	smov.u32 s10  }
0x68: {  	p0 =	sne.s32 s9, $0x4A0;
	s9 =	sadd.s32 $0x20, s9;
	_ =	swait.ge [sflag:s26], $0x4000  }
0x69: {  	[sflag:s26] =	ssyncset.done $0x0  }
0x6a: {  	[sflag:s26] =	ssyncadd.s32 $0xFFFFC000  }
0x6b: {  	_ =	swait.ge [sflag:s28], $0x80  }
0x6c: {  	[sflag:s28] =	ssyncset.done $0x0  }
0x6d: {  	[sflag:s28] =	ssyncadd.s32 $0xFFFFFF80  }
0x6e: {  	[spmem:s3] =	stream.indirect.scatter.add.f32 [tilespmem:s19], [sflag:$0x3], $0x80, s22, s23, $0xb8;
	[tilespmem:$0x1E900] =	vst v63  }
0x6f: {  	_ =	swait.ge [sflag:s21], $0x4000  }
0x70: {  	s14 =	sshrl.u32 s11, $0x3;
	[sflag:s21] =	ssyncset.done $0x0  }
0x71: {  	s14 =	sadd.s32 s5, s14;
	[sflag:s21] =	ssyncadd.s32 $0xFFFFC000  }
0x72: {  	[tilespmem:s22], [sflag:$0x5] =	stream.linear.gather [hbm4b:s14+s4], $0x80, $0x38;
	[tilespmem:$0x1E900] =	vst v63  }
0x73: {  	s14 =	sadd.s32 $0xFFFFFF80, s10  }
0x74: {  	[tilespmem:s19], [sflag:$0x1] =	stream.indirect.gather [hbm4b:s2+s23], $0x80, s14, s23, $0xb8;
	[tilespmem:$0x1E900] =	vst v63  }
0x75: {  	_ =	swait.ge [sflag:s29], $0x4000  }
0x76: {  	[sflag:s29] =	ssyncset.done $0x0  }
0x77: {  	[sflag:s29] =	ssyncadd.s32 $0xFFFFC000  }
0x78: {  	_ =	swait.ge [sflag:s30], $0x80  }
0x79: {  	[sflag:s30] =	ssyncset.done $0x0  }
0x7a: {  	[sflag:s30] =	ssyncadd.s32 $0xFFFFFF80  }
0x7b: {  	[spmem:s3] =	stream.indirect.scatter.add.f32 [tilespmem:s25], [sflag:$0x4], $0x80, s24, s23, $0xb8;
	[tilespmem:$0x1E900] =	vst v63  }
.Ltmp1:
0x7c: {  	_ =	swait.ge [sflag:s31], $0x4000;
	(pc) =	sbr.rel @p0 .LBB2_4-.Ltmp1, $4  }
0x7d: {  	[sflag:s31] =	ssyncset.done $0x0  }
0x7e: {  	s13 =	sadd.s32 s13, s17;
	[sflag:s31] =	ssyncadd.s32 $0xFFFFC000  }
0x7f: {  	[tilespmem:s24], [sflag:$0x6] =	stream.linear.gather [hbm4b:s13+s4], $0x80, $0x38;
	[tilespmem:$0x1E900] =	vst v63  }
0x80: {  	s11 =	sadd.s32 $0x100, s11;
	s10 =	sadd.s32 $0x100, s10  }
0x81: {  	[tilespmem:s25], [sflag:$0x2] =	stream.indirect.gather [hbm4b:s2+s23], $0x80, s8, s23, $0xb8;
	[tilespmem:$0x1E900] =	vst v63  }
0x82: {  	_ =	swait.ge [sflag:s26], $0x4000  }
0x83: {  	[sflag:s26] =	ssyncset.done $0x0  }
0x84: {  	[sflag:s26] =	ssyncadd.s32 $0xFFFFC000  }
0x85: {  	_ =	swait.ge [sflag:s28], $0x80  }
0x86: {  	[sflag:s28] =	ssyncset.done $0x0  }
0x87: {  	[sflag:s28] =	ssyncadd.s32 $0xFFFFFF80  }
0x88: {  	[spmem:s3] =	stream.indirect.scatter.add.f32 [tilespmem:s19], [sflag:$0x3], $0x80, s22, s23, $0xb8;
	[tilespmem:$0x1E900] =	vst v63  }
0x89: {  	_ =	swait.ge [sflag:s21], $0x4000  }
0x8a: {  	[sflag:s21] =	ssyncset.done $0x0  }
0x8b: {  	[sflag:s21] =	ssyncadd.s32 $0xFFFFC000  }
0x8c: {  	_ =	swait.ge [sflag:s29], $0x4000  }
0x8d: {  	[sflag:s29] =	ssyncset.done $0x0  }
0x8e: {  	[sflag:s29] =	ssyncadd.s32 $0xFFFFC000  }
0x8f: {  	_ =	swait.ge [sflag:s30], $0x80  }
0x90: {  	[sflag:s30] =	ssyncset.done $0x0  }
0x91: {  	[sflag:s30] =	ssyncadd.s32 $0xFFFFFF80  }
0x92: {  	[spmem:s3] =	stream.indirect.scatter.add.f32 [tilespmem:s25], [sflag:$0x4], $0x80, s24, s23, $0xb8;
	[tilespmem:$0x1E900] =	vst v63  }
0x93: {  	_ =	swait.ge [sflag:s31], $0x4000  }
0x94: {  	[sflag:s31] =	ssyncset.done $0x0  }
0x95: {  	s11 =	rddreg [dreg:$0xa];
	[sflag:s31] =	ssyncadd.s32 $0xFFFFC000  }
0x96: {  	[tilespmem:s1], [sflag:$0x7] =	stream.linear.gather [hbm4b:s11+s4], $0x10, $0x38;
	[tilespmem:$0x1E900] =	vst v63  }
0x97: {  	_ =	swait.ge [sflag:s20], $0x10  }
0x98: {  	[sflag:s20] =	ssyncset.done $0x0  }
0x99: {  	s13 =	simm.s32 $0x2700;
	[sflag:s20] =	ssyncadd.s32 $0xFFFFFFF0  }
0x9a: {  	[tilespmem:s19], [sflag:$0x1] =	stream.indirect.gather [hbm4b:s2+s0], $0x80, s13, s0, $0xb8;
	[tilespmem:$0x1E900] =	vst v63  }
0x9b: {  	_ =	swait.ge [sflag:s26], $0x800  }
0x9c: {  	[sflag:s26] =	ssyncset.done $0x0  }
0x9d: {  	[sflag:s26] =	ssyncadd.s32 $0xFFFFF800  }
0x9e: {  	[spmem:s3] =	stream.indirect.scatter.add.f32 [tilespmem:s19], [sflag:$0x7], $0x80, s1, s0, $0xb8;
	[tilespmem:$0x1E900] =	vst v63  }
0x9f: {  	s14 =	stileid.u32;
	_ =	swait.ge [sflag:s20], $0x800  }
0xa0: {  	s9 =	sshrl.u32 s6, $0x3;
	s7 =	sadd.s32 $0x1, s7;
	[sflag:s20] =	ssyncset.done $0x0  }
0xa1: {  	s8 =	sshll.u32 s14, $0x6;
	p0 =	sne.s32 s7, s16;
	[sflag:s20] =	ssyncadd.s32 $0xFFFFF800  }
.Ltmp2:
0xa2: {  	s8 =	sor.u32 $0x1C07, s8;
	[bflag:$0x0] =	sbarrier.arrive $0xFFFF;
	(pc) =	sbr.rel @p0 .LBB2_1-.Ltmp2, $4  }
0xa3: {  	[hbm:s15], [sflag:s8] =	dma.local [spmem:s9], $0x2800  }
0xa4: {  	_ =	swait.ge [sflag:s20], $0x2800  }
0xa5: {  	[sflag:s20] =	ssyncset.done $0x0  }
0xa6: {  	[sflag:s20] =	ssyncadd.s32 $0xFFFFD800  }
0xa7: {  	_ =	sfence.sel $0x180000  }
0xa8: {  	[bflag:$0x0] =	sbarrier.arrive $0xFFFF  }
0xa9: {  	_ =	strace $0x9000004A  }
0xaa: {  	s0 =	stileid.u32;
	[bflag:$0x2] =	sbarrier.arrive $0xFFFF  }
0xab: {  	p0 =	sne.s32 s0, $0x0;
	s0 =	rddreg [dreg:$0x3]  }
0xac: {  	s0 =	sadd.s32 @!p0 $0x100000, s0  }
0xad: {  	[sflag:s0] =	ssyncadd.tile.s32 @!p0 $0x1;
	_ =	shalt  }
.Lfunc_end2:
_tile_overlayer_lowered:
.L_overlay_start_2:
0xae: {  	(tag) =	ssettag $0x2  }
0xaf: {  	s0 =	rddreg [dreg:$0x0];
	s2 =	stileid.u32  }
0xb0: {  	s1 =	rddreg [dreg:$0x1];
	p0 =	sne.s32 s2, $0x0  }
0xb1: {  	s3 =	rddreg [dreg:$0x2];
	[bflag:$0x3] =	sbarrier.arrive $0xFFFF;
	s2 =	simm.s32 @!p0 $0x1C07  }
0xb2: {  	[timem:s3], [sflag:s2] =	dma.local @!p0 [hbm:s0], s1  }
0xb3: {  	s0 =	simm.s32 @!p0 $0x7  }
0xb4: {  	_ =	swait.ge @!p0 [sflag:s0], s1  }
0xb5: {  	s1 =	ssub.s32 @!p0 $0x0, s1;
	[sflag:s0] =	ssyncset.done @!p0 $0x0  }
0xb6: {  	[sflag:s0] =	ssyncadd.s32 @!p0 s1  }
0xb7: {  	[bflag:$0x3] =	sbarrier.arrive $0xFFFF  }
0xb8: {  	_ =	shalt  }

// kernel: kernel.14.cloned.1.call-start
scs
__scs_entry_jumppad:
0x0: {  	(pc) =	sbr.rel $0x88, $3  }
0x1: {  	(tag) =	ssettag $0x0;
	lr =	simm.s32 $0x1  }
0x2: {  	[smem:$0x3F9B] =	sst lr;
	_ =	strace $0xD0000000  }
0x3: {  	_ = 	snop  }
0x4: {  	_ = 	snop  }
0x5: {  	_ = 	snop  }
0x6: {  	_ = 	snop  }
0x7: {  	_ = 	snop  }
__scs_overlays_trampoline_lowered:
0x8: {  	[smem:$0x3FAA] =	sst s0  }
0x9: {  	[smem:$0x3FAB] =	sst s1  }
0xa: {  	[smem:$0x3FAC] =	sst s2  }
0xb: {  	[smem:$0x3FAD] =	sst s3  }
0xc: {  	[smem:$0x3FAE] =	sst s4  }
0xd: {  	[smem:$0x3FAF] =	sst s5  }
0xe: {  	[smem:$0x3FB0] =	sst s6  }
0xf: {  	[smem:$0x3FB1] =	sst s7  }
0x10: {  	[smem:$0x3FB2] =	sst s8  }
0x11: {  	[smem:$0x3FB3] =	sst s9;
	s0 =	simm.s32 @!p0 $0x0  }
0x12: {  	s1 =	sld [smem:$0x3F99];
	s0 =	simm.s32 @p0 $0x1  }
0x13: {  	[smem:$0x3FB4] =	sst s0;
	s0 =	simm.s32 @!p1 $0x0  }
0x14: {  	s2 =	sld [smem:$0x3F98];
	s0 =	simm.s32 @p1 $0x1  }
0x15: {  	[smem:$0x3FB5] =	sst s0;
	s0 =	simm.s32 @!p2 $0x0  }
0x16: {  	s3 =	sld [smem:$0x3FDB];
	s0 =	simm.s32 @p2 $0x1  }
0x17: {  	s4 =	simm.s32 $0x1BF5;
	[smem:$0x3FB7] =	sst s0  }
0x18: {  	s0 =	sld [smem:$0x3F9A];
	_ =	swait.ge [sflag:s4], $0x0  }
0x19: {  	s7 =	sld [smem:$0x3F9B]  }
0x1a: {  	s8 =	sadd.s32 $0xFFFFE003, lr  }
0x1b: {  	s9 =	sadd.s32 $0xFFFFFEF7, lr;
	s5 =	simm.s32 $0xFFFFFFFF;
	p2 =	slt.u32 s8, $0xFFFFF086  }
0x1c: {  	p1 =	slt.u32 s9, $0xF7A;
	s5 =	simm.s32 @!p2 $0x0  }
0x1d: {  	s5 =	simm.s32 @p1 $0x1;
	p0 =	seq.s32 s7, s2  }
0x1e: {  	s7 =	smul.u32 @!p0 $0xF7A, s2;
	p2 =	seq.s32 @!p0 s5, $0x0  }
0x1f: {  	s9 =	smul.u32 $0xF7A, s1;
	s8 =	simm.s32 @!p0 $0x1BF5;
	p2 =	por !p2, p0  }
0x20: {  	[sflag:s8] =	ssyncset.s32 @!p0 $0xFFFFF086;
	s6 =	sadd.s32 @!p0 s3, s7;
	s7 =	simm.s32 @!p0 $0x108  }
0x21: {  	s3 =	sadd.s32 s3, s9;
	s6 =	sadd.s32 @!p0 $0x88, s6;
	s7 =	simm.s32 @p2 $0x1082  }
0x22: {  	[simem:s7], [sflag:s8] =	dma.local @!p0 [hbm:s6], $0xF7A  }
0x23: {  	s9 =	sor.u32 $0xD0000000, s2;
	s6 =	simm.s32 $0x108;
	_ =	swait.ge @!p0 [sflag:s8], $0x0  }
0x24: {  	s3 =	sadd.s32 $0x88, s3;
	s6 =	simm.s32 @!p1 $0x1082;
	[sflag:s4] =	ssyncset.s32 $0xFFFFF086  }
0x25: {  	[simem:s6], [sflag:s4] =	dma.local [hbm:s3], $0xF7A  }
0x26: {  	[smem:$0x3F9B] =	sst s1;
	(tag) =	ssettag s2;
	_ =	strace s9  }
0x27: {  	s1 =	sld [smem:$0x3FAB]  }
0x28: {  	s2 =	sld [smem:$0x3FAC]  }
0x29: {  	s4 =	sld [smem:$0x3FAE]  }
0x2a: {  	p0 =	seq.s32 s5, $0x0;
	s5 =	sld [smem:$0x3FAF]  }
0x2b: {  	s6 =	sld [smem:$0x3FB0]  }
0x2c: {  	s7 =	sld [smem:$0x3FB1]  }
0x2d: {  	s3 =	simm.s32 $0x108;
	s8 =	sld [smem:$0x3FB2]  }
0x2e: {  	s3 =	simm.s32 @!p0 $0x1082;
	s9 =	sld [smem:$0x3FB3]  }
0x2f: {  	lr =	sadd.s32 s0, s3;
	s0 =	sld [smem:$0x3FAA]  }
0x30: {  	s3 =	sld [smem:$0x3FAD]  }
0x31: {  	[smem:$0x3FB6] =	sst s10  }
0x32: {  	s10 =	sld [smem:$0x3FB4];
	_ =	sdelay $0x3  }
0x33: {  	p0 =	seq.s32 s10, $0x1;
	s10 =	sld [smem:$0x3FB6];
	_ =	sdelay $0x3  }
0x34: {  	[smem:$0x3FB6] =	sst s10  }
0x35: {  	s10 =	sld [smem:$0x3FB5];
	_ =	sdelay $0x3  }
0x36: {  	p1 =	seq.s32 s10, $0x1;
	s10 =	sld [smem:$0x3FB6];
	_ =	sdelay $0x3  }
0x37: {  	[smem:$0x3FB6] =	sst s10  }
0x38: {  	s10 =	sld [smem:$0x3FB7]  }
0x39: {  	_ = 	snop;
	(pc) =	sbr.ind lr, $3  }
0x3a: {  	_ = 	snop  }
0x3b: {  	_ = 	snop  }
0x3c: {  	p2 =	seq.s32 s10, $0x1;
	s10 =	sld [smem:$0x3FB6]  }
0x3d: {  	_ =	shalt  }
0x3e: {  	_ =	shalt  }
0x3f: {  	_ =	shalt  }
0x40: {  	_ =	shalt  }
0x41: {  	_ =	shalt  }
0x42: {  	_ =	shalt  }
0x43: {  	_ =	shalt  }
0x44: {  	_ =	shalt  }
0x45: {  	_ =	shalt  }
0x46: {  	_ =	shalt  }
0x47: {  	_ =	shalt  }
0x48: {  	_ =	shalt  }
0x49: {  	_ =	shalt  }
0x4a: {  	_ =	shalt  }
0x4b: {  	_ =	shalt  }
0x4c: {  	_ =	shalt  }
0x4d: {  	_ =	shalt  }
0x4e: {  	_ =	shalt  }
0x4f: {  	_ =	shalt  }
0x50: {  	_ =	shalt  }
0x51: {  	_ =	shalt  }
0x52: {  	_ =	shalt  }
0x53: {  	_ =	shalt  }
0x54: {  	_ =	shalt  }
0x55: {  	_ =	shalt  }
0x56: {  	_ =	shalt  }
0x57: {  	_ =	shalt  }
0x58: {  	_ =	shalt  }
0x59: {  	_ =	shalt  }
0x5a: {  	_ =	shalt  }
0x5b: {  	_ =	shalt  }
0x5c: {  	_ =	shalt  }
0x5d: {  	_ =	shalt  }
0x5e: {  	_ =	shalt  }
0x5f: {  	_ =	shalt  }
0x60: {  	_ =	shalt  }
0x61: {  	_ =	shalt  }
0x62: {  	_ =	shalt  }
0x63: {  	_ =	shalt  }
0x64: {  	_ =	shalt  }
0x65: {  	_ =	shalt  }
0x66: {  	_ =	shalt  }
0x67: {  	_ =	shalt  }
0x68: {  	_ =	shalt  }
0x69: {  	_ =	shalt  }
0x6a: {  	_ =	shalt  }
0x6b: {  	_ =	shalt  }
0x6c: {  	_ =	shalt  }
0x6d: {  	_ =	shalt  }
0x6e: {  	_ =	shalt  }
0x6f: {  	_ =	shalt  }
0x70: {  	_ =	shalt  }
0x71: {  	_ =	shalt  }
0x72: {  	_ =	shalt  }
0x73: {  	_ =	shalt  }
0x74: {  	_ =	shalt  }
0x75: {  	_ =	shalt  }
0x76: {  	_ =	shalt  }
0x77: {  	_ =	shalt  }
0x78: {  	_ =	shalt  }
0x79: {  	_ =	shalt  }
0x7a: {  	_ =	shalt  }
0x7b: {  	_ =	shalt  }
0x7c: {  	_ =	shalt  }
0x7d: {  	_ =	shalt  }
0x7e: {  	_ =	shalt  }
0x7f: {  	_ =	shalt  }
0x80: {  	_ =	shalt  }
0x81: {  	_ =	shalt  }
0x82: {  	_ =	shalt  }
0x83: {  	_ =	shalt  }
0x84: {  	_ =	shalt  }
0x85: {  	_ =	shalt  }
0x86: {  	_ =	shalt  }
0x87: {  	_ =	shalt  }
.Lfunc_end0:
.L_simem_size_0:
called_computation.2_lowered:
.L_overlay_start_0:
0x88: {  	s2 =	sld [smem:$0x3FD9]  }
0x89: {  	s3 =	sld [smem:$0x3FFE];
	_ =	sdelay $0x1  }
0x8a: {  	s1 =	srdreg.scid  }
0x8b: {  	s0 =	sand.u32 $0x1, s1  }
0x8c: {  	s17 =	sshll.u32 s0, $0xA;
	s2 =	sadd.s32 s3, s2  }
0x8d: {  	s2 =	sadd.s32 s2, s17  }
0x8e: {  	[smem:$0x3FC2] =	sst s2  }
0x8f: {  	_ = 	snop  }
0x90: {  	s2 =	sld [smem:$0x3FD0];
	(tm) =	ssettm $0x1  }
0x91: {  	s18 =	sld [smem:$0x3FFB];
	_ =	sdelay $0x3  }
0x92: {  	_ =	strace s18  }
0x93: {  	s3 =	sld [smem:$0x3FFC];
	_ =	sdelay $0x3  }
0x94: {  	_ =	strace s3  }
0x95: {  	s3 =	sld [smem:$0x3FFD];
	_ =	sdelay $0x3  }
0x96: {  	_ =	strace s3  }
0x97: {  	_ =	strace $0x8FFFFFFF  }
0x98: {  	s19 =	sld [smem:$0x3FDB];
	_ =	sdelay $0x1  }
0x99: {  	s4 =	simm.s32 $_scs_section_size  }
0x9a: {  	s5 =	simm.s32 $_size__tile_overlayer_lowered;
	s6 =	simm.s32 $_tile_overlayer_lowered  }
0x9b: {  	s22 =	simm.s32 $0x1BFF;
	s21 =	sshll.u32 s6, $0x1;
	s3 =	sadd.s32 s4, s19  }
0x9c: {  	s7 =	simm.s32 $0x0;
	s20 =	sshll.u32 s5, $0x1;
	s5 =	sadd.s32 s21, s3  }
0x9d: {  	[timem:s7], [sflag:s22] =	dma.local [hbm:s5], s20  }
0x9e: {  	_ =	swait.ge [sflag:s22], s20  }
0x9f: {  	s4 =	ssub.s32 $0x0, s20;
	[sflag:s22] =	ssyncset.done $0x0  }
0xa0: {  	[sflag:s22] =	ssyncadd.s32 s4;
	_ =	sdelay $0x1  }
0xa1: {  	s23 =	simm.s32 $0x1B8B  }
0xa2: {  	_ =	swait.ge [sflag:s23], $0x1  }
0xa3: {  	[sflag:s23] =	ssyncset.done $0x0  }
0xa4: {  	s25 =	simm.s32 $0x1B8E;
	s24 =	sld [smem:$0x3FFE];
	[sflag:s23] =	ssyncadd.s32 $0xFFFFFFFF  }
0xa5: {  	s26 =	simm.s32 $execute0_lowered;
	[smem:$0x3FD2] =	sst s25  }
0xa6: {  	s5 =	sshll.u32 s26, $0x1;
	_ =	strace $0x8000004C;
	[dreg:$0x1] =	wrdreg $0xFFFFFFFF  }
0xa7: {  	s28 =	simm.s32 $_size_execute0_lowered;
	s3 =	sadd.s32 s3, s5;
	[dreg:$0x0] =	wrdreg $0x0  }
0xa8: {  	s5 =	sshll.u32 s28, $0x1;
	[dreg:$0x2] =	wrdreg s3  }
0xa9: {  	[dreg:$0x3] =	wrdreg s5  }
0xaa: {  	[dreg:$0x4] =	wrdreg $0xC0  }
0xab: {  	_ =	task [dreg:s7], $0x5FFFF  }
0xac: {  	[dreg:$0x1] =	wrdreg $0xFFFFFFFF  }
0xad: {  	[dreg:$0x0] =	wrdreg $0x60  }
0xae: {  	[dreg:$0x2] =	wrdreg s24  }
0xaf: {  	[dreg:$0x3] =	wrdreg s2  }
0xb0: {  	[dreg:$0x4] =	wrdreg $0xA9000  }
0xb1: {  	[dreg:$0x5] =	wrdreg $0x9  }
0xb2: {  	_ =	task.clear_ibuf [dreg:s7], $0x6FFFF;
	_ =	strace $0x9000004C  }
0xb3: {  	s29 =	simm.s32 $0x9;
	_ =	strace $0x8000004E  }
0xb4: {  	_ =	swait.ge [sflag:s29], $0x1  }
0xb5: {  	[sflag:s29] =	ssyncadd.s32 $0xFFFFFFFF  }
0xb6: {  	_ =	strace $0x9000004E  }
0xb7: {  	_ =	sfence  }
0xb8: {  	s30 =	sld [smem:$0x0];
	_ =	sdelay $0x2  }
0xb9: {  	s31 =	sshll.u32 s1, $0xD;
	s1 =	sshrl.u32 s1, $0x2  }
0xba: {  	s3 =	sand.u32 $0x4000, s31;
	s1 =	sadd.s32 s1, s30  }
0xbb: {  	s0 =	sor.u32 s3, s0;
	s1 =	sshll.u32 s1, $0x11  }
0xbc: {  	s0 =	sor.u32 s1, s0  }
0xbd: {  	s0 =	sadd.s32 $0x8F2B, s0  }
0xbe: {  	[sflag:s0] =	ssyncadd.remote.s32 $0x1  }
0xbf: {  	_ =	sfence.sel $0xFFFF  }
0xc0: {  	[dreg:$0x0] =	wrdreg $0xFFFFFFFF;
	(pc) =	sbr.abs _section_cstart, $3  }
0xc1: {  	[dreg:$0x1] =	wrdreg $0xFFFFFFFF  }
0xc2: {  	_ =	task.clear_ibuf [dreg:s7], $0x2FFFF;
	_ =	strace $0x9FFFFFFF  }
0xc3: {  	(tm) =	ssettm $0x7FFFFFFF  }
tec
execute0_lowered:
.L_overlay_start_1:
0x0: {  	(tag) =	ssettag $0x1  }
0x1: {  	s0 =	srdreg.scid  }
0x2: {  	s1 =	rddreg [dreg:$0x0];
	s11 =	stileid.u32  }
0x3: {  	s2 =	rddreg [dreg:$0x1];
	s7 =	smul.u32 $0x14000, s11  }
0x4: {  	s28 =	simm.s32 $0x5;
	s29 =	simm.s32 $0x2;
	s16 =	smul.u32 $0x50000, s11  }
0x5: {  	s30 =	simm.s32 $0x6;
	s0 =	sand.u32 $0x1, s0;
	s20 =	smul.u32 $0x2710, s11  }
0x6: {  	s31 =	simm.s32 $0x4;
	s3 =	sshll.u32 s0, $0x4;
	s6 =	smul.u32 $0x140000, s0  }
0x7: {  	s10 =	ssub.s32 $0x2, s0;
	s0 =	smul.u32 $0x27100, s0;
	s4 =	sor.u32 s11, s3  }
0x8: {  	s3 =	rddreg [dreg:$0x2];
	s17 =	sshrl.u32 s16, $0x2;
	s18 =	sshrl.u32 s10, $0x1  }
0x9: {  	s5 =	smul.u32 $0x2710, s4;
	s4 =	simm.s32 $0x0;
	s6 =	sadd.s32 s7, s6  }
0xa: {  	s7 =	ssub.s32 s10, s18;
	s0 =	sadd.s32 s20, s0;
	s20 =	simm.s32 $0x7  }
0xb: {  	[smem:$0x7FF] =	sst s4;
	s6 =	sshrl.u32 s6, $0x3;
	s25 =	sadd.s32 $0x180, s0  }
0xc: {  	s16 =	smax.u32 s7, $0x1;
	s18 =	sadd.s32 $0x100, s0;
	s0 =	simm.s32 $0x10  }
0xd: {  	s7 =	simm.s32 $0x0;
	s8 =	sshrl.u32 s5, $0x3;
	s5 =	sadd.s32 $0xBE00, s1  }
0xe: {  	s9 =	sadd.s32 s8, s1;
	s1 =	sadd.s32 s6, s1;
	s6 =	sadd.s32 s17, s3  }
0xf: {  	_ =	strace $0x8000004D;
	s26 =	sshrl.u32 s25, $0x3;
	s19 =	sadd.s32 $0x4000, s6  }
0x10: {  	s25 =	simm.s32 $0x6780;
	s21 =	sadd.s32 $0x8000, s6;
	[dreg:$0x4] =	wrdreg s19  }
0x11: {  	s12 =	sadd.s32 s5, s8;
	s22 =	sadd.s32 $0xC000, s6;
	[dreg:$0x5] =	wrdreg s21  }
0x12: {  	s17 =	sadd.s32 s26, s5;
	s23 =	sadd.s32 $0x10000, s6;
	[dreg:$0x6] =	wrdreg s22  }
0x13: {  	s26 =	simm.s32 $0x1;
	s9 =	sadd.s32 $0x2000, s9;
	[dreg:$0x7] =	wrdreg s23  }
0x14: {  	s8 =	sadd.s32 $0x10, s12;
	s24 =	sadd.s32 $0x4E0, s12;
	[dreg:$0x8] =	wrdreg s9  }
0x15: {  	s15 =	sadd.s32 $0x15C00, s1;
	s1 =	simm.s32 $0xA880;
	[dreg:$0x9] =	wrdreg s8  }
0x16: {  	[dreg:$0xa] =	wrdreg s24;
	s19 =	simm.s32 $0x2780;
	s21 =	simm.s32 $0x3  }
0x17: {  	v0 =	vimm.f32 $0.0e+00;
	s22 =	simm.s32 $0xA780;
	s23 =	simm.s32 $0x80;
	s24 =	simm.s32 $0xA800  }
.LBB2_1:
0x18: {  	s8 =	simm.s32 $0x0;
	s9 =	simm.s32 $0x200  }
.LBB2_2:
0x19: {  	p0 =	sne.s32 s9, $0xFE00;
	[tilespmem:s8+$0x27F0] =	vst v0  }
0x1a: {  	[tilespmem:s8+$0x2780] =	vst v0  }
0x1b: {  	[tilespmem:s8+$0x2790] =	vst v0  }
.Ltmp0:
0x1c: {  	[tilespmem:s8+$0x27A0] =	vst v0;
	(pc) =	sbr.rel @p0 .LBB2_2-.Ltmp0, $4  }
0x1d: {  	[tilespmem:s8+$0x27B0] =	vst v0  }
0x1e: {  	[tilespmem:s8+$0x27C0] =	vst v0  }
0x1f: {  	[tilespmem:s8+$0x27D0] =	vst v0  }
0x20: {  	[tilespmem:s8+$0x27E0] =	vst v0;
	s8 =	sshra.s32 s9, $0x2;
	s9 =	sadd.s32 $0x200, s9  }
0x21: {  	[tilespmem:s8+$0x27F0] =	vst v0  }
0x22: {  	[tilespmem:s8+$0x2780] =	vst v0  }
0x23: {  	[tilespmem:s8+$0x2790] =	vst v0  }
0x24: {  	[tilespmem:s8+$0x27A0] =	vst v0  }
0x25: {  	[tilespmem:s8+$0x27B0] =	vst v0  }
0x26: {  	[tilespmem:s8+$0x27C0] =	vst v0  }
0x27: {  	[tilespmem:s8+$0x27D0] =	vst v0  }
0x28: {  	[tilespmem:s8+$0x27E0] =	vst v0  }
0x29: {  	[spmem:s6] =	stream.linear.scatter [tilespmem:s19], [sflag:$0x3], $0x4000, $0x38;
	[tilespmem:$0x1E900] =	vst v63  }
0x2a: {  	s9 =	rddreg [dreg:$0x4]  }
0x2b: {  	[spmem:s9] =	stream.linear.scatter [tilespmem:s19], [sflag:$0x3], $0x4000, $0x38;
	[tilespmem:$0x1E900] =	vst v63  }
0x2c: {  	s10 =	rddreg [dreg:$0x5]  }
0x2d: {  	[spmem:s10] =	stream.linear.scatter [tilespmem:s19], [sflag:$0x3], $0x4000, $0x38;
	[tilespmem:$0x1E900] =	vst v63  }
0x2e: {  	s11 =	rddreg [dreg:$0x6]  }
0x2f: {  	[spmem:s11] =	stream.linear.scatter [tilespmem:s19], [sflag:$0x3], $0x4000, $0x38;
	[tilespmem:$0x1E900] =	vst v63  }
0x30: {  	s13 =	rddreg [dreg:$0x7]  }
0x31: {  	[spmem:s13] =	stream.linear.scatter [tilespmem:s19], [sflag:$0x3], $0x4000, $0x38;
	[tilespmem:$0x1E900] =	vst v63  }
0x32: {  	s14 =	simm.s32 $0x0;
	s9 =	rddreg [dreg:$0x8]  }
0x33: {  	[tilespmem:s14], [sflag:$0x7] =	stream.linear.gather [hbm4b:s9+s14], $0x2710, $0x38;
	[tilespmem:$0x1E900] =	vst v63  }
0x34: {  	_ =	swait.ge [sflag:s20], $0x2710  }
0x35: {  	[sflag:s20] =	ssyncset.done $0x0  }
0x36: {  	[sflag:s20] =	ssyncadd.s32 $0xFFFFD8F0  }
0x37: {  	_ =	swait.ge [sflag:s21], $0x4000  }
0x38: {  	[sflag:s21] =	ssyncset.done $0x0  }
0x39: {  	[sflag:s21] =	ssyncadd.s32 $0xFFFFC000  }
0x3a: {  	_ =	swait.ge [sflag:s21], $0x4000  }
0x3b: {  	[sflag:s21] =	ssyncset.done $0x0  }
0x3c: {  	[sflag:s21] =	ssyncadd.s32 $0xFFFFC000  }
0x3d: {  	_ =	swait.ge [sflag:s21], $0x4000  }
0x3e: {  	[sflag:s21] =	ssyncset.done $0x0  }
0x3f: {  	[sflag:s21] =	ssyncadd.s32 $0xFFFFC000  }
0x40: {  	_ =	swait.ge [sflag:s21], $0x4000  }
0x41: {  	[sflag:s21] =	ssyncset.done $0x0  }
0x42: {  	[sflag:s21] =	ssyncadd.s32 $0xFFFFC000  }
0x43: {  	_ =	swait.ge [sflag:s21], $0x4000  }
0x44: {  	[sflag:s21] =	ssyncset.done $0x0  }
0x45: {  	[sflag:s21] =	ssyncadd.s32 $0xFFFFC000  }
0x46: {  	[bflag:$0x0] =	sbarrier.arrive $0xFFFF  }
0x47: {  	[tilespmem:s22], [sflag:$0x5] =	stream.linear.gather [hbm4b:s12+s14], $0x80, $0x38;
	[tilespmem:$0x1E900] =	vst v63  }
0x48: {  	_ = 	snop  }
0x49: {  	[tilespmem:s19], [sflag:$0x1] =	stream.indirect.gather [hbm4b:s2+s23], $0x80, s14, s23, $0xb8;
	[tilespmem:$0x1E900] =	vst v63  }
0x4a: {  	s10 =	rddreg [dreg:$0x9]  }
0x4b: {  	[tilespmem:s24], [sflag:$0x6] =	stream.linear.gather [hbm4b:s10+s14], $0x80, $0x38;
	[tilespmem:$0x1E900] =	vst v63  }
0x4c: {  	_ = 	snop  }
0x4d: {  	[tilespmem:s25], [sflag:$0x2] =	stream.indirect.gather [hbm4b:s2+s23], $0x80, s23, s23, $0xb8;
	[tilespmem:$0x1E900] =	vst v63  }
0x4e: {  	_ =	swait.ge [sflag:s26], $0x4000  }
0x4f: {  	[sflag:s26] =	ssyncset.done $0x0  }
0x50: {  	[sflag:s26] =	ssyncadd.s32 $0xFFFFC000  }
0x51: {  	_ =	swait.ge [sflag:s28], $0x80  }
0x52: {  	[sflag:s28] =	ssyncset.done $0x0  }
0x53: {  	[sflag:s28] =	ssyncadd.s32 $0xFFFFFF80  }
0x54: {  	[spmem:s3] =	stream.indirect.scatter.add.f32 [tilespmem:s19], [sflag:$0x3], $0x80, s22, s23, $0xb8;
	[tilespmem:$0x1E900] =	vst v63  }
0x55: {  	_ =	swait.ge [sflag:s21], $0x4000  }
0x56: {  	s11 =	sshrl.u32 s18, $0x3;
	[sflag:s21] =	ssyncset.done $0x0  }
0x57: {  	s8 =	sadd.s32 s5, s11;
	[sflag:s21] =	ssyncadd.s32 $0xFFFFC000  }
0x58: {  	[tilespmem:s22], [sflag:$0x5] =	stream.linear.gather [hbm4b:s8+s4], $0x80, $0x38;
	[tilespmem:$0x1E900] =	vst v63  }
0x59: {  	s13 =	simm.s32 $0x100  }
0x5a: {  	[tilespmem:s19], [sflag:$0x1] =	stream.indirect.gather [hbm4b:s2+s23], $0x80, s13, s23, $0xb8;
	[tilespmem:$0x1E900] =	vst v63  }
0x5b: {  	_ =	swait.ge [sflag:s29], $0x4000  }
0x5c: {  	[sflag:s29] =	ssyncset.done $0x0  }
0x5d: {  	[sflag:s29] =	ssyncadd.s32 $0xFFFFC000  }
0x5e: {  	_ =	swait.ge [sflag:s30], $0x80  }
0x5f: {  	[sflag:s30] =	ssyncset.done $0x0  }
0x60: {  	[sflag:s30] =	ssyncadd.s32 $0xFFFFFF80  }
0x61: {  	[spmem:s3] =	stream.indirect.scatter.add.f32 [tilespmem:s25], [sflag:$0x4], $0x80, s24, s23, $0xb8;
	[tilespmem:$0x1E900] =	vst v63  }
0x62: {  	s11 =	sadd.s32 $0x100, s18;
	_ =	swait.ge [sflag:s31], $0x4000  }
0x63: {  	s9 =	simm.s32 $0x20;
	s14 =	sadd.s32 $0x0, s17;
	[sflag:s31] =	ssyncset.done $0x0  }
0x64: {  	s10 =	simm.s32 $0x280;
	s8 =	simm.s32 $0x180;
	[sflag:s31] =	ssyncadd.s32 $0xFFFFC000  }
0x65: {  	[tilespmem:s24], [sflag:$0x6] =	stream.linear.gather [hbm4b:s14+s4], $0x80, $0x38;
	[tilespmem:$0x1E900] =	vst v63  }
.LBB2_4:
0x66: {  	[tilespmem:s25], [sflag:$0x2] =	stream.indirect.gather [hbm4b:s2+s23], $0x80, s8, s23, $0xb8;
	[tilespmem:$0x1E900] =	vst v63  }
0x67: {  	s13 =	smov.u32 s9;
	s8 =	smov.u32 s10  }
0x68: {  	p0 =	sne.s32 s9, $0x4A0;
	s9 =	sadd.s32 $0x20, s9;
	_ =	swait.ge [sflag:s26], $0x4000  }
0x69: {  	[sflag:s26] =	ssyncset.done $0x0  }
0x6a: {  	[sflag:s26] =	ssyncadd.s32 $0xFFFFC000  }
0x6b: {  	_ =	swait.ge [sflag:s28], $0x80  }
0x6c: {  	[sflag:s28] =	ssyncset.done $0x0  }
0x6d: {  	[sflag:s28] =	ssyncadd.s32 $0xFFFFFF80  }
0x6e: {  	[spmem:s3] =	stream.indirect.scatter.add.f32 [tilespmem:s19], [sflag:$0x3], $0x80, s22, s23, $0xb8;
	[tilespmem:$0x1E900] =	vst v63  }
0x6f: {  	_ =	swait.ge [sflag:s21], $0x4000  }
0x70: {  	s14 =	sshrl.u32 s11, $0x3;
	[sflag:s21] =	ssyncset.done $0x0  }
0x71: {  	s14 =	sadd.s32 s5, s14;
	[sflag:s21] =	ssyncadd.s32 $0xFFFFC000  }
0x72: {  	[tilespmem:s22], [sflag:$0x5] =	stream.linear.gather [hbm4b:s14+s4], $0x80, $0x38;
	[tilespmem:$0x1E900] =	vst v63  }
0x73: {  	s14 =	sadd.s32 $0xFFFFFF80, s10  }
0x74: {  	[tilespmem:s19], [sflag:$0x1] =	stream.indirect.gather [hbm4b:s2+s23], $0x80, s14, s23, $0xb8;
	[tilespmem:$0x1E900] =	vst v63  }
0x75: {  	_ =	swait.ge [sflag:s29], $0x4000  }
0x76: {  	[sflag:s29] =	ssyncset.done $0x0  }
0x77: {  	[sflag:s29] =	ssyncadd.s32 $0xFFFFC000  }
0x78: {  	_ =	swait.ge [sflag:s30], $0x80  }
0x79: {  	[sflag:s30] =	ssyncset.done $0x0  }
0x7a: {  	[sflag:s30] =	ssyncadd.s32 $0xFFFFFF80  }
0x7b: {  	[spmem:s3] =	stream.indirect.scatter.add.f32 [tilespmem:s25], [sflag:$0x4], $0x80, s24, s23, $0xb8;
	[tilespmem:$0x1E900] =	vst v63  }
.Ltmp1:
0x7c: {  	_ =	swait.ge [sflag:s31], $0x4000;
	(pc) =	sbr.rel @p0 .LBB2_4-.Ltmp1, $4  }
0x7d: {  	[sflag:s31] =	ssyncset.done $0x0  }
0x7e: {  	s13 =	sadd.s32 s13, s17;
	[sflag:s31] =	ssyncadd.s32 $0xFFFFC000  }
0x7f: {  	[tilespmem:s24], [sflag:$0x6] =	stream.linear.gather [hbm4b:s13+s4], $0x80, $0x38;
	[tilespmem:$0x1E900] =	vst v63  }
0x80: {  	s11 =	sadd.s32 $0x100, s11;
	s10 =	sadd.s32 $0x100, s10  }
0x81: {  	[tilespmem:s25], [sflag:$0x2] =	stream.indirect.gather [hbm4b:s2+s23], $0x80, s8, s23, $0xb8;
	[tilespmem:$0x1E900] =	vst v63  }
0x82: {  	_ =	swait.ge [sflag:s26], $0x4000  }
0x83: {  	[sflag:s26] =	ssyncset.done $0x0  }
0x84: {  	[sflag:s26] =	ssyncadd.s32 $0xFFFFC000  }
0x85: {  	_ =	swait.ge [sflag:s28], $0x80  }
0x86: {  	[sflag:s28] =	ssyncset.done $0x0  }
0x87: {  	[sflag:s28] =	ssyncadd.s32 $0xFFFFFF80  }
0x88: {  	[spmem:s3] =	stream.indirect.scatter.add.f32 [tilespmem:s19], [sflag:$0x3], $0x80, s22, s23, $0xb8;
	[tilespmem:$0x1E900] =	vst v63  }
0x89: {  	_ =	swait.ge [sflag:s21], $0x4000  }
0x8a: {  	[sflag:s21] =	ssyncset.done $0x0  }
0x8b: {  	[sflag:s21] =	ssyncadd.s32 $0xFFFFC000  }
0x8c: {  	_ =	swait.ge [sflag:s29], $0x4000  }
0x8d: {  	[sflag:s29] =	ssyncset.done $0x0  }
0x8e: {  	[sflag:s29] =	ssyncadd.s32 $0xFFFFC000  }
0x8f: {  	_ =	swait.ge [sflag:s30], $0x80  }
0x90: {  	[sflag:s30] =	ssyncset.done $0x0  }
0x91: {  	[sflag:s30] =	ssyncadd.s32 $0xFFFFFF80  }
0x92: {  	[spmem:s3] =	stream.indirect.scatter.add.f32 [tilespmem:s25], [sflag:$0x4], $0x80, s24, s23, $0xb8;
	[tilespmem:$0x1E900] =	vst v63  }
0x93: {  	_ =	swait.ge [sflag:s31], $0x4000  }
0x94: {  	[sflag:s31] =	ssyncset.done $0x0  }
0x95: {  	s11 =	rddreg [dreg:$0xa];
	[sflag:s31] =	ssyncadd.s32 $0xFFFFC000  }
0x96: {  	[tilespmem:s1], [sflag:$0x7] =	stream.linear.gather [hbm4b:s11+s4], $0x10, $0x38;
	[tilespmem:$0x1E900] =	vst v63  }
0x97: {  	_ =	swait.ge [sflag:s20], $0x10  }
0x98: {  	[sflag:s20] =	ssyncset.done $0x0  }
0x99: {  	s13 =	simm.s32 $0x2700;
	[sflag:s20] =	ssyncadd.s32 $0xFFFFFFF0  }
0x9a: {  	[tilespmem:s19], [sflag:$0x1] =	stream.indirect.gather [hbm4b:s2+s0], $0x80, s13, s0, $0xb8;
	[tilespmem:$0x1E900] =	vst v63  }
0x9b: {  	_ =	swait.ge [sflag:s26], $0x800  }
0x9c: {  	[sflag:s26] =	ssyncset.done $0x0  }
0x9d: {  	[sflag:s26] =	ssyncadd.s32 $0xFFFFF800  }
0x9e: {  	[spmem:s3] =	stream.indirect.scatter.add.f32 [tilespmem:s19], [sflag:$0x7], $0x80, s1, s0, $0xb8;
	[tilespmem:$0x1E900] =	vst v63  }
0x9f: {  	s14 =	stileid.u32;
	_ =	swait.ge [sflag:s20], $0x800  }
0xa0: {  	s9 =	sshrl.u32 s6, $0x3;
	s7 =	sadd.s32 $0x1, s7;
	[sflag:s20] =	ssyncset.done $0x0  }
0xa1: {  	s8 =	sshll.u32 s14, $0x6;
	p0 =	sne.s32 s7, s16;
	[sflag:s20] =	ssyncadd.s32 $0xFFFFF800  }
.Ltmp2:
0xa2: {  	s8 =	sor.u32 $0x1C07, s8;
	[bflag:$0x0] =	sbarrier.arrive $0xFFFF;
	(pc) =	sbr.rel @p0 .LBB2_1-.Ltmp2, $4  }
0xa3: {  	[hbm:s15], [sflag:s8] =	dma.local [spmem:s9], $0x2800  }
0xa4: {  	_ =	swait.ge [sflag:s20], $0x2800  }
0xa5: {  	[sflag:s20] =	ssyncset.done $0x0  }
0xa6: {  	[sflag:s20] =	ssyncadd.s32 $0xFFFFD800  }
0xa7: {  	_ =	sfence.sel $0x180000  }
0xa8: {  	[bflag:$0x0] =	sbarrier.arrive $0xFFFF  }
0xa9: {  	_ =	strace $0x9000004D  }
0xaa: {  	s0 =	stileid.u32;
	[bflag:$0x2] =	sbarrier.arrive $0xFFFF  }
0xab: {  	p0 =	sne.s32 s0, $0x0;
	s0 =	rddreg [dreg:$0x3]  }
0xac: {  	s0 =	sadd.s32 @!p0 $0x100000, s0  }
0xad: {  	[sflag:s0] =	ssyncadd.tile.s32 @!p0 $0x1;
	_ =	shalt  }
.Lfunc_end2:
_tile_overlayer_lowered:
.L_overlay_start_2:
0xae: {  	(tag) =	ssettag $0x2  }
0xaf: {  	s0 =	rddreg [dreg:$0x0];
	s2 =	stileid.u32  }
0xb0: {  	s1 =	rddreg [dreg:$0x1];
	p0 =	sne.s32 s2, $0x0  }
0xb1: {  	s3 =	rddreg [dreg:$0x2];
	[bflag:$0x3] =	sbarrier.arrive $0xFFFF;
	s2 =	simm.s32 @!p0 $0x1C07  }
0xb2: {  	[timem:s3], [sflag:s2] =	dma.local @!p0 [hbm:s0], s1  }
0xb3: {  	s0 =	simm.s32 @!p0 $0x7  }
0xb4: {  	_ =	swait.ge @!p0 [sflag:s0], s1  }
0xb5: {  	s1 =	ssub.s32 @!p0 $0x0, s1;
	[sflag:s0] =	ssyncset.done @!p0 $0x0  }
0xb6: {  	[sflag:s0] =	ssyncadd.s32 @!p0 s1  }
0xb7: {  	[bflag:$0x3] =	sbarrier.arrive $0xFFFF  }
0xb8: {  	_ =	shalt  }

// kernel: kernel.8.cloned.1.call-start
scs
__scs_entry_jumppad:
0x0: {  	(pc) =	sbr.rel $0x88, $3  }
0x1: {  	(tag) =	ssettag $0x0;
	lr =	simm.s32 $0x1  }
0x2: {  	[smem:$0x3F9B] =	sst lr;
	_ =	strace $0xD0000000  }
0x3: {  	_ = 	snop  }
0x4: {  	_ = 	snop  }
0x5: {  	_ = 	snop  }
0x6: {  	_ = 	snop  }
0x7: {  	_ = 	snop  }
__scs_overlays_trampoline_lowered:
0x8: {  	[smem:$0x3FAA] =	sst s0  }
0x9: {  	[smem:$0x3FAB] =	sst s1  }
0xa: {  	[smem:$0x3FAC] =	sst s2  }
0xb: {  	[smem:$0x3FAD] =	sst s3  }
0xc: {  	[smem:$0x3FAE] =	sst s4  }
0xd: {  	[smem:$0x3FAF] =	sst s5  }
0xe: {  	[smem:$0x3FB0] =	sst s6  }
0xf: {  	[smem:$0x3FB1] =	sst s7  }
0x10: {  	[smem:$0x3FB2] =	sst s8  }
0x11: {  	[smem:$0x3FB3] =	sst s9;
	s0 =	simm.s32 @!p0 $0x0  }
0x12: {  	s1 =	sld [smem:$0x3F99];
	s0 =	simm.s32 @p0 $0x1  }
0x13: {  	[smem:$0x3FB4] =	sst s0;
	s0 =	simm.s32 @!p1 $0x0  }
0x14: {  	s2 =	sld [smem:$0x3F98];
	s0 =	simm.s32 @p1 $0x1  }
0x15: {  	[smem:$0x3FB5] =	sst s0;
	s0 =	simm.s32 @!p2 $0x0  }
0x16: {  	s3 =	sld [smem:$0x3FDB];
	s0 =	simm.s32 @p2 $0x1  }
0x17: {  	s4 =	simm.s32 $0x1BF5;
	[smem:$0x3FB7] =	sst s0  }
0x18: {  	s0 =	sld [smem:$0x3F9A];
	_ =	swait.ge [sflag:s4], $0x0  }
0x19: {  	s7 =	sld [smem:$0x3F9B]  }
0x1a: {  	s8 =	sadd.s32 $0xFFFFE003, lr  }
0x1b: {  	s9 =	sadd.s32 $0xFFFFFEF7, lr;
	s5 =	simm.s32 $0xFFFFFFFF;
	p2 =	slt.u32 s8, $0xFFFFF086  }
0x1c: {  	p1 =	slt.u32 s9, $0xF7A;
	s5 =	simm.s32 @!p2 $0x0  }
0x1d: {  	s5 =	simm.s32 @p1 $0x1;
	p0 =	seq.s32 s7, s2  }
0x1e: {  	s7 =	smul.u32 @!p0 $0xF7A, s2;
	p2 =	seq.s32 @!p0 s5, $0x0  }
0x1f: {  	s9 =	smul.u32 $0xF7A, s1;
	s8 =	simm.s32 @!p0 $0x1BF5;
	p2 =	por !p2, p0  }
0x20: {  	[sflag:s8] =	ssyncset.s32 @!p0 $0xFFFFF086;
	s6 =	sadd.s32 @!p0 s3, s7;
	s7 =	simm.s32 @!p0 $0x108  }
0x21: {  	s3 =	sadd.s32 s3, s9;
	s6 =	sadd.s32 @!p0 $0x88, s6;
	s7 =	simm.s32 @p2 $0x1082  }
0x22: {  	[simem:s7], [sflag:s8] =	dma.local @!p0 [hbm:s6], $0xF7A  }
0x23: {  	s9 =	sor.u32 $0xD0000000, s2;
	s6 =	simm.s32 $0x108;
	_ =	swait.ge @!p0 [sflag:s8], $0x0  }
0x24: {  	s3 =	sadd.s32 $0x88, s3;
	s6 =	simm.s32 @!p1 $0x1082;
	[sflag:s4] =	ssyncset.s32 $0xFFFFF086  }
0x25: {  	[simem:s6], [sflag:s4] =	dma.local [hbm:s3], $0xF7A  }
0x26: {  	[smem:$0x3F9B] =	sst s1;
	(tag) =	ssettag s2;
	_ =	strace s9  }
0x27: {  	s1 =	sld [smem:$0x3FAB]  }
0x28: {  	s2 =	sld [smem:$0x3FAC]  }
0x29: {  	s4 =	sld [smem:$0x3FAE]  }
0x2a: {  	p0 =	seq.s32 s5, $0x0;
	s5 =	sld [smem:$0x3FAF]  }
0x2b: {  	s6 =	sld [smem:$0x3FB0]  }
0x2c: {  	s7 =	sld [smem:$0x3FB1]  }
0x2d: {  	s3 =	simm.s32 $0x108;
	s8 =	sld [smem:$0x3FB2]  }
0x2e: {  	s3 =	simm.s32 @!p0 $0x1082;
	s9 =	sld [smem:$0x3FB3]  }
0x2f: {  	lr =	sadd.s32 s0, s3;
	s0 =	sld [smem:$0x3FAA]  }
0x30: {  	s3 =	sld [smem:$0x3FAD]  }
0x31: {  	[smem:$0x3FB6] =	sst s10  }
0x32: {  	s10 =	sld [smem:$0x3FB4];
	_ =	sdelay $0x3  }
0x33: {  	p0 =	seq.s32 s10, $0x1;
	s10 =	sld [smem:$0x3FB6];
	_ =	sdelay $0x3  }
0x34: {  	[smem:$0x3FB6] =	sst s10  }
0x35: {  	s10 =	sld [smem:$0x3FB5];
	_ =	sdelay $0x3  }
0x36: {  	p1 =	seq.s32 s10, $0x1;
	s10 =	sld [smem:$0x3FB6];
	_ =	sdelay $0x3  }
0x37: {  	[smem:$0x3FB6] =	sst s10  }
0x38: {  	s10 =	sld [smem:$0x3FB7]  }
0x39: {  	_ = 	snop;
	(pc) =	sbr.ind lr, $3  }
0x3a: {  	_ = 	snop  }
0x3b: {  	_ = 	snop  }
0x3c: {  	p2 =	seq.s32 s10, $0x1;
	s10 =	sld [smem:$0x3FB6]  }
0x3d: {  	_ =	shalt  }
0x3e: {  	_ =	shalt  }
0x3f: {  	_ =	shalt  }
0x40: {  	_ =	shalt  }
0x41: {  	_ =	shalt  }
0x42: {  	_ =	shalt  }
0x43: {  	_ =	shalt  }
0x44: {  	_ =	shalt  }
0x45: {  	_ =	shalt  }
0x46: {  	_ =	shalt  }
0x47: {  	_ =	shalt  }
0x48: {  	_ =	shalt  }
0x49: {  	_ =	shalt  }
0x4a: {  	_ =	shalt  }
0x4b: {  	_ =	shalt  }
0x4c: {  	_ =	shalt  }
0x4d: {  	_ =	shalt  }
0x4e: {  	_ =	shalt  }
0x4f: {  	_ =	shalt  }
0x50: {  	_ =	shalt  }
0x51: {  	_ =	shalt  }
0x52: {  	_ =	shalt  }
0x53: {  	_ =	shalt  }
0x54: {  	_ =	shalt  }
0x55: {  	_ =	shalt  }
0x56: {  	_ =	shalt  }
0x57: {  	_ =	shalt  }
0x58: {  	_ =	shalt  }
0x59: {  	_ =	shalt  }
0x5a: {  	_ =	shalt  }
0x5b: {  	_ =	shalt  }
0x5c: {  	_ =	shalt  }
0x5d: {  	_ =	shalt  }
0x5e: {  	_ =	shalt  }
0x5f: {  	_ =	shalt  }
0x60: {  	_ =	shalt  }
0x61: {  	_ =	shalt  }
0x62: {  	_ =	shalt  }
0x63: {  	_ =	shalt  }
0x64: {  	_ =	shalt  }
0x65: {  	_ =	shalt  }
0x66: {  	_ =	shalt  }
0x67: {  	_ =	shalt  }
0x68: {  	_ =	shalt  }
0x69: {  	_ =	shalt  }
0x6a: {  	_ =	shalt  }
0x6b: {  	_ =	shalt  }
0x6c: {  	_ =	shalt  }
0x6d: {  	_ =	shalt  }
0x6e: {  	_ =	shalt  }
0x6f: {  	_ =	shalt  }
0x70: {  	_ =	shalt  }
0x71: {  	_ =	shalt  }
0x72: {  	_ =	shalt  }
0x73: {  	_ =	shalt  }
0x74: {  	_ =	shalt  }
0x75: {  	_ =	shalt  }
0x76: {  	_ =	shalt  }
0x77: {  	_ =	shalt  }
0x78: {  	_ =	shalt  }
0x79: {  	_ =	shalt  }
0x7a: {  	_ =	shalt  }
0x7b: {  	_ =	shalt  }
0x7c: {  	_ =	shalt  }
0x7d: {  	_ =	shalt  }
0x7e: {  	_ =	shalt  }
0x7f: {  	_ =	shalt  }
0x80: {  	_ =	shalt  }
0x81: {  	_ =	shalt  }
0x82: {  	_ =	shalt  }
0x83: {  	_ =	shalt  }
0x84: {  	_ =	shalt  }
0x85: {  	_ =	shalt  }
0x86: {  	_ =	shalt  }
0x87: {  	_ =	shalt  }
.Lfunc_end0:
.L_simem_size_0:
called_computation_lowered:
.L_overlay_start_0:
0x88: {  	s2 =	sld [smem:$0x3FD9]  }
0x89: {  	s3 =	sld [smem:$0x3FFE];
	_ =	sdelay $0x1  }
0x8a: {  	s1 =	srdreg.scid  }
0x8b: {  	s0 =	sand.u32 $0x1, s1  }
0x8c: {  	s17 =	sshll.u32 s0, $0xA;
	s2 =	sadd.s32 s3, s2  }
0x8d: {  	s2 =	sadd.s32 s2, s17  }
0x8e: {  	[smem:$0x3FC2] =	sst s2  }
0x8f: {  	_ = 	snop  }
0x90: {  	s2 =	sld [smem:$0x3FD0];
	(tm) =	ssettm $0x1  }
0x91: {  	s18 =	sld [smem:$0x3FFB];
	_ =	sdelay $0x3  }
0x92: {  	_ =	strace s18  }
0x93: {  	s3 =	sld [smem:$0x3FFC];
	_ =	sdelay $0x3  }
0x94: {  	_ =	strace s3  }
0x95: {  	s3 =	sld [smem:$0x3FFD];
	_ =	sdelay $0x3  }
0x96: {  	_ =	strace s3  }
0x97: {  	_ =	strace $0x8FFFFFFF  }
0x98: {  	s19 =	sld [smem:$0x3FDB];
	_ =	sdelay $0x1  }
0x99: {  	s4 =	simm.s32 $_scs_section_size  }
0x9a: {  	s5 =	simm.s32 $_size__tile_overlayer_lowered;
	s6 =	simm.s32 $_tile_overlayer_lowered  }
0x9b: {  	s22 =	simm.s32 $0x1BFF;
	s21 =	sshll.u32 s6, $0x1;
	s3 =	sadd.s32 s4, s19  }
0x9c: {  	s7 =	simm.s32 $0x0;
	s20 =	sshll.u32 s5, $0x1;
	s5 =	sadd.s32 s21, s3  }
0x9d: {  	[timem:s7], [sflag:s22] =	dma.local [hbm:s5], s20  }
0x9e: {  	_ =	swait.ge [sflag:s22], s20  }
0x9f: {  	s4 =	ssub.s32 $0x0, s20;
	[sflag:s22] =	ssyncset.done $0x0  }
0xa0: {  	[sflag:s22] =	ssyncadd.s32 s4;
	_ =	sdelay $0x1  }
0xa1: {  	s23 =	simm.s32 $0x1B8B  }
0xa2: {  	_ =	swait.ge [sflag:s23], $0x1  }
0xa3: {  	[sflag:s23] =	ssyncset.done $0x0  }
0xa4: {  	s25 =	simm.s32 $0x1B8E;
	s24 =	sld [smem:$0x3FFE];
	[sflag:s23] =	ssyncadd.s32 $0xFFFFFFFF  }
0xa5: {  	s26 =	simm.s32 $execute0_lowered;
	[smem:$0x3FD2] =	sst s25  }
0xa6: {  	s5 =	sshll.u32 s26, $0x1;
	_ =	strace $0x80000046;
	[dreg:$0x1] =	wrdreg $0xFFFFFFFF  }
0xa7: {  	s28 =	simm.s32 $_size_execute0_lowered;
	s3 =	sadd.s32 s3, s5;
	[dreg:$0x0] =	wrdreg $0x0  }
0xa8: {  	s5 =	sshll.u32 s28, $0x1;
	[dreg:$0x2] =	wrdreg s3  }
0xa9: {  	[dreg:$0x3] =	wrdreg s5  }
0xaa: {  	[dreg:$0x4] =	wrdreg $0xC0  }
0xab: {  	_ =	task [dreg:s7], $0x5FFFF  }
0xac: {  	[dreg:$0x1] =	wrdreg $0xFFFFFFFF  }
0xad: {  	[dreg:$0x0] =	wrdreg $0x60  }
0xae: {  	[dreg:$0x2] =	wrdreg s24  }
0xaf: {  	[dreg:$0x3] =	wrdreg s2  }
0xb0: {  	[dreg:$0x4] =	wrdreg $0x3000  }
0xb1: {  	[dreg:$0x5] =	wrdreg $0x9  }
0xb2: {  	_ =	task.clear_ibuf [dreg:s7], $0x6FFFF;
	_ =	strace $0x90000046  }
0xb3: {  	s29 =	simm.s32 $0x9;
	_ =	strace $0x80000048  }
0xb4: {  	_ =	swait.ge [sflag:s29], $0x1  }
0xb5: {  	[sflag:s29] =	ssyncadd.s32 $0xFFFFFFFF  }
0xb6: {  	_ =	strace $0x90000048  }
0xb7: {  	_ =	sfence  }
0xb8: {  	s30 =	sld [smem:$0x0];
	_ =	sdelay $0x2  }
0xb9: {  	s31 =	sshll.u32 s1, $0xD;
	s1 =	sshrl.u32 s1, $0x2  }
0xba: {  	s3 =	sand.u32 $0x4000, s31;
	s1 =	sadd.s32 s1, s30  }
0xbb: {  	s0 =	sor.u32 s3, s0;
	s1 =	sshll.u32 s1, $0x11  }
0xbc: {  	s0 =	sor.u32 s1, s0  }
0xbd: {  	s0 =	sadd.s32 $0x8F2B, s0  }
0xbe: {  	[sflag:s0] =	ssyncadd.remote.s32 $0x1  }
0xbf: {  	_ =	sfence.sel $0xFFFF  }
0xc0: {  	[dreg:$0x0] =	wrdreg $0xFFFFFFFF;
	(pc) =	sbr.abs _section_cstart, $3  }
0xc1: {  	[dreg:$0x1] =	wrdreg $0xFFFFFFFF  }
0xc2: {  	_ =	task.clear_ibuf [dreg:s7], $0x2FFFF;
	_ =	strace $0x9FFFFFFF  }
0xc3: {  	(tm) =	ssettm $0x7FFFFFFF  }
tec
execute0_lowered:
.L_overlay_start_1:
0x0: {  	(tag) =	ssettag $0x1  }
0x1: {  	s0 =	srdreg.scid  }
0x2: {  	s1 =	sand.u32 $0x1, s0  }
0x3: {  	s9 =	stileid.u32;
	s0 =	sshll.u32 s1, $0x4  }
0x4: {  	s2 =	sor.u32 s9, s0  }
0x5: {  	s5 =	smul.u32 $0x2710, s2  }
0x6: {  	s4 =	rddreg [dreg:$0x0];
	s3 =	simm.s32 $0x0  }
0x7: {  	[smem:$0x7FF] =	sst s3;
	s5 =	sshrl.u32 s5, $0x3  }
0x8: {  	s0 =	rddreg [dreg:$0x1];
	s4 =	sadd.s32 s5, s4  }
0x9: {  	s2 =	rddreg [dreg:$0x2];
	s5 =	sadd.s32 $0xBE00, s4  }
0xa: {  	_ =	strace $0x80000047;
	s6 =	sadd.s32 $0xBE10, s4;
	[dreg:$0x4] =	wrdreg s5  }
0xb: {  	s7 =	sadd.s32 $0xBE20, s4;
	[dreg:$0x5] =	wrdreg s6  }
0xc: {  	s8 =	sadd.s32 $0xBE30, s4;
	[dreg:$0x6] =	wrdreg s7  }
0xd: {  	s10 =	sadd.s32 $0xBE40, s4;
	[dreg:$0x7] =	wrdreg s8  }
0xe: {  	s11 =	sadd.s32 $0xBE50, s4;
	[dreg:$0x8] =	wrdreg s10  }
0xf: {  	s12 =	sadd.s32 $0xBE60, s4;
	[dreg:$0x9] =	wrdreg s11  }
0x10: {  	s13 =	sadd.s32 $0xBE70, s4;
	[dreg:$0xa] =	wrdreg s12  }
0x11: {  	s14 =	sadd.s32 $0xBE80, s4;
	[dreg:$0xb] =	wrdreg s13  }
0x12: {  	s15 =	sadd.s32 $0xBE90, s4;
	[dreg:$0xc] =	wrdreg s14  }
0x13: {  	s16 =	sadd.s32 $0xBEA0, s4;
	[dreg:$0xd] =	wrdreg s15  }
0x14: {  	s17 =	sadd.s32 $0xBEB0, s4;
	[dreg:$0xe] =	wrdreg s16  }
0x15: {  	s18 =	sadd.s32 $0xBEC0, s4;
	[dreg:$0xf] =	wrdreg s17  }
0x16: {  	s19 =	sadd.s32 $0xBED0, s4;
	[dreg:$0x10] =	wrdreg s18  }
0x17: {  	s20 =	sadd.s32 $0xBEE0, s4;
	[dreg:$0x11] =	wrdreg s19  }
0x18: {  	s21 =	sadd.s32 $0xBEF0, s4;
	[dreg:$0x12] =	wrdreg s20  }
0x19: {  	s22 =	sadd.s32 $0xBF00, s4;
	[dreg:$0x13] =	wrdreg s21  }
0x1a: {  	s23 =	sadd.s32 $0xBF10, s4;
	[dreg:$0x14] =	wrdreg s22  }
0x1b: {  	s24 =	sadd.s32 $0xBF20, s4;
	[dreg:$0x15] =	wrdreg s23  }
0x1c: {  	s25 =	sadd.s32 $0xBF30, s4;
	[dreg:$0x16] =	wrdreg s24  }
0x1d: {  	s26 =	sadd.s32 $0xBF40, s4;
	[dreg:$0x17] =	wrdreg s25  }
0x1e: {  	[dreg:$0x18] =	wrdreg s26;
	s6 =	sadd.s32 $0xBF50, s4  }
0x1f: {  	s7 =	sadd.s32 $0xBF60, s4;
	[dreg:$0x19] =	wrdreg s6  }
0x20: {  	s8 =	sadd.s32 $0xBF70, s4;
	[dreg:$0x1a] =	wrdreg s7  }
0x21: {  	s10 =	sadd.s32 $0xBF80, s4;
	[dreg:$0x1b] =	wrdreg s8  }
0x22: {  	s11 =	sadd.s32 $0xBF90, s4;
	[dreg:$0x1c] =	wrdreg s10  }
0x23: {  	s12 =	sadd.s32 $0xBFA0, s4;
	[dreg:$0x1d] =	wrdreg s11  }
0x24: {  	s13 =	sadd.s32 $0xBFB0, s4;
	[dreg:$0x1e] =	wrdreg s12  }
0x25: {  	s14 =	sadd.s32 $0xBFC0, s4;
	[dreg:$0x1f] =	wrdreg s13  }
0x26: {  	s15 =	sadd.s32 $0xBFD0, s4;
	[smem:$0x7C8] =	sst s14  }
0x27: {  	s16 =	sadd.s32 $0xBFE0, s4;
	[smem:$0x7C9] =	sst s15  }
0x28: {  	s17 =	sadd.s32 $0xBFF0, s4;
	[smem:$0x7CA] =	sst s16  }
0x29: {  	s18 =	sadd.s32 $0xC000, s4;
	[smem:$0x7CB] =	sst s17  }
0x2a: {  	s19 =	sadd.s32 $0xC010, s4;
	[smem:$0x7CC] =	sst s18  }
0x2b: {  	s20 =	sadd.s32 $0xC020, s4;
	[smem:$0x7CD] =	sst s19  }
0x2c: {  	s21 =	sadd.s32 $0xC030, s4;
	[smem:$0x7CE] =	sst s20  }
0x2d: {  	s22 =	sadd.s32 $0xC040, s4;
	[smem:$0x7CF] =	sst s21  }
0x2e: {  	s23 =	sadd.s32 $0xC050, s4;
	[smem:$0x7D0] =	sst s22  }
0x2f: {  	s24 =	sadd.s32 $0xC060, s4;
	[smem:$0x7D1] =	sst s23  }
0x30: {  	s25 =	sadd.s32 $0xC070, s4;
	[smem:$0x7D2] =	sst s24  }
0x31: {  	s26 =	sadd.s32 $0xC080, s4;
	[smem:$0x7D3] =	sst s25  }
0x32: {  	[smem:$0x7D4] =	sst s26;
	s6 =	sadd.s32 $0xC090, s4  }
0x33: {  	s7 =	sadd.s32 $0xC0A0, s4;
	[smem:$0x7D5] =	sst s6  }
0x34: {  	s8 =	sadd.s32 $0xC0B0, s4;
	[smem:$0x7D6] =	sst s7  }
0x35: {  	s10 =	sadd.s32 $0xC0C0, s4;
	[smem:$0x7D7] =	sst s8  }
0x36: {  	s11 =	sadd.s32 $0xC0D0, s4;
	[smem:$0x7D8] =	sst s10  }
0x37: {  	s12 =	sadd.s32 $0xC0E0, s4;
	[smem:$0x7D9] =	sst s11  }
0x38: {  	s13 =	sadd.s32 $0xC0F0, s4;
	[smem:$0x7DA] =	sst s12  }
0x39: {  	s14 =	sadd.s32 $0xC100, s4;
	[smem:$0x7DB] =	sst s13  }
0x3a: {  	s15 =	sadd.s32 $0xC110, s4;
	[smem:$0x7DC] =	sst s14  }
0x3b: {  	s16 =	sadd.s32 $0xC120, s4;
	[smem:$0x7DD] =	sst s15  }
0x3c: {  	s17 =	sadd.s32 $0xC130, s4;
	[smem:$0x7DE] =	sst s16  }
0x3d: {  	s18 =	sadd.s32 $0xC140, s4;
	[smem:$0x7DF] =	sst s17  }
0x3e: {  	s19 =	sadd.s32 $0xC150, s4;
	[smem:$0x7E0] =	sst s18  }
0x3f: {  	s20 =	sadd.s32 $0xC160, s4;
	[smem:$0x7E1] =	sst s19  }
0x40: {  	s21 =	sadd.s32 $0xC170, s4;
	[smem:$0x7E2] =	sst s20  }
0x41: {  	s22 =	sadd.s32 $0xC180, s4;
	[smem:$0x7E3] =	sst s21  }
0x42: {  	s23 =	sadd.s32 $0xC190, s4;
	[smem:$0x7E4] =	sst s22  }
0x43: {  	s24 =	sadd.s32 $0xC1A0, s4;
	[smem:$0x7E5] =	sst s23  }
0x44: {  	s25 =	sadd.s32 $0xC1B0, s4;
	[smem:$0x7E6] =	sst s24  }
0x45: {  	s26 =	sadd.s32 $0xC1C0, s4;
	[smem:$0x7E7] =	sst s25  }
0x46: {  	[smem:$0x7E8] =	sst s26;
	s6 =	sadd.s32 $0xC1D0, s4  }
0x47: {  	s7 =	sadd.s32 $0xC1E0, s4;
	[smem:$0x7E9] =	sst s6  }
0x48: {  	s8 =	sadd.s32 $0xC1F0, s4;
	[smem:$0x7EA] =	sst s7  }
0x49: {  	s10 =	sadd.s32 $0xC200, s4;
	[smem:$0x7EB] =	sst s8  }
0x4a: {  	s11 =	sadd.s32 $0xC210, s4;
	[smem:$0x7EC] =	sst s10  }
0x4b: {  	s12 =	sadd.s32 $0xC220, s4;
	[smem:$0x7ED] =	sst s11  }
0x4c: {  	s13 =	sadd.s32 $0xC230, s4;
	[smem:$0x7EE] =	sst s12  }
0x4d: {  	s14 =	sadd.s32 $0xC240, s4;
	[smem:$0x7EF] =	sst s13  }
0x4e: {  	s15 =	sadd.s32 $0xC250, s4;
	[smem:$0x7F0] =	sst s14  }
0x4f: {  	s16 =	sadd.s32 $0xC260, s4;
	[smem:$0x7F1] =	sst s15  }
0x50: {  	s17 =	sadd.s32 $0xC270, s4;
	[smem:$0x7F2] =	sst s16  }
0x51: {  	s18 =	sadd.s32 $0xC280, s4;
	[smem:$0x7F3] =	sst s17  }
0x52: {  	s31 =	simm.s32 $0x2500;
	s19 =	sadd.s32 $0xC290, s4;
	[smem:$0x7F4] =	sst s18  }
0x53: {  	s30 =	simm.s32 $0x2580;
	s20 =	sadd.s32 $0xC2A0, s4;
	[smem:$0x7F5] =	sst s19  }
0x54: {  	s29 =	simm.s32 $0x2600;
	s21 =	sadd.s32 $0xC2B0, s4;
	[smem:$0x7F6] =	sst s20  }
0x55: {  	s28 =	simm.s32 $0x2680;
	s22 =	sadd.s32 $0xC2C0, s4;
	[smem:$0x7F7] =	sst s21  }
0x56: {  	s23 =	sadd.s32 $0xC2D0, s4;
	s4 =	sadd.s32 $0xC2E0, s4;
	[smem:$0x7F8] =	sst s22  }
0x57: {  	s26 =	simm.s32 $0x20;
	s6 =	ssub.s32 $0x2, s1;
	[smem:$0x7F9] =	sst s23  }
0x58: {  	s7 =	smul.u32 $0x500, s9;
	s1 =	sshll.u32 s1, $0x7;
	[smem:$0x7FA] =	sst s4  }
0x59: {  	s9 =	smul.u32 $0xA00, s9;
	[smem:$0x7FD] =	sst s26;
	s15 =	simm.s32 $0x3  }
0x5a: {  	s14 =	simm.s32 $0x2200;
	s13 =	simm.s32 $0x2480;
	s26 =	simm.s32 $0x2700  }
0x5b: {  	s22 =	simm.s32 $0x2880;
	s23 =	simm.s32 $0x2900;
	s21 =	simm.s32 $0x2980  }
0x5c: {  	s20 =	simm.s32 $0x2A00;
	s19 =	simm.s32 $0x2A80;
	s18 =	simm.s32 $0x2B00  }
0x5d: {  	s17 =	simm.s32 $0x2B80;
	s16 =	simm.s32 $0x2C00;
	s8 =	sshrl.u32 s6, $0x1  }
0x5e: {  	s1 =	sor.u32 s1, s7;
	s24 =	sshrl.u32 s9, $0x2;
	s25 =	ssub.s32 s6, s8  }
0x5f: {  	s6 =	simm.s32 $0x1;
	s8 =	simm.s32 $0x2;
	s7 =	simm.s32 $0x2380  }
0x60: {  	s1 =	sshrl.u32 s1, $0x3;
	s4 =	sadd.s32 s24, s2;
	s5 =	smax.u32 s25, $0x1  }
0x61: {  	s25 =	simm.s32 $0x2780;
	s0 =	sadd.s32 s0, s1;
	[smem:$0x7FB] =	sst s4  }
0x62: {  	v0 =	vimm.f32 $1.000000000e+00;
	v1 =	vimm.f32 $0.0e+00;
	s24 =	simm.s32 $0x2800;
	s1 =	simm.s32 $0x80;
	[smem:$0x7FC] =	sst s0  }
.LBB2_1:
0x63: {  	[tilespmem:$0x0] =	vst v0  }
0x64: {  	[tilespmem:$0x10] =	vst v0  }
0x65: {  	[tilespmem:$0x20] =	vst v0  }
0x66: {  	[tilespmem:$0x30] =	vst v0  }
0x67: {  	[tilespmem:$0x40] =	vst v0  }
0x68: {  	[tilespmem:$0x50] =	vst v0  }
0x69: {  	s9 =	rddreg [dreg:$0x4];
	[tilespmem:$0x60] =	vst v0  }
0x6a: {  	[tilespmem:$0x70] =	vst v0;
	s10 =	rddreg [dreg:$0x5];
	s0 =	simm.s32 $0x580  }
0x6b: {  	[tilespmem:s0], [sflag:$0x1] =	stream.linear.gather [hbm4b:s9+s3], $0x80, $0x38;
	[tilespmem:$0x2D00] =	vst v63  }
0x6c: {  	s12 =	simm.s32 $0x600;
	s4 =	rddreg [dreg:$0x7]  }
0x6d: {  	[tilespmem:s12], [sflag:$0x1] =	stream.linear.gather [hbm4b:s10+s3], $0x80, $0x38;
	[tilespmem:$0x2D00] =	vst v63  }
0x6e: {  	s11 =	simm.s32 $0x680;
	s9 =	rddreg [dreg:$0x6]  }
0x6f: {  	[tilespmem:s11], [sflag:$0x1] =	stream.linear.gather [hbm4b:s9+s3], $0x80, $0x38;
	[tilespmem:$0x2D00] =	vst v63  }
0x70: {  	s12 =	simm.s32 $0x700;
	s9 =	rddreg [dreg:$0x8]  }
0x71: {  	[tilespmem:s12], [sflag:$0x1] =	stream.linear.gather [hbm4b:s4+s3], $0x80, $0x38;
	[tilespmem:$0x2D00] =	vst v63  }
0x72: {  	s11 =	simm.s32 $0x780;
	s4 =	rddreg [dreg:$0x9]  }
0x73: {  	[tilespmem:s11], [sflag:$0x1] =	stream.linear.gather [hbm4b:s9+s3], $0x80, $0x38;
	[tilespmem:$0x2D00] =	vst v63  }
0x74: {  	s12 =	simm.s32 $0x800;
	s9 =	rddreg [dreg:$0xa]  }
0x75: {  	[tilespmem:s12], [sflag:$0x1] =	stream.linear.gather [hbm4b:s4+s3], $0x80, $0x38;
	[tilespmem:$0x2D00] =	vst v63  }
0x76: {  	s11 =	simm.s32 $0x880;
	s4 =	rddreg [dreg:$0xb]  }
0x77: {  	[tilespmem:s11], [sflag:$0x1] =	stream.linear.gather [hbm4b:s9+s3], $0x80, $0x38;
	[tilespmem:$0x2D00] =	vst v63  }
0x78: {  	s12 =	simm.s32 $0x900;
	s9 =	rddreg [dreg:$0xc]  }
0x79: {  	[tilespmem:s12], [sflag:$0x1] =	stream.linear.gather [hbm4b:s4+s3], $0x80, $0x38;
	[tilespmem:$0x2D00] =	vst v63  }
0x7a: {  	s11 =	simm.s32 $0x980;
	s4 =	rddreg [dreg:$0xd]  }
0x7b: {  	[tilespmem:s11], [sflag:$0x1] =	stream.linear.gather [hbm4b:s9+s3], $0x80, $0x38;
	[tilespmem:$0x2D00] =	vst v63  }
0x7c: {  	s12 =	simm.s32 $0xA00;
	s9 =	rddreg [dreg:$0xe]  }
0x7d: {  	[tilespmem:s12], [sflag:$0x1] =	stream.linear.gather [hbm4b:s4+s3], $0x80, $0x38;
	[tilespmem:$0x2D00] =	vst v63  }
0x7e: {  	s11 =	simm.s32 $0xA80;
	s4 =	rddreg [dreg:$0xf]  }
0x7f: {  	[tilespmem:s11], [sflag:$0x1] =	stream.linear.gather [hbm4b:s9+s3], $0x80, $0x38;
	[tilespmem:$0x2D00] =	vst v63  }
0x80: {  	s12 =	simm.s32 $0xB00;
	s9 =	rddreg [dreg:$0x10]  }
0x81: {  	[tilespmem:s12], [sflag:$0x1] =	stream.linear.gather [hbm4b:s4+s3], $0x80, $0x38;
	[tilespmem:$0x2D00] =	vst v63  }
0x82: {  	s11 =	simm.s32 $0xB80;
	s4 =	rddreg [dreg:$0x11]  }
0x83: {  	[tilespmem:s11], [sflag:$0x1] =	stream.linear.gather [hbm4b:s9+s3], $0x80, $0x38;
	[tilespmem:$0x2D00] =	vst v63  }
0x84: {  	s12 =	simm.s32 $0xC00;
	s9 =	rddreg [dreg:$0x12]  }
0x85: {  	[tilespmem:s12], [sflag:$0x1] =	stream.linear.gather [hbm4b:s4+s3], $0x80, $0x38;
	[tilespmem:$0x2D00] =	vst v63  }
0x86: {  	s11 =	simm.s32 $0xC80;
	s4 =	rddreg [dreg:$0x13]  }
0x87: {  	[tilespmem:s11], [sflag:$0x1] =	stream.linear.gather [hbm4b:s9+s3], $0x80, $0x38;
	[tilespmem:$0x2D00] =	vst v63  }
0x88: {  	s12 =	simm.s32 $0xD00;
	s9 =	rddreg [dreg:$0x14]  }
0x89: {  	[tilespmem:s12], [sflag:$0x1] =	stream.linear.gather [hbm4b:s4+s3], $0x80, $0x38;
	[tilespmem:$0x2D00] =	vst v63  }
0x8a: {  	s11 =	simm.s32 $0xD80;
	s4 =	rddreg [dreg:$0x15]  }
0x8b: {  	[tilespmem:s11], [sflag:$0x1] =	stream.linear.gather [hbm4b:s9+s3], $0x80, $0x38;
	[tilespmem:$0x2D00] =	vst v63  }
0x8c: {  	s12 =	simm.s32 $0xE00;
	s9 =	rddreg [dreg:$0x16]  }
0x8d: {  	[tilespmem:s12], [sflag:$0x1] =	stream.linear.gather [hbm4b:s4+s3], $0x80, $0x38;
	[tilespmem:$0x2D00] =	vst v63  }
0x8e: {  	s11 =	simm.s32 $0xE80;
	s4 =	rddreg [dreg:$0x17]  }
0x8f: {  	[tilespmem:s11], [sflag:$0x1] =	stream.linear.gather [hbm4b:s9+s3], $0x80, $0x38;
	[tilespmem:$0x2D00] =	vst v63  }
0x90: {  	s12 =	simm.s32 $0xF00;
	s9 =	rddreg [dreg:$0x18]  }
0x91: {  	[tilespmem:s12], [sflag:$0x1] =	stream.linear.gather [hbm4b:s4+s3], $0x80, $0x38;
	[tilespmem:$0x2D00] =	vst v63  }
0x92: {  	s11 =	simm.s32 $0xF80;
	s4 =	rddreg [dreg:$0x19]  }
0x93: {  	[tilespmem:s11], [sflag:$0x1] =	stream.linear.gather [hbm4b:s9+s3], $0x80, $0x38;
	[tilespmem:$0x2D00] =	vst v63  }
0x94: {  	s12 =	simm.s32 $0x1000;
	s9 =	rddreg [dreg:$0x1a]  }
0x95: {  	[tilespmem:s12], [sflag:$0x1] =	stream.linear.gather [hbm4b:s4+s3], $0x80, $0x38;
	[tilespmem:$0x2D00] =	vst v63  }
0x96: {  	s11 =	simm.s32 $0x1080;
	s4 =	rddreg [dreg:$0x1b]  }
0x97: {  	[tilespmem:s11], [sflag:$0x1] =	stream.linear.gather [hbm4b:s9+s3], $0x80, $0x38;
	[tilespmem:$0x2D00] =	vst v63  }
0x98: {  	s12 =	simm.s32 $0x1100;
	s9 =	rddreg [dreg:$0x1c]  }
0x99: {  	[tilespmem:s12], [sflag:$0x1] =	stream.linear.gather [hbm4b:s4+s3], $0x80, $0x38;
	[tilespmem:$0x2D00] =	vst v63  }
0x9a: {  	s11 =	simm.s32 $0x1180;
	s4 =	rddreg [dreg:$0x1d]  }
0x9b: {  	[tilespmem:s11], [sflag:$0x1] =	stream.linear.gather [hbm4b:s9+s3], $0x80, $0x38;
	[tilespmem:$0x2D00] =	vst v63  }
0x9c: {  	s12 =	simm.s32 $0x1200;
	s9 =	rddreg [dreg:$0x1e]  }
0x9d: {  	[tilespmem:s12], [sflag:$0x1] =	stream.linear.gather [hbm4b:s4+s3], $0x80, $0x38;
	[tilespmem:$0x2D00] =	vst v63  }
0x9e: {  	s11 =	simm.s32 $0x1280;
	s4 =	rddreg [dreg:$0x1f]  }
0x9f: {  	[tilespmem:s11], [sflag:$0x1] =	stream.linear.gather [hbm4b:s9+s3], $0x80, $0x38;
	[tilespmem:$0x2D00] =	vst v63  }
0xa0: {  	s12 =	simm.s32 $0x1300;
	s9 =	sld [smem:$0x7C8]  }
0xa1: {  	[tilespmem:s12], [sflag:$0x1] =	stream.linear.gather [hbm4b:s4+s3], $0x80, $0x38;
	[tilespmem:$0x2D00] =	vst v63  }
0xa2: {  	s11 =	simm.s32 $0x1380;
	s4 =	sld [smem:$0x7C9]  }
0xa3: {  	[tilespmem:s11], [sflag:$0x1] =	stream.linear.gather [hbm4b:s9+s3], $0x80, $0x38;
	[tilespmem:$0x2D00] =	vst v63  }
0xa4: {  	s12 =	simm.s32 $0x1400;
	s9 =	sld [smem:$0x7CA]  }
0xa5: {  	[tilespmem:s12], [sflag:$0x1] =	stream.linear.gather [hbm4b:s4+s3], $0x80, $0x38;
	[tilespmem:$0x2D00] =	vst v63  }
0xa6: {  	s11 =	simm.s32 $0x1480;
	s4 =	sld [smem:$0x7CB]  }
0xa7: {  	[tilespmem:s11], [sflag:$0x1] =	stream.linear.gather [hbm4b:s9+s3], $0x80, $0x38;
	[tilespmem:$0x2D00] =	vst v63  }
0xa8: {  	s12 =	simm.s32 $0x1500;
	s9 =	sld [smem:$0x7CC]  }
0xa9: {  	[tilespmem:s12], [sflag:$0x1] =	stream.linear.gather [hbm4b:s4+s3], $0x80, $0x38;
	[tilespmem:$0x2D00] =	vst v63  }
0xaa: {  	s11 =	simm.s32 $0x1580;
	s4 =	sld [smem:$0x7CD]  }
0xab: {  	[tilespmem:s11], [sflag:$0x1] =	stream.linear.gather [hbm4b:s9+s3], $0x80, $0x38;
	[tilespmem:$0x2D00] =	vst v63  }
0xac: {  	s12 =	simm.s32 $0x1600;
	s9 =	sld [smem:$0x7CE]  }
0xad: {  	[tilespmem:s12], [sflag:$0x1] =	stream.linear.gather [hbm4b:s4+s3], $0x80, $0x38;
	[tilespmem:$0x2D00] =	vst v63  }
0xae: {  	s11 =	simm.s32 $0x1680;
	s4 =	sld [smem:$0x7CF]  }
0xaf: {  	[tilespmem:s11], [sflag:$0x1] =	stream.linear.gather [hbm4b:s9+s3], $0x80, $0x38;
	[tilespmem:$0x2D00] =	vst v63  }
0xb0: {  	s12 =	simm.s32 $0x1700;
	s9 =	sld [smem:$0x7D0]  }
0xb1: {  	[tilespmem:s12], [sflag:$0x1] =	stream.linear.gather [hbm4b:s4+s3], $0x80, $0x38;
	[tilespmem:$0x2D00] =	vst v63  }
0xb2: {  	s11 =	simm.s32 $0x1780;
	s4 =	sld [smem:$0x7D1]  }
0xb3: {  	[tilespmem:s11], [sflag:$0x1] =	stream.linear.gather [hbm4b:s9+s3], $0x80, $0x38;
	[tilespmem:$0x2D00] =	vst v63  }
0xb4: {  	s12 =	simm.s32 $0x1800;
	s9 =	sld [smem:$0x7D2]  }
0xb5: {  	[tilespmem:s12], [sflag:$0x1] =	stream.linear.gather [hbm4b:s4+s3], $0x80, $0x38;
	[tilespmem:$0x2D00] =	vst v63  }
0xb6: {  	s11 =	simm.s32 $0x1880;
	s4 =	sld [smem:$0x7D3]  }
0xb7: {  	[tilespmem:s11], [sflag:$0x1] =	stream.linear.gather [hbm4b:s9+s3], $0x80, $0x38;
	[tilespmem:$0x2D00] =	vst v63  }
0xb8: {  	s12 =	simm.s32 $0x1900;
	s9 =	sld [smem:$0x7D4]  }
0xb9: {  	[tilespmem:s12], [sflag:$0x1] =	stream.linear.gather [hbm4b:s4+s3], $0x80, $0x38;
	[tilespmem:$0x2D00] =	vst v63  }
0xba: {  	s11 =	simm.s32 $0x1980;
	s4 =	sld [smem:$0x7D5]  }
0xbb: {  	[tilespmem:s11], [sflag:$0x1] =	stream.linear.gather [hbm4b:s9+s3], $0x80, $0x38;
	[tilespmem:$0x2D00] =	vst v63  }
0xbc: {  	s12 =	simm.s32 $0x1A00;
	s9 =	sld [smem:$0x7D6]  }
0xbd: {  	[tilespmem:s12], [sflag:$0x1] =	stream.linear.gather [hbm4b:s4+s3], $0x80, $0x38;
	[tilespmem:$0x2D00] =	vst v63  }
0xbe: {  	s11 =	simm.s32 $0x1A80;
	s4 =	sld [smem:$0x7D7]  }
0xbf: {  	[tilespmem:s11], [sflag:$0x1] =	stream.linear.gather [hbm4b:s9+s3], $0x80, $0x38;
	[tilespmem:$0x2D00] =	vst v63  }
0xc0: {  	s12 =	simm.s32 $0x1B00;
	s9 =	sld [smem:$0x7D8]  }
0xc1: {  	[tilespmem:s12], [sflag:$0x1] =	stream.linear.gather [hbm4b:s4+s3], $0x80, $0x38;
	[tilespmem:$0x2D00] =	vst v63  }
0xc2: {  	s11 =	simm.s32 $0x1B80;
	s4 =	sld [smem:$0x7D9]  }
0xc3: {  	[tilespmem:s11], [sflag:$0x1] =	stream.linear.gather [hbm4b:s9+s3], $0x80, $0x38;
	[tilespmem:$0x2D00] =	vst v63  }
0xc4: {  	s12 =	simm.s32 $0x1C00;
	s9 =	sld [smem:$0x7DA]  }
0xc5: {  	[tilespmem:s12], [sflag:$0x1] =	stream.linear.gather [hbm4b:s4+s3], $0x80, $0x38;
	[tilespmem:$0x2D00] =	vst v63  }
0xc6: {  	s11 =	simm.s32 $0x1C80;
	s4 =	sld [smem:$0x7DB]  }
0xc7: {  	[tilespmem:s11], [sflag:$0x1] =	stream.linear.gather [hbm4b:s9+s3], $0x80, $0x38;
	[tilespmem:$0x2D00] =	vst v63  }
0xc8: {  	s12 =	simm.s32 $0x1D00;
	s9 =	sld [smem:$0x7DC]  }
0xc9: {  	[tilespmem:s12], [sflag:$0x1] =	stream.linear.gather [hbm4b:s4+s3], $0x80, $0x38;
	[tilespmem:$0x2D00] =	vst v63  }
0xca: {  	s11 =	simm.s32 $0x1D80;
	s4 =	sld [smem:$0x7DD]  }
0xcb: {  	[tilespmem:s11], [sflag:$0x1] =	stream.linear.gather [hbm4b:s9+s3], $0x80, $0x38;
	[tilespmem:$0x2D00] =	vst v63  }
0xcc: {  	s0 =	sld [smem:$0x7DE];
	s12 =	simm.s32 $0x1E00  }
0xcd: {  	[tilespmem:s12], [sflag:$0x1] =	stream.linear.gather [hbm4b:s4+s3], $0x80, $0x38;
	[tilespmem:$0x2D00] =	vst v63  }
0xce: {  	s4 =	simm.s32 $0x1E80;
	s10 =	sld [smem:$0x7DF]  }
0xcf: {  	[tilespmem:s4], [sflag:$0x1] =	stream.linear.gather [hbm4b:s0+s3], $0x80, $0x38;
	[tilespmem:$0x2D00] =	vst v63  }
0xd0: {  	s11 =	simm.s32 $0x1F00;
	s9 =	sld [smem:$0x7E0]  }
0xd1: {  	[tilespmem:s11], [sflag:$0x1] =	stream.linear.gather [hbm4b:s10+s3], $0x80, $0x38;
	[tilespmem:$0x2D00] =	vst v63  }
0xd2: {  	s4 =	simm.s32 $0x1F80;
	s12 =	sld [smem:$0x7E1]  }
0xd3: {  	[tilespmem:s4], [sflag:$0x1] =	stream.linear.gather [hbm4b:s9+s3], $0x80, $0x38;
	[tilespmem:$0x2D00] =	vst v63  }
0xd4: {  	s11 =	simm.s32 $0x2000;
	s9 =	sld [smem:$0x7E2]  }
0xd5: {  	[tilespmem:s11], [sflag:$0x1] =	stream.linear.gather [hbm4b:s12+s3], $0x80, $0x38;
	[tilespmem:$0x2D00] =	vst v63  }
0xd6: {  	s4 =	simm.s32 $0x2080;
	s12 =	sld [smem:$0x7E3]  }
0xd7: {  	[tilespmem:s4], [sflag:$0x1] =	stream.linear.gather [hbm4b:s9+s3], $0x80, $0x38;
	[tilespmem:$0x2D00] =	vst v63  }
0xd8: {  	s11 =	simm.s32 $0x2100;
	s9 =	sld [smem:$0x7E4]  }
0xd9: {  	[tilespmem:s11], [sflag:$0x1] =	stream.linear.gather [hbm4b:s12+s3], $0x80, $0x38;
	[tilespmem:$0x2D00] =	vst v63  }
0xda: {  	s4 =	simm.s32 $0x2180;
	s12 =	sld [smem:$0x7E5]  }
0xdb: {  	[tilespmem:s4], [sflag:$0x1] =	stream.linear.gather [hbm4b:s9+s3], $0x80, $0x38;
	[tilespmem:$0x2D00] =	vst v63  }
0xdc: {  	s11 =	sld [smem:$0x7E6]  }
0xdd: {  	[tilespmem:s14], [sflag:$0x1] =	stream.linear.gather [hbm4b:s12+s3], $0x80, $0x38;
	[tilespmem:$0x2D00] =	vst v63  }
0xde: {  	s0 =	sld [smem:$0x7E7];
	s12 =	simm.s32 $0x2280  }
0xdf: {  	[tilespmem:s12], [sflag:$0x1] =	stream.linear.gather [hbm4b:s11+s3], $0x80, $0x38;
	[tilespmem:$0x2D00] =	vst v63  }
0xe0: {  	s4 =	sld [smem:$0x7E8];
	s11 =	simm.s32 $0x2300  }
0xe1: {  	[tilespmem:s11], [sflag:$0x1] =	stream.linear.gather [hbm4b:s0+s3], $0x80, $0x38;
	[tilespmem:$0x2D00] =	vst v63  }
0xe2: {  	s10 =	sld [smem:$0x7E9]  }
0xe3: {  	[tilespmem:s7], [sflag:$0x1] =	stream.linear.gather [hbm4b:s4+s3], $0x80, $0x38;
	[tilespmem:$0x2D00] =	vst v63  }
0xe4: {  	s0 =	sld [smem:$0x7EA];
	s4 =	simm.s32 $0x2400  }
0xe5: {  	[tilespmem:s4], [sflag:$0x1] =	stream.linear.gather [hbm4b:s10+s3], $0x80, $0x38;
	[tilespmem:$0x2D00] =	vst v63  }
0xe6: {  	s10 =	sld [smem:$0x7EB]  }
0xe7: {  	[tilespmem:s13], [sflag:$0x1] =	stream.linear.gather [hbm4b:s0+s3], $0x80, $0x38;
	[tilespmem:$0x2D00] =	vst v63  }
0xe8: {  	s0 =	sld [smem:$0x7EC]  }
0xe9: {  	[tilespmem:s31], [sflag:$0x1] =	stream.linear.gather [hbm4b:s10+s3], $0x80, $0x38;
	[tilespmem:$0x2D00] =	vst v63  }
0xea: {  	s10 =	sld [smem:$0x7ED]  }
0xeb: {  	[tilespmem:s30], [sflag:$0x1] =	stream.linear.gather [hbm4b:s0+s3], $0x80, $0x38;
	[tilespmem:$0x2D00] =	vst v63  }
0xec: {  	s0 =	sld [smem:$0x7EE]  }
0xed: {  	[tilespmem:s29], [sflag:$0x1] =	stream.linear.gather [hbm4b:s10+s3], $0x80, $0x38;
	[tilespmem:$0x2D00] =	vst v63  }
0xee: {  	s10 =	sld [smem:$0x7EF]  }
0xef: {  	[tilespmem:s28], [sflag:$0x1] =	stream.linear.gather [hbm4b:s0+s3], $0x80, $0x38;
	[tilespmem:$0x2D00] =	vst v63  }
0xf0: {  	s0 =	sld [smem:$0x7F0]  }
0xf1: {  	[tilespmem:s26], [sflag:$0x1] =	stream.linear.gather [hbm4b:s10+s3], $0x80, $0x38;
	[tilespmem:$0x2D00] =	vst v63  }
0xf2: {  	s10 =	sld [smem:$0x7F1]  }
0xf3: {  	[tilespmem:s25], [sflag:$0x1] =	stream.linear.gather [hbm4b:s0+s3], $0x80, $0x38;
	[tilespmem:$0x2D00] =	vst v63  }
0xf4: {  	s0 =	sld [smem:$0x7F2]  }
0xf5: {  	[tilespmem:s24], [sflag:$0x1] =	stream.linear.gather [hbm4b:s10+s3], $0x80, $0x38;
	[tilespmem:$0x2D00] =	vst v63  }
0xf6: {  	s10 =	sld [smem:$0x7F3]  }
0xf7: {  	[tilespmem:s22], [sflag:$0x1] =	stream.linear.gather [hbm4b:s0+s3], $0x80, $0x38;
	[tilespmem:$0x2D00] =	vst v63  }
0xf8: {  	s0 =	sld [smem:$0x7F4]  }
0xf9: {  	[tilespmem:s23], [sflag:$0x1] =	stream.linear.gather [hbm4b:s10+s3], $0x80, $0x38;
	[tilespmem:$0x2D00] =	vst v63  }
0xfa: {  	s10 =	sld [smem:$0x7F5]  }
0xfb: {  	[tilespmem:s21], [sflag:$0x1] =	stream.linear.gather [hbm4b:s0+s3], $0x80, $0x38;
	[tilespmem:$0x2D00] =	vst v63  }
0xfc: {  	s0 =	sld [smem:$0x7F6]  }
0xfd: {  	[tilespmem:s20], [sflag:$0x1] =	stream.linear.gather [hbm4b:s10+s3], $0x80, $0x38;
	[tilespmem:$0x2D00] =	vst v63  }
0xfe: {  	s10 =	sld [smem:$0x7F7]  }
0xff: {  	[tilespmem:s19], [sflag:$0x1] =	stream.linear.gather [hbm4b:s0+s3], $0x80, $0x38;
	[tilespmem:$0x2D00] =	vst v63  }
0x100: {  	s0 =	sld [smem:$0x7F8]  }
0x101: {  	[tilespmem:s18], [sflag:$0x1] =	stream.linear.gather [hbm4b:s10+s3], $0x80, $0x38;
	[tilespmem:$0x2D00] =	vst v63  }
0x102: {  	s10 =	sld [smem:$0x7F9]  }
0x103: {  	[tilespmem:s17], [sflag:$0x1] =	stream.linear.gather [hbm4b:s0+s3], $0x80, $0x38;
	[tilespmem:$0x2D00] =	vst v63  }
0x104: {  	s0 =	sld [smem:$0x7FA]  }
0x105: {  	[tilespmem:s16], [sflag:$0x1] =	stream.linear.gather [hbm4b:s10+s3], $0x80, $0x38;
	[tilespmem:$0x2D00] =	vst v63  }
0x106: {  	s10 =	simm.s32 $0x2C80  }
0x107: {  	[tilespmem:s10], [sflag:$0x1] =	stream.linear.gather [hbm4b:s0+s3], $0x10, $0x38;
	[tilespmem:$0x2D00] =	vst v63  }
0x108: {  	[tilespmem:$0x80] =	vst v1  }
0x109: {  	[tilespmem:$0x90] =	vst v1  }
0x10a: {  	[tilespmem:$0xA0] =	vst v1  }
0x10b: {  	[tilespmem:$0xB0] =	vst v1  }
0x10c: {  	[tilespmem:$0xC0] =	vst v1  }
0x10d: {  	[tilespmem:$0xD0] =	vst v1  }
0x10e: {  	[tilespmem:$0xE0] =	vst v1  }
0x10f: {  	[tilespmem:$0xF0] =	vst v1  }
0x110: {  	[tilespmem:$0x100] =	vst v1  }
0x111: {  	[tilespmem:$0x110] =	vst v1  }
0x112: {  	[tilespmem:$0x120] =	vst v1  }
0x113: {  	[tilespmem:$0x130] =	vst v1  }
0x114: {  	[tilespmem:$0x140] =	vst v1  }
0x115: {  	[tilespmem:$0x150] =	vst v1  }
0x116: {  	[tilespmem:$0x160] =	vst v1  }
0x117: {  	[tilespmem:$0x170] =	vst v1  }
0x118: {  	[tilespmem:$0x180] =	vst v1  }
0x119: {  	[tilespmem:$0x190] =	vst v1  }
0x11a: {  	[tilespmem:$0x1A0] =	vst v1  }
0x11b: {  	[tilespmem:$0x1B0] =	vst v1  }
0x11c: {  	[tilespmem:$0x1C0] =	vst v1  }
0x11d: {  	[tilespmem:$0x1D0] =	vst v1  }
0x11e: {  	[tilespmem:$0x1E0] =	vst v1  }
0x11f: {  	[tilespmem:$0x1F0] =	vst v1  }
0x120: {  	[tilespmem:$0x200] =	vst v1  }
0x121: {  	[tilespmem:$0x210] =	vst v1  }
0x122: {  	[tilespmem:$0x220] =	vst v1  }
0x123: {  	[tilespmem:$0x230] =	vst v1  }
0x124: {  	[tilespmem:$0x240] =	vst v1  }
0x125: {  	[tilespmem:$0x250] =	vst v1  }
0x126: {  	[tilespmem:$0x260] =	vst v1  }
0x127: {  	[tilespmem:$0x270] =	vst v1  }
0x128: {  	[tilespmem:$0x280] =	vst v1  }
0x129: {  	[tilespmem:$0x290] =	vst v1  }
0x12a: {  	[tilespmem:$0x2A0] =	vst v1  }
0x12b: {  	[tilespmem:$0x2B0] =	vst v1  }
0x12c: {  	[tilespmem:$0x2C0] =	vst v1  }
0x12d: {  	s0 =	sld [smem:$0x7FB];
	[tilespmem:$0x2D0] =	vst v1  }
0x12e: {  	[tilespmem:$0x2E0] =	vst v1  }
0x12f: {  	[tilespmem:$0x2F0] =	vst v1  }
0x130: {  	[spmem:s0] =	stream.linear.scatter [tilespmem:s1], [sflag:$0x3], $0x280, $0x38;
	[tilespmem:$0x2D00] =	vst v63  }
0x131: {  	_ =	swait.ge [sflag:s15], $0x280  }
0x132: {  	[sflag:s15] =	ssyncset.done $0x0  }
0x133: {  	[sflag:s15] =	ssyncadd.s32 $0xFFFFFD80  }
0x134: {  	[bflag:$0x0] =	sbarrier.arrive $0xFFFF  }
0x135: {  	_ =	swait.ge [sflag:s6], $0x80  }
0x136: {  	[sflag:s6] =	ssyncset.done $0x0  }
0x137: {  	[sflag:s6] =	ssyncadd.s32 $0xFFFFFF80  }
0x138: {  	_ =	swait.ge [sflag:s6], $0x80  }
0x139: {  	[sflag:s6] =	ssyncset.done $0x0  }
0x13a: {  	[sflag:s6] =	ssyncadd.s32 $0xFFFFFF80  }
0x13b: {  	_ =	swait.ge [sflag:s6], $0x80  }
0x13c: {  	[sflag:s6] =	ssyncset.done $0x0  }
0x13d: {  	[sflag:s6] =	ssyncadd.s32 $0xFFFFFF80  }
0x13e: {  	_ =	swait.ge [sflag:s6], $0x80  }
0x13f: {  	[sflag:s6] =	ssyncset.done $0x0  }
0x140: {  	[sflag:s6] =	ssyncadd.s32 $0xFFFFFF80  }
0x141: {  	_ =	swait.ge [sflag:s6], $0x80  }
0x142: {  	[sflag:s6] =	ssyncset.done $0x0  }
0x143: {  	[sflag:s6] =	ssyncadd.s32 $0xFFFFFF80  }
0x144: {  	_ =	swait.ge [sflag:s6], $0x80  }
0x145: {  	[sflag:s6] =	ssyncset.done $0x0  }
0x146: {  	[sflag:s6] =	ssyncadd.s32 $0xFFFFFF80  }
0x147: {  	_ =	swait.ge [sflag:s6], $0x80  }
0x148: {  	[sflag:s6] =	ssyncset.done $0x0  }
0x149: {  	[sflag:s6] =	ssyncadd.s32 $0xFFFFFF80  }
0x14a: {  	_ =	swait.ge [sflag:s6], $0x80  }
0x14b: {  	[sflag:s6] =	ssyncset.done $0x0  }
0x14c: {  	[sflag:s6] =	ssyncadd.s32 $0xFFFFFF80  }
0x14d: {  	_ =	swait.ge [sflag:s6], $0x80  }
0x14e: {  	[sflag:s6] =	ssyncset.done $0x0  }
0x14f: {  	[sflag:s6] =	ssyncadd.s32 $0xFFFFFF80  }
0x150: {  	_ =	swait.ge [sflag:s6], $0x80  }
0x151: {  	[sflag:s6] =	ssyncset.done $0x0  }
0x152: {  	[sflag:s6] =	ssyncadd.s32 $0xFFFFFF80  }
0x153: {  	_ =	swait.ge [sflag:s6], $0x80  }
0x154: {  	[sflag:s6] =	ssyncset.done $0x0  }
0x155: {  	[sflag:s6] =	ssyncadd.s32 $0xFFFFFF80  }
0x156: {  	_ =	swait.ge [sflag:s6], $0x80  }
0x157: {  	[sflag:s6] =	ssyncset.done $0x0  }
0x158: {  	[sflag:s6] =	ssyncadd.s32 $0xFFFFFF80  }
0x159: {  	_ =	swait.ge [sflag:s6], $0x80  }
0x15a: {  	[sflag:s6] =	ssyncset.done $0x0  }
0x15b: {  	[sflag:s6] =	ssyncadd.s32 $0xFFFFFF80  }
0x15c: {  	_ =	swait.ge [sflag:s6], $0x80  }
0x15d: {  	[sflag:s6] =	ssyncset.done $0x0  }
0x15e: {  	[sflag:s6] =	ssyncadd.s32 $0xFFFFFF80  }
0x15f: {  	_ =	swait.ge [sflag:s6], $0x80  }
0x160: {  	[sflag:s6] =	ssyncset.done $0x0  }
0x161: {  	[sflag:s6] =	ssyncadd.s32 $0xFFFFFF80  }
0x162: {  	_ =	swait.ge [sflag:s6], $0x80  }
0x163: {  	[sflag:s6] =	ssyncset.done $0x0  }
0x164: {  	[sflag:s6] =	ssyncadd.s32 $0xFFFFFF80  }
0x165: {  	_ =	swait.ge [sflag:s6], $0x80  }
0x166: {  	[sflag:s6] =	ssyncset.done $0x0  }
0x167: {  	[sflag:s6] =	ssyncadd.s32 $0xFFFFFF80  }
0x168: {  	_ =	swait.ge [sflag:s6], $0x80  }
0x169: {  	[sflag:s6] =	ssyncset.done $0x0  }
0x16a: {  	[sflag:s6] =	ssyncadd.s32 $0xFFFFFF80  }
0x16b: {  	_ =	swait.ge [sflag:s6], $0x80  }
0x16c: {  	[sflag:s6] =	ssyncset.done $0x0  }
0x16d: {  	[sflag:s6] =	ssyncadd.s32 $0xFFFFFF80  }
0x16e: {  	_ =	swait.ge [sflag:s6], $0x80  }
0x16f: {  	[sflag:s6] =	ssyncset.done $0x0  }
0x170: {  	[sflag:s6] =	ssyncadd.s32 $0xFFFFFF80  }
0x171: {  	_ =	swait.ge [sflag:s6], $0x80  }
0x172: {  	[sflag:s6] =	ssyncset.done $0x0  }
0x173: {  	[sflag:s6] =	ssyncadd.s32 $0xFFFFFF80  }
0x174: {  	_ =	swait.ge [sflag:s6], $0x80  }
0x175: {  	[sflag:s6] =	ssyncset.done $0x0  }
0x176: {  	[sflag:s6] =	ssyncadd.s32 $0xFFFFFF80  }
0x177: {  	_ =	swait.ge [sflag:s6], $0x80  }
0x178: {  	[sflag:s6] =	ssyncset.done $0x0  }
0x179: {  	[sflag:s6] =	ssyncadd.s32 $0xFFFFFF80  }
0x17a: {  	_ =	swait.ge [sflag:s6], $0x80  }
0x17b: {  	[sflag:s6] =	ssyncset.done $0x0  }
0x17c: {  	[sflag:s6] =	ssyncadd.s32 $0xFFFFFF80  }
0x17d: {  	_ =	swait.ge [sflag:s6], $0x80  }
0x17e: {  	[sflag:s6] =	ssyncset.done $0x0  }
0x17f: {  	[sflag:s6] =	ssyncadd.s32 $0xFFFFFF80  }
0x180: {  	_ =	swait.ge [sflag:s6], $0x80  }
0x181: {  	[sflag:s6] =	ssyncset.done $0x0  }
0x182: {  	[sflag:s6] =	ssyncadd.s32 $0xFFFFFF80  }
0x183: {  	_ =	swait.ge [sflag:s6], $0x80  }
0x184: {  	[sflag:s6] =	ssyncset.done $0x0  }
0x185: {  	[sflag:s6] =	ssyncadd.s32 $0xFFFFFF80  }
0x186: {  	_ =	swait.ge [sflag:s6], $0x80  }
0x187: {  	[sflag:s6] =	ssyncset.done $0x0  }
0x188: {  	[sflag:s6] =	ssyncadd.s32 $0xFFFFFF80  }
0x189: {  	_ =	swait.ge [sflag:s6], $0x80  }
0x18a: {  	[sflag:s6] =	ssyncset.done $0x0  }
0x18b: {  	[sflag:s6] =	ssyncadd.s32 $0xFFFFFF80  }
0x18c: {  	_ =	swait.ge [sflag:s6], $0x80  }
0x18d: {  	[sflag:s6] =	ssyncset.done $0x0  }
0x18e: {  	[sflag:s6] =	ssyncadd.s32 $0xFFFFFF80  }
0x18f: {  	_ =	swait.ge [sflag:s6], $0x80  }
0x190: {  	[sflag:s6] =	ssyncset.done $0x0  }
0x191: {  	[sflag:s6] =	ssyncadd.s32 $0xFFFFFF80  }
0x192: {  	_ =	swait.ge [sflag:s6], $0x80  }
0x193: {  	[sflag:s6] =	ssyncset.done $0x0  }
0x194: {  	[sflag:s6] =	ssyncadd.s32 $0xFFFFFF80  }
0x195: {  	_ =	swait.ge [sflag:s6], $0x80  }
0x196: {  	[sflag:s6] =	ssyncset.done $0x0  }
0x197: {  	[sflag:s6] =	ssyncadd.s32 $0xFFFFFF80  }
0x198: {  	_ =	swait.ge [sflag:s6], $0x80  }
0x199: {  	[sflag:s6] =	ssyncset.done $0x0  }
0x19a: {  	[sflag:s6] =	ssyncadd.s32 $0xFFFFFF80  }
0x19b: {  	_ =	swait.ge [sflag:s6], $0x80  }
0x19c: {  	[sflag:s6] =	ssyncset.done $0x0  }
0x19d: {  	[sflag:s6] =	ssyncadd.s32 $0xFFFFFF80  }
0x19e: {  	_ =	swait.ge [sflag:s6], $0x80  }
0x19f: {  	[sflag:s6] =	ssyncset.done $0x0  }
0x1a0: {  	[sflag:s6] =	ssyncadd.s32 $0xFFFFFF80  }
0x1a1: {  	_ =	swait.ge [sflag:s6], $0x80  }
0x1a2: {  	[sflag:s6] =	ssyncset.done $0x0  }
0x1a3: {  	[sflag:s6] =	ssyncadd.s32 $0xFFFFFF80  }
0x1a4: {  	_ =	swait.ge [sflag:s6], $0x80  }
0x1a5: {  	[sflag:s6] =	ssyncset.done $0x0  }
0x1a6: {  	[sflag:s6] =	ssyncadd.s32 $0xFFFFFF80  }
0x1a7: {  	_ =	swait.ge [sflag:s6], $0x80  }
0x1a8: {  	[sflag:s6] =	ssyncset.done $0x0  }
0x1a9: {  	[sflag:s6] =	ssyncadd.s32 $0xFFFFFF80  }
0x1aa: {  	_ =	swait.ge [sflag:s6], $0x80  }
0x1ab: {  	[sflag:s6] =	ssyncset.done $0x0  }
0x1ac: {  	[sflag:s6] =	ssyncadd.s32 $0xFFFFFF80  }
0x1ad: {  	_ =	swait.ge [sflag:s6], $0x80  }
0x1ae: {  	[sflag:s6] =	ssyncset.done $0x0  }
0x1af: {  	[sflag:s6] =	ssyncadd.s32 $0xFFFFFF80  }
0x1b0: {  	_ =	swait.ge [sflag:s6], $0x80  }
0x1b1: {  	[sflag:s6] =	ssyncset.done $0x0  }
0x1b2: {  	[sflag:s6] =	ssyncadd.s32 $0xFFFFFF80  }
0x1b3: {  	_ =	swait.ge [sflag:s6], $0x80  }
0x1b4: {  	[sflag:s6] =	ssyncset.done $0x0  }
0x1b5: {  	[sflag:s6] =	ssyncadd.s32 $0xFFFFFF80  }
0x1b6: {  	_ =	swait.ge [sflag:s6], $0x80  }
0x1b7: {  	[sflag:s6] =	ssyncset.done $0x0  }
0x1b8: {  	[sflag:s6] =	ssyncadd.s32 $0xFFFFFF80  }
0x1b9: {  	_ =	swait.ge [sflag:s6], $0x80  }
0x1ba: {  	[sflag:s6] =	ssyncset.done $0x0  }
0x1bb: {  	[sflag:s6] =	ssyncadd.s32 $0xFFFFFF80  }
0x1bc: {  	_ =	swait.ge [sflag:s6], $0x80  }
0x1bd: {  	[sflag:s6] =	ssyncset.done $0x0  }
0x1be: {  	[sflag:s6] =	ssyncadd.s32 $0xFFFFFF80  }
0x1bf: {  	_ =	swait.ge [sflag:s6], $0x80  }
0x1c0: {  	[sflag:s6] =	ssyncset.done $0x0  }
0x1c1: {  	[sflag:s6] =	ssyncadd.s32 $0xFFFFFF80  }
0x1c2: {  	_ =	swait.ge [sflag:s6], $0x80  }
0x1c3: {  	[sflag:s6] =	ssyncset.done $0x0  }
0x1c4: {  	[sflag:s6] =	ssyncadd.s32 $0xFFFFFF80  }
0x1c5: {  	_ =	swait.ge [sflag:s6], $0x80  }
0x1c6: {  	[sflag:s6] =	ssyncset.done $0x0  }
0x1c7: {  	[sflag:s6] =	ssyncadd.s32 $0xFFFFFF80  }
0x1c8: {  	_ =	swait.ge [sflag:s6], $0x80  }
0x1c9: {  	[sflag:s6] =	ssyncset.done $0x0  }
0x1ca: {  	[sflag:s6] =	ssyncadd.s32 $0xFFFFFF80  }
0x1cb: {  	_ =	swait.ge [sflag:s6], $0x80  }
0x1cc: {  	[sflag:s6] =	ssyncset.done $0x0  }
0x1cd: {  	[sflag:s6] =	ssyncadd.s32 $0xFFFFFF80  }
0x1ce: {  	_ =	swait.ge [sflag:s6], $0x80  }
0x1cf: {  	[sflag:s6] =	ssyncset.done $0x0  }
0x1d0: {  	[sflag:s6] =	ssyncadd.s32 $0xFFFFFF80  }
0x1d1: {  	_ =	swait.ge [sflag:s6], $0x80  }
0x1d2: {  	[sflag:s6] =	ssyncset.done $0x0  }
0x1d3: {  	[sflag:s6] =	ssyncadd.s32 $0xFFFFFF80  }
0x1d4: {  	_ =	swait.ge [sflag:s6], $0x80  }
0x1d5: {  	[sflag:s6] =	ssyncset.done $0x0  }
0x1d6: {  	[sflag:s6] =	ssyncadd.s32 $0xFFFFFF80  }
0x1d7: {  	_ =	swait.ge [sflag:s6], $0x80  }
0x1d8: {  	[sflag:s6] =	ssyncset.done $0x0  }
0x1d9: {  	[sflag:s6] =	ssyncadd.s32 $0xFFFFFF80  }
0x1da: {  	_ =	swait.ge [sflag:s6], $0x80  }
0x1db: {  	[sflag:s6] =	ssyncset.done $0x0  }
0x1dc: {  	[sflag:s6] =	ssyncadd.s32 $0xFFFFFF80  }
0x1dd: {  	_ =	swait.ge [sflag:s6], $0x80  }
0x1de: {  	[sflag:s6] =	ssyncset.done $0x0  }
0x1df: {  	[sflag:s6] =	ssyncadd.s32 $0xFFFFFF80  }
0x1e0: {  	_ =	swait.ge [sflag:s6], $0x80  }
0x1e1: {  	[sflag:s6] =	ssyncset.done $0x0  }
0x1e2: {  	[sflag:s6] =	ssyncadd.s32 $0xFFFFFF80  }
0x1e3: {  	_ =	swait.ge [sflag:s6], $0x80  }
0x1e4: {  	[sflag:s6] =	ssyncset.done $0x0  }
0x1e5: {  	[sflag:s6] =	ssyncadd.s32 $0xFFFFFF80  }
0x1e6: {  	_ =	swait.ge [sflag:s6], $0x80  }
0x1e7: {  	[sflag:s6] =	ssyncset.done $0x0  }
0x1e8: {  	[sflag:s6] =	ssyncadd.s32 $0xFFFFFF80  }
0x1e9: {  	_ =	swait.ge [sflag:s6], $0x80  }
0x1ea: {  	[sflag:s6] =	ssyncset.done $0x0  }
0x1eb: {  	[sflag:s6] =	ssyncadd.s32 $0xFFFFFF80  }
0x1ec: {  	_ =	swait.ge [sflag:s6], $0x80  }
0x1ed: {  	[sflag:s6] =	ssyncset.done $0x0  }
0x1ee: {  	[sflag:s6] =	ssyncadd.s32 $0xFFFFFF80  }
0x1ef: {  	_ =	swait.ge [sflag:s6], $0x80  }
0x1f0: {  	[sflag:s6] =	ssyncset.done $0x0  }
0x1f1: {  	[sflag:s6] =	ssyncadd.s32 $0xFFFFFF80  }
0x1f2: {  	_ =	swait.ge [sflag:s6], $0x80  }
0x1f3: {  	[sflag:s6] =	ssyncset.done $0x0  }
0x1f4: {  	[sflag:s6] =	ssyncadd.s32 $0xFFFFFF80  }
0x1f5: {  	_ =	swait.ge [sflag:s6], $0x80  }
0x1f6: {  	[sflag:s6] =	ssyncset.done $0x0  }
0x1f7: {  	[sflag:s6] =	ssyncadd.s32 $0xFFFFFF80  }
0x1f8: {  	_ =	swait.ge [sflag:s6], $0x80  }
0x1f9: {  	[sflag:s6] =	ssyncset.done $0x0  }
0x1fa: {  	[sflag:s6] =	ssyncadd.s32 $0xFFFFFF80  }
0x1fb: {  	_ =	swait.ge [sflag:s6], $0x80  }
0x1fc: {  	[sflag:s6] =	ssyncset.done $0x0  }
0x1fd: {  	[sflag:s6] =	ssyncadd.s32 $0xFFFFFF80  }
0x1fe: {  	_ =	swait.ge [sflag:s6], $0x80  }
0x1ff: {  	[sflag:s6] =	ssyncset.done $0x0  }
0x200: {  	[sflag:s6] =	ssyncadd.s32 $0xFFFFFF80  }
0x201: {  	_ =	swait.ge [sflag:s6], $0x80  }
0x202: {  	[sflag:s6] =	ssyncset.done $0x0  }
0x203: {  	[sflag:s6] =	ssyncadd.s32 $0xFFFFFF80  }
0x204: {  	_ =	swait.ge [sflag:s6], $0x80  }
0x205: {  	[sflag:s6] =	ssyncset.done $0x0  }
0x206: {  	[sflag:s6] =	ssyncadd.s32 $0xFFFFFF80  }
0x207: {  	_ =	swait.ge [sflag:s6], $0x80  }
0x208: {  	[sflag:s6] =	ssyncset.done $0x0  }
0x209: {  	[sflag:s6] =	ssyncadd.s32 $0xFFFFFF80  }
0x20a: {  	_ =	swait.ge [sflag:s6], $0x80  }
0x20b: {  	[sflag:s6] =	ssyncset.done $0x0  }
0x20c: {  	[sflag:s6] =	ssyncadd.s32 $0xFFFFFF80  }
0x20d: {  	_ =	swait.ge [sflag:s6], $0x80  }
0x20e: {  	[sflag:s6] =	ssyncset.done $0x0  }
0x20f: {  	[sflag:s6] =	ssyncadd.s32 $0xFFFFFF80  }
0x210: {  	_ =	swait.ge [sflag:s6], $0x80  }
0x211: {  	[sflag:s6] =	ssyncset.done $0x0  }
0x212: {  	[sflag:s6] =	ssyncadd.s32 $0xFFFFFF80  }
0x213: {  	_ =	swait.ge [sflag:s6], $0x80  }
0x214: {  	[sflag:s6] =	ssyncset.done $0x0  }
0x215: {  	[sflag:s6] =	ssyncadd.s32 $0xFFFFFF80  }
0x216: {  	_ =	swait.ge [sflag:s6], $0x80  }
0x217: {  	[sflag:s6] =	ssyncset.done $0x0  }
0x218: {  	[sflag:s6] =	ssyncadd.s32 $0xFFFFFF80  }
0x219: {  	_ =	swait.ge [sflag:s6], $0x80  }
0x21a: {  	[sflag:s6] =	ssyncset.done $0x0  }
0x21b: {  	[sflag:s6] =	ssyncadd.s32 $0xFFFFFF80  }
0x21c: {  	_ =	swait.ge [sflag:s6], $0x80  }
0x21d: {  	[sflag:s6] =	ssyncset.done $0x0  }
0x21e: {  	[sflag:s6] =	ssyncadd.s32 $0xFFFFFF80  }
0x21f: {  	_ =	swait.ge [sflag:s6], $0x10  }
0x220: {  	[sflag:s6] =	ssyncset.done $0x0  }
0x221: {  	s9 =	simm.s32 $0x580;
	[sflag:s6] =	ssyncadd.s32 $0xFFFFFFF0  }
0x222: {  	[spmem:s2] =	stream.indirect.scatter.add.f32 [tilespmem:s3], [sflag:$0x2], $0x1, s9, s1, $0xb8;
	[tilespmem:$0x2D00] =	vst v63  }
0x223: {  	s9 =	simm.s32 $0x600  }
0x224: {  	[spmem:s2] =	stream.indirect.scatter.add.f32 [tilespmem:s3], [sflag:$0x2], $0x1, s9, s1, $0xb8;
	[tilespmem:$0x2D00] =	vst v63  }
0x225: {  	s9 =	simm.s32 $0x680  }
0x226: {  	[spmem:s2] =	stream.indirect.scatter.add.f32 [tilespmem:s3], [sflag:$0x2], $0x1, s9, s1, $0xb8;
	[tilespmem:$0x2D00] =	vst v63  }
0x227: {  	s9 =	simm.s32 $0x700  }
0x228: {  	[spmem:s2] =	stream.indirect.scatter.add.f32 [tilespmem:s3], [sflag:$0x2], $0x1, s9, s1, $0xb8;
	[tilespmem:$0x2D00] =	vst v63  }
0x229: {  	s9 =	simm.s32 $0x780  }
0x22a: {  	[spmem:s2] =	stream.indirect.scatter.add.f32 [tilespmem:s3], [sflag:$0x2], $0x1, s9, s1, $0xb8;
	[tilespmem:$0x2D00] =	vst v63  }
0x22b: {  	s9 =	simm.s32 $0x800  }
0x22c: {  	[spmem:s2] =	stream.indirect.scatter.add.f32 [tilespmem:s3], [sflag:$0x2], $0x1, s9, s1, $0xb8;
	[tilespmem:$0x2D00] =	vst v63  }
0x22d: {  	s9 =	simm.s32 $0x880  }
0x22e: {  	[spmem:s2] =	stream.indirect.scatter.add.f32 [tilespmem:s3], [sflag:$0x2], $0x1, s9, s1, $0xb8;
	[tilespmem:$0x2D00] =	vst v63  }
0x22f: {  	s9 =	simm.s32 $0x900  }
0x230: {  	[spmem:s2] =	stream.indirect.scatter.add.f32 [tilespmem:s3], [sflag:$0x2], $0x1, s9, s1, $0xb8;
	[tilespmem:$0x2D00] =	vst v63  }
0x231: {  	s9 =	simm.s32 $0x980  }
0x232: {  	[spmem:s2] =	stream.indirect.scatter.add.f32 [tilespmem:s3], [sflag:$0x2], $0x1, s9, s1, $0xb8;
	[tilespmem:$0x2D00] =	vst v63  }
0x233: {  	s9 =	simm.s32 $0xA00  }
0x234: {  	[spmem:s2] =	stream.indirect.scatter.add.f32 [tilespmem:s3], [sflag:$0x2], $0x1, s9, s1, $0xb8;
	[tilespmem:$0x2D00] =	vst v63  }
0x235: {  	s9 =	simm.s32 $0xA80  }
0x236: {  	[spmem:s2] =	stream.indirect.scatter.add.f32 [tilespmem:s3], [sflag:$0x2], $0x1, s9, s1, $0xb8;
	[tilespmem:$0x2D00] =	vst v63  }
0x237: {  	s9 =	simm.s32 $0xB00  }
0x238: {  	[spmem:s2] =	stream.indirect.scatter.add.f32 [tilespmem:s3], [sflag:$0x2], $0x1, s9, s1, $0xb8;
	[tilespmem:$0x2D00] =	vst v63  }
0x239: {  	s9 =	simm.s32 $0xB80  }
0x23a: {  	[spmem:s2] =	stream.indirect.scatter.add.f32 [tilespmem:s3], [sflag:$0x2], $0x1, s9, s1, $0xb8;
	[tilespmem:$0x2D00] =	vst v63  }
0x23b: {  	s9 =	simm.s32 $0xC00  }
0x23c: {  	[spmem:s2] =	stream.indirect.scatter.add.f32 [tilespmem:s3], [sflag:$0x2], $0x1, s9, s1, $0xb8;
	[tilespmem:$0x2D00] =	vst v63  }
0x23d: {  	s9 =	simm.s32 $0xC80  }
0x23e: {  	[spmem:s2] =	stream.indirect.scatter.add.f32 [tilespmem:s3], [sflag:$0x2], $0x1, s9, s1, $0xb8;
	[tilespmem:$0x2D00] =	vst v63  }
0x23f: {  	s9 =	simm.s32 $0xD00  }
0x240: {  	[spmem:s2] =	stream.indirect.scatter.add.f32 [tilespmem:s3], [sflag:$0x2], $0x1, s9, s1, $0xb8;
	[tilespmem:$0x2D00] =	vst v63  }
0x241: {  	s9 =	simm.s32 $0xD80  }
0x242: {  	[spmem:s2] =	stream.indirect.scatter.add.f32 [tilespmem:s3], [sflag:$0x2], $0x1, s9, s1, $0xb8;
	[tilespmem:$0x2D00] =	vst v63  }
0x243: {  	s9 =	simm.s32 $0xE00  }
0x244: {  	[spmem:s2] =	stream.indirect.scatter.add.f32 [tilespmem:s3], [sflag:$0x2], $0x1, s9, s1, $0xb8;
	[tilespmem:$0x2D00] =	vst v63  }
0x245: {  	s9 =	simm.s32 $0xE80  }
0x246: {  	[spmem:s2] =	stream.indirect.scatter.add.f32 [tilespmem:s3], [sflag:$0x2], $0x1, s9, s1, $0xb8;
	[tilespmem:$0x2D00] =	vst v63  }
0x247: {  	s9 =	simm.s32 $0xF00  }
0x248: {  	[spmem:s2] =	stream.indirect.scatter.add.f32 [tilespmem:s3], [sflag:$0x2], $0x1, s9, s1, $0xb8;
	[tilespmem:$0x2D00] =	vst v63  }
0x249: {  	s9 =	simm.s32 $0xF80  }
0x24a: {  	[spmem:s2] =	stream.indirect.scatter.add.f32 [tilespmem:s3], [sflag:$0x2], $0x1, s9, s1, $0xb8;
	[tilespmem:$0x2D00] =	vst v63  }
0x24b: {  	s9 =	simm.s32 $0x1000  }
0x24c: {  	[spmem:s2] =	stream.indirect.scatter.add.f32 [tilespmem:s3], [sflag:$0x2], $0x1, s9, s1, $0xb8;
	[tilespmem:$0x2D00] =	vst v63  }
0x24d: {  	s9 =	simm.s32 $0x1080  }
0x24e: {  	[spmem:s2] =	stream.indirect.scatter.add.f32 [tilespmem:s3], [sflag:$0x2], $0x1, s9, s1, $0xb8;
	[tilespmem:$0x2D00] =	vst v63  }
0x24f: {  	s9 =	simm.s32 $0x1100  }
0x250: {  	[spmem:s2] =	stream.indirect.scatter.add.f32 [tilespmem:s3], [sflag:$0x2], $0x1, s9, s1, $0xb8;
	[tilespmem:$0x2D00] =	vst v63  }
0x251: {  	s9 =	simm.s32 $0x1180  }
0x252: {  	[spmem:s2] =	stream.indirect.scatter.add.f32 [tilespmem:s3], [sflag:$0x2], $0x1, s9, s1, $0xb8;
	[tilespmem:$0x2D00] =	vst v63  }
0x253: {  	s9 =	simm.s32 $0x1200  }
0x254: {  	[spmem:s2] =	stream.indirect.scatter.add.f32 [tilespmem:s3], [sflag:$0x2], $0x1, s9, s1, $0xb8;
	[tilespmem:$0x2D00] =	vst v63  }
0x255: {  	s9 =	simm.s32 $0x1280  }
0x256: {  	[spmem:s2] =	stream.indirect.scatter.add.f32 [tilespmem:s3], [sflag:$0x2], $0x1, s9, s1, $0xb8;
	[tilespmem:$0x2D00] =	vst v63  }
0x257: {  	s9 =	simm.s32 $0x1300  }
0x258: {  	[spmem:s2] =	stream.indirect.scatter.add.f32 [tilespmem:s3], [sflag:$0x2], $0x1, s9, s1, $0xb8;
	[tilespmem:$0x2D00] =	vst v63  }
0x259: {  	s9 =	simm.s32 $0x1380  }
0x25a: {  	[spmem:s2] =	stream.indirect.scatter.add.f32 [tilespmem:s3], [sflag:$0x2], $0x1, s9, s1, $0xb8;
	[tilespmem:$0x2D00] =	vst v63  }
0x25b: {  	s9 =	simm.s32 $0x1400  }
0x25c: {  	[spmem:s2] =	stream.indirect.scatter.add.f32 [tilespmem:s3], [sflag:$0x2], $0x1, s9, s1, $0xb8;
	[tilespmem:$0x2D00] =	vst v63  }
0x25d: {  	s9 =	simm.s32 $0x1480  }
0x25e: {  	[spmem:s2] =	stream.indirect.scatter.add.f32 [tilespmem:s3], [sflag:$0x2], $0x1, s9, s1, $0xb8;
	[tilespmem:$0x2D00] =	vst v63  }
0x25f: {  	s9 =	simm.s32 $0x1500  }
0x260: {  	[spmem:s2] =	stream.indirect.scatter.add.f32 [tilespmem:s3], [sflag:$0x2], $0x1, s9, s1, $0xb8;
	[tilespmem:$0x2D00] =	vst v63  }
0x261: {  	s9 =	simm.s32 $0x1580  }
0x262: {  	[spmem:s2] =	stream.indirect.scatter.add.f32 [tilespmem:s3], [sflag:$0x2], $0x1, s9, s1, $0xb8;
	[tilespmem:$0x2D00] =	vst v63  }
0x263: {  	s9 =	simm.s32 $0x1600  }
0x264: {  	[spmem:s2] =	stream.indirect.scatter.add.f32 [tilespmem:s3], [sflag:$0x2], $0x1, s9, s1, $0xb8;
	[tilespmem:$0x2D00] =	vst v63  }
0x265: {  	s9 =	simm.s32 $0x1680  }
0x266: {  	[spmem:s2] =	stream.indirect.scatter.add.f32 [tilespmem:s3], [sflag:$0x2], $0x1, s9, s1, $0xb8;
	[tilespmem:$0x2D00] =	vst v63  }
0x267: {  	s9 =	simm.s32 $0x1700  }
0x268: {  	[spmem:s2] =	stream.indirect.scatter.add.f32 [tilespmem:s3], [sflag:$0x2], $0x1, s9, s1, $0xb8;
	[tilespmem:$0x2D00] =	vst v63  }
0x269: {  	s9 =	simm.s32 $0x1780  }
0x26a: {  	[spmem:s2] =	stream.indirect.scatter.add.f32 [tilespmem:s3], [sflag:$0x2], $0x1, s9, s1, $0xb8;
	[tilespmem:$0x2D00] =	vst v63  }
0x26b: {  	s9 =	simm.s32 $0x1800  }
0x26c: {  	[spmem:s2] =	stream.indirect.scatter.add.f32 [tilespmem:s3], [sflag:$0x2], $0x1, s9, s1, $0xb8;
	[tilespmem:$0x2D00] =	vst v63  }
0x26d: {  	s9 =	simm.s32 $0x1880  }
0x26e: {  	[spmem:s2] =	stream.indirect.scatter.add.f32 [tilespmem:s3], [sflag:$0x2], $0x1, s9, s1, $0xb8;
	[tilespmem:$0x2D00] =	vst v63  }
0x26f: {  	s9 =	simm.s32 $0x1900  }
0x270: {  	[spmem:s2] =	stream.indirect.scatter.add.f32 [tilespmem:s3], [sflag:$0x2], $0x1, s9, s1, $0xb8;
	[tilespmem:$0x2D00] =	vst v63  }
0x271: {  	s9 =	simm.s32 $0x1980  }
0x272: {  	[spmem:s2] =	stream.indirect.scatter.add.f32 [tilespmem:s3], [sflag:$0x2], $0x1, s9, s1, $0xb8;
	[tilespmem:$0x2D00] =	vst v63  }
0x273: {  	s9 =	simm.s32 $0x1A00  }
0x274: {  	[spmem:s2] =	stream.indirect.scatter.add.f32 [tilespmem:s3], [sflag:$0x2], $0x1, s9, s1, $0xb8;
	[tilespmem:$0x2D00] =	vst v63  }
0x275: {  	s9 =	simm.s32 $0x1A80  }
0x276: {  	[spmem:s2] =	stream.indirect.scatter.add.f32 [tilespmem:s3], [sflag:$0x2], $0x1, s9, s1, $0xb8;
	[tilespmem:$0x2D00] =	vst v63  }
0x277: {  	s9 =	simm.s32 $0x1B00  }
0x278: {  	[spmem:s2] =	stream.indirect.scatter.add.f32 [tilespmem:s3], [sflag:$0x2], $0x1, s9, s1, $0xb8;
	[tilespmem:$0x2D00] =	vst v63  }
0x279: {  	s9 =	simm.s32 $0x1B80  }
0x27a: {  	[spmem:s2] =	stream.indirect.scatter.add.f32 [tilespmem:s3], [sflag:$0x2], $0x1, s9, s1, $0xb8;
	[tilespmem:$0x2D00] =	vst v63  }
0x27b: {  	s9 =	simm.s32 $0x1C00  }
0x27c: {  	[spmem:s2] =	stream.indirect.scatter.add.f32 [tilespmem:s3], [sflag:$0x2], $0x1, s9, s1, $0xb8;
	[tilespmem:$0x2D00] =	vst v63  }
0x27d: {  	s9 =	simm.s32 $0x1C80  }
0x27e: {  	[spmem:s2] =	stream.indirect.scatter.add.f32 [tilespmem:s3], [sflag:$0x2], $0x1, s9, s1, $0xb8;
	[tilespmem:$0x2D00] =	vst v63  }
0x27f: {  	s9 =	simm.s32 $0x1D00  }
0x280: {  	[spmem:s2] =	stream.indirect.scatter.add.f32 [tilespmem:s3], [sflag:$0x2], $0x1, s9, s1, $0xb8;
	[tilespmem:$0x2D00] =	vst v63  }
0x281: {  	s9 =	simm.s32 $0x1D80  }
0x282: {  	[spmem:s2] =	stream.indirect.scatter.add.f32 [tilespmem:s3], [sflag:$0x2], $0x1, s9, s1, $0xb8;
	[tilespmem:$0x2D00] =	vst v63  }
0x283: {  	s9 =	simm.s32 $0x1E00  }
0x284: {  	[spmem:s2] =	stream.indirect.scatter.add.f32 [tilespmem:s3], [sflag:$0x2], $0x1, s9, s1, $0xb8;
	[tilespmem:$0x2D00] =	vst v63  }
0x285: {  	s9 =	simm.s32 $0x1E80  }
0x286: {  	[spmem:s2] =	stream.indirect.scatter.add.f32 [tilespmem:s3], [sflag:$0x2], $0x1, s9, s1, $0xb8;
	[tilespmem:$0x2D00] =	vst v63  }
0x287: {  	s9 =	simm.s32 $0x1F00  }
0x288: {  	[spmem:s2] =	stream.indirect.scatter.add.f32 [tilespmem:s3], [sflag:$0x2], $0x1, s9, s1, $0xb8;
	[tilespmem:$0x2D00] =	vst v63  }
0x289: {  	s9 =	simm.s32 $0x1F80  }
0x28a: {  	[spmem:s2] =	stream.indirect.scatter.add.f32 [tilespmem:s3], [sflag:$0x2], $0x1, s9, s1, $0xb8;
	[tilespmem:$0x2D00] =	vst v63  }
0x28b: {  	s9 =	simm.s32 $0x2000  }
0x28c: {  	[spmem:s2] =	stream.indirect.scatter.add.f32 [tilespmem:s3], [sflag:$0x2], $0x1, s9, s1, $0xb8;
	[tilespmem:$0x2D00] =	vst v63  }
0x28d: {  	s9 =	simm.s32 $0x2080  }
0x28e: {  	[spmem:s2] =	stream.indirect.scatter.add.f32 [tilespmem:s3], [sflag:$0x2], $0x1, s9, s1, $0xb8;
	[tilespmem:$0x2D00] =	vst v63  }
0x28f: {  	s9 =	simm.s32 $0x2100  }
0x290: {  	[spmem:s2] =	stream.indirect.scatter.add.f32 [tilespmem:s3], [sflag:$0x2], $0x1, s9, s1, $0xb8;
	[tilespmem:$0x2D00] =	vst v63  }
0x291: {  	s9 =	simm.s32 $0x2180  }
0x292: {  	[spmem:s2] =	stream.indirect.scatter.add.f32 [tilespmem:s3], [sflag:$0x2], $0x1, s9, s1, $0xb8;
	[tilespmem:$0x2D00] =	vst v63  }
0x293: {  	_ = 	snop  }
0x294: {  	[spmem:s2] =	stream.indirect.scatter.add.f32 [tilespmem:s3], [sflag:$0x2], $0x1, s14, s1, $0xb8;
	[tilespmem:$0x2D00] =	vst v63  }
0x295: {  	_ = 	snop  }
0x296: {  	[spmem:s2] =	stream.indirect.scatter.add.f32 [tilespmem:s3], [sflag:$0x2], $0x1, s12, s1, $0xb8;
	[tilespmem:$0x2D00] =	vst v63  }
0x297: {  	_ = 	snop  }
0x298: {  	[spmem:s2] =	stream.indirect.scatter.add.f32 [tilespmem:s3], [sflag:$0x2], $0x1, s11, s1, $0xb8;
	[tilespmem:$0x2D00] =	vst v63  }
0x299: {  	_ = 	snop  }
0x29a: {  	[spmem:s2] =	stream.indirect.scatter.add.f32 [tilespmem:s3], [sflag:$0x2], $0x1, s7, s1, $0xb8;
	[tilespmem:$0x2D00] =	vst v63  }
0x29b: {  	_ = 	snop  }
0x29c: {  	[spmem:s2] =	stream.indirect.scatter.add.f32 [tilespmem:s3], [sflag:$0x2], $0x1, s4, s1, $0xb8;
	[tilespmem:$0x2D00] =	vst v63  }
0x29d: {  	_ = 	snop  }
0x29e: {  	[spmem:s2] =	stream.indirect.scatter.add.f32 [tilespmem:s3], [sflag:$0x2], $0x1, s13, s1, $0xb8;
	[tilespmem:$0x2D00] =	vst v63  }
0x29f: {  	_ = 	snop  }
0x2a0: {  	[spmem:s2] =	stream.indirect.scatter.add.f32 [tilespmem:s3], [sflag:$0x2], $0x1, s31, s1, $0xb8;
	[tilespmem:$0x2D00] =	vst v63  }
0x2a1: {  	_ = 	snop  }
0x2a2: {  	[spmem:s2] =	stream.indirect.scatter.add.f32 [tilespmem:s3], [sflag:$0x2], $0x1, s30, s1, $0xb8;
	[tilespmem:$0x2D00] =	vst v63  }
0x2a3: {  	_ = 	snop  }
0x2a4: {  	[spmem:s2] =	stream.indirect.scatter.add.f32 [tilespmem:s3], [sflag:$0x2], $0x1, s29, s1, $0xb8;
	[tilespmem:$0x2D00] =	vst v63  }
0x2a5: {  	_ = 	snop  }
0x2a6: {  	[spmem:s2] =	stream.indirect.scatter.add.f32 [tilespmem:s3], [sflag:$0x2], $0x1, s28, s1, $0xb8;
	[tilespmem:$0x2D00] =	vst v63  }
0x2a7: {  	_ = 	snop  }
0x2a8: {  	[spmem:s2] =	stream.indirect.scatter.add.f32 [tilespmem:s3], [sflag:$0x2], $0x1, s26, s1, $0xb8;
	[tilespmem:$0x2D00] =	vst v63  }
0x2a9: {  	_ = 	snop  }
0x2aa: {  	[spmem:s2] =	stream.indirect.scatter.add.f32 [tilespmem:s3], [sflag:$0x2], $0x1, s25, s1, $0xb8;
	[tilespmem:$0x2D00] =	vst v63  }
0x2ab: {  	_ = 	snop  }
0x2ac: {  	[spmem:s2] =	stream.indirect.scatter.add.f32 [tilespmem:s3], [sflag:$0x2], $0x1, s24, s1, $0xb8;
	[tilespmem:$0x2D00] =	vst v63  }
0x2ad: {  	_ = 	snop  }
0x2ae: {  	[spmem:s2] =	stream.indirect.scatter.add.f32 [tilespmem:s3], [sflag:$0x2], $0x1, s22, s1, $0xb8;
	[tilespmem:$0x2D00] =	vst v63  }
0x2af: {  	_ = 	snop  }
0x2b0: {  	[spmem:s2] =	stream.indirect.scatter.add.f32 [tilespmem:s3], [sflag:$0x2], $0x1, s23, s1, $0xb8;
	[tilespmem:$0x2D00] =	vst v63  }
0x2b1: {  	_ = 	snop  }
0x2b2: {  	[spmem:s2] =	stream.indirect.scatter.add.f32 [tilespmem:s3], [sflag:$0x2], $0x1, s21, s1, $0xb8;
	[tilespmem:$0x2D00] =	vst v63  }
0x2b3: {  	_ = 	snop  }
0x2b4: {  	[spmem:s2] =	stream.indirect.scatter.add.f32 [tilespmem:s3], [sflag:$0x2], $0x1, s20, s1, $0xb8;
	[tilespmem:$0x2D00] =	vst v63  }
0x2b5: {  	_ = 	snop  }
0x2b6: {  	[spmem:s2] =	stream.indirect.scatter.add.f32 [tilespmem:s3], [sflag:$0x2], $0x1, s19, s1, $0xb8;
	[tilespmem:$0x2D00] =	vst v63  }
0x2b7: {  	_ = 	snop  }
0x2b8: {  	[spmem:s2] =	stream.indirect.scatter.add.f32 [tilespmem:s3], [sflag:$0x2], $0x1, s18, s1, $0xb8;
	[tilespmem:$0x2D00] =	vst v63  }
0x2b9: {  	_ = 	snop  }
0x2ba: {  	[spmem:s2] =	stream.indirect.scatter.add.f32 [tilespmem:s3], [sflag:$0x2], $0x1, s17, s1, $0xb8;
	[tilespmem:$0x2D00] =	vst v63  }
0x2bb: {  	_ = 	snop  }
0x2bc: {  	[spmem:s2] =	stream.indirect.scatter.add.f32 [tilespmem:s3], [sflag:$0x2], $0x1, s16, s1, $0xb8;
	[tilespmem:$0x2D00] =	vst v63  }
0x2bd: {  	s4 =	simm.s32 $0x10  }
0x2be: {  	[spmem:s2] =	stream.indirect.scatter.add.f32 [tilespmem:s3], [sflag:$0x2], $0x1, s10, s4, $0xb8;
	[tilespmem:$0x2D00] =	vst v63  }
0x2bf: {  	_ =	swait.ge [sflag:s8], $0x80  }
0x2c0: {  	[sflag:s8] =	ssyncset.done $0x0  }
0x2c1: {  	[sflag:s8] =	ssyncadd.s32 $0xFFFFFF80  }
0x2c2: {  	_ =	swait.ge [sflag:s8], $0x80  }
0x2c3: {  	[sflag:s8] =	ssyncset.done $0x0  }
0x2c4: {  	[sflag:s8] =	ssyncadd.s32 $0xFFFFFF80  }
0x2c5: {  	_ =	swait.ge [sflag:s8], $0x80  }
0x2c6: {  	[sflag:s8] =	ssyncset.done $0x0  }
0x2c7: {  	[sflag:s8] =	ssyncadd.s32 $0xFFFFFF80  }
0x2c8: {  	_ =	swait.ge [sflag:s8], $0x80  }
0x2c9: {  	[sflag:s8] =	ssyncset.done $0x0  }
0x2ca: {  	[sflag:s8] =	ssyncadd.s32 $0xFFFFFF80  }
0x2cb: {  	_ =	swait.ge [sflag:s8], $0x80  }
0x2cc: {  	[sflag:s8] =	ssyncset.done $0x0  }
0x2cd: {  	[sflag:s8] =	ssyncadd.s32 $0xFFFFFF80  }
0x2ce: {  	_ =	swait.ge [sflag:s8], $0x80  }
0x2cf: {  	[sflag:s8] =	ssyncset.done $0x0  }
0x2d0: {  	[sflag:s8] =	ssyncadd.s32 $0xFFFFFF80  }
0x2d1: {  	_ =	swait.ge [sflag:s8], $0x80  }
0x2d2: {  	[sflag:s8] =	ssyncset.done $0x0  }
0x2d3: {  	[sflag:s8] =	ssyncadd.s32 $0xFFFFFF80  }
0x2d4: {  	_ =	swait.ge [sflag:s8], $0x80  }
0x2d5: {  	[sflag:s8] =	ssyncset.done $0x0  }
0x2d6: {  	[sflag:s8] =	ssyncadd.s32 $0xFFFFFF80  }
0x2d7: {  	_ =	swait.ge [sflag:s8], $0x80  }
0x2d8: {  	[sflag:s8] =	ssyncset.done $0x0  }
0x2d9: {  	[sflag:s8] =	ssyncadd.s32 $0xFFFFFF80  }
0x2da: {  	_ =	swait.ge [sflag:s8], $0x80  }
0x2db: {  	[sflag:s8] =	ssyncset.done $0x0  }
0x2dc: {  	[sflag:s8] =	ssyncadd.s32 $0xFFFFFF80  }
0x2dd: {  	_ =	swait.ge [sflag:s8], $0x80  }
0x2de: {  	[sflag:s8] =	ssyncset.done $0x0  }
0x2df: {  	[sflag:s8] =	ssyncadd.s32 $0xFFFFFF80  }
0x2e0: {  	_ =	swait.ge [sflag:s8], $0x80  }
0x2e1: {  	[sflag:s8] =	ssyncset.done $0x0  }
0x2e2: {  	[sflag:s8] =	ssyncadd.s32 $0xFFFFFF80  }
0x2e3: {  	_ =	swait.ge [sflag:s8], $0x80  }
0x2e4: {  	[sflag:s8] =	ssyncset.done $0x0  }
0x2e5: {  	[sflag:s8] =	ssyncadd.s32 $0xFFFFFF80  }
0x2e6: {  	_ =	swait.ge [sflag:s8], $0x80  }
0x2e7: {  	[sflag:s8] =	ssyncset.done $0x0  }
0x2e8: {  	[sflag:s8] =	ssyncadd.s32 $0xFFFFFF80  }
0x2e9: {  	_ =	swait.ge [sflag:s8], $0x80  }
0x2ea: {  	[sflag:s8] =	ssyncset.done $0x0  }
0x2eb: {  	[sflag:s8] =	ssyncadd.s32 $0xFFFFFF80  }
0x2ec: {  	_ =	swait.ge [sflag:s8], $0x80  }
0x2ed: {  	[sflag:s8] =	ssyncset.done $0x0  }
0x2ee: {  	[sflag:s8] =	ssyncadd.s32 $0xFFFFFF80  }
0x2ef: {  	_ =	swait.ge [sflag:s8], $0x80  }
0x2f0: {  	[sflag:s8] =	ssyncset.done $0x0  }
0x2f1: {  	[sflag:s8] =	ssyncadd.s32 $0xFFFFFF80  }
0x2f2: {  	_ =	swait.ge [sflag:s8], $0x80  }
0x2f3: {  	[sflag:s8] =	ssyncset.done $0x0  }
0x2f4: {  	[sflag:s8] =	ssyncadd.s32 $0xFFFFFF80  }
0x2f5: {  	_ =	swait.ge [sflag:s8], $0x80  }
0x2f6: {  	[sflag:s8] =	ssyncset.done $0x0  }
0x2f7: {  	[sflag:s8] =	ssyncadd.s32 $0xFFFFFF80  }
0x2f8: {  	_ =	swait.ge [sflag:s8], $0x80  }
0x2f9: {  	[sflag:s8] =	ssyncset.done $0x0  }
0x2fa: {  	[sflag:s8] =	ssyncadd.s32 $0xFFFFFF80  }
0x2fb: {  	_ =	swait.ge [sflag:s8], $0x80  }
0x2fc: {  	[sflag:s8] =	ssyncset.done $0x0  }
0x2fd: {  	[sflag:s8] =	ssyncadd.s32 $0xFFFFFF80  }
0x2fe: {  	_ =	swait.ge [sflag:s8], $0x80  }
0x2ff: {  	[sflag:s8] =	ssyncset.done $0x0  }
0x300: {  	[sflag:s8] =	ssyncadd.s32 $0xFFFFFF80  }
0x301: {  	_ =	swait.ge [sflag:s8], $0x80  }
0x302: {  	[sflag:s8] =	ssyncset.done $0x0  }
0x303: {  	[sflag:s8] =	ssyncadd.s32 $0xFFFFFF80  }
0x304: {  	_ =	swait.ge [sflag:s8], $0x80  }
0x305: {  	[sflag:s8] =	ssyncset.done $0x0  }
0x306: {  	[sflag:s8] =	ssyncadd.s32 $0xFFFFFF80  }
0x307: {  	_ =	swait.ge [sflag:s8], $0x80  }
0x308: {  	[sflag:s8] =	ssyncset.done $0x0  }
0x309: {  	[sflag:s8] =	ssyncadd.s32 $0xFFFFFF80  }
0x30a: {  	_ =	swait.ge [sflag:s8], $0x80  }
0x30b: {  	[sflag:s8] =	ssyncset.done $0x0  }
0x30c: {  	[sflag:s8] =	ssyncadd.s32 $0xFFFFFF80  }
0x30d: {  	_ =	swait.ge [sflag:s8], $0x80  }
0x30e: {  	[sflag:s8] =	ssyncset.done $0x0  }
0x30f: {  	[sflag:s8] =	ssyncadd.s32 $0xFFFFFF80  }
0x310: {  	_ =	swait.ge [sflag:s8], $0x80  }
0x311: {  	[sflag:s8] =	ssyncset.done $0x0  }
0x312: {  	[sflag:s8] =	ssyncadd.s32 $0xFFFFFF80  }
0x313: {  	_ =	swait.ge [sflag:s8], $0x80  }
0x314: {  	[sflag:s8] =	ssyncset.done $0x0  }
0x315: {  	[sflag:s8] =	ssyncadd.s32 $0xFFFFFF80  }
0x316: {  	_ =	swait.ge [sflag:s8], $0x80  }
0x317: {  	[sflag:s8] =	ssyncset.done $0x0  }
0x318: {  	[sflag:s8] =	ssyncadd.s32 $0xFFFFFF80  }
0x319: {  	_ =	swait.ge [sflag:s8], $0x80  }
0x31a: {  	[sflag:s8] =	ssyncset.done $0x0  }
0x31b: {  	[sflag:s8] =	ssyncadd.s32 $0xFFFFFF80  }
0x31c: {  	_ =	swait.ge [sflag:s8], $0x80  }
0x31d: {  	[sflag:s8] =	ssyncset.done $0x0  }
0x31e: {  	[sflag:s8] =	ssyncadd.s32 $0xFFFFFF80  }
0x31f: {  	_ =	swait.ge [sflag:s8], $0x80  }
0x320: {  	[sflag:s8] =	ssyncset.done $0x0  }
0x321: {  	[sflag:s8] =	ssyncadd.s32 $0xFFFFFF80  }
0x322: {  	_ =	swait.ge [sflag:s8], $0x80  }
0x323: {  	[sflag:s8] =	ssyncset.done $0x0  }
0x324: {  	[sflag:s8] =	ssyncadd.s32 $0xFFFFFF80  }
0x325: {  	_ =	swait.ge [sflag:s8], $0x80  }
0x326: {  	[sflag:s8] =	ssyncset.done $0x0  }
0x327: {  	[sflag:s8] =	ssyncadd.s32 $0xFFFFFF80  }
0x328: {  	_ =	swait.ge [sflag:s8], $0x80  }
0x329: {  	[sflag:s8] =	ssyncset.done $0x0  }
0x32a: {  	[sflag:s8] =	ssyncadd.s32 $0xFFFFFF80  }
0x32b: {  	_ =	swait.ge [sflag:s8], $0x80  }
0x32c: {  	[sflag:s8] =	ssyncset.done $0x0  }
0x32d: {  	[sflag:s8] =	ssyncadd.s32 $0xFFFFFF80  }
0x32e: {  	_ =	swait.ge [sflag:s8], $0x80  }
0x32f: {  	[sflag:s8] =	ssyncset.done $0x0  }
0x330: {  	[sflag:s8] =	ssyncadd.s32 $0xFFFFFF80  }
0x331: {  	_ =	swait.ge [sflag:s8], $0x80  }
0x332: {  	[sflag:s8] =	ssyncset.done $0x0  }
0x333: {  	[sflag:s8] =	ssyncadd.s32 $0xFFFFFF80  }
0x334: {  	_ =	swait.ge [sflag:s8], $0x80  }
0x335: {  	[sflag:s8] =	ssyncset.done $0x0  }
0x336: {  	[sflag:s8] =	ssyncadd.s32 $0xFFFFFF80  }
0x337: {  	_ =	swait.ge [sflag:s8], $0x80  }
0x338: {  	[sflag:s8] =	ssyncset.done $0x0  }
0x339: {  	[sflag:s8] =	ssyncadd.s32 $0xFFFFFF80  }
0x33a: {  	_ =	swait.ge [sflag:s8], $0x80  }
0x33b: {  	[sflag:s8] =	ssyncset.done $0x0  }
0x33c: {  	[sflag:s8] =	ssyncadd.s32 $0xFFFFFF80  }
0x33d: {  	_ =	swait.ge [sflag:s8], $0x80  }
0x33e: {  	[sflag:s8] =	ssyncset.done $0x0  }
0x33f: {  	[sflag:s8] =	ssyncadd.s32 $0xFFFFFF80  }
0x340: {  	_ =	swait.ge [sflag:s8], $0x80  }
0x341: {  	[sflag:s8] =	ssyncset.done $0x0  }
0x342: {  	[sflag:s8] =	ssyncadd.s32 $0xFFFFFF80  }
0x343: {  	_ =	swait.ge [sflag:s8], $0x80  }
0x344: {  	[sflag:s8] =	ssyncset.done $0x0  }
0x345: {  	[sflag:s8] =	ssyncadd.s32 $0xFFFFFF80  }
0x346: {  	_ =	swait.ge [sflag:s8], $0x80  }
0x347: {  	[sflag:s8] =	ssyncset.done $0x0  }
0x348: {  	[sflag:s8] =	ssyncadd.s32 $0xFFFFFF80  }
0x349: {  	_ =	swait.ge [sflag:s8], $0x80  }
0x34a: {  	[sflag:s8] =	ssyncset.done $0x0  }
0x34b: {  	[sflag:s8] =	ssyncadd.s32 $0xFFFFFF80  }
0x34c: {  	_ =	swait.ge [sflag:s8], $0x80  }
0x34d: {  	[sflag:s8] =	ssyncset.done $0x0  }
0x34e: {  	[sflag:s8] =	ssyncadd.s32 $0xFFFFFF80  }
0x34f: {  	_ =	swait.ge [sflag:s8], $0x80  }
0x350: {  	[sflag:s8] =	ssyncset.done $0x0  }
0x351: {  	[sflag:s8] =	ssyncadd.s32 $0xFFFFFF80  }
0x352: {  	_ =	swait.ge [sflag:s8], $0x80  }
0x353: {  	[sflag:s8] =	ssyncset.done $0x0  }
0x354: {  	[sflag:s8] =	ssyncadd.s32 $0xFFFFFF80  }
0x355: {  	_ =	swait.ge [sflag:s8], $0x80  }
0x356: {  	[sflag:s8] =	ssyncset.done $0x0  }
0x357: {  	[sflag:s8] =	ssyncadd.s32 $0xFFFFFF80  }
0x358: {  	_ =	swait.ge [sflag:s8], $0x80  }
0x359: {  	[sflag:s8] =	ssyncset.done $0x0  }
0x35a: {  	[sflag:s8] =	ssyncadd.s32 $0xFFFFFF80  }
0x35b: {  	_ =	swait.ge [sflag:s8], $0x80  }
0x35c: {  	[sflag:s8] =	ssyncset.done $0x0  }
0x35d: {  	[sflag:s8] =	ssyncadd.s32 $0xFFFFFF80  }
0x35e: {  	_ =	swait.ge [sflag:s8], $0x80  }
0x35f: {  	[sflag:s8] =	ssyncset.done $0x0  }
0x360: {  	[sflag:s8] =	ssyncadd.s32 $0xFFFFFF80  }
0x361: {  	_ =	swait.ge [sflag:s8], $0x80  }
0x362: {  	[sflag:s8] =	ssyncset.done $0x0  }
0x363: {  	[sflag:s8] =	ssyncadd.s32 $0xFFFFFF80  }
0x364: {  	_ =	swait.ge [sflag:s8], $0x80  }
0x365: {  	[sflag:s8] =	ssyncset.done $0x0  }
0x366: {  	[sflag:s8] =	ssyncadd.s32 $0xFFFFFF80  }
0x367: {  	_ =	swait.ge [sflag:s8], $0x80  }
0x368: {  	[sflag:s8] =	ssyncset.done $0x0  }
0x369: {  	[sflag:s8] =	ssyncadd.s32 $0xFFFFFF80  }
0x36a: {  	_ =	swait.ge [sflag:s8], $0x80  }
0x36b: {  	[sflag:s8] =	ssyncset.done $0x0  }
0x36c: {  	[sflag:s8] =	ssyncadd.s32 $0xFFFFFF80  }
0x36d: {  	_ =	swait.ge [sflag:s8], $0x80  }
0x36e: {  	[sflag:s8] =	ssyncset.done $0x0  }
0x36f: {  	[sflag:s8] =	ssyncadd.s32 $0xFFFFFF80  }
0x370: {  	_ =	swait.ge [sflag:s8], $0x80  }
0x371: {  	[sflag:s8] =	ssyncset.done $0x0  }
0x372: {  	[sflag:s8] =	ssyncadd.s32 $0xFFFFFF80  }
0x373: {  	_ =	swait.ge [sflag:s8], $0x80  }
0x374: {  	[sflag:s8] =	ssyncset.done $0x0  }
0x375: {  	[sflag:s8] =	ssyncadd.s32 $0xFFFFFF80  }
0x376: {  	_ =	swait.ge [sflag:s8], $0x80  }
0x377: {  	[sflag:s8] =	ssyncset.done $0x0  }
0x378: {  	[sflag:s8] =	ssyncadd.s32 $0xFFFFFF80  }
0x379: {  	_ =	swait.ge [sflag:s8], $0x80  }
0x37a: {  	[sflag:s8] =	ssyncset.done $0x0  }
0x37b: {  	[sflag:s8] =	ssyncadd.s32 $0xFFFFFF80  }
0x37c: {  	_ =	swait.ge [sflag:s8], $0x80  }
0x37d: {  	[sflag:s8] =	ssyncset.done $0x0  }
0x37e: {  	[sflag:s8] =	ssyncadd.s32 $0xFFFFFF80  }
0x37f: {  	_ =	swait.ge [sflag:s8], $0x80  }
0x380: {  	[sflag:s8] =	ssyncset.done $0x0  }
0x381: {  	[sflag:s8] =	ssyncadd.s32 $0xFFFFFF80  }
0x382: {  	_ =	swait.ge [sflag:s8], $0x80  }
0x383: {  	[sflag:s8] =	ssyncset.done $0x0  }
0x384: {  	[sflag:s8] =	ssyncadd.s32 $0xFFFFFF80  }
0x385: {  	_ =	swait.ge [sflag:s8], $0x80  }
0x386: {  	[sflag:s8] =	ssyncset.done $0x0  }
0x387: {  	[sflag:s8] =	ssyncadd.s32 $0xFFFFFF80  }
0x388: {  	_ =	swait.ge [sflag:s8], $0x80  }
0x389: {  	[sflag:s8] =	ssyncset.done $0x0  }
0x38a: {  	[sflag:s8] =	ssyncadd.s32 $0xFFFFFF80  }
0x38b: {  	_ =	swait.ge [sflag:s8], $0x80  }
0x38c: {  	[sflag:s8] =	ssyncset.done $0x0  }
0x38d: {  	[sflag:s8] =	ssyncadd.s32 $0xFFFFFF80  }
0x38e: {  	_ =	swait.ge [sflag:s8], $0x80  }
0x38f: {  	[sflag:s8] =	ssyncset.done $0x0  }
0x390: {  	[sflag:s8] =	ssyncadd.s32 $0xFFFFFF80  }
0x391: {  	_ =	swait.ge [sflag:s8], $0x80  }
0x392: {  	[sflag:s8] =	ssyncset.done $0x0  }
0x393: {  	[sflag:s8] =	ssyncadd.s32 $0xFFFFFF80  }
0x394: {  	_ =	swait.ge [sflag:s8], $0x80  }
0x395: {  	[sflag:s8] =	ssyncset.done $0x0  }
0x396: {  	[sflag:s8] =	ssyncadd.s32 $0xFFFFFF80  }
0x397: {  	_ =	swait.ge [sflag:s8], $0x80  }
0x398: {  	[sflag:s8] =	ssyncset.done $0x0  }
0x399: {  	[sflag:s8] =	ssyncadd.s32 $0xFFFFFF80  }
0x39a: {  	_ =	swait.ge [sflag:s8], $0x80  }
0x39b: {  	[sflag:s8] =	ssyncset.done $0x0  }
0x39c: {  	[sflag:s8] =	ssyncadd.s32 $0xFFFFFF80  }
0x39d: {  	_ =	swait.ge [sflag:s8], $0x80  }
0x39e: {  	[sflag:s8] =	ssyncset.done $0x0  }
0x39f: {  	[sflag:s8] =	ssyncadd.s32 $0xFFFFFF80  }
0x3a0: {  	_ =	swait.ge [sflag:s8], $0x80  }
0x3a1: {  	[sflag:s8] =	ssyncset.done $0x0  }
0x3a2: {  	[sflag:s8] =	ssyncadd.s32 $0xFFFFFF80  }
0x3a3: {  	_ =	swait.ge [sflag:s8], $0x80  }
0x3a4: {  	[sflag:s8] =	ssyncset.done $0x0  }
0x3a5: {  	[sflag:s8] =	ssyncadd.s32 $0xFFFFFF80  }
0x3a6: {  	_ =	swait.ge [sflag:s8], $0x80  }
0x3a7: {  	[sflag:s8] =	ssyncset.done $0x0  }
0x3a8: {  	[sflag:s8] =	ssyncadd.s32 $0xFFFFFF80  }
0x3a9: {  	_ =	swait.ge [sflag:s8], $0x10  }
0x3aa: {  	[sflag:s8] =	ssyncset.done $0x0  }
0x3ab: {  	[sflag:s8] =	ssyncadd.s32 $0xFFFFFFF0  }
0x3ac: {  	[bflag:$0x0] =	sbarrier.arrive $0xFFFF  }
0x3ad: {  	s9 =	sld [smem:$0x7FC]  }
0x3ae: {  	s12 =	stileid.u32;
	s10 =	sld [smem:$0x7FD]  }
0x3af: {  	p0 =	sne.s32 s5, $0x1;
	s11 =	sshll.u32 s12, $0x6  }
.Ltmp0:
0x3b0: {  	s0 =	sshrl.u32 s0, $0x3;
	s11 =	sor.u32 $0x1C03, s11;
	(pc) =	sbr.rel @p0 .LBB2_1-.Ltmp0, $4  }
0x3b1: {  	[hbm:s9@s10], [sflag:s11] =	dma.strided [spmem:s0@s4], $0x50, s6, $0x10   }
0x3b2: {  	_ =	swait.ge [sflag:s15], $0x50  }
0x3b3: {  	[sflag:s15] =	ssyncset.done $0x0  }
0x3b4: {  	s5 =	sadd.s32 $0xFFFFFFFF, s5;
	[sflag:s15] =	ssyncadd.s32 $0xFFFFFFB0  }
0x3b5: {  	_ =	sfence.sel $0x180000  }
0x3b6: {  	[bflag:$0x0] =	sbarrier.arrive $0xFFFF  }
0x3b7: {  	_ =	strace $0x90000047  }
0x3b8: {  	s0 =	stileid.u32;
	[bflag:$0x2] =	sbarrier.arrive $0xFFFF  }
0x3b9: {  	p0 =	sne.s32 s0, $0x0;
	s0 =	rddreg [dreg:$0x3]  }
0x3ba: {  	s0 =	sadd.s32 @!p0 $0x100000, s0  }
0x3bb: {  	[sflag:s0] =	ssyncadd.tile.s32 @!p0 $0x1;
	_ =	shalt  }
.Lfunc_end2:
_tile_overlayer_lowered:
.L_overlay_start_2:
0x3bc: {  	(tag) =	ssettag $0x2  }
0x3bd: {  	s0 =	rddreg [dreg:$0x0];
	s2 =	stileid.u32  }
0x3be: {  	s1 =	rddreg [dreg:$0x1];
	p0 =	sne.s32 s2, $0x0  }
0x3bf: {  	s3 =	rddreg [dreg:$0x2];
	[bflag:$0x3] =	sbarrier.arrive $0xFFFF;
	s2 =	simm.s32 @!p0 $0x1C03  }
0x3c0: {  	[timem:s3], [sflag:s2] =	dma.local @!p0 [hbm:s0], s1  }
0x3c1: {  	s0 =	simm.s32 @!p0 $0x3  }
0x3c2: {  	_ =	swait.ge @!p0 [sflag:s0], s1  }
0x3c3: {  	s1 =	ssub.s32 @!p0 $0x0, s1;
	[sflag:s0] =	ssyncset.done @!p0 $0x0  }
0x3c4: {  	[sflag:s0] =	ssyncadd.s32 @!p0 s1  }
0x3c5: {  	[bflag:$0x3] =	sbarrier.arrive $0xFFFF  }
0x3c6: {  	_ =	shalt  }

</sc_bundles>
